<compile_context>
chip_gen: v7x
topology: tpu7x:2x2x1
jax: 0.10.2.dev20260603
libtpu: 0.0.44.dev20260713+nightly
codegen_flags: <defaults>
</compile_context>

<pallas_src>
import functools

import jax
import jax.numpy as jnp
from jax import lax
from jax.experimental import pallas as pl
from jax.experimental.pallas import tpu as pltpu
from jax.experimental.pallas import tpu_sc as plsc

N = 10000
D = 128
DA = 16
E = 320000
NC = 2
NS = 16
NW = NC * NS
EPT = E // NW
PAD = 16
NPAD = N + PAD
EPAD = 321536
EPTP = EPAD // NW
C = 64
NCH = EPTP // C
ZCH = 640 // C
RBLK = 2000
TBLK = 8000
F32 = jnp.float32


def _lrelu(x):
    return jnp.where(x > 0, x, 0.2 * x)



def _k1_body(res_ref, ops_ref, ws_ref, wr_ref, wo_ref, as_ref, ao_ref, ar_ref,
             sr_ref, op_ref, rp_ref, a_ref, b_ref, c_ref, d_ref, s_ref, mx_ref):
    f32 = jnp.float32
    sr = jnp.dot(res_ref[...], ws_ref[...], preferred_element_type=f32)
    op = jnp.dot(ops_ref[...], wo_ref[:D], preferred_element_type=f32)
    rp = jnp.dot(res_ref[...], wr_ref[...], preferred_element_type=f32)
    a = jnp.dot(sr, ao_ref[:D], preferred_element_type=f32)
    b = jnp.dot(op, ao_ref[D:], preferred_element_type=f32)
    c = jnp.dot(sr, ar_ref[:D], preferred_element_type=f32)
    dd = jnp.dot(rp, ar_ref[D:], preferred_element_type=f32)
    s = _lrelu(jnp.dot(sr, as_ref[:D] + as_ref[D:], preferred_element_type=f32))
    sr_ref[...] = sr
    op_ref[...] = op
    rp_ref[...] = rp
    a_ref[...] = a
    b_ref[...] = b
    c_ref[...] = c
    d_ref[...] = dd
    s_ref[...] = s
    mx_ref[...] = jnp.concatenate(
        [jnp.max(a).reshape(1, 1), jnp.max(b).reshape(1, 1),
         jnp.max(c).reshape(1, 1), jnp.max(dd).reshape(1, 1),
         jnp.max(s).reshape(1, 1), jnp.zeros((1, 3), f32)], axis=1
    ).reshape(1, 1, 8)


def _k1(resources, operations, W_self, W_res, W_op, att_self, att_op, att_res):
    g = N // RBLK
    blk = lambda i: (i, 0)
    full = lambda i: (0, 0)
    return pl.pallas_call(
        _k1_body,
        grid=(g,),
        in_specs=[
            pl.BlockSpec((RBLK, D), blk), pl.BlockSpec((RBLK, D), blk),
            pl.BlockSpec((D, D), full), pl.BlockSpec((D, D), full),
            pl.BlockSpec((D + DA, D), full),
            pl.BlockSpec((2 * D, 1), full), pl.BlockSpec((2 * D, 1), full),
            pl.BlockSpec((2 * D, 1), full),
        ],
        out_specs=[
            pl.BlockSpec((RBLK, D), blk), pl.BlockSpec((RBLK, D), blk),
            pl.BlockSpec((RBLK, D), blk),
            pl.BlockSpec((RBLK, 1), blk), pl.BlockSpec((RBLK, 1), blk),
            pl.BlockSpec((RBLK, 1), blk), pl.BlockSpec((RBLK, 1), blk),
            pl.BlockSpec((RBLK, 1), blk),
            pl.BlockSpec((1, 1, 8), lambda i: (i, 0, 0)),
        ],
        out_shape=[
            jax.ShapeDtypeStruct((N, D), F32), jax.ShapeDtypeStruct((N, D), F32),
            jax.ShapeDtypeStruct((N, D), F32),
            jax.ShapeDtypeStruct((N, 1), F32), jax.ShapeDtypeStruct((N, 1), F32),
            jax.ShapeDtypeStruct((N, 1), F32), jax.ShapeDtypeStruct((N, 1), F32),
            jax.ShapeDtypeStruct((N, 1), F32),
            jax.ShapeDtypeStruct((g, 1, 8), F32),
        ],
    )(resources, operations, W_self, W_res, W_op, att_self, att_op, att_res)



def _k2_body(attr_ref, wo_ref, ao_ref, t_ref, ap_ref, mx_ref):
    vt = jnp.dot(wo_ref[D:], ao_ref[D:], preferred_element_type=jnp.float32)
    t = jnp.dot(attr_ref[...], vt, preferred_element_type=jnp.float32)
    t_ref[...] = t
    ap_ref[...] = jnp.dot(attr_ref[...], wo_ref[D:],
                          preferred_element_type=jnp.float32)
    mx_ref[...] = jnp.max(t).reshape(1, 1, 1)


def _k2(need_edge_attr, W_op, att_op):
    g = E // TBLK
    return pl.pallas_call(
        _k2_body,
        grid=(g,),
        in_specs=[
            pl.BlockSpec((TBLK, DA), lambda i: (i, 0)),
            pl.BlockSpec((D + DA, D), lambda i: (0, 0)),
            pl.BlockSpec((2 * D, 1), lambda i: (0, 0)),
        ],
        out_specs=[
            pl.BlockSpec((TBLK, 1), lambda i: (i, 0)),
            pl.BlockSpec((TBLK, D), lambda i: (i, 0)),
            pl.BlockSpec((1, 1, 1), lambda i: (i, 0, 0)),
        ],
        out_shape=[
            jax.ShapeDtypeStruct((E, 1), F32),
            jax.ShapeDtypeStruct((E, D), F32),
            jax.ShapeDtypeStruct((g, 1, 1), F32),
        ],
    )(need_edge_attr, W_op, att_op)



def _kz_body(s_ref, m_ref, z_ref):
    z_ref[...] = jnp.sum(jnp.exp(s_ref[...] - m_ref[0, 0])).reshape(1, 1)


def _kz(s, m11):
    return pl.pallas_call(
        _kz_body,
        out_shape=jax.ShapeDtypeStruct((1, 1), F32),
    )(s, m11)



def _sc_edges(ops_proj, res_proj, a, b, c, d, mvec,
              src_op, dst_op, t, attrp, src_res, dst_res):
    mesh = plsc.VectorSubcoreMesh(core_axis_name="c", subcore_axis_name="s")

    @functools.partial(
        pl.kernel, mesh=mesh,
        compiler_params=pltpu.CompilerParams(needs_layout_passes=False),
        out_type=[jax.ShapeDtypeStruct((NC * N, D), F32),
                  jax.ShapeDtypeStruct((NW, 16), F32)],
        scratch_types=[
            pltpu.VMEM((NPAD,), F32), pltpu.VMEM((NPAD,), F32),
            pltpu.VMEM((C,), jnp.int32), pltpu.VMEM((C,), jnp.int32),
            pltpu.VMEM((C,), F32), pltpu.VMEM((C, D), F32),
            pltpu.VMEM((C, D), F32),
            pltpu.VMEM((16,), F32),
            pltpu.VMEM((16,), F32),
            pltpu.VMEM_SHARED((NPAD, D), F32),
        ],
    )
    def sck(opsp_h, resp_h, a_h, b_h, c_h, d_h, m_h, so_h, do_h, t_h, attrp_h,
            sr_h, dr_h, acc_out, z_out,
            t1, t2, isA, idA, tcA, pcA, rcA,
            mbuf, zbuf, acc_sp):
        cid = lax.axis_index("c")
        sid = lax.axis_index("s")
        wid = sid * NC + cid
        zv = jnp.zeros((16,), F32)

        bufs = ((isA, idA, tcA, pcA, rcA),)

        @pl.loop(0, C)
        def _(r):
            for f in range(D // 16):
                rcA[r, pl.ds(f * 16, 16)] = zv

        def fill_rows(idbuf, base):
            for k2 in range(C // 16):
                idbuf[pl.ds(k2 * 16, 16)] = (
                    base + k2 * 16 + lax.iota(jnp.int32, 16))

        @pl.loop(0, ZCH)
        def _(k):
            base = jnp.minimum(sid * 640 + k * C, NPAD - C)
            fill_rows(idA, base)
            pltpu.sync_copy(rcA, acc_sp.at[idA])

        zbuf[...] = zv
        pltpu.sync_copy(m_h, mbuf)
        pltpu.sync_copy(a_h, t1)
        pltpu.sync_copy(b_h, t2)
        plsc.subcore_barrier()
        mv = mbuf[...]

        def do_chunk(bufset, base, tbl_dst, tbl_src, proj_h, so, do, with_attr):
            isrc, idst, tch, pch, rch = bufset
            pltpu.sync_copy(so.at[pl.ds(base, C)], isrc)
            pltpu.sync_copy(do.at[pl.ds(base, C)], idst)
            if with_attr:
                pltpu.sync_copy(t_h.at[pl.ds(base, C)], tch)
                pltpu.sync_copy(attrp_h.at[pl.ds(base, C)], pch)
            pltpu.sync_copy(proj_h.at[isrc], rch)

            @pl.loop(0, C // 16)
            def _(g):
                gb = g * 16
                sv = isrc[pl.ds(gb, 16)]
                dv = idst[pl.ds(gb, 16)]
                x = plsc.load_gather(tbl_dst, [dv]) + plsc.load_gather(tbl_src, [sv])
                if with_attr:
                    x = x + tch[pl.ds(gb, 16)]
                x = jnp.where(x > 0, x, 0.2 * x)
                w = jnp.exp(x - mv)
                zbuf[...] = zbuf[...] + w
                for e in range(16):
                    wb = w.at[jnp.full((16,), e, jnp.int32)].get(
                        mode="promise_in_bounds")
                    ei = gb + e
                    for f in range(D // 16):
                        sl = pl.ds(f * 16, 16)
                        if with_attr:
                            rch[ei, sl] = (rch[ei, sl] + pch[ei, sl]) * wb
                        else:
                            rch[ei, sl] = rch[ei, sl] * wb

            pltpu.sync_copy(rch, acc_sp.at[idst], add=True)

        def run_phase(tbl_dst, tbl_src, proj_h, so, do, with_attr):
            @pl.loop(0, NCH)
            def _(j):
                base = wid * EPTP + j * C
                do_chunk(bufs[0], base, tbl_dst, tbl_src, proj_h, so, do,
                         with_attr)

        run_phase(t1, t2, opsp_h, so_h, do_h, True)
        pltpu.sync_copy(c_h, t1)
        pltpu.sync_copy(d_h, t2)
        run_phase(t1, t2, resp_h, sr_h, dr_h, False)
        plsc.subcore_barrier()
        pltpu.sync_copy(zbuf, z_out.at[wid])

        @pl.loop(0, ZCH)
        def _(k):
            base = jnp.minimum(sid * 640 + k * C, N - C)
            fill_rows(idA, base)
            pltpu.sync_copy(acc_sp.at[idA], rcA)
            pltpu.sync_copy(rcA, acc_out.at[pl.ds(cid * N + base, C)])

    return sck(ops_proj, res_proj, a, b, c, d, mvec,
               src_op, dst_op, t, attrp, src_res, dst_res)



def _k3_body(s_ref, sr_ref, acc_ref, z_ref, zs_ref, m_ref, out_ref):
    zt = zs_ref[0, 0] + jnp.sum(z_ref[...])
    sm = jnp.exp(s_ref[...] - m_ref[0, 0])
    pre = sm * sr_ref[...] + acc_ref[0] + acc_ref[1]
    pre = pre * (1.0 / zt)
    out_ref[...] = jnp.where(pre > 0, pre, jnp.exp(pre) - 1.0)


def _k3(s, sr, accp, zparts, zself, m11):
    g = N // RBLK
    return pl.pallas_call(
        _k3_body,
        grid=(g,),
        in_specs=[
            pl.BlockSpec((RBLK, 1), lambda i: (i, 0)),
            pl.BlockSpec((RBLK, D), lambda i: (i, 0)),
            pl.BlockSpec((NC, RBLK, D), lambda i: (0, i, 0)),
            pl.BlockSpec((NW, 16), lambda i: (0, 0)),
            pl.BlockSpec((1, 1), lambda i: (0, 0)),
            pl.BlockSpec((1, 1), lambda i: (0, 0)),
        ],
        out_specs=pl.BlockSpec((RBLK, D), lambda i: (i, 0)),
        out_shape=jax.ShapeDtypeStruct((N, D), F32),
    )(s, sr, accp, zparts, zself, m11)



def kernel(resources, operations, need_edge_index, need_edge_attr,
           same_edge_index, W_self, W_res, W_op, att_self, att_op, att_res):
    sr, op, rp, a, b, c, d, s, mx1 = _k1(
        resources, operations, W_self, W_res, W_op, att_self, att_op, att_res)
    t, attrp, mx2 = _k2(need_edge_attr, W_op, att_op)

    ma, mb, mc, md, ms = (mx1[..., 0].max(), mx1[..., 1].max(),
                          mx1[..., 2].max(), mx1[..., 3].max(),
                          mx1[..., 4].max())
    mt = jnp.max(mx2)
    M = jnp.maximum(ms, jnp.maximum(_lrelu(ma + mb + mt), _lrelu(mc + md)))
    m11 = M.reshape(1, 1)
    mvec = jnp.broadcast_to(M, (16,))

    zself = _kz(s, m11)

    neg = jnp.full((PAD,), -1e30, F32)
    zrow = jnp.zeros((PAD, D), F32)
    ep = EPAD - E
    sent = jnp.full((ep,), N, jnp.int32)
    accp, zparts = _sc_edges(
        jnp.concatenate([op, zrow]), jnp.concatenate([rp, zrow]),
        jnp.concatenate([a.reshape(N), neg]), jnp.concatenate([b.reshape(N), neg]),
        jnp.concatenate([c.reshape(N), neg]), jnp.concatenate([d.reshape(N), neg]),
        mvec,
        jnp.concatenate([need_edge_index[0], sent]),
        jnp.concatenate([need_edge_index[1], sent]),
        jnp.concatenate([t.reshape(E), jnp.zeros((ep,), F32)]),
        jnp.concatenate([attrp, jnp.zeros((ep, D), F32)]),
        jnp.concatenate([same_edge_index[0], sent]),
        jnp.concatenate([same_edge_index[1], sent]))
    accp = accp.reshape(NC, N, D)

    return _k3(s, sr, accp, zparts, zself, m11)

# --- scband reference (transcript-rebuilt; emitter-appended) ---
"""Pipeline reference for scband-resource-embedding-layer-1717986918537 (READ-ONLY COPY).

The authoritative reference and input builder live on the scoring server;
editing this copy changes nothing except your own understanding.
"""

import jax, jax.numpy as jnp
import numpy as np

N_RES = 10000
N_OPS = 10000
E1 = 320000
E2 = 320000
D_RES = 128
D_OPF = 128
D_EDGE = 16
D_EMB = 128


def _xavier(k, shape):
    fan_in, fan_out = shape[0], shape[1]
    std = 1.414 * (2.0 / (fan_in + fan_out)) ** 0.5
    return (std * jax.random.normal(k, shape)).astype(jnp.float32)


def setup_inputs(seed: int = 0) -> dict:
    key = jax.random.key(seed)
    ks = jax.random.split(key, 13)
    resources = jax.random.normal(ks[0], (N_RES, D_RES), dtype=jnp.float32)
    operations = jax.random.normal(ks[1], (N_OPS, D_OPF), dtype=jnp.float32)
    need_edge_index = jnp.stack([
        jax.random.randint(ks[2], (E1,), 0, N_OPS, dtype=jnp.int32),
        jax.random.randint(ks[3], (E1,), 0, N_RES, dtype=jnp.int32),
    ], axis=0)
    need_edge_attr = jax.random.normal(ks[4], (E1, D_EDGE), dtype=jnp.float32)
    same_edge_index = jnp.stack([
        jax.random.randint(ks[5], (E2,), 0, N_RES, dtype=jnp.int32),
        jax.random.randint(ks[6], (E2,), 0, N_RES, dtype=jnp.int32),
    ], axis=0)
    W_self = _xavier(ks[7], (D_RES, D_EMB))
    W_res = _xavier(ks[8], (D_RES, D_EMB))
    W_op = _xavier(ks[9], (D_OPF + D_EDGE, D_EMB))
    att_self = _xavier(ks[10], (2 * D_EMB, 1))
    att_op = _xavier(ks[11], (2 * D_EMB, 1))
    att_res = _xavier(ks[12], (2 * D_EMB, 1))
    return {
        'resources': resources,
        'operations': operations,
        'need_edge_index': need_edge_index,
        'need_edge_attr': need_edge_attr,
        'same_edge_index': same_edge_index,
        'W_self': W_self,
        'W_res': W_res,
        'W_op': W_op,
        'att_self': att_self,
        'att_op': att_op,
        'att_res': att_res,
    }


def reference(resources, operations, need_edge_index, need_edge_attr, same_edge_index,
              W_self, W_res, W_op, att_self, att_op, att_res):
    lrelu = lambda x: jax.nn.leaky_relu(x, negative_slope=0.2)
    self_resources = resources @ W_self
    self_attention = lrelu(jnp.concatenate([self_resources, self_resources], axis=-1) @ att_self)
    ops_by_need_edges = jnp.concatenate(
        [jnp.take(operations, need_edge_index[0], axis=0), need_edge_attr], axis=-1) @ W_op
    res_by_need_edges = jnp.take(self_resources, need_edge_index[1], axis=0)
    operations_cross_attention = lrelu(
        jnp.concatenate([res_by_need_edges, ops_by_need_edges], axis=-1) @ att_op)
    res1_by_same_edges = jnp.take(resources, same_edge_index[0], axis=0) @ W_res
    res2_by_same_edges = jnp.take(self_resources, same_edge_index[1], axis=0)
    resources_cross_attention = lrelu(
        jnp.concatenate([res2_by_same_edges, res1_by_same_edges], axis=-1) @ att_res)
    normalizer = jax.nn.softmax(
        jnp.concatenate([self_attention, operations_cross_attention, resources_cross_attention], axis=0),
        axis=0)
    n0 = self_attention.shape[0]
    n1 = operations_cross_attention.shape[0]
    norm_operations_cross_attention = normalizer[n0:n0 + n1]
    norm_resources_cross_attention = normalizer[n0 + n1:]
    weighted_res_by_edges = norm_resources_cross_attention * res1_by_same_edges
    sum_res_by_edges = jax.ops.segment_sum(weighted_res_by_edges, same_edge_index[1],
                                           num_segments=self_resources.shape[0])
    weighted_ops_by_edges = norm_operations_cross_attention * ops_by_need_edges
    sum_ops_by_edges = jax.ops.segment_sum(weighted_ops_by_edges, need_edge_index[1],
                                           num_segments=self_resources.shape[0])
    embedding = jax.nn.elu(normalizer[:n0] * self_resources + sum_ops_by_edges + sum_res_by_edges)
    return embedding

if __name__ == "__main__":
    import jax
    _d = setup_inputs()
    print(jax.jit(kernel)(*tuple(_d.values())))

</pallas_src>

<mosaic_0001>
#map = affine_map<(d0, d1) -> (0, 0)>
#map1 = affine_map<(d0, d1) -> (0)>
module attributes {stable_mosaic.version = 14 : i64} {
  func.func @sck(%arg0: i32, %arg1: i32, %arg2: memref<10016x128xf32, #tpu.memory_space<hbm>>, %arg3: memref<10016x128xf32, #tpu.memory_space<hbm>>, %arg4: memref<10016xf32, #tpu.memory_space<hbm>>, %arg5: memref<10016xf32, #tpu.memory_space<hbm>>, %arg6: memref<10016xf32, #tpu.memory_space<hbm>>, %arg7: memref<10016xf32, #tpu.memory_space<hbm>>, %arg8: memref<16xf32, #tpu.memory_space<hbm>>, %arg9: memref<321536xi32, #tpu.memory_space<hbm>>, %arg10: memref<321536xi32, #tpu.memory_space<hbm>>, %arg11: memref<321536xf32, #tpu.memory_space<hbm>>, %arg12: memref<321536x128xf32, #tpu.memory_space<hbm>>, %arg13: memref<321536xi32, #tpu.memory_space<hbm>>, %arg14: memref<321536xi32, #tpu.memory_space<hbm>>, %arg15: memref<20000x128xf32, #tpu.memory_space<hbm>>, %arg16: memref<32x16xf32, #tpu.memory_space<hbm>>, %arg17: memref<10016xf32, #tpu.memory_space<vmem>>, %arg18: memref<10016xf32, #tpu.memory_space<vmem>>, %arg19: memref<64xi32, #tpu.memory_space<vmem>>, %arg20: memref<64xi32, #tpu.memory_space<vmem>>, %arg21: memref<64xf32, #tpu.memory_space<vmem>>, %arg22: memref<64x128xf32, #tpu.memory_space<vmem>>, %arg23: memref<64x128xf32, #tpu.memory_space<vmem>>, %arg24: memref<16xf32, #tpu.memory_space<vmem>>, %arg25: memref<16xf32, #tpu.memory_space<vmem>>, %arg26: memref<10016x128xf32, #tpu.memory_space<vmem_shared>>) attributes {dimension_semantics = [#tpu.dimension_semantics<core_parallel>, #tpu.dimension_semantics<subcore_parallel>], iteration_bounds = array<i64: 2, 16>, scalar_prefetch = 0 : i64, scratch_operands = 10 : i64, tpu.core_type = #tpu.core_type<sc_vector_subcore>, window_params = [{transform_indices = #map}, {transform_indices = #map}, {transform_indices = #map1}, {transform_indices = #map1}, {transform_indices = #map1}, {transform_indices = #map1}, {transform_indices = #map1}, {transform_indices = #map1}, {transform_indices = #map1}, {transform_indices = #map1}, {transform_indices = #map}, {transform_indices = #map1}, {transform_indices = #map1}, {transform_indices = #map}, {transform_indices = #map}]} {
    %mul3A = arith.constant 2 : i32
    %mul3A_0 = arith.muli %arg1, %mul3A : i32
    %add3A = arith.addi %mul3A_0, %arg0 : i32
    %broadcast_in_dim3A = arith.constant 0.000000e+00 : f32
    %broadcast_in_dim3A_1 = vector.broadcast %broadcast_in_dim3A : f32 to vector<16xf32>
    %scan3A = arith.constant 0 : i32
    %scan3A_2 = arith.constant 64 : i32
    %scan3A_3 = arith.addi %scan3A, %scan3A_2 : i32
    %scan3A_4 = arith.constant 1 : i32
    scf.for %scan3A_29 = %scan3A to %scan3A_3 step %scan3A_4  : i32 {
      %mul3A_30 = arith.constant 1 : i32
      %mul3A_31 = arith.muli %scan3A_29, %mul3A_30 : i32
      %add3A_32 = arith.constant 0 : i32
      %add3A_33 = arith.addi %add3A_32, %mul3A_31 : i32
      %swap3A_34 = arith.index_cast %add3A_33 : i32 to index
      %swap3A_35 = arith.constant 0 : index
      %swap3A_36 = tpu.vector_load %arg23[%swap3A_34, %swap3A_35] {strides = array<i32>} : memref<64x128xf32, #tpu.memory_space<vmem>>, vector<16xf32>,
      tpu.vector_store %arg23[%swap3A_34, %swap3A_35], %broadcast_in_dim3A_1 {strides = array<i32>} : memref<64x128xf32, #tpu.memory_space<vmem>>, vector<16xf32>,
      %swap3A_37 = arith.index_cast %add3A_33 : i32 to index
      %swap3A_38 = arith.constant 16 : index
      %swap3A_39 = tpu.vector_load %arg23[%swap3A_37, %swap3A_38] {strides = array<i32>} : memref<64x128xf32, #tpu.memory_space<vmem>>, vector<16xf32>,
      tpu.vector_store %arg23[%swap3A_37, %swap3A_38], %broadcast_in_dim3A_1 {strides = array<i32>} : memref<64x128xf32, #tpu.memory_space<vmem>>, vector<16xf32>,
      %swap3A_40 = arith.index_cast %add3A_33 : i32 to index
      %swap3A_41 = arith.constant 32 : index
      %swap3A_42 = tpu.vector_load %arg23[%swap3A_40, %swap3A_41] {strides = array<i32>} : memref<64x128xf32, #tpu.memory_space<vmem>>, vector<16xf32>,
      tpu.vector_store %arg23[%swap3A_40, %swap3A_41], %broadcast_in_dim3A_1 {strides = array<i32>} : memref<64x128xf32, #tpu.memory_space<vmem>>, vector<16xf32>,
      %swap3A_43 = arith.index_cast %add3A_33 : i32 to index
      %swap3A_44 = arith.constant 48 : index
      %swap3A_45 = tpu.vector_load %arg23[%swap3A_43, %swap3A_44] {strides = array<i32>} : memref<64x128xf32, #tpu.memory_space<vmem>>, vector<16xf32>,
      tpu.vector_store %arg23[%swap3A_43, %swap3A_44], %broadcast_in_dim3A_1 {strides = array<i32>} : memref<64x128xf32, #tpu.memory_space<vmem>>, vector<16xf32>,
      %swap3A_46 = arith.index_cast %add3A_33 : i32 to index
      %swap3A_47 = arith.constant 64 : index
      %swap3A_48 = tpu.vector_load %arg23[%swap3A_46, %swap3A_47] {strides = array<i32>} : memref<64x128xf32, #tpu.memory_space<vmem>>, vector<16xf32>,
      tpu.vector_store %arg23[%swap3A_46, %swap3A_47], %broadcast_in_dim3A_1 {strides = array<i32>} : memref<64x128xf32, #tpu.memory_space<vmem>>, vector<16xf32>,
      %swap3A_49 = arith.index_cast %add3A_33 : i32 to index
      %swap3A_50 = arith.constant 80 : index
      %swap3A_51 = tpu.vector_load %arg23[%swap3A_49, %swap3A_50] {strides = array<i32>} : memref<64x128xf32, #tpu.memory_space<vmem>>, vector<16xf32>,
      tpu.vector_store %arg23[%swap3A_49, %swap3A_50], %broadcast_in_dim3A_1 {strides = array<i32>} : memref<64x128xf32, #tpu.memory_space<vmem>>, vector<16xf32>,
      %swap3A_52 = arith.index_cast %add3A_33 : i32 to index
      %swap3A_53 = arith.constant 96 : index
      %swap3A_54 = tpu.vector_load %arg23[%swap3A_52, %swap3A_53] {strides = array<i32>} : memref<64x128xf32, #tpu.memory_space<vmem>>, vector<16xf32>,
      tpu.vector_store %arg23[%swap3A_52, %swap3A_53], %broadcast_in_dim3A_1 {strides = array<i32>} : memref<64x128xf32, #tpu.memory_space<vmem>>, vector<16xf32>,
      %swap3A_55 = arith.index_cast %add3A_33 : i32 to index
      %swap3A_56 = arith.constant 112 : index
      %swap3A_57 = tpu.vector_load %arg23[%swap3A_55, %swap3A_56] {strides = array<i32>} : memref<64x128xf32, #tpu.memory_space<vmem>>, vector<16xf32>,
      tpu.vector_store %arg23[%swap3A_55, %swap3A_56], %broadcast_in_dim3A_1 {strides = array<i32>} : memref<64x128xf32, #tpu.memory_space<vmem>>, vector<16xf32>,
    }
    %scan3A_5 = arith.constant 64 : i32
    %scan3A_6 = arith.constant 0 : i32
    %scan3A_7 = arith.constant 10 : i32
    %scan3A_8 = arith.addi %scan3A_6, %scan3A_7 : i32
    %scan3A_9 = arith.constant 1 : i32
    scf.for %scan3A_29 = %scan3A_6 to %scan3A_8 step %scan3A_9  : i32 {
      %mul3A_30 = arith.constant 1 : i32
      %mul3A_31 = arith.muli %scan3A_29, %mul3A_30 : i32
      %add3A_32 = arith.constant 0 : i32
      %add3A_33 = arith.addi %add3A_32, %mul3A_31 : i32
      %mul3A_34 = arith.constant 640 : i32
      %mul3A_35 = arith.muli %arg1, %mul3A_34 : i32
      %mul3A_36 = arith.constant 64 : i32
      %mul3A_37 = arith.muli %add3A_33, %mul3A_36 : i32
      %add3A_38 = arith.addi %mul3A_35, %mul3A_37 : i32
      %min3A = arith.constant 9952 : i32
      %min3A_39 = arith.minsi %add3A_38, %min3A : i32
      %add3A_40 = arith.constant 0 : i32
      %add3A_41 = arith.addi %min3A_39, %add3A_40 : i32
      %iota3A = tpu.iota {dimensions = array<i32: 0>} : vector<16xi32>
      %add3A_42 = vector.broadcast %add3A_41 : i32 to vector<16xi32>
      %add3A_43 = arith.addi %add3A_42, %iota3A : vector<16xi32>
      %swap3A_44 = arith.constant 0 : index
      %swap3A_45 = tpu.vector_load %arg20[%swap3A_44] {strides = array<i32>} : memref<64xi32, #tpu.memory_space<vmem>>, vector<16xi32>,
      tpu.vector_store %arg20[%swap3A_44], %add3A_43 {strides = array<i32>} : memref<64xi32, #tpu.memory_space<vmem>>, vector<16xi32>,
      %add3A_46 = arith.constant 16 : i32
      %add3A_47 = arith.addi %min3A_39, %add3A_46 : i32
      %iota3A_48 = tpu.iota {dimensions = array<i32: 0>} : vector<16xi32>
      %add3A_49 = vector.broadcast %add3A_47 : i32 to vector<16xi32>
      %add3A_50 = arith.addi %add3A_49, %iota3A_48 : vector<16xi32>
      %swap3A_51 = arith.constant 16 : index
      %swap3A_52 = tpu.vector_load %arg20[%swap3A_51] {strides = array<i32>} : memref<64xi32, #tpu.memory_space<vmem>>, vector<16xi32>,
      tpu.vector_store %arg20[%swap3A_51], %add3A_50 {strides = array<i32>} : memref<64xi32, #tpu.memory_space<vmem>>, vector<16xi32>,
      %add3A_53 = arith.constant 32 : i32
      %add3A_54 = arith.addi %min3A_39, %add3A_53 : i32
      %iota3A_55 = tpu.iota {dimensions = array<i32: 0>} : vector<16xi32>
      %add3A_56 = vector.broadcast %add3A_54 : i32 to vector<16xi32>
      %add3A_57 = arith.addi %add3A_56, %iota3A_55 : vector<16xi32>
      %swap3A_58 = arith.constant 32 : index
      %swap3A_59 = tpu.vector_load %arg20[%swap3A_58] {strides = array<i32>} : memref<64xi32, #tpu.memory_space<vmem>>, vector<16xi32>,
      tpu.vector_store %arg20[%swap3A_58], %add3A_57 {strides = array<i32>} : memref<64xi32, #tpu.memory_space<vmem>>, vector<16xi32>,
      %add3A_60 = arith.constant 48 : i32
      %add3A_61 = arith.addi %min3A_39, %add3A_60 : i32
      %iota3A_62 = tpu.iota {dimensions = array<i32: 0>} : vector<16xi32>
      %add3A_63 = vector.broadcast %add3A_61 : i32 to vector<16xi32>
      %add3A_64 = arith.addi %add3A_63, %iota3A_62 : vector<16xi32>
      %swap3A_65 = arith.constant 48 : index
      %swap3A_66 = tpu.vector_load %arg20[%swap3A_65] {strides = array<i32>} : memref<64xi32, #tpu.memory_space<vmem>>, vector<16xi32>,
      tpu.vector_store %arg20[%swap3A_65], %add3A_64 {strides = array<i32>} : memref<64xi32, #tpu.memory_space<vmem>>, vector<16xi32>,
      "tpu.region"() ({
        %run_scoped3A = tpu.sem_alloc : memref<!tpu.dma_semaphore, #tpu.memory_space<semaphore_mem>>
        %dma_start3A = arith.constant 0 : i32
        %dma_start3A_67 = arith.constant 0 : i32
        %dma_start3A_68 = tpu.memref_slice %arg26[%dma_start3A, %dma_start3A_67] : memref<10016x128xf32, #tpu.memory_space<vmem_shared>> -> memref<10016x128xf32, #tpu.memory_space<vmem_shared>>
        tpu.enqueue_indirect_dma source(%arg23 : memref<64x128xf32, #tpu.memory_space<vmem>>) target(%dma_start3A_68 : memref<10016x128xf32, #tpu.memory_space<vmem_shared>>) offsets(%arg20 : memref<64xi32, #tpu.memory_space<vmem>>) semaphore(%run_scoped3A : memref<!tpu.dma_semaphore, #tpu.memory_space<semaphore_mem>>)
        %dma_wait3A = arith.constant 0 : i32
        %dma_wait3A_69 = arith.constant 0 : i32
        %dma_wait3A_70 = tpu.memref_slice %arg26[%dma_wait3A, %dma_wait3A_69] : memref<10016x128xf32, #tpu.memory_space<vmem_shared>> -> memref<10016x128xf32, #tpu.memory_space<vmem_shared>>
        tpu.wait_indirect_dma semaphore(%run_scoped3A : memref<!tpu.dma_semaphore, #tpu.memory_space<semaphore_mem>>) src(%arg23 : memref<64x128xf32, #tpu.memory_space<vmem>>) dst(%dma_wait3A_70 : memref<10016x128xf32, #tpu.memory_space<vmem_shared>>)
        tpu.yield
      }) : () -> ()
    }
    %scan3A_10 = arith.constant 10 : i32
    %swap3A = arith.constant 0 : index
    %swap3A_11 = tpu.vector_load %arg25[%swap3A] {strides = array<i32>} : memref<16xf32, #tpu.memory_space<vmem>>, vector<16xf32>,
    tpu.vector_store %arg25[%swap3A], %broadcast_in_dim3A_1 {strides = array<i32>} : memref<16xf32, #tpu.memory_space<vmem>>, vector<16xf32>,
    "tpu.region"() ({
      %run_scoped3A = tpu.sem_alloc : memref<!tpu.dma_semaphore, #tpu.memory_space<semaphore_mem>>
      tpu.enqueue_dma source(%arg8 : memref<16xf32, #tpu.memory_space<hbm>>) target(%arg24 : memref<16xf32, #tpu.memory_space<vmem>>) target_semaphore(%run_scoped3A : memref<!tpu.dma_semaphore, #tpu.memory_space<semaphore_mem>>)
      tpu.wait_dma2 semaphore(%run_scoped3A : memref<!tpu.dma_semaphore, #tpu.memory_space<semaphore_mem>>) src(%arg8 : memref<16xf32, #tpu.memory_space<hbm>>) dst(%arg24 : memref<16xf32, #tpu.memory_space<vmem>>)
      tpu.yield
    }) : () -> ()
    "tpu.region"() ({
      %run_scoped3A = tpu.sem_alloc : memref<!tpu.dma_semaphore, #tpu.memory_space<semaphore_mem>>
      tpu.enqueue_dma source(%arg4 : memref<10016xf32, #tpu.memory_space<hbm>>) target(%arg17 : memref<10016xf32, #tpu.memory_space<vmem>>) target_semaphore(%run_scoped3A : memref<!tpu.dma_semaphore, #tpu.memory_space<semaphore_mem>>)
      tpu.wait_dma2 semaphore(%run_scoped3A : memref<!tpu.dma_semaphore, #tpu.memory_space<semaphore_mem>>) src(%arg4 : memref<10016xf32, #tpu.memory_space<hbm>>) dst(%arg17 : memref<10016xf32, #tpu.memory_space<vmem>>)
      tpu.yield
    }) : () -> ()
    "tpu.region"() ({
      %run_scoped3A = tpu.sem_alloc : memref<!tpu.dma_semaphore, #tpu.memory_space<semaphore_mem>>
      tpu.enqueue_dma source(%arg5 : memref<10016xf32, #tpu.memory_space<hbm>>) target(%arg18 : memref<10016xf32, #tpu.memory_space<vmem>>) target_semaphore(%run_scoped3A : memref<!tpu.dma_semaphore, #tpu.memory_space<semaphore_mem>>)
      tpu.wait_dma2 semaphore(%run_scoped3A : memref<!tpu.dma_semaphore, #tpu.memory_space<semaphore_mem>>) src(%arg5 : memref<10016xf32, #tpu.memory_space<hbm>>) dst(%arg18 : memref<10016xf32, #tpu.memory_space<vmem>>)
      tpu.yield
    }) : () -> ()
    %barrier3A = arith.constant 0 : index
    tpu.barrier barrier_id(%barrier3A)
    %get3A = arith.constant 0 : index
    %get3A_12 = tpu.vector_load %arg24[%get3A] {strides = array<i32>} : memref<16xf32, #tpu.memory_space<vmem>>, vector<16xf32>,
    %scan3A_13 = arith.constant 0 : i32
    %scan3A_14 = arith.constant 157 : i32
    %scan3A_15 = arith.addi %scan3A_13, %scan3A_14 : i32
    %scan3A_16 = arith.constant 1 : i32
    scf.for %scan3A_29 = %scan3A_13 to %scan3A_15 step %scan3A_16  : i32 {
      %mul3A_30 = arith.constant 1 : i32
      %mul3A_31 = arith.muli %scan3A_29, %mul3A_30 : i32
      %add3A_32 = arith.constant 0 : i32
      %add3A_33 = arith.addi %add3A_32, %mul3A_31 : i32
      %mul3A_34 = arith.constant 10048 : i32
      %mul3A_35 = arith.muli %add3A, %mul3A_34 : i32
      %mul3A_36 = arith.constant 64 : i32
      %mul3A_37 = arith.muli %add3A_33, %mul3A_36 : i32
      %add3A_38 = arith.addi %mul3A_35, %mul3A_37 : i32
      "tpu.region"() ({
        %run_scoped3A = tpu.sem_alloc : memref<!tpu.dma_semaphore, #tpu.memory_space<semaphore_mem>>
        %dma_start3A = tpu.memref_slice %arg9[%add3A_38] : memref<321536xi32, #tpu.memory_space<hbm>> -> memref<64xi32, #tpu.memory_space<hbm>>
        %dma_start3A_44 = tpu.memref_slice %arg9[%add3A_38] : memref<321536xi32, #tpu.memory_space<hbm>> -> memref<64xi32, #tpu.memory_space<hbm>>
        tpu.enqueue_dma source(%dma_start3A_44 : memref<64xi32, #tpu.memory_space<hbm>>) target(%arg19 : memref<64xi32, #tpu.memory_space<vmem>>) target_semaphore(%run_scoped3A : memref<!tpu.dma_semaphore, #tpu.memory_space<semaphore_mem>>)
        %dma_wait3A = tpu.memref_slice %arg9[%add3A_38] : memref<321536xi32, #tpu.memory_space<hbm>> -> memref<64xi32, #tpu.memory_space<hbm>>
        %dma_wait3A_45 = tpu.memref_slice %arg9[%add3A_38] : memref<321536xi32, #tpu.memory_space<hbm>> -> memref<64xi32, #tpu.memory_space<hbm>>
        tpu.wait_dma2 semaphore(%run_scoped3A : memref<!tpu.dma_semaphore, #tpu.memory_space<semaphore_mem>>) src(%dma_wait3A_45 : memref<64xi32, #tpu.memory_space<hbm>>) dst(%arg19 : memref<64xi32, #tpu.memory_space<vmem>>)
        tpu.yield
      }) : () -> ()
      "tpu.region"() ({
        %run_scoped3A = tpu.sem_alloc : memref<!tpu.dma_semaphore, #tpu.memory_space<semaphore_mem>>
        %dma_start3A = tpu.memref_slice %arg10[%add3A_38] : memref<321536xi32, #tpu.memory_space<hbm>> -> memref<64xi32, #tpu.memory_space<hbm>>
        %dma_start3A_44 = tpu.memref_slice %arg10[%add3A_38] : memref<321536xi32, #tpu.memory_space<hbm>> -> memref<64xi32, #tpu.memory_space<hbm>>
        tpu.enqueue_dma source(%dma_start3A_44 : memref<64xi32, #tpu.memory_space<hbm>>) target(%arg20 : memref<64xi32, #tpu.memory_space<vmem>>) target_semaphore(%run_scoped3A : memref<!tpu.dma_semaphore, #tpu.memory_space<semaphore_mem>>)
        %dma_wait3A = tpu.memref_slice %arg10[%add3A_38] : memref<321536xi32, #tpu.memory_space<hbm>> -> memref<64xi32, #tpu.memory_space<hbm>>
        %dma_wait3A_45 = tpu.memref_slice %arg10[%add3A_38] : memref<321536xi32, #tpu.memory_space<hbm>> -> memref<64xi32, #tpu.memory_space<hbm>>
        tpu.wait_dma2 semaphore(%run_scoped3A : memref<!tpu.dma_semaphore, #tpu.memory_space<semaphore_mem>>) src(%dma_wait3A_45 : memref<64xi32, #tpu.memory_space<hbm>>) dst(%arg20 : memref<64xi32, #tpu.memory_space<vmem>>)
        tpu.yield
      }) : () -> ()
      "tpu.region"() ({
        %run_scoped3A = tpu.sem_alloc : memref<!tpu.dma_semaphore, #tpu.memory_space<semaphore_mem>>
        %dma_start3A = tpu.memref_slice %arg11[%add3A_38] : memref<321536xf32, #tpu.memory_space<hbm>> -> memref<64xf32, #tpu.memory_space<hbm>>
        %dma_start3A_44 = tpu.memref_slice %arg11[%add3A_38] : memref<321536xf32, #tpu.memory_space<hbm>> -> memref<64xf32, #tpu.memory_space<hbm>>
        tpu.enqueue_dma source(%dma_start3A_44 : memref<64xf32, #tpu.memory_space<hbm>>) target(%arg21 : memref<64xf32, #tpu.memory_space<vmem>>) target_semaphore(%run_scoped3A : memref<!tpu.dma_semaphore, #tpu.memory_space<semaphore_mem>>)
        %dma_wait3A = tpu.memref_slice %arg11[%add3A_38] : memref<321536xf32, #tpu.memory_space<hbm>> -> memref<64xf32, #tpu.memory_space<hbm>>
        %dma_wait3A_45 = tpu.memref_slice %arg11[%add3A_38] : memref<321536xf32, #tpu.memory_space<hbm>> -> memref<64xf32, #tpu.memory_space<hbm>>
        tpu.wait_dma2 semaphore(%run_scoped3A : memref<!tpu.dma_semaphore, #tpu.memory_space<semaphore_mem>>) src(%dma_wait3A_45 : memref<64xf32, #tpu.memory_space<hbm>>) dst(%arg21 : memref<64xf32, #tpu.memory_space<vmem>>)
        tpu.yield
      }) : () -> ()
      "tpu.region"() ({
        %run_scoped3A = tpu.sem_alloc : memref<!tpu.dma_semaphore, #tpu.memory_space<semaphore_mem>>
        %dma_start3A = arith.constant 0 : i32
        %dma_start3A_44 = tpu.memref_slice %arg12[%add3A_38, %dma_start3A] : memref<321536x128xf32, #tpu.memory_space<hbm>> -> memref<64x128xf32, #tpu.memory_space<hbm>>
        %dma_start3A_45 = arith.constant 0 : i32
        %dma_start3A_46 = tpu.memref_slice %arg12[%add3A_38, %dma_start3A_45] : memref<321536x128xf32, #tpu.memory_space<hbm>> -> memref<64x128xf32, #tpu.memory_space<hbm>>
        tpu.enqueue_dma source(%dma_start3A_46 : memref<64x128xf32, #tpu.memory_space<hbm>>) target(%arg22 : memref<64x128xf32, #tpu.memory_space<vmem>>) target_semaphore(%run_scoped3A : memref<!tpu.dma_semaphore, #tpu.memory_space<semaphore_mem>>)
        %dma_wait3A = arith.constant 0 : i32
        %dma_wait3A_47 = tpu.memref_slice %arg12[%add3A_38, %dma_wait3A] : memref<321536x128xf32, #tpu.memory_space<hbm>> -> memref<64x128xf32, #tpu.memory_space<hbm>>
        %dma_wait3A_48 = arith.constant 0 : i32
        %dma_wait3A_49 = tpu.memref_slice %arg12[%add3A_38, %dma_wait3A_48] : memref<321536x128xf32, #tpu.memory_space<hbm>> -> memref<64x128xf32, #tpu.memory_space<hbm>>
        tpu.wait_dma2 semaphore(%run_scoped3A : memref<!tpu.dma_semaphore, #tpu.memory_space<semaphore_mem>>) src(%dma_wait3A_49 : memref<64x128xf32, #tpu.memory_space<hbm>>) dst(%arg22 : memref<64x128xf32, #tpu.memory_space<vmem>>)
        tpu.yield
      }) : () -> ()
      "tpu.region"() ({
        %run_scoped3A = tpu.sem_alloc : memref<!tpu.dma_semaphore, #tpu.memory_space<semaphore_mem>>
        %dma_start3A = arith.constant 0 : i32
        %dma_start3A_44 = arith.constant 0 : i32
        %dma_start3A_45 = tpu.memref_slice %arg2[%dma_start3A, %dma_start3A_44] : memref<10016x128xf32, #tpu.memory_space<hbm>> -> memref<10016x128xf32, #tpu.memory_space<hbm>>
        tpu.enqueue_indirect_dma source(%dma_start3A_45 : memref<10016x128xf32, #tpu.memory_space<hbm>>) target(%arg23 : memref<64x128xf32, #tpu.memory_space<vmem>>) offsets(%arg19 : memref<64xi32, #tpu.memory_space<vmem>>) semaphore(%run_scoped3A : memref<!tpu.dma_semaphore, #tpu.memory_space<semaphore_mem>>)
        %dma_wait3A = arith.constant 0 : i32
        %dma_wait3A_46 = arith.constant 0 : i32
        %dma_wait3A_47 = tpu.memref_slice %arg2[%dma_wait3A, %dma_wait3A_46] : memref<10016x128xf32, #tpu.memory_space<hbm>> -> memref<10016x128xf32, #tpu.memory_space<hbm>>
        tpu.wait_indirect_dma semaphore(%run_scoped3A : memref<!tpu.dma_semaphore, #tpu.memory_space<semaphore_mem>>) src(%dma_wait3A_47 : memref<10016x128xf32, #tpu.memory_space<hbm>>) dst(%arg23 : memref<64x128xf32, #tpu.memory_space<vmem>>)
        tpu.yield
      }) : () -> ()
      %scan3A_39 = arith.constant 0 : i32
      %scan3A_40 = arith.constant 4 : i32
      %scan3A_41 = arith.addi %scan3A_39, %scan3A_40 : i32
      %scan3A_42 = arith.constant 1 : i32
      scf.for %scan3A_44 = %scan3A_39 to %scan3A_41 step %scan3A_42  : i32 {
        %mul3A_45 = arith.constant 1 : i32
        %mul3A_46 = arith.muli %scan3A_44, %mul3A_45 : i32
        %add3A_47 = arith.constant 0 : i32
        %add3A_48 = arith.addi %add3A_47, %mul3A_46 : i32
        %mul3A_49 = arith.constant 16 : i32
        %mul3A_50 = arith.muli %add3A_48, %mul3A_49 : i32
        %get3A_51 = arith.index_cast %mul3A_50 : i32 to index
        %get3A_52 = tpu.vector_load %arg19[%get3A_51] {strides = array<i32>} : memref<64xi32, #tpu.memory_space<vmem>>, vector<16xi32>,
        %get3A_53 = arith.index_cast %mul3A_50 : i32 to index
        %get3A_54 = tpu.vector_load %arg20[%get3A_53] {strides = array<i32>} : memref<64xi32, #tpu.memory_space<vmem>>, vector<16xi32>,
        %gather3A = tpu.vector_load_idx %arg17[%get3A_54] : memref<10016xf32, #tpu.memory_space<vmem>>[vector<16xi32>], vector<16xf32>,
        %gather3A_55 = tpu.vector_load_idx %arg18[%get3A_52] : memref<10016xf32, #tpu.memory_space<vmem>>[vector<16xi32>], vector<16xf32>,
        %add3A_56 = arith.addf %gather3A, %gather3A_55 : vector<16xf32>
        %get3A_57 = arith.index_cast %mul3A_50 : i32 to index
        %get3A_58 = tpu.vector_load %arg21[%get3A_57] {strides = array<i32>} : memref<64xf32, #tpu.memory_space<vmem>>, vector<16xf32>,
        %add3A_59 = arith.addf %add3A_56, %get3A_58 : vector<16xf32>
        %gt3A = arith.constant 0.000000e+00 : f32
        %gt3A_60 = vector.broadcast %gt3A : f32 to vector<16xf32>
        %gt3A_61 = arith.cmpf ogt, %add3A_59, %gt3A_60 : vector<16xf32>
        %mul3A_62 = arith.constant 2.000000e-01 : f32
        %mul3A_63 = vector.broadcast %mul3A_62 : f32 to vector<16xf32>
        %mul3A_64 = arith.mulf %mul3A_63, %add3A_59 : vector<16xf32>
        %select_n3A = arith.select %gt3A_61, %add3A_59, %mul3A_64 : vector<16xi1>, vector<16xf32>
        %sub3A = arith.subf %select_n3A, %get3A_12 : vector<16xf32>
        %exp3A = math.exp %sub3A : vector<16xf32>
        %get3A_65 = arith.constant 0 : index
        %get3A_66 = tpu.vector_load %arg25[%get3A_65] {strides = array<i32>} : memref<16xf32, #tpu.memory_space<vmem>>, vector<16xf32>,
        %add3A_67 = arith.addf %get3A_66, %exp3A : vector<16xf32>
        %swap3A_68 = arith.constant 0 : index
        %swap3A_69 = tpu.vector_load %arg25[%swap3A_68] {strides = array<i32>} : memref<16xf32, #tpu.memory_space<vmem>>, vector<16xf32>,
        tpu.vector_store %arg25[%swap3A_68], %add3A_67 {strides = array<i32>} : memref<16xf32, #tpu.memory_space<vmem>>, vector<16xf32>,
        %broadcast_in_dim3A_70 = arith.constant 0 : i32
        %broadcast_in_dim3A_71 = vector.broadcast %broadcast_in_dim3A_70 : i32 to vector<16xi32>
        %lt3A = arith.constant 0 : i32
        %lt3A_72 = vector.broadcast %lt3A : i32 to vector<16xi32>
        %lt3A_73 = arith.cmpi slt, %broadcast_in_dim3A_71, %lt3A_72 : vector<16xi32>
        %add3A_74 = arith.constant 16 : i32
        %add3A_75 = vector.broadcast %add3A_74 : i32 to vector<16xi32>
        %add3A_76 = arith.addi %broadcast_in_dim3A_71, %add3A_75 : vector<16xi32>
        %select_n3A_77 = arith.select %lt3A_73, %add3A_76, %broadcast_in_dim3A_71 : vector<16xi1>, vector<16xi32>
        %broadcast_in_dim3A_78 = vector.shape_cast %select_n3A_77 : vector<16xi32> to vector<16x1xi32>
        %gather3A_79 = vector.shape_cast %broadcast_in_dim3A_78 : vector<16x1xi32> to vector<16xi32>
        %gather3A_80 = tpu.dynamic_gather %exp3A[%gather3A_79] in [0] : vector<16xf32>, vector<16xi32> -> vector<16xf32>
        %add3A_81 = arith.constant 0 : i32
        %add3A_82 = arith.addi %mul3A_50, %add3A_81 : i32
        %get3A_83 = arith.index_cast %add3A_82 : i32 to index
        %get3A_84 = arith.constant 0 : index
        %get3A_85 = tpu.vector_load %arg23[%get3A_83, %get3A_84] {strides = array<i32>} : memref<64x128xf32, #tpu.memory_space<vmem>>, vector<16xf32>,
        %get3A_86 = arith.index_cast %add3A_82 : i32 to index
        %get3A_87 = arith.constant 0 : index
        %get3A_88 = tpu.vector_load %arg22[%get3A_86, %get3A_87] {strides = array<i32>} : memref<64x128xf32, #tpu.memory_space<vmem>>, vector<16xf32>,
        %add3A_89 = arith.addf %get3A_85, %get3A_88 : vector<16xf32>
        %mul3A_90 = arith.mulf %add3A_89, %gather3A_80 : vector<16xf32>
        %swap3A_91 = arith.index_cast %add3A_82 : i32 to index
        %swap3A_92 = arith.constant 0 : index
        %swap3A_93 = tpu.vector_load %arg23[%swap3A_91, %swap3A_92] {strides = array<i32>} : memref<64x128xf32, #tpu.memory_space<vmem>>, vector<16xf32>,
        tpu.vector_store %arg23[%swap3A_91, %swap3A_92], %mul3A_90 {strides = array<i32>} : memref<64x128xf32, #tpu.memory_space<vmem>>, vector<16xf32>,
        %get3A_94 = arith.index_cast %add3A_82 : i32 to index
        %get3A_95 = arith.constant 16 : index
        %get3A_96 = tpu.vector_load %arg23[%get3A_94, %get3A_95] {strides = array<i32>} : memref<64x128xf32, #tpu.memory_space<vmem>>, vector<16xf32>,
        %get3A_97 = arith.index_cast %add3A_82 : i32 to index
        %get3A_98 = arith.constant 16 : index
        %get3A_99 = tpu.vector_load %arg22[%get3A_97, %get3A_98] {strides = array<i32>} : memref<64x128xf32, #tpu.memory_space<vmem>>, vector<16xf32>,
        %add3A_100 = arith.addf %get3A_96, %get3A_99 : vector<16xf32>
        %mul3A_101 = arith.mulf %add3A_100, %gather3A_80 : vector<16xf32>
        %swap3A_102 = arith.index_cast %add3A_82 : i32 to index
        %swap3A_103 = arith.constant 16 : index
        %swap3A_104 = tpu.vector_load %arg23[%swap3A_102, %swap3A_103] {strides = array<i32>} : memref<64x128xf32, #tpu.memory_space<vmem>>, vector<16xf32>,
        tpu.vector_store %arg23[%swap3A_102, %swap3A_103], %mul3A_101 {strides = array<i32>} : memref<64x128xf32, #tpu.memory_space<vmem>>, vector<16xf32>,
        %get3A_105 = arith.index_cast %add3A_82 : i32 to index
        %get3A_106 = arith.constant 32 : index
        %get3A_107 = tpu.vector_load %arg23[%get3A_105, %get3A_106] {strides = array<i32>} : memref<64x128xf32, #tpu.memory_space<vmem>>, vector<16xf32>,
        %get3A_108 = arith.index_cast %add3A_82 : i32 to index
        %get3A_109 = arith.constant 32 : index
        %get3A_110 = tpu.vector_load %arg22[%get3A_108, %get3A_109] {strides = array<i32>} : memref<64x128xf32, #tpu.memory_space<vmem>>, vector<16xf32>,
        %add3A_111 = arith.addf %get3A_107, %get3A_110 : vector<16xf32>
        %mul3A_112 = arith.mulf %add3A_111, %gather3A_80 : vector<16xf32>
        %swap3A_113 = arith.index_cast %add3A_82 : i32 to index
        %swap3A_114 = arith.constant 32 : index
        %swap3A_115 = tpu.vector_load %arg23[%swap3A_113, %swap3A_114] {strides = array<i32>} : memref<64x128xf32, #tpu.memory_space<vmem>>, vector<16xf32>,
        tpu.vector_store %arg23[%swap3A_113, %swap3A_114], %mul3A_112 {strides = array<i32>} : memref<64x128xf32, #tpu.memory_space<vmem>>, vector<16xf32>,
        %get3A_116 = arith.index_cast %add3A_82 : i32 to index
        %get3A_117 = arith.constant 48 : index
        %get3A_118 = tpu.vector_load %arg23[%get3A_116, %get3A_117] {strides = array<i32>} : memref<64x128xf32, #tpu.memory_space<vmem>>, vector<16xf32>,
        %get3A_119 = arith.index_cast %add3A_82 : i32 to index
        %get3A_120 = arith.constant 48 : index
        %get3A_121 = tpu.vector_load %arg22[%get3A_119, %get3A_120] {strides = array<i32>} : memref<64x128xf32, #tpu.memory_space<vmem>>, vector<16xf32>,
        %add3A_122 = arith.addf %get3A_118, %get3A_121 : vector<16xf32>
        %mul3A_123 = arith.mulf %add3A_122, %gather3A_80 : vector<16xf32>
        %swap3A_124 = arith.index_cast %add3A_82 : i32 to index
        %swap3A_125 = arith.constant 48 : index
        %swap3A_126 = tpu.vector_load %arg23[%swap3A_124, %swap3A_125] {strides = array<i32>} : memref<64x128xf32, #tpu.memory_space<vmem>>, vector<16xf32>,
        tpu.vector_store %arg23[%swap3A_124, %swap3A_125], %mul3A_123 {strides = array<i32>} : memref<64x128xf32, #tpu.memory_space<vmem>>, vector<16xf32>,
        %get3A_127 = arith.index_cast %add3A_82 : i32 to index
        %get3A_128 = arith.constant 64 : index
        %get3A_129 = tpu.vector_load %arg23[%get3A_127, %get3A_128] {strides = array<i32>} : memref<64x128xf32, #tpu.memory_space<vmem>>, vector<16xf32>,
        %get3A_130 = arith.index_cast %add3A_82 : i32 to index
        %get3A_131 = arith.constant 64 : index
        %get3A_132 = tpu.vector_load %arg22[%get3A_130, %get3A_131] {strides = array<i32>} : memref<64x128xf32, #tpu.memory_space<vmem>>, vector<16xf32>,
        %add3A_133 = arith.addf %get3A_129, %get3A_132 : vector<16xf32>
        %mul3A_134 = arith.mulf %add3A_133, %gather3A_80 : vector<16xf32>
        %swap3A_135 = arith.index_cast %add3A_82 : i32 to index
        %swap3A_136 = arith.constant 64 : index
        %swap3A_137 = tpu.vector_load %arg23[%swap3A_135, %swap3A_136] {strides = array<i32>} : memref<64x128xf32, #tpu.memory_space<vmem>>, vector<16xf32>,
        tpu.vector_store %arg23[%swap3A_135, %swap3A_136], %mul3A_134 {strides = array<i32>} : memref<64x128xf32, #tpu.memory_space<vmem>>, vector<16xf32>,
        %get3A_138 = arith.index_cast %add3A_82 : i32 to index
        %get3A_139 = arith.constant 80 : index
        %get3A_140 = tpu.vector_load %arg23[%get3A_138, %get3A_139] {strides = array<i32>} : memref<64x128xf32, #tpu.memory_space<vmem>>, vector<16xf32>,
        %get3A_141 = arith.index_cast %add3A_82 : i32 to index
        %get3A_142 = arith.constant 80 : index
        %get3A_143 = tpu.vector_load %arg22[%get3A_141, %get3A_142] {strides = array<i32>} : memref<64x128xf32, #tpu.memory_space<vmem>>, vector<16xf32>,
        %add3A_144 = arith.addf %get3A_140, %get3A_143 : vector<16xf32>
        %mul3A_145 = arith.mulf %add3A_144, %gather3A_80 : vector<16xf32>
        %swap3A_146 = arith.index_cast %add3A_82 : i32 to index
        %swap3A_147 = arith.constant 80 : index
        %swap3A_148 = tpu.vector_load %arg23[%swap3A_146, %swap3A_147] {strides = array<i32>} : memref<64x128xf32, #tpu.memory_space<vmem>>, vector<16xf32>,
        tpu.vector_store %arg23[%swap3A_146, %swap3A_147], %mul3A_145 {strides = array<i32>} : memref<64x128xf32, #tpu.memory_space<vmem>>, vector<16xf32>,
        %get3A_149 = arith.index_cast %add3A_82 : i32 to index
        %get3A_150 = arith.constant 96 : index
        %get3A_151 = tpu.vector_load %arg23[%get3A_149, %get3A_150] {strides = array<i32>} : memref<64x128xf32, #tpu.memory_space<vmem>>, vector<16xf32>,
        %get3A_152 = arith.index_cast %add3A_82 : i32 to index
        %get3A_153 = arith.constant 96 : index
        %get3A_154 = tpu.vector_load %arg22[%get3A_152, %get3A_153] {strides = array<i32>} : memref<64x128xf32, #tpu.memory_space<vmem>>, vector<16xf32>,
        %add3A_155 = arith.addf %get3A_151, %get3A_154 : vector<16xf32>
        %mul3A_156 = arith.mulf %add3A_155, %gather3A_80 : vector<16xf32>
        %swap3A_157 = arith.index_cast %add3A_82 : i32 to index
        %swap3A_158 = arith.constant 96 : index
        %swap3A_159 = tpu.vector_load %arg23[%swap3A_157, %swap3A_158] {strides = array<i32>} : memref<64x128xf32, #tpu.memory_space<vmem>>, vector<16xf32>,
        tpu.vector_store %arg23[%swap3A_157, %swap3A_158], %mul3A_156 {strides = array<i32>} : memref<64x128xf32, #tpu.memory_space<vmem>>, vector<16xf32>,
        %get3A_160 = arith.index_cast %add3A_82 : i32 to index
        %get3A_161 = arith.constant 112 : index
        %get3A_162 = tpu.vector_load %arg23[%get3A_160, %get3A_161] {strides = array<i32>} : memref<64x128xf32, #tpu.memory_space<vmem>>, vector<16xf32>,
        %get3A_163 = arith.index_cast %add3A_82 : i32 to index
        %get3A_164 = arith.constant 112 : index
        %get3A_165 = tpu.vector_load %arg22[%get3A_163, %get3A_164] {strides = array<i32>} : memref<64x128xf32, #tpu.memory_space<vmem>>, vector<16xf32>,
        %add3A_166 = arith.addf %get3A_162, %get3A_165 : vector<16xf32>
        %mul3A_167 = arith.mulf %add3A_166, %gather3A_80 : vector<16xf32>
        %swap3A_168 = arith.index_cast %add3A_82 : i32 to index
        %swap3A_169 = arith.constant 112 : index
        %swap3A_170 = tpu.vector_load %arg23[%swap3A_168, %swap3A_169] {strides = array<i32>} : memref<64x128xf32, #tpu.memory_space<vmem>>, vector<16xf32>,
        tpu.vector_store %arg23[%swap3A_168, %swap3A_169], %mul3A_167 {strides = array<i32>} : memref<64x128xf32, #tpu.memory_space<vmem>>, vector<16xf32>,
        %broadcast_in_dim3A_171 = arith.constant 1 : i32
        %broadcast_in_dim3A_172 = vector.broadcast %broadcast_in_dim3A_171 : i32 to vector<16xi32>
        %lt3A_173 = arith.constant 0 : i32
        %lt3A_174 = vector.broadcast %lt3A_173 : i32 to vector<16xi32>
        %lt3A_175 = arith.cmpi slt, %broadcast_in_dim3A_172, %lt3A_174 : vector<16xi32>
        %add3A_176 = arith.constant 16 : i32
        %add3A_177 = vector.broadcast %add3A_176 : i32 to vector<16xi32>
        %add3A_178 = arith.addi %broadcast_in_dim3A_172, %add3A_177 : vector<16xi32>
        %select_n3A_179 = arith.select %lt3A_175, %add3A_178, %broadcast_in_dim3A_172 : vector<16xi1>, vector<16xi32>
        %broadcast_in_dim3A_180 = vector.shape_cast %select_n3A_179 : vector<16xi32> to vector<16x1xi32>
        %gather3A_181 = vector.shape_cast %broadcast_in_dim3A_180 : vector<16x1xi32> to vector<16xi32>
        %gather3A_182 = tpu.dynamic_gather %exp3A[%gather3A_181] in [0] : vector<16xf32>, vector<16xi32> -> vector<16xf32>
        %add3A_183 = arith.constant 1 : i32
        %add3A_184 = arith.addi %mul3A_50, %add3A_183 : i32
        %get3A_185 = arith.index_cast %add3A_184 : i32 to index
        %get3A_186 = arith.constant 0 : index
        %get3A_187 = tpu.vector_load %arg23[%get3A_185, %get3A_186] {strides = array<i32>} : memref<64x128xf32, #tpu.memory_space<vmem>>, vector<16xf32>,
        %get3A_188 = arith.index_cast %add3A_184 : i32 to index
        %get3A_189 = arith.constant 0 : index
        %get3A_190 = tpu.vector_load %arg22[%get3A_188, %get3A_189] {strides = array<i32>} : memref<64x128xf32, #tpu.memory_space<vmem>>, vector<16xf32>,
        %add3A_191 = arith.addf %get3A_187, %get3A_190 : vector<16xf32>
        %mul3A_192 = arith.mulf %add3A_191, %gather3A_182 : vector<16xf32>
        %swap3A_193 = arith.index_cast %add3A_184 : i32 to index
        %swap3A_194 = arith.constant 0 : index
        %swap3A_195 = tpu.vector_load %arg23[%swap3A_193, %swap3A_194] {strides = array<i32>} : memref<64x128xf32, #tpu.memory_space<vmem>>, vector<16xf32>,
        tpu.vector_store %arg23[%swap3A_193, %swap3A_194], %mul3A_192 {strides = array<i32>} : memref<64x128xf32, #tpu.memory_space<vmem>>, vector<16xf32>,
        %get3A_196 = arith.index_cast %add3A_184 : i32 to index
        %get3A_197 = arith.constant 16 : index
        %get3A_198 = tpu.vector_load %arg23[%get3A_196, %get3A_197] {strides = array<i32>} : memref<64x128xf32, #tpu.memory_space<vmem>>, vector<16xf32>,
        %get3A_199 = arith.index_cast %add3A_184 : i32 to index
        %get3A_200 = arith.constant 16 : index
        %get3A_201 = tpu.vector_load %arg22[%get3A_199, %get3A_200] {strides = array<i32>} : memref<64x128xf32, #tpu.memory_space<vmem>>, vector<16xf32>,
        %add3A_202 = arith.addf %get3A_198, %get3A_201 : vector<16xf32>
        %mul3A_203 = arith.mulf %add3A_202, %gather3A_182 : vector<16xf32>
        %swap3A_204 = arith.index_cast %add3A_184 : i32 to index
        %swap3A_205 = arith.constant 16 : index
        %swap3A_206 = tpu.vector_load %arg23[%swap3A_204, %swap3A_205] {strides = array<i32>} : memref<64x128xf32, #tpu.memory_space<vmem>>, vector<16xf32>,
        tpu.vector_store %arg23[%swap3A_204, %swap3A_205], %mul3A_203 {strides = array<i32>} : memref<64x128xf32, #tpu.memory_space<vmem>>, vector<16xf32>,
        %get3A_207 = arith.index_cast %add3A_184 : i32 to index
        %get3A_208 = arith.constant 32 : index
        %get3A_209 = tpu.vector_load %arg23[%get3A_207, %get3A_208] {strides = array<i32>} : memref<64x128xf32, #tpu.memory_space<vmem>>, vector<16xf32>,
        %get3A_210 = arith.index_cast %add3A_184 : i32 to index
        %get3A_211 = arith.constant 32 : index
        %get3A_212 = tpu.vector_load %arg22[%get3A_210, %get3A_211] {strides = array<i32>} : memref<64x128xf32, #tpu.memory_space<vmem>>, vector<16xf32>,
        %add3A_213 = arith.addf %get3A_209, %get3A_212 : vector<16xf32>
        %mul3A_214 = arith.mulf %add3A_213, %gather3A_182 : vector<16xf32>
        %swap3A_215 = arith.index_cast %add3A_184 : i32 to index
        %swap3A_216 = arith.constant 32 : index
        %swap3A_217 = tpu.vector_load %arg23[%swap3A_215, %swap3A_216] {strides = array<i32>} : memref<64x128xf32, #tpu.memory_space<vmem>>, vector<16xf32>,
        tpu.vector_store %arg23[%swap3A_215, %swap3A_216], %mul3A_214 {strides = array<i32>} : memref<64x128xf32, #tpu.memory_space<vmem>>, vector<16xf32>,
        %get3A_218 = arith.index_cast %add3A_184 : i32 to index
        %get3A_219 = arith.constant 48 : index
        %get3A_220 = tpu.vector_load %arg23[%get3A_218, %get3A_219] {strides = array<i32>} : memref<64x128xf32, #tpu.memory_space<vmem>>, vector<16xf32>,
        %get3A_221 = arith.index_cast %add3A_184 : i32 to index
        %get3A_222 = arith.constant 48 : index
        %get3A_223 = tpu.vector_load %arg22[%get3A_221, %get3A_222] {strides = array<i32>} : memref<64x128xf32, #tpu.memory_space<vmem>>, vector<16xf32>,
        %add3A_224 = arith.addf %get3A_220, %get3A_223 : vector<16xf32>
        %mul3A_225 = arith.mulf %add3A_224, %gather3A_182 : vector<16xf32>
        %swap3A_226 = arith.index_cast %add3A_184 : i32 to index
        %swap3A_227 = arith.constant 48 : index
        %swap3A_228 = tpu.vector_load %arg23[%swap3A_226, %swap3A_227] {strides = array<i32>} : memref<64x128xf32, #tpu.memory_space<vmem>>, vector<16xf32>,
        tpu.vector_store %arg23[%swap3A_226, %swap3A_227], %mul3A_225 {strides = array<i32>} : memref<64x128xf32, #tpu.memory_space<vmem>>, vector<16xf32>,
        %get3A_229 = arith.index_cast %add3A_184 : i32 to index
        %get3A_230 = arith.constant 64 : index
        %get3A_231 = tpu.vector_load %arg23[%get3A_229, %get3A_230] {strides = array<i32>} : memref<64x128xf32, #tpu.memory_space<vmem>>, vector<16xf32>,
        %get3A_232 = arith.index_cast %add3A_184 : i32 to index
        %get3A_233 = arith.constant 64 : index
        %get3A_234 = tpu.vector_load %arg22[%get3A_232, %get3A_233] {strides = array<i32>} : memref<64x128xf32, #tpu.memory_space<vmem>>, vector<16xf32>,
        %add3A_235 = arith.addf %get3A_231, %get3A_234 : vector<16xf32>
        %mul3A_236 = arith.mulf %add3A_235, %gather3A_182 : vector<16xf32>
        %swap3A_237 = arith.index_cast %add3A_184 : i32 to index
        %swap3A_238 = arith.constant 64 : index
        %swap3A_239 = tpu.vector_load %arg23[%swap3A_237, %swap3A_238] {strides = array<i32>} : memref<64x128xf32, #tpu.memory_space<vmem>>, vector<16xf32>,
        tpu.vector_store %arg23[%swap3A_237, %swap3A_238], %mul3A_236 {strides = array<i32>} : memref<64x128xf32, #tpu.memory_space<vmem>>, vector<16xf32>,
        %get3A_240 = arith.index_cast %add3A_184 : i32 to index
        %get3A_241 = arith.constant 80 : index
        %get3A_242 = tpu.vector_load %arg23[%get3A_240, %get3A_241] {strides = array<i32>} : memref<64x128xf32, #tpu.memory_space<vmem>>, vector<16xf32>,
        %get3A_243 = arith.index_cast %add3A_184 : i32 to index
        %get3A_244 = arith.constant 80 : index
        %get3A_245 = tpu.vector_load %arg22[%get3A_243, %get3A_244] {strides = array<i32>} : memref<64x128xf32, #tpu.memory_space<vmem>>, vector<16xf32>,
        %add3A_246 = arith.addf %get3A_242, %get3A_245 : vector<16xf32>
        %mul3A_247 = arith.mulf %add3A_246, %gather3A_182 : vector<16xf32>
        %swap3A_248 = arith.index_cast %add3A_184 : i32 to index
        %swap3A_249 = arith.constant 80 : index
        %swap3A_250 = tpu.vector_load %arg23[%swap3A_248, %swap3A_249] {strides = array<i32>} : memref<64x128xf32, #tpu.memory_space<vmem>>, vector<16xf32>,
        tpu.vector_store %arg23[%swap3A_248, %swap3A_249], %mul3A_247 {strides = array<i32>} : memref<64x128xf32, #tpu.memory_space<vmem>>, vector<16xf32>,
        %get3A_251 = arith.index_cast %add3A_184 : i32 to index
        %get3A_252 = arith.constant 96 : index
        %get3A_253 = tpu.vector_load %arg23[%get3A_251, %get3A_252] {strides = array<i32>} : memref<64x128xf32, #tpu.memory_space<vmem>>, vector<16xf32>,
        %get3A_254 = arith.index_cast %add3A_184 : i32 to index
        %get3A_255 = arith.constant 96 : index
        %get3A_256 = tpu.vector_load %arg22[%get3A_254, %get3A_255] {strides = array<i32>} : memref<64x128xf32, #tpu.memory_space<vmem>>, vector<16xf32>,
        %add3A_257 = arith.addf %get3A_253, %get3A_256 : vector<16xf32>
        %mul3A_258 = arith.mulf %add3A_257, %gather3A_182 : vector<16xf32>
        %swap3A_259 = arith.index_cast %add3A_184 : i32 to index
        %swap3A_260 = arith.constant 96 : index
        %swap3A_261 = tpu.vector_load %arg23[%swap3A_259, %swap3A_260] {strides = array<i32>} : memref<64x128xf32, #tpu.memory_space<vmem>>, vector<16xf32>,
        tpu.vector_store %arg23[%swap3A_259, %swap3A_260], %mul3A_258 {strides = array<i32>} : memref<64x128xf32, #tpu.memory_space<vmem>>, vector<16xf32>,
        %get3A_262 = arith.index_cast %add3A_184 : i32 to index
        %get3A_263 = arith.constant 112 : index
        %get3A_264 = tpu.vector_load %arg23[%get3A_262, %get3A_263] {strides = array<i32>} : memref<64x128xf32, #tpu.memory_space<vmem>>, vector<16xf32>,
        %get3A_265 = arith.index_cast %add3A_184 : i32 to index
        %get3A_266 = arith.constant 112 : index
        %get3A_267 = tpu.vector_load %arg22[%get3A_265, %get3A_266] {strides = array<i32>} : memref<64x128xf32, #tpu.memory_space<vmem>>, vector<16xf32>,
        %add3A_268 = arith.addf %get3A_264, %get3A_267 : vector<16xf32>
        %mul3A_269 = arith.mulf %add3A_268, %gather3A_182 : vector<16xf32>
        %swap3A_270 = arith.index_cast %add3A_184 : i32 to index
        %swap3A_271 = arith.constant 112 : index
        %swap3A_272 = tpu.vector_load %arg23[%swap3A_270, %swap3A_271] {strides = array<i32>} : memref<64x128xf32, #tpu.memory_space<vmem>>, vector<16xf32>,
        tpu.vector_store %arg23[%swap3A_270, %swap3A_271], %mul3A_269 {strides = array<i32>} : memref<64x128xf32, #tpu.memory_space<vmem>>, vector<16xf32>,
        %broadcast_in_dim3A_273 = arith.constant 2 : i32
        %broadcast_in_dim3A_274 = vector.broadcast %broadcast_in_dim3A_273 : i32 to vector<16xi32>
        %lt3A_275 = arith.constant 0 : i32
        %lt3A_276 = vector.broadcast %lt3A_275 : i32 to vector<16xi32>
        %lt3A_277 = arith.cmpi slt, %broadcast_in_dim3A_274, %lt3A_276 : vector<16xi32>
        %add3A_278 = arith.constant 16 : i32
        %add3A_279 = vector.broadcast %add3A_278 : i32 to vector<16xi32>
        %add3A_280 = arith.addi %broadcast_in_dim3A_274, %add3A_279 : vector<16xi32>
        %select_n3A_281 = arith.select %lt3A_277, %add3A_280, %broadcast_in_dim3A_274 : vector<16xi1>, vector<16xi32>
        %broadcast_in_dim3A_282 = vector.shape_cast %select_n3A_281 : vector<16xi32> to vector<16x1xi32>
        %gather3A_283 = vector.shape_cast %broadcast_in_dim3A_282 : vector<16x1xi32> to vector<16xi32>
        %gather3A_284 = tpu.dynamic_gather %exp3A[%gather3A_283] in [0] : vector<16xf32>, vector<16xi32> -> vector<16xf32>
        %add3A_285 = arith.constant 2 : i32
        %add3A_286 = arith.addi %mul3A_50, %add3A_285 : i32
        %get3A_287 = arith.index_cast %add3A_286 : i32 to index
        %get3A_288 = arith.constant 0 : index
        %get3A_289 = tpu.vector_load %arg23[%get3A_287, %get3A_288] {strides = array<i32>} : memref<64x128xf32, #tpu.memory_space<vmem>>, vector<16xf32>,
        %get3A_290 = arith.index_cast %add3A_286 : i32 to index
        %get3A_291 = arith.constant 0 : index
        %get3A_292 = tpu.vector_load %arg22[%get3A_290, %get3A_291] {strides = array<i32>} : memref<64x128xf32, #tpu.memory_space<vmem>>, vector<16xf32>,
        %add3A_293 = arith.addf %get3A_289, %get3A_292 : vector<16xf32>
        %mul3A_294 = arith.mulf %add3A_293, %gather3A_284 : vector<16xf32>
        %swap3A_295 = arith.index_cast %add3A_286 : i32 to index
        %swap3A_296 = arith.constant 0 : index
        %swap3A_297 = tpu.vector_load %arg23[%swap3A_295, %swap3A_296] {strides = array<i32>} : memref<64x128xf32, #tpu.memory_space<vmem>>, vector<16xf32>,
        tpu.vector_store %arg23[%swap3A_295, %swap3A_296], %mul3A_294 {strides = array<i32>} : memref<64x128xf32, #tpu.memory_space<vmem>>, vector<16xf32>,
        %get3A_298 = arith.index_cast %add3A_286 : i32 to index
        %get3A_299 = arith.constant 16 : index
        %get3A_300 = tpu.vector_load %arg23[%get3A_298, %get3A_299] {strides = array<i32>} : memref<64x128xf32, #tpu.memory_space<vmem>>, vector<16xf32>,
        %get3A_301 = arith.index_cast %add3A_286 : i32 to index
        %get3A_302 = arith.constant 16 : index
        %get3A_303 = tpu.vector_load %arg22[%get3A_301, %get3A_302] {strides = array<i32>} : memref<64x128xf32, #tpu.memory_space<vmem>>, vector<16xf32>,
        %add3A_304 = arith.addf %get3A_300, %get3A_303 : vector<16xf32>
        %mul3A_305 = arith.mulf %add3A_304, %gather3A_284 : vector<16xf32>
        %swap3A_306 = arith.index_cast %add3A_286 : i32 to index
        %swap3A_307 = arith.constant 16 : index
        %swap3A_308 = tpu.vector_load %arg23[%swap3A_306, %swap3A_307] {strides = array<i32>} : memref<64x128xf32, #tpu.memory_space<vmem>>, vector<16xf32>,
        tpu.vector_store %arg23[%swap3A_306, %swap3A_307], %mul3A_305 {strides = array<i32>} : memref<64x128xf32, #tpu.memory_space<vmem>>, vector<16xf32>,
        %get3A_309 = arith.index_cast %add3A_286 : i32 to index
        %get3A_310 = arith.constant 32 : index
        %get3A_311 = tpu.vector_load %arg23[%get3A_309, %get3A_310] {strides = array<i32>} : memref<64x128xf32, #tpu.memory_space<vmem>>, vector<16xf32>,
        %get3A_312 = arith.index_cast %add3A_286 : i32 to index
        %get3A_313 = arith.constant 32 : index
        %get3A_314 = tpu.vector_load %arg22[%get3A_312, %get3A_313] {strides = array<i32>} : memref<64x128xf32, #tpu.memory_space<vmem>>, vector<16xf32>,
        %add3A_315 = arith.addf %get3A_311, %get3A_314 : vector<16xf32>
        %mul3A_316 = arith.mulf %add3A_315, %gather3A_284 : vector<16xf32>
        %swap3A_317 = arith.index_cast %add3A_286 : i32 to index
        %swap3A_318 = arith.constant 32 : index
        %swap3A_319 = tpu.vector_load %arg23[%swap3A_317, %swap3A_318] {strides = array<i32>} : memref<64x128xf32, #tpu.memory_space<vmem>>, vector<16xf32>,
        tpu.vector_store %arg23[%swap3A_317, %swap3A_318], %mul3A_316 {strides = array<i32>} : memref<64x128xf32, #tpu.memory_space<vmem>>, vector<16xf32>,
        %get3A_320 = arith.index_cast %add3A_286 : i32 to index
        %get3A_321 = arith.constant 48 : index
        %get3A_322 = tpu.vector_load %arg23[%get3A_320, %get3A_321] {strides = array<i32>} : memref<64x128xf32, #tpu.memory_space<vmem>>, vector<16xf32>,
        %get3A_323 = arith.index_cast %add3A_286 : i32 to index
        %get3A_324 = arith.constant 48 : index
        %get3A_325 = tpu.vector_load %arg22[%get3A_323, %get3A_324] {strides = array<i32>} : memref<64x128xf32, #tpu.memory_space<vmem>>, vector<16xf32>,
        %add3A_326 = arith.addf %get3A_322, %get3A_325 : vector<16xf32>
        %mul3A_327 = arith.mulf %add3A_326, %gather3A_284 : vector<16xf32>
        %swap3A_328 = arith.index_cast %add3A_286 : i32 to index
        %swap3A_329 = arith.constant 48 : index
        %swap3A_330 = tpu.vector_load %arg23[%swap3A_328, %swap3A_329] {strides = array<i32>} : memref<64x128xf32, #tpu.memory_space<vmem>>, vector<16xf32>,
        tpu.vector_store %arg23[%swap3A_328, %swap3A_329], %mul3A_327 {strides = array<i32>} : memref<64x128xf32, #tpu.memory_space<vmem>>, vector<16xf32>,
        %get3A_331 = arith.index_cast %add3A_286 : i32 to index
        %get3A_332 = arith.constant 64 : index
        %get3A_333 = tpu.vector_load %arg23[%get3A_331, %get3A_332] {strides = array<i32>} : memref<64x128xf32, #tpu.memory_space<vmem>>, vector<16xf32>,
        %get3A_334 = arith.index_cast %add3A_286 : i32 to index
        %get3A_335 = arith.constant 64 : index
        %get3A_336 = tpu.vector_load %arg22[%get3A_334, %get3A_335] {strides = array<i32>} : memref<64x128xf32, #tpu.memory_space<vmem>>, vector<16xf32>,
        %add3A_337 = arith.addf %get3A_333, %get3A_336 : vector<16xf32>
        %mul3A_338 = arith.mulf %add3A_337, %gather3A_284 : vector<16xf32>
        %swap3A_339 = arith.index_cast %add3A_286 : i32 to index
        %swap3A_340 = arith.constant 64 : index
        %swap3A_341 = tpu.vector_load %arg23[%swap3A_339, %swap3A_340] {strides = array<i32>} : memref<64x128xf32, #tpu.memory_space<vmem>>, vector<16xf32>,
        tpu.vector_store %arg23[%swap3A_339, %swap3A_340], %mul3A_338 {strides = array<i32>} : memref<64x128xf32, #tpu.memory_space<vmem>>, vector<16xf32>,
        %get3A_342 = arith.index_cast %add3A_286 : i32 to index
        %get3A_343 = arith.constant 80 : index
        %get3A_344 = tpu.vector_load %arg23[%get3A_342, %get3A_343] {strides = array<i32>} : memref<64x128xf32, #tpu.memory_space<vmem>>, vector<16xf32>,
        %get3A_345 = arith.index_cast %add3A_286 : i32 to index
        %get3A_346 = arith.constant 80 : index
        %get3A_347 = tpu.vector_load %arg22[%get3A_345, %get3A_346] {strides = array<i32>} : memref<64x128xf32, #tpu.memory_space<vmem>>, vector<16xf32>,
        %add3A_348 = arith.addf %get3A_344, %get3A_347 : vector<16xf32>
        %mul3A_349 = arith.mulf %add3A_348, %gather3A_284 : vector<16xf32>
        %swap3A_350 = arith.index_cast %add3A_286 : i32 to index
        %swap3A_351 = arith.constant 80 : index
        %swap3A_352 = tpu.vector_load %arg23[%swap3A_350, %swap3A_351] {strides = array<i32>} : memref<64x128xf32, #tpu.memory_space<vmem>>, vector<16xf32>,
        tpu.vector_store %arg23[%swap3A_350, %swap3A_351], %mul3A_349 {strides = array<i32>} : memref<64x128xf32, #tpu.memory_space<vmem>>, vector<16xf32>,
        %get3A_353 = arith.index_cast %add3A_286 : i32 to index
        %get3A_354 = arith.constant 96 : index
        %get3A_355 = tpu.vector_load %arg23[%get3A_353, %get3A_354] {strides = array<i32>} : memref<64x128xf32, #tpu.memory_space<vmem>>, vector<16xf32>,
        %get3A_356 = arith.index_cast %add3A_286 : i32 to index
        %get3A_357 = arith.constant 96 : index
        %get3A_358 = tpu.vector_load %arg22[%get3A_356, %get3A_357] {strides = array<i32>} : memref<64x128xf32, #tpu.memory_space<vmem>>, vector<16xf32>,
        %add3A_359 = arith.addf %get3A_355, %get3A_358 : vector<16xf32>
        %mul3A_360 = arith.mulf %add3A_359, %gather3A_284 : vector<16xf32>
        %swap3A_361 = arith.index_cast %add3A_286 : i32 to index
        %swap3A_362 = arith.constant 96 : index
        %swap3A_363 = tpu.vector_load %arg23[%swap3A_361, %swap3A_362] {strides = array<i32>} : memref<64x128xf32, #tpu.memory_space<vmem>>, vector<16xf32>,
        tpu.vector_store %arg23[%swap3A_361, %swap3A_362], %mul3A_360 {strides = array<i32>} : memref<64x128xf32, #tpu.memory_space<vmem>>, vector<16xf32>,
        %get3A_364 = arith.index_cast %add3A_286 : i32 to index
        %get3A_365 = arith.constant 112 : index
        %get3A_366 = tpu.vector_load %arg23[%get3A_364, %get3A_365] {strides = array<i32>} : memref<64x128xf32, #tpu.memory_space<vmem>>, vector<16xf32>,
        %get3A_367 = arith.index_cast %add3A_286 : i32 to index
        %get3A_368 = arith.constant 112 : index
        %get3A_369 = tpu.vector_load %arg22[%get3A_367, %get3A_368] {strides = array<i32>} : memref<64x128xf32, #tpu.memory_space<vmem>>, vector<16xf32>,
        %add3A_370 = arith.addf %get3A_366, %get3A_369 : vector<16xf32>
        %mul3A_371 = arith.mulf %add3A_370, %gather3A_284 : vector<16xf32>
        %swap3A_372 = arith.index_cast %add3A_286 : i32 to index
        %swap3A_373 = arith.constant 112 : index
        %swap3A_374 = tpu.vector_load %arg23[%swap3A_372, %swap3A_373] {strides = array<i32>} : memref<64x128xf32, #tpu.memory_space<vmem>>, vector<16xf32>,
        tpu.vector_store %arg23[%swap3A_372, %swap3A_373], %mul3A_371 {strides = array<i32>} : memref<64x128xf32, #tpu.memory_space<vmem>>, vector<16xf32>,
        %broadcast_in_dim3A_375 = arith.constant 3 : i32
        %broadcast_in_dim3A_376 = vector.broadcast %broadcast_in_dim3A_375 : i32 to vector<16xi32>
        %lt3A_377 = arith.constant 0 : i32
        %lt3A_378 = vector.broadcast %lt3A_377 : i32 to vector<16xi32>
        %lt3A_379 = arith.cmpi slt, %broadcast_in_dim3A_376, %lt3A_378 : vector<16xi32>
        %add3A_380 = arith.constant 16 : i32
        %add3A_381 = vector.broadcast %add3A_380 : i32 to vector<16xi32>
        %add3A_382 = arith.addi %broadcast_in_dim3A_376, %add3A_381 : vector<16xi32>
        %select_n3A_383 = arith.select %lt3A_379, %add3A_382, %broadcast_in_dim3A_376 : vector<16xi1>, vector<16xi32>
        %broadcast_in_dim3A_384 = vector.shape_cast %select_n3A_383 : vector<16xi32> to vector<16x1xi32>
        %gather3A_385 = vector.shape_cast %broadcast_in_dim3A_384 : vector<16x1xi32> to vector<16xi32>
        %gather3A_386 = tpu.dynamic_gather %exp3A[%gather3A_385] in [0] : vector<16xf32>, vector<16xi32> -> vector<16xf32>
        %add3A_387 = arith.constant 3 : i32
        %add3A_388 = arith.addi %mul3A_50, %add3A_387 : i32
        %get3A_389 = arith.index_cast %add3A_388 : i32 to index
        %get3A_390 = arith.constant 0 : index
        %get3A_391 = tpu.vector_load %arg23[%get3A_389, %get3A_390] {strides = array<i32>} : memref<64x128xf32, #tpu.memory_space<vmem>>, vector<16xf32>,
        %get3A_392 = arith.index_cast %add3A_388 : i32 to index
        %get3A_393 = arith.constant 0 : index
        %get3A_394 = tpu.vector_load %arg22[%get3A_392, %get3A_393] {strides = array<i32>} : memref<64x128xf32, #tpu.memory_space<vmem>>, vector<16xf32>,
        %add3A_395 = arith.addf %get3A_391, %get3A_394 : vector<16xf32>
        %mul3A_396 = arith.mulf %add3A_395, %gather3A_386 : vector<16xf32>
        %swap3A_397 = arith.index_cast %add3A_388 : i32 to index
        %swap3A_398 = arith.constant 0 : index
        %swap3A_399 = tpu.vector_load %arg23[%swap3A_397, %swap3A_398] {strides = array<i32>} : memref<64x128xf32, #tpu.memory_space<vmem>>, vector<16xf32>,
        tpu.vector_store %arg23[%swap3A_397, %swap3A_398], %mul3A_396 {strides = array<i32>} : memref<64x128xf32, #tpu.memory_space<vmem>>, vector<16xf32>,
        %get3A_400 = arith.index_cast %add3A_388 : i32 to index
        %get3A_401 = arith.constant 16 : index
        %get3A_402 = tpu.vector_load %arg23[%get3A_400, %get3A_401] {strides = array<i32>} : memref<64x128xf32, #tpu.memory_space<vmem>>, vector<16xf32>,
        %get3A_403 = arith.index_cast %add3A_388 : i32 to index
        %get3A_404 = arith.constant 16 : index
        %get3A_405 = tpu.vector_load %arg22[%get3A_403, %get3A_404] {strides = array<i32>} : memref<64x128xf32, #tpu.memory_space<vmem>>, vector<16xf32>,
        %add3A_406 = arith.addf %get3A_402, %get3A_405 : vector<16xf32>
        %mul3A_407 = arith.mulf %add3A_406, %gather3A_386 : vector<16xf32>
        %swap3A_408 = arith.index_cast %add3A_388 : i32 to index
        %swap3A_409 = arith.constant 16 : index
        %swap3A_410 = tpu.vector_load %arg23[%swap3A_408, %swap3A_409] {strides = array<i32>} : memref<64x128xf32, #tpu.memory_space<vmem>>, vector<16xf32>,
        tpu.vector_store %arg23[%swap3A_408, %swap3A_409], %mul3A_407 {strides = array<i32>} : memref<64x128xf32, #tpu.memory_space<vmem>>, vector<16xf32>,
        %get3A_411 = arith.index_cast %add3A_388 : i32 to index
        %get3A_412 = arith.constant 32 : index
        %get3A_413 = tpu.vector_load %arg23[%get3A_411, %get3A_412] {strides = array<i32>} : memref<64x128xf32, #tpu.memory_space<vmem>>, vector<16xf32>,
        %get3A_414 = arith.index_cast %add3A_388 : i32 to index
        %get3A_415 = arith.constant 32 : index
        %get3A_416 = tpu.vector_load %arg22[%get3A_414, %get3A_415] {strides = array<i32>} : memref<64x128xf32, #tpu.memory_space<vmem>>, vector<16xf32>,
        %add3A_417 = arith.addf %get3A_413, %get3A_416 : vector<16xf32>
        %mul3A_418 = arith.mulf %add3A_417, %gather3A_386 : vector<16xf32>
        %swap3A_419 = arith.index_cast %add3A_388 : i32 to index
        %swap3A_420 = arith.constant 32 : index
        %swap3A_421 = tpu.vector_load %arg23[%swap3A_419, %swap3A_420] {strides = array<i32>} : memref<64x128xf32, #tpu.memory_space<vmem>>, vector<16xf32>,
        tpu.vector_store %arg23[%swap3A_419, %swap3A_420], %mul3A_418 {strides = array<i32>} : memref<64x128xf32, #tpu.memory_space<vmem>>, vector<16xf32>,
        %get3A_422 = arith.index_cast %add3A_388 : i32 to index
        %get3A_423 = arith.constant 48 : index
        %get3A_424 = tpu.vector_load %arg23[%get3A_422, %get3A_423] {strides = array<i32>} : memref<64x128xf32, #tpu.memory_space<vmem>>, vector<16xf32>,
        %get3A_425 = arith.index_cast %add3A_388 : i32 to index
        %get3A_426 = arith.constant 48 : index
        %get3A_427 = tpu.vector_load %arg22[%get3A_425, %get3A_426] {strides = array<i32>} : memref<64x128xf32, #tpu.memory_space<vmem>>, vector<16xf32>,
        %add3A_428 = arith.addf %get3A_424, %get3A_427 : vector<16xf32>
        %mul3A_429 = arith.mulf %add3A_428, %gather3A_386 : vector<16xf32>
        %swap3A_430 = arith.index_cast %add3A_388 : i32 to index
        %swap3A_431 = arith.constant 48 : index
        %swap3A_432 = tpu.vector_load %arg23[%swap3A_430, %swap3A_431] {strides = array<i32>} : memref<64x128xf32, #tpu.memory_space<vmem>>, vector<16xf32>,
        tpu.vector_store %arg23[%swap3A_430, %swap3A_431], %mul3A_429 {strides = array<i32>} : memref<64x128xf32, #tpu.memory_space<vmem>>, vector<16xf32>,
        %get3A_433 = arith.index_cast %add3A_388 : i32 to index
        %get3A_434 = arith.constant 64 : index
        %get3A_435 = tpu.vector_load %arg23[%get3A_433, %get3A_434] {strides = array<i32>} : memref<64x128xf32, #tpu.memory_space<vmem>>, vector<16xf32>,
        %get3A_436 = arith.index_cast %add3A_388 : i32 to index
        %get3A_437 = arith.constant 64 : index
        %get3A_438 = tpu.vector_load %arg22[%get3A_436, %get3A_437] {strides = array<i32>} : memref<64x128xf32, #tpu.memory_space<vmem>>, vector<16xf32>,
        %add3A_439 = arith.addf %get3A_435, %get3A_438 : vector<16xf32>
        %mul3A_440 = arith.mulf %add3A_439, %gather3A_386 : vector<16xf32>
        %swap3A_441 = arith.index_cast %add3A_388 : i32 to index
        %swap3A_442 = arith.constant 64 : index
        %swap3A_443 = tpu.vector_load %arg23[%swap3A_441, %swap3A_442] {strides = array<i32>} : memref<64x128xf32, #tpu.memory_space<vmem>>, vector<16xf32>,
        tpu.vector_store %arg23[%swap3A_441, %swap3A_442], %mul3A_440 {strides = array<i32>} : memref<64x128xf32, #tpu.memory_space<vmem>>, vector<16xf32>,
        %get3A_444 = arith.index_cast %add3A_388 : i32 to index
        %get3A_445 = arith.constant 80 : index
        %get3A_446 = tpu.vector_load %arg23[%get3A_444, %get3A_445] {strides = array<i32>} : memref<64x128xf32, #tpu.memory_space<vmem>>, vector<16xf32>,
        %get3A_447 = arith.index_cast %add3A_388 : i32 to index
        %get3A_448 = arith.constant 80 : index
        %get3A_449 = tpu.vector_load %arg22[%get3A_447, %get3A_448] {strides = array<i32>} : memref<64x128xf32, #tpu.memory_space<vmem>>, vector<16xf32>,
        %add3A_450 = arith.addf %get3A_446, %get3A_449 : vector<16xf32>
        %mul3A_451 = arith.mulf %add3A_450, %gather3A_386 : vector<16xf32>
        %swap3A_452 = arith.index_cast %add3A_388 : i32 to index
        %swap3A_453 = arith.constant 80 : index
        %swap3A_454 = tpu.vector_load %arg23[%swap3A_452, %swap3A_453] {strides = array<i32>} : memref<64x128xf32, #tpu.memory_space<vmem>>, vector<16xf32>,
        tpu.vector_store %arg23[%swap3A_452, %swap3A_453], %mul3A_451 {strides = array<i32>} : memref<64x128xf32, #tpu.memory_space<vmem>>, vector<16xf32>,
        %get3A_455 = arith.index_cast %add3A_388 : i32 to index
        %get3A_456 = arith.constant 96 : index
        %get3A_457 = tpu.vector_load %arg23[%get3A_455, %get3A_456] {strides = array<i32>} : memref<64x128xf32, #tpu.memory_space<vmem>>, vector<16xf32>,
        %get3A_458 = arith.index_cast %add3A_388 : i32 to index
        %get3A_459 = arith.constant 96 : index
        %get3A_460 = tpu.vector_load %arg22[%get3A_458, %get3A_459] {strides = array<i32>} : memref<64x128xf32, #tpu.memory_space<vmem>>, vector<16xf32>,
        %add3A_461 = arith.addf %get3A_457, %get3A_460 : vector<16xf32>
        %mul3A_462 = arith.mulf %add3A_461, %gather3A_386 : vector<16xf32>
        %swap3A_463 = arith.index_cast %add3A_388 : i32 to index
        %swap3A_464 = arith.constant 96 : index
        %swap3A_465 = tpu.vector_load %arg23[%swap3A_463, %swap3A_464] {strides = array<i32>} : memref<64x128xf32, #tpu.memory_space<vmem>>, vector<16xf32>,
        tpu.vector_store %arg23[%swap3A_463, %swap3A_464], %mul3A_462 {strides = array<i32>} : memref<64x128xf32, #tpu.memory_space<vmem>>, vector<16xf32>,
        %get3A_466 = arith.index_cast %add3A_388 : i32 to index
        %get3A_467 = arith.constant 112 : index
        %get3A_468 = tpu.vector_load %arg23[%get3A_466, %get3A_467] {strides = array<i32>} : memref<64x128xf32, #tpu.memory_space<vmem>>, vector<16xf32>,
        %get3A_469 = arith.index_cast %add3A_388 : i32 to index
        %get3A_470 = arith.constant 112 : index
        %get3A_471 = tpu.vector_load %arg22[%get3A_469, %get3A_470] {strides = array<i32>} : memref<64x128xf32, #tpu.memory_space<vmem>>, vector<16xf32>,
        %add3A_472 = arith.addf %get3A_468, %get3A_471 : vector<16xf32>
        %mul3A_473 = arith.mulf %add3A_472, %gather3A_386 : vector<16xf32>
        %swap3A_474 = arith.index_cast %add3A_388 : i32 to index
        %swap3A_475 = arith.constant 112 : index
        %swap3A_476 = tpu.vector_load %arg23[%swap3A_474, %swap3A_475] {strides = array<i32>} : memref<64x128xf32, #tpu.memory_space<vmem>>, vector<16xf32>,
        tpu.vector_store %arg23[%swap3A_474, %swap3A_475], %mul3A_473 {strides = array<i32>} : memref<64x128xf32, #tpu.memory_space<vmem>>, vector<16xf32>,
        %broadcast_in_dim3A_477 = arith.constant 4 : i32
        %broadcast_in_dim3A_478 = vector.broadcast %broadcast_in_dim3A_477 : i32 to vector<16xi32>
        %lt3A_479 = arith.constant 0 : i32
        %lt3A_480 = vector.broadcast %lt3A_479 : i32 to vector<16xi32>
        %lt3A_481 = arith.cmpi slt, %broadcast_in_dim3A_478, %lt3A_480 : vector<16xi32>
        %add3A_482 = arith.constant 16 : i32
        %add3A_483 = vector.broadcast %add3A_482 : i32 to vector<16xi32>
        %add3A_484 = arith.addi %broadcast_in_dim3A_478, %add3A_483 : vector<16xi32>
        %select_n3A_485 = arith.select %lt3A_481, %add3A_484, %broadcast_in_dim3A_478 : vector<16xi1>, vector<16xi32>
        %broadcast_in_dim3A_486 = vector.shape_cast %select_n3A_485 : vector<16xi32> to vector<16x1xi32>
        %gather3A_487 = vector.shape_cast %broadcast_in_dim3A_486 : vector<16x1xi32> to vector<16xi32>
        %gather3A_488 = tpu.dynamic_gather %exp3A[%gather3A_487] in [0] : vector<16xf32>, vector<16xi32> -> vector<16xf32>
        %add3A_489 = arith.constant 4 : i32
        %add3A_490 = arith.addi %mul3A_50, %add3A_489 : i32
        %get3A_491 = arith.index_cast %add3A_490 : i32 to index
        %get3A_492 = arith.constant 0 : index
        %get3A_493 = tpu.vector_load %arg23[%get3A_491, %get3A_492] {strides = array<i32>} : memref<64x128xf32, #tpu.memory_space<vmem>>, vector<16xf32>,
        %get3A_494 = arith.index_cast %add3A_490 : i32 to index
        %get3A_495 = arith.constant 0 : index
        %get3A_496 = tpu.vector_load %arg22[%get3A_494, %get3A_495] {strides = array<i32>} : memref<64x128xf32, #tpu.memory_space<vmem>>, vector<16xf32>,
        %add3A_497 = arith.addf %get3A_493, %get3A_496 : vector<16xf32>
        %mul3A_498 = arith.mulf %add3A_497, %gather3A_488 : vector<16xf32>
        %swap3A_499 = arith.index_cast %add3A_490 : i32 to index
        %swap3A_500 = arith.constant 0 : index
        %swap3A_501 = tpu.vector_load %arg23[%swap3A_499, %swap3A_500] {strides = array<i32>} : memref<64x128xf32, #tpu.memory_space<vmem>>, vector<16xf32>,
        tpu.vector_store %arg23[%swap3A_499, %swap3A_500], %mul3A_498 {strides = array<i32>} : memref<64x128xf32, #tpu.memory_space<vmem>>, vector<16xf32>,
        %get3A_502 = arith.index_cast %add3A_490 : i32 to index
        %get3A_503 = arith.constant 16 : index
        %get3A_504 = tpu.vector_load %arg23[%get3A_502, %get3A_503] {strides = array<i32>} : memref<64x128xf32, #tpu.memory_space<vmem>>, vector<16xf32>,
        %get3A_505 = arith.index_cast %add3A_490 : i32 to index
        %get3A_506 = arith.constant 16 : index
        %get3A_507 = tpu.vector_load %arg22[%get3A_505, %get3A_506] {strides = array<i32>} : memref<64x128xf32, #tpu.memory_space<vmem>>, vector<16xf32>,
        %add3A_508 = arith.addf %get3A_504, %get3A_507 : vector<16xf32>
        %mul3A_509 = arith.mulf %add3A_508, %gather3A_488 : vector<16xf32>
        %swap3A_510 = arith.index_cast %add3A_490 : i32 to index
        %swap3A_511 = arith.constant 16 : index
        %swap3A_512 = tpu.vector_load %arg23[%swap3A_510, %swap3A_511] {strides = array<i32>} : memref<64x128xf32, #tpu.memory_space<vmem>>, vector<16xf32>,
        tpu.vector_store %arg23[%swap3A_510, %swap3A_511], %mul3A_509 {strides = array<i32>} : memref<64x128xf32, #tpu.memory_space<vmem>>, vector<16xf32>,
        %get3A_513 = arith.index_cast %add3A_490 : i32 to index
        %get3A_514 = arith.constant 32 : index
        %get3A_515 = tpu.vector_load %arg23[%get3A_513, %get3A_514] {strides = array<i32>} : memref<64x128xf32, #tpu.memory_space<vmem>>, vector<16xf32>,
        %get3A_516 = arith.index_cast %add3A_490 : i32 to index
        %get3A_517 = arith.constant 32 : index
        %get3A_518 = tpu.vector_load %arg22[%get3A_516, %get3A_517] {strides = array<i32>} : memref<64x128xf32, #tpu.memory_space<vmem>>, vector<16xf32>,
        %add3A_519 = arith.addf %get3A_515, %get3A_518 : vector<16xf32>
        %mul3A_520 = arith.mulf %add3A_519, %gather3A_488 : vector<16xf32>
        %swap3A_521 = arith.index_cast %add3A_490 : i32 to index
        %swap3A_522 = arith.constant 32 : index
        %swap3A_523 = tpu.vector_load %arg23[%swap3A_521, %swap3A_522] {strides = array<i32>} : memref<64x128xf32, #tpu.memory_space<vmem>>, vector<16xf32>,
        tpu.vector_store %arg23[%swap3A_521, %swap3A_522], %mul3A_520 {strides = array<i32>} : memref<64x128xf32, #tpu.memory_space<vmem>>, vector<16xf32>,
        %get3A_524 = arith.index_cast %add3A_490 : i32 to index
        %get3A_525 = arith.constant 48 : index
        %get3A_526 = tpu.vector_load %arg23[%get3A_524, %get3A_525] {strides = array<i32>} : memref<64x128xf32, #tpu.memory_space<vmem>>, vector<16xf32>,
        %get3A_527 = arith.index_cast %add3A_490 : i32 to index
        %get3A_528 = arith.constant 48 : index
        %get3A_529 = tpu.vector_load %arg22[%get3A_527, %get3A_528] {strides = array<i32>} : memref<64x128xf32, #tpu.memory_space<vmem>>, vector<16xf32>,
        %add3A_530 = arith.addf %get3A_526, %get3A_529 : vector<16xf32>
        %mul3A_531 = arith.mulf %add3A_530, %gather3A_488 : vector<16xf32>
        %swap3A_532 = arith.index_cast %add3A_490 : i32 to index
        %swap3A_533 = arith.constant 48 : index
        %swap3A_534 = tpu.vector_load %arg23[%swap3A_532, %swap3A_533] {strides = array<i32>} : memref<64x128xf32, #tpu.memory_space<vmem>>, vector<16xf32>,
        tpu.vector_store %arg23[%swap3A_532, %swap3A_533], %mul3A_531 {strides = array<i32>} : memref<64x128xf32, #tpu.memory_space<vmem>>, vector<16xf32>,
        %get3A_535 = arith.index_cast %add3A_490 : i32 to index
        %get3A_536 = arith.constant 64 : index
        %get3A_537 = tpu.vector_load %arg23[%get3A_535, %get3A_536] {strides = array<i32>} : memref<64x128xf32, #tpu.memory_space<vmem>>, vector<16xf32>,
        %get3A_538 = arith.index_cast %add3A_490 : i32 to index
        %get3A_539 = arith.constant 64 : index
        %get3A_540 = tpu.vector_load %arg22[%get3A_538, %get3A_539] {strides = array<i32>} : memref<64x128xf32, #tpu.memory_space<vmem>>, vector<16xf32>,
        %add3A_541 = arith.addf %get3A_537, %get3A_540 : vector<16xf32>
        %mul3A_542 = arith.mulf %add3A_541, %gather3A_488 : vector<16xf32>
        %swap3A_543 = arith.index_cast %add3A_490 : i32 to index
        %swap3A_544 = arith.constant 64 : index
        %swap3A_545 = tpu.vector_load %arg23[%swap3A_543, %swap3A_544] {strides = array<i32>} : memref<64x128xf32, #tpu.memory_space<vmem>>, vector<16xf32>,
        tpu.vector_store %arg23[%swap3A_543, %swap3A_544], %mul3A_542 {strides = array<i32>} : memref<64x128xf32, #tpu.memory_space<vmem>>, vector<16xf32>,
        %get3A_546 = arith.index_cast %add3A_490 : i32 to index
        %get3A_547 = arith.constant 80 : index
        %get3A_548 = tpu.vector_load %arg23[%get3A_546, %get3A_547] {strides = array<i32>} : memref<64x128xf32, #tpu.memory_space<vmem>>, vector<16xf32>,
        %get3A_549 = arith.index_cast %add3A_490 : i32 to index
        %get3A_550 = arith.constant 80 : index
        %get3A_551 = tpu.vector_load %arg22[%get3A_549, %get3A_550] {strides = array<i32>} : memref<64x128xf32, #tpu.memory_space<vmem>>, vector<16xf32>,
        %add3A_552 = arith.addf %get3A_548, %get3A_551 : vector<16xf32>
        %mul3A_553 = arith.mulf %add3A_552, %gather3A_488 : vector<16xf32>
        %swap3A_554 = arith.index_cast %add3A_490 : i32 to index
        %swap3A_555 = arith.constant 80 : index
        %swap3A_556 = tpu.vector_load %arg23[%swap3A_554, %swap3A_555] {strides = array<i32>} : memref<64x128xf32, #tpu.memory_space<vmem>>, vector<16xf32>,
        tpu.vector_store %arg23[%swap3A_554, %swap3A_555], %mul3A_553 {strides = array<i32>} : memref<64x128xf32, #tpu.memory_space<vmem>>, vector<16xf32>,
        %get3A_557 = arith.index_cast %add3A_490 : i32 to index
        %get3A_558 = arith.constant 96 : index
        %get3A_559 = tpu.vector_load %arg23[%get3A_557, %get3A_558] {strides = array<i32>} : memref<64x128xf32, #tpu.memory_space<vmem>>, vector<16xf32>,
        %get3A_560 = arith.index_cast %add3A_490 : i32 to index
        %get3A_561 = arith.constant 96 : index
        %get3A_562 = tpu.vector_load %arg22[%get3A_560, %get3A_561] {strides = array<i32>} : memref<64x128xf32, #tpu.memory_space<vmem>>, vector<16xf32>,
        %add3A_563 = arith.addf %get3A_559, %get3A_562 : vector<16xf32>
        %mul3A_564 = arith.mulf %add3A_563, %gather3A_488 : vector<16xf32>
        %swap3A_565 = arith.index_cast %add3A_490 : i32 to index
        %swap3A_566 = arith.constant 96 : index
        %swap3A_567 = tpu.vector_load %arg23[%swap3A_565, %swap3A_566] {strides = array<i32>} : memref<64x128xf32, #tpu.memory_space<vmem>>, vector<16xf32>,
        tpu.vector_store %arg23[%swap3A_565, %swap3A_566], %mul3A_564 {strides = array<i32>} : memref<64x128xf32, #tpu.memory_space<vmem>>, vector<16xf32>,
        %get3A_568 = arith.index_cast %add3A_490 : i32 to index
        %get3A_569 = arith.constant 112 : index
        %get3A_570 = tpu.vector_load %arg23[%get3A_568, %get3A_569] {strides = array<i32>} : memref<64x128xf32, #tpu.memory_space<vmem>>, vector<16xf32>,
        %get3A_571 = arith.index_cast %add3A_490 : i32 to index
        %get3A_572 = arith.constant 112 : index
        %get3A_573 = tpu.vector_load %arg22[%get3A_571, %get3A_572] {strides = array<i32>} : memref<64x128xf32, #tpu.memory_space<vmem>>, vector<16xf32>,
        %add3A_574 = arith.addf %get3A_570, %get3A_573 : vector<16xf32>
        %mul3A_575 = arith.mulf %add3A_574, %gather3A_488 : vector<16xf32>
        %swap3A_576 = arith.index_cast %add3A_490 : i32 to index
        %swap3A_577 = arith.constant 112 : index
        %swap3A_578 = tpu.vector_load %arg23[%swap3A_576, %swap3A_577] {strides = array<i32>} : memref<64x128xf32, #tpu.memory_space<vmem>>, vector<16xf32>,
        tpu.vector_store %arg23[%swap3A_576, %swap3A_577], %mul3A_575 {strides = array<i32>} : memref<64x128xf32, #tpu.memory_space<vmem>>, vector<16xf32>,
        %broadcast_in_dim3A_579 = arith.constant 5 : i32
        %broadcast_in_dim3A_580 = vector.broadcast %broadcast_in_dim3A_579 : i32 to vector<16xi32>
        %lt3A_581 = arith.constant 0 : i32
        %lt3A_582 = vector.broadcast %lt3A_581 : i32 to vector<16xi32>
        %lt3A_583 = arith.cmpi slt, %broadcast_in_dim3A_580, %lt3A_582 : vector<16xi32>
        %add3A_584 = arith.constant 16 : i32
        %add3A_585 = vector.broadcast %add3A_584 : i32 to vector<16xi32>
        %add3A_586 = arith.addi %broadcast_in_dim3A_580, %add3A_585 : vector<16xi32>
        %select_n3A_587 = arith.select %lt3A_583, %add3A_586, %broadcast_in_dim3A_580 : vector<16xi1>, vector<16xi32>
        %broadcast_in_dim3A_588 = vector.shape_cast %select_n3A_587 : vector<16xi32> to vector<16x1xi32>
        %gather3A_589 = vector.shape_cast %broadcast_in_dim3A_588 : vector<16x1xi32> to vector<16xi32>
        %gather3A_590 = tpu.dynamic_gather %exp3A[%gather3A_589] in [0] : vector<16xf32>, vector<16xi32> -> vector<16xf32>
        %add3A_591 = arith.constant 5 : i32
        %add3A_592 = arith.addi %mul3A_50, %add3A_591 : i32
        %get3A_593 = arith.index_cast %add3A_592 : i32 to index
        %get3A_594 = arith.constant 0 : index
        %get3A_595 = tpu.vector_load %arg23[%get3A_593, %get3A_594] {strides = array<i32>} : memref<64x128xf32, #tpu.memory_space<vmem>>, vector<16xf32>,
        %get3A_596 = arith.index_cast %add3A_592 : i32 to index
        %get3A_597 = arith.constant 0 : index
        %get3A_598 = tpu.vector_load %arg22[%get3A_596, %get3A_597] {strides = array<i32>} : memref<64x128xf32, #tpu.memory_space<vmem>>, vector<16xf32>,
        %add3A_599 = arith.addf %get3A_595, %get3A_598 : vector<16xf32>
        %mul3A_600 = arith.mulf %add3A_599, %gather3A_590 : vector<16xf32>
        %swap3A_601 = arith.index_cast %add3A_592 : i32 to index
        %swap3A_602 = arith.constant 0 : index
        %swap3A_603 = tpu.vector_load %arg23[%swap3A_601, %swap3A_602] {strides = array<i32>} : memref<64x128xf32, #tpu.memory_space<vmem>>, vector<16xf32>,
        tpu.vector_store %arg23[%swap3A_601, %swap3A_602], %mul3A_600 {strides = array<i32>} : memref<64x128xf32, #tpu.memory_space<vmem>>, vector<16xf32>,
        %get3A_604 = arith.index_cast %add3A_592 : i32 to index
        %get3A_605 = arith.constant 16 : index
        %get3A_606 = tpu.vector_load %arg23[%get3A_604, %get3A_605] {strides = array<i32>} : memref<64x128xf32, #tpu.memory_space<vmem>>, vector<16xf32>,
        %get3A_607 = arith.index_cast %add3A_592 : i32 to index
        %get3A_608 = arith.constant 16 : index
        %get3A_609 = tpu.vector_load %arg22[%get3A_607, %get3A_608] {strides = array<i32>} : memref<64x128xf32, #tpu.memory_space<vmem>>, vector<16xf32>,
        %add3A_610 = arith.addf %get3A_606, %get3A_609 : vector<16xf32>
        %mul3A_611 = arith.mulf %add3A_610, %gather3A_590 : vector<16xf32>
        %swap3A_612 = arith.index_cast %add3A_592 : i32 to index
        %swap3A_613 = arith.constant 16 : index
        %swap3A_614 = tpu.vector_load %arg23[%swap3A_612, %swap3A_613] {strides = array<i32>} : memref<64x128xf32, #tpu.memory_space<vmem>>, vector<16xf32>,
        tpu.vector_store %arg23[%swap3A_612, %swap3A_613], %mul3A_611 {strides = array<i32>} : memref<64x128xf32, #tpu.memory_space<vmem>>, vector<16xf32>,
        %get3A_615 = arith.index_cast %add3A_592 : i32 to index
        %get3A_616 = arith.constant 32 : index
        %get3A_617 = tpu.vector_load %arg23[%get3A_615, %get3A_616] {strides = array<i32>} : memref<64x128xf32, #tpu.memory_space<vmem>>, vector<16xf32>,
        %get3A_618 = arith.index_cast %add3A_592 : i32 to index
        %get3A_619 = arith.constant 32 : index
        %get3A_620 = tpu.vector_load %arg22[%get3A_618, %get3A_619] {strides = array<i32>} : memref<64x128xf32, #tpu.memory_space<vmem>>, vector<16xf32>,
        %add3A_621 = arith.addf %get3A_617, %get3A_620 : vector<16xf32>
        %mul3A_622 = arith.mulf %add3A_621, %gather3A_590 : vector<16xf32>
        %swap3A_623 = arith.index_cast %add3A_592 : i32 to index
        %swap3A_624 = arith.constant 32 : index
        %swap3A_625 = tpu.vector_load %arg23[%swap3A_623, %swap3A_624] {strides = array<i32>} : memref<64x128xf32, #tpu.memory_space<vmem>>, vector<16xf32>,
        tpu.vector_store %arg23[%swap3A_623, %swap3A_624], %mul3A_622 {strides = array<i32>} : memref<64x128xf32, #tpu.memory_space<vmem>>, vector<16xf32>,
        %get3A_626 = arith.index_cast %add3A_592 : i32 to index
        %get3A_627 = arith.constant 48 : index
        %get3A_628 = tpu.vector_load %arg23[%get3A_626, %get3A_627] {strides = array<i32>} : memref<64x128xf32, #tpu.memory_space<vmem>>, vector<16xf32>,
        %get3A_629 = arith.index_cast %add3A_592 : i32 to index
        %get3A_630 = arith.constant 48 : index
        %get3A_631 = tpu.vector_load %arg22[%get3A_629, %get3A_630] {strides = array<i32>} : memref<64x128xf32, #tpu.memory_space<vmem>>, vector<16xf32>,
        %add3A_632 = arith.addf %get3A_628, %get3A_631 : vector<16xf32>
        %mul3A_633 = arith.mulf %add3A_632, %gather3A_590 : vector<16xf32>
        %swap3A_634 = arith.index_cast %add3A_592 : i32 to index
        %swap3A_635 = arith.constant 48 : index
        %swap3A_636 = tpu.vector_load %arg23[%swap3A_634, %swap3A_635] {strides = array<i32>} : memref<64x128xf32, #tpu.memory_space<vmem>>, vector<16xf32>,
        tpu.vector_store %arg23[%swap3A_634, %swap3A_635], %mul3A_633 {strides = array<i32>} : memref<64x128xf32, #tpu.memory_space<vmem>>, vector<16xf32>,
        %get3A_637 = arith.index_cast %add3A_592 : i32 to index
        %get3A_638 = arith.constant 64 : index
        %get3A_639 = tpu.vector_load %arg23[%get3A_637, %get3A_638] {strides = array<i32>} : memref<64x128xf32, #tpu.memory_space<vmem>>, vector<16xf32>,
        %get3A_640 = arith.index_cast %add3A_592 : i32 to index
        %get3A_641 = arith.constant 64 : index
        %get3A_642 = tpu.vector_load %arg22[%get3A_640, %get3A_641] {strides = array<i32>} : memref<64x128xf32, #tpu.memory_space<vmem>>, vector<16xf32>,
        %add3A_643 = arith.addf %get3A_639, %get3A_642 : vector<16xf32>
        %mul3A_644 = arith.mulf %add3A_643, %gather3A_590 : vector<16xf32>
        %swap3A_645 = arith.index_cast %add3A_592 : i32 to index
        %swap3A_646 = arith.constant 64 : index
        %swap3A_647 = tpu.vector_load %arg23[%swap3A_645, %swap3A_646] {strides = array<i32>} : memref<64x128xf32, #tpu.memory_space<vmem>>, vector<16xf32>,
        tpu.vector_store %arg23[%swap3A_645, %swap3A_646], %mul3A_644 {strides = array<i32>} : memref<64x128xf32, #tpu.memory_space<vmem>>, vector<16xf32>,
        %get3A_648 = arith.index_cast %add3A_592 : i32 to index
        %get3A_649 = arith.constant 80 : index
        %get3A_650 = tpu.vector_load %arg23[%get3A_648, %get3A_649] {strides = array<i32>} : memref<64x128xf32, #tpu.memory_space<vmem>>, vector<16xf32>,
        %get3A_651 = arith.index_cast %add3A_592 : i32 to index
        %get3A_652 = arith.constant 80 : index
        %get3A_653 = tpu.vector_load %arg22[%get3A_651, %get3A_652] {strides = array<i32>} : memref<64x128xf32, #tpu.memory_space<vmem>>, vector<16xf32>,
        %add3A_654 = arith.addf %get3A_650, %get3A_653 : vector<16xf32>
        %mul3A_655 = arith.mulf %add3A_654, %gather3A_590 : vector<16xf32>
        %swap3A_656 = arith.index_cast %add3A_592 : i32 to index
        %swap3A_657 = arith.constant 80 : index
        %swap3A_658 = tpu.vector_load %arg23[%swap3A_656, %swap3A_657] {strides = array<i32>} : memref<64x128xf32, #tpu.memory_space<vmem>>, vector<16xf32>,
        tpu.vector_store %arg23[%swap3A_656, %swap3A_657], %mul3A_655 {strides = array<i32>} : memref<64x128xf32, #tpu.memory_space<vmem>>, vector<16xf32>,
        %get3A_659 = arith.index_cast %add3A_592 : i32 to index
        %get3A_660 = arith.constant 96 : index
        %get3A_661 = tpu.vector_load %arg23[%get3A_659, %get3A_660] {strides = array<i32>} : memref<64x128xf32, #tpu.memory_space<vmem>>, vector<16xf32>,
        %get3A_662 = arith.index_cast %add3A_592 : i32 to index
        %get3A_663 = arith.constant 96 : index
        %get3A_664 = tpu.vector_load %arg22[%get3A_662, %get3A_663] {strides = array<i32>} : memref<64x128xf32, #tpu.memory_space<vmem>>, vector<16xf32>,
        %add3A_665 = arith.addf %get3A_661, %get3A_664 : vector<16xf32>
        %mul3A_666 = arith.mulf %add3A_665, %gather3A_590 : vector<16xf32>
        %swap3A_667 = arith.index_cast %add3A_592 : i32 to index
        %swap3A_668 = arith.constant 96 : index
        %swap3A_669 = tpu.vector_load %arg23[%swap3A_667, %swap3A_668] {strides = array<i32>} : memref<64x128xf32, #tpu.memory_space<vmem>>, vector<16xf32>,
        tpu.vector_store %arg23[%swap3A_667, %swap3A_668], %mul3A_666 {strides = array<i32>} : memref<64x128xf32, #tpu.memory_space<vmem>>, vector<16xf32>,
        %get3A_670 = arith.index_cast %add3A_592 : i32 to index
        %get3A_671 = arith.constant 112 : index
        %get3A_672 = tpu.vector_load %arg23[%get3A_670, %get3A_671] {strides = array<i32>} : memref<64x128xf32, #tpu.memory_space<vmem>>, vector<16xf32>,
        %get3A_673 = arith.index_cast %add3A_592 : i32 to index
        %get3A_674 = arith.constant 112 : index
        %get3A_675 = tpu.vector_load %arg22[%get3A_673, %get3A_674] {strides = array<i32>} : memref<64x128xf32, #tpu.memory_space<vmem>>, vector<16xf32>,
        %add3A_676 = arith.addf %get3A_672, %get3A_675 : vector<16xf32>
        %mul3A_677 = arith.mulf %add3A_676, %gather3A_590 : vector<16xf32>
        %swap3A_678 = arith.index_cast %add3A_592 : i32 to index
        %swap3A_679 = arith.constant 112 : index
        %swap3A_680 = tpu.vector_load %arg23[%swap3A_678, %swap3A_679] {strides = array<i32>} : memref<64x128xf32, #tpu.memory_space<vmem>>, vector<16xf32>,
        tpu.vector_store %arg23[%swap3A_678, %swap3A_679], %mul3A_677 {strides = array<i32>} : memref<64x128xf32, #tpu.memory_space<vmem>>, vector<16xf32>,
        %broadcast_in_dim3A_681 = arith.constant 6 : i32
        %broadcast_in_dim3A_682 = vector.broadcast %broadcast_in_dim3A_681 : i32 to vector<16xi32>
        %lt3A_683 = arith.constant 0 : i32
        %lt3A_684 = vector.broadcast %lt3A_683 : i32 to vector<16xi32>
        %lt3A_685 = arith.cmpi slt, %broadcast_in_dim3A_682, %lt3A_684 : vector<16xi32>
        %add3A_686 = arith.constant 16 : i32
        %add3A_687 = vector.broadcast %add3A_686 : i32 to vector<16xi32>
        %add3A_688 = arith.addi %broadcast_in_dim3A_682, %add3A_687 : vector<16xi32>
        %select_n3A_689 = arith.select %lt3A_685, %add3A_688, %broadcast_in_dim3A_682 : vector<16xi1>, vector<16xi32>
        %broadcast_in_dim3A_690 = vector.shape_cast %select_n3A_689 : vector<16xi32> to vector<16x1xi32>
        %gather3A_691 = vector.shape_cast %broadcast_in_dim3A_690 : vector<16x1xi32> to vector<16xi32>
        %gather3A_692 = tpu.dynamic_gather %exp3A[%gather3A_691] in [0] : vector<16xf32>, vector<16xi32> -> vector<16xf32>
        %add3A_693 = arith.constant 6 : i32
        %add3A_694 = arith.addi %mul3A_50, %add3A_693 : i32
        %get3A_695 = arith.index_cast %add3A_694 : i32 to index
        %get3A_696 = arith.constant 0 : index
        %get3A_697 = tpu.vector_load %arg23[%get3A_695, %get3A_696] {strides = array<i32>} : memref<64x128xf32, #tpu.memory_space<vmem>>, vector<16xf32>,
        %get3A_698 = arith.index_cast %add3A_694 : i32 to index
        %get3A_699 = arith.constant 0 : index
        %get3A_700 = tpu.vector_load %arg22[%get3A_698, %get3A_699] {strides = array<i32>} : memref<64x128xf32, #tpu.memory_space<vmem>>, vector<16xf32>,
        %add3A_701 = arith.addf %get3A_697, %get3A_700 : vector<16xf32>
        %mul3A_702 = arith.mulf %add3A_701, %gather3A_692 : vector<16xf32>
        %swap3A_703 = arith.index_cast %add3A_694 : i32 to index
        %swap3A_704 = arith.constant 0 : index
        %swap3A_705 = tpu.vector_load %arg23[%swap3A_703, %swap3A_704] {strides = array<i32>} : memref<64x128xf32, #tpu.memory_space<vmem>>, vector<16xf32>,
        tpu.vector_store %arg23[%swap3A_703, %swap3A_704], %mul3A_702 {strides = array<i32>} : memref<64x128xf32, #tpu.memory_space<vmem>>, vector<16xf32>,
        %get3A_706 = arith.index_cast %add3A_694 : i32 to index
        %get3A_707 = arith.constant 16 : index
        %get3A_708 = tpu.vector_load %arg23[%get3A_706, %get3A_707] {strides = array<i32>} : memref<64x128xf32, #tpu.memory_space<vmem>>, vector<16xf32>,
        %get3A_709 = arith.index_cast %add3A_694 : i32 to index
        %get3A_710 = arith.constant 16 : index
        %get3A_711 = tpu.vector_load %arg22[%get3A_709, %get3A_710] {strides = array<i32>} : memref<64x128xf32, #tpu.memory_space<vmem>>, vector<16xf32>,
        %add3A_712 = arith.addf %get3A_708, %get3A_711 : vector<16xf32>
        %mul3A_713 = arith.mulf %add3A_712, %gather3A_692 : vector<16xf32>
        %swap3A_714 = arith.index_cast %add3A_694 : i32 to index
        %swap3A_715 = arith.constant 16 : index
        %swap3A_716 = tpu.vector_load %arg23[%swap3A_714, %swap3A_715] {strides = array<i32>} : memref<64x128xf32, #tpu.memory_space<vmem>>, vector<16xf32>,
        tpu.vector_store %arg23[%swap3A_714, %swap3A_715], %mul3A_713 {strides = array<i32>} : memref<64x128xf32, #tpu.memory_space<vmem>>, vector<16xf32>,
        %get3A_717 = arith.index_cast %add3A_694 : i32 to index
        %get3A_718 = arith.constant 32 : index
        %get3A_719 = tpu.vector_load %arg23[%get3A_717, %get3A_718] {strides = array<i32>} : memref<64x128xf32, #tpu.memory_space<vmem>>, vector<16xf32>,
        %get3A_720 = arith.index_cast %add3A_694 : i32 to index
        %get3A_721 = arith.constant 32 : index
        %get3A_722 = tpu.vector_load %arg22[%get3A_720, %get3A_721] {strides = array<i32>} : memref<64x128xf32, #tpu.memory_space<vmem>>, vector<16xf32>,
        %add3A_723 = arith.addf %get3A_719, %get3A_722 : vector<16xf32>
        %mul3A_724 = arith.mulf %add3A_723, %gather3A_692 : vector<16xf32>
        %swap3A_725 = arith.index_cast %add3A_694 : i32 to index
        %swap3A_726 = arith.constant 32 : index
        %swap3A_727 = tpu.vector_load %arg23[%swap3A_725, %swap3A_726] {strides = array<i32>} : memref<64x128xf32, #tpu.memory_space<vmem>>, vector<16xf32>,
        tpu.vector_store %arg23[%swap3A_725, %swap3A_726], %mul3A_724 {strides = array<i32>} : memref<64x128xf32, #tpu.memory_space<vmem>>, vector<16xf32>,
        %get3A_728 = arith.index_cast %add3A_694 : i32 to index
        %get3A_729 = arith.constant 48 : index
        %get3A_730 = tpu.vector_load %arg23[%get3A_728, %get3A_729] {strides = array<i32>} : memref<64x128xf32, #tpu.memory_space<vmem>>, vector<16xf32>,
        %get3A_731 = arith.index_cast %add3A_694 : i32 to index
        %get3A_732 = arith.constant 48 : index
        %get3A_733 = tpu.vector_load %arg22[%get3A_731, %get3A_732] {strides = array<i32>} : memref<64x128xf32, #tpu.memory_space<vmem>>, vector<16xf32>,
        %add3A_734 = arith.addf %get3A_730, %get3A_733 : vector<16xf32>
        %mul3A_735 = arith.mulf %add3A_734, %gather3A_692 : vector<16xf32>
        %swap3A_736 = arith.index_cast %add3A_694 : i32 to index
        %swap3A_737 = arith.constant 48 : index
        %swap3A_738 = tpu.vector_load %arg23[%swap3A_736, %swap3A_737] {strides = array<i32>} : memref<64x128xf32, #tpu.memory_space<vmem>>, vector<16xf32>,
        tpu.vector_store %arg23[%swap3A_736, %swap3A_737], %mul3A_735 {strides = array<i32>} : memref<64x128xf32, #tpu.memory_space<vmem>>, vector<16xf32>,
        %get3A_739 = arith.index_cast %add3A_694 : i32 to index
        %get3A_740 = arith.constant 64 : index
        %get3A_741 = tpu.vector_load %arg23[%get3A_739, %get3A_740] {strides = array<i32>} : memref<64x128xf32, #tpu.memory_space<vmem>>, vector<16xf32>,
        %get3A_742 = arith.index_cast %add3A_694 : i32 to index
        %get3A_743 = arith.constant 64 : index
        %get3A_744 = tpu.vector_load %arg22[%get3A_742, %get3A_743] {strides = array<i32>} : memref<64x128xf32, #tpu.memory_space<vmem>>, vector<16xf32>,
        %add3A_745 = arith.addf %get3A_741, %get3A_744 : vector<16xf32>
        %mul3A_746 = arith.mulf %add3A_745, %gather3A_692 : vector<16xf32>
        %swap3A_747 = arith.index_cast %add3A_694 : i32 to index
        %swap3A_748 = arith.constant 64 : index
        %swap3A_749 = tpu.vector_load %arg23[%swap3A_747, %swap3A_748] {strides = array<i32>} : memref<64x128xf32, #tpu.memory_space<vmem>>, vector<16xf32>,
        tpu.vector_store %arg23[%swap3A_747, %swap3A_748], %mul3A_746 {strides = array<i32>} : memref<64x128xf32, #tpu.memory_space<vmem>>, vector<16xf32>,
        %get3A_750 = arith.index_cast %add3A_694 : i32 to index
        %get3A_751 = arith.constant 80 : index
        %get3A_752 = tpu.vector_load %arg23[%get3A_750, %get3A_751] {strides = array<i32>} : memref<64x128xf32, #tpu.memory_space<vmem>>, vector<16xf32>,
        %get3A_753 = arith.index_cast %add3A_694 : i32 to index
        %get3A_754 = arith.constant 80 : index
        %get3A_755 = tpu.vector_load %arg22[%get3A_753, %get3A_754] {strides = array<i32>} : memref<64x128xf32, #tpu.memory_space<vmem>>, vector<16xf32>,
        %add3A_756 = arith.addf %get3A_752, %get3A_755 : vector<16xf32>
        %mul3A_757 = arith.mulf %add3A_756, %gather3A_692 : vector<16xf32>
        %swap3A_758 = arith.index_cast %add3A_694 : i32 to index
        %swap3A_759 = arith.constant 80 : index
        %swap3A_760 = tpu.vector_load %arg23[%swap3A_758, %swap3A_759] {strides = array<i32>} : memref<64x128xf32, #tpu.memory_space<vmem>>, vector<16xf32>,
        tpu.vector_store %arg23[%swap3A_758, %swap3A_759], %mul3A_757 {strides = array<i32>} : memref<64x128xf32, #tpu.memory_space<vmem>>, vector<16xf32>,
        %get3A_761 = arith.index_cast %add3A_694 : i32 to index
        %get3A_762 = arith.constant 96 : index
        %get3A_763 = tpu.vector_load %arg23[%get3A_761, %get3A_762] {strides = array<i32>} : memref<64x128xf32, #tpu.memory_space<vmem>>, vector<16xf32>,
        %get3A_764 = arith.index_cast %add3A_694 : i32 to index
        %get3A_765 = arith.constant 96 : index
        %get3A_766 = tpu.vector_load %arg22[%get3A_764, %get3A_765] {strides = array<i32>} : memref<64x128xf32, #tpu.memory_space<vmem>>, vector<16xf32>,
        %add3A_767 = arith.addf %get3A_763, %get3A_766 : vector<16xf32>
        %mul3A_768 = arith.mulf %add3A_767, %gather3A_692 : vector<16xf32>
        %swap3A_769 = arith.index_cast %add3A_694 : i32 to index
        %swap3A_770 = arith.constant 96 : index
        %swap3A_771 = tpu.vector_load %arg23[%swap3A_769, %swap3A_770] {strides = array<i32>} : memref<64x128xf32, #tpu.memory_space<vmem>>, vector<16xf32>,
        tpu.vector_store %arg23[%swap3A_769, %swap3A_770], %mul3A_768 {strides = array<i32>} : memref<64x128xf32, #tpu.memory_space<vmem>>, vector<16xf32>,
        %get3A_772 = arith.index_cast %add3A_694 : i32 to index
        %get3A_773 = arith.constant 112 : index
        %get3A_774 = tpu.vector_load %arg23[%get3A_772, %get3A_773] {strides = array<i32>} : memref<64x128xf32, #tpu.memory_space<vmem>>, vector<16xf32>,
        %get3A_775 = arith.index_cast %add3A_694 : i32 to index
        %get3A_776 = arith.constant 112 : index
        %get3A_777 = tpu.vector_load %arg22[%get3A_775, %get3A_776] {strides = array<i32>} : memref<64x128xf32, #tpu.memory_space<vmem>>, vector<16xf32>,
        %add3A_778 = arith.addf %get3A_774, %get3A_777 : vector<16xf32>
        %mul3A_779 = arith.mulf %add3A_778, %gather3A_692 : vector<16xf32>
        %swap3A_780 = arith.index_cast %add3A_694 : i32 to index
        %swap3A_781 = arith.constant 112 : index
        %swap3A_782 = tpu.vector_load %arg23[%swap3A_780, %swap3A_781] {strides = array<i32>} : memref<64x128xf32, #tpu.memory_space<vmem>>, vector<16xf32>,
        tpu.vector_store %arg23[%swap3A_780, %swap3A_781], %mul3A_779 {strides = array<i32>} : memref<64x128xf32, #tpu.memory_space<vmem>>, vector<16xf32>,
        %broadcast_in_dim3A_783 = arith.constant 7 : i32
        %broadcast_in_dim3A_784 = vector.broadcast %broadcast_in_dim3A_783 : i32 to vector<16xi32>
        %lt3A_785 = arith.constant 0 : i32
        %lt3A_786 = vector.broadcast %lt3A_785 : i32 to vector<16xi32>
        %lt3A_787 = arith.cmpi slt, %broadcast_in_dim3A_784, %lt3A_786 : vector<16xi32>
        %add3A_788 = arith.constant 16 : i32
        %add3A_789 = vector.broadcast %add3A_788 : i32 to vector<16xi32>
        %add3A_790 = arith.addi %broadcast_in_dim3A_784, %add3A_789 : vector<16xi32>
        %select_n3A_791 = arith.select %lt3A_787, %add3A_790, %broadcast_in_dim3A_784 : vector<16xi1>, vector<16xi32>
        %broadcast_in_dim3A_792 = vector.shape_cast %select_n3A_791 : vector<16xi32> to vector<16x1xi32>
        %gather3A_793 = vector.shape_cast %broadcast_in_dim3A_792 : vector<16x1xi32> to vector<16xi32>
        %gather3A_794 = tpu.dynamic_gather %exp3A[%gather3A_793] in [0] : vector<16xf32>, vector<16xi32> -> vector<16xf32>
        %add3A_795 = arith.constant 7 : i32
        %add3A_796 = arith.addi %mul3A_50, %add3A_795 : i32
        %get3A_797 = arith.index_cast %add3A_796 : i32 to index
        %get3A_798 = arith.constant 0 : index
        %get3A_799 = tpu.vector_load %arg23[%get3A_797, %get3A_798] {strides = array<i32>} : memref<64x128xf32, #tpu.memory_space<vmem>>, vector<16xf32>,
        %get3A_800 = arith.index_cast %add3A_796 : i32 to index
        %get3A_801 = arith.constant 0 : index
        %get3A_802 = tpu.vector_load %arg22[%get3A_800, %get3A_801] {strides = array<i32>} : memref<64x128xf32, #tpu.memory_space<vmem>>, vector<16xf32>,
        %add3A_803 = arith.addf %get3A_799, %get3A_802 : vector<16xf32>
        %mul3A_804 = arith.mulf %add3A_803, %gather3A_794 : vector<16xf32>
        %swap3A_805 = arith.index_cast %add3A_796 : i32 to index
        %swap3A_806 = arith.constant 0 : index
        %swap3A_807 = tpu.vector_load %arg23[%swap3A_805, %swap3A_806] {strides = array<i32>} : memref<64x128xf32, #tpu.memory_space<vmem>>, vector<16xf32>,
        tpu.vector_store %arg23[%swap3A_805, %swap3A_806], %mul3A_804 {strides = array<i32>} : memref<64x128xf32, #tpu.memory_space<vmem>>, vector<16xf32>,
        %get3A_808 = arith.index_cast %add3A_796 : i32 to index
        %get3A_809 = arith.constant 16 : index
        %get3A_810 = tpu.vector_load %arg23[%get3A_808, %get3A_809] {strides = array<i32>} : memref<64x128xf32, #tpu.memory_space<vmem>>, vector<16xf32>,
        %get3A_811 = arith.index_cast %add3A_796 : i32 to index
        %get3A_812 = arith.constant 16 : index
        %get3A_813 = tpu.vector_load %arg22[%get3A_811, %get3A_812] {strides = array<i32>} : memref<64x128xf32, #tpu.memory_space<vmem>>, vector<16xf32>,
        %add3A_814 = arith.addf %get3A_810, %get3A_813 : vector<16xf32>
        %mul3A_815 = arith.mulf %add3A_814, %gather3A_794 : vector<16xf32>
        %swap3A_816 = arith.index_cast %add3A_796 : i32 to index
        %swap3A_817 = arith.constant 16 : index
        %swap3A_818 = tpu.vector_load %arg23[%swap3A_816, %swap3A_817] {strides = array<i32>} : memref<64x128xf32, #tpu.memory_space<vmem>>, vector<16xf32>,
        tpu.vector_store %arg23[%swap3A_816, %swap3A_817], %mul3A_815 {strides = array<i32>} : memref<64x128xf32, #tpu.memory_space<vmem>>, vector<16xf32>,
        %get3A_819 = arith.index_cast %add3A_796 : i32 to index
        %get3A_820 = arith.constant 32 : index
        %get3A_821 = tpu.vector_load %arg23[%get3A_819, %get3A_820] {strides = array<i32>} : memref<64x128xf32, #tpu.memory_space<vmem>>, vector<16xf32>,
        %get3A_822 = arith.index_cast %add3A_796 : i32 to index
        %get3A_823 = arith.constant 32 : index
        %get3A_824 = tpu.vector_load %arg22[%get3A_822, %get3A_823] {strides = array<i32>} : memref<64x128xf32, #tpu.memory_space<vmem>>, vector<16xf32>,
        %add3A_825 = arith.addf %get3A_821, %get3A_824 : vector<16xf32>
        %mul3A_826 = arith.mulf %add3A_825, %gather3A_794 : vector<16xf32>
        %swap3A_827 = arith.index_cast %add3A_796 : i32 to index
        %swap3A_828 = arith.constant 32 : index
        %swap3A_829 = tpu.vector_load %arg23[%swap3A_827, %swap3A_828] {strides = array<i32>} : memref<64x128xf32, #tpu.memory_space<vmem>>, vector<16xf32>,
        tpu.vector_store %arg23[%swap3A_827, %swap3A_828], %mul3A_826 {strides = array<i32>} : memref<64x128xf32, #tpu.memory_space<vmem>>, vector<16xf32>,
        %get3A_830 = arith.index_cast %add3A_796 : i32 to index
        %get3A_831 = arith.constant 48 : index
        %get3A_832 = tpu.vector_load %arg23[%get3A_830, %get3A_831] {strides = array<i32>} : memref<64x128xf32, #tpu.memory_space<vmem>>, vector<16xf32>,
        %get3A_833 = arith.index_cast %add3A_796 : i32 to index
        %get3A_834 = arith.constant 48 : index
        %get3A_835 = tpu.vector_load %arg22[%get3A_833, %get3A_834] {strides = array<i32>} : memref<64x128xf32, #tpu.memory_space<vmem>>, vector<16xf32>,
        %add3A_836 = arith.addf %get3A_832, %get3A_835 : vector<16xf32>
        %mul3A_837 = arith.mulf %add3A_836, %gather3A_794 : vector<16xf32>
        %swap3A_838 = arith.index_cast %add3A_796 : i32 to index
        %swap3A_839 = arith.constant 48 : index
        %swap3A_840 = tpu.vector_load %arg23[%swap3A_838, %swap3A_839] {strides = array<i32>} : memref<64x128xf32, #tpu.memory_space<vmem>>, vector<16xf32>,
        tpu.vector_store %arg23[%swap3A_838, %swap3A_839], %mul3A_837 {strides = array<i32>} : memref<64x128xf32, #tpu.memory_space<vmem>>, vector<16xf32>,
        %get3A_841 = arith.index_cast %add3A_796 : i32 to index
        %get3A_842 = arith.constant 64 : index
        %get3A_843 = tpu.vector_load %arg23[%get3A_841, %get3A_842] {strides = array<i32>} : memref<64x128xf32, #tpu.memory_space<vmem>>, vector<16xf32>,
        %get3A_844 = arith.index_cast %add3A_796 : i32 to index
        %get3A_845 = arith.constant 64 : index
        %get3A_846 = tpu.vector_load %arg22[%get3A_844, %get3A_845] {strides = array<i32>} : memref<64x128xf32, #tpu.memory_space<vmem>>, vector<16xf32>,
        %add3A_847 = arith.addf %get3A_843, %get3A_846 : vector<16xf32>
        %mul3A_848 = arith.mulf %add3A_847, %gather3A_794 : vector<16xf32>
        %swap3A_849 = arith.index_cast %add3A_796 : i32 to index
        %swap3A_850 = arith.constant 64 : index
        %swap3A_851 = tpu.vector_load %arg23[%swap3A_849, %swap3A_850] {strides = array<i32>} : memref<64x128xf32, #tpu.memory_space<vmem>>, vector<16xf32>,
        tpu.vector_store %arg23[%swap3A_849, %swap3A_850], %mul3A_848 {strides = array<i32>} : memref<64x128xf32, #tpu.memory_space<vmem>>, vector<16xf32>,
        %get3A_852 = arith.index_cast %add3A_796 : i32 to index
        %get3A_853 = arith.constant 80 : index
        %get3A_854 = tpu.vector_load %arg23[%get3A_852, %get3A_853] {strides = array<i32>} : memref<64x128xf32, #tpu.memory_space<vmem>>, vector<16xf32>,
        %get3A_855 = arith.index_cast %add3A_796 : i32 to index
        %get3A_856 = arith.constant 80 : index
        %get3A_857 = tpu.vector_load %arg22[%get3A_855, %get3A_856] {strides = array<i32>} : memref<64x128xf32, #tpu.memory_space<vmem>>, vector<16xf32>,
        %add3A_858 = arith.addf %get3A_854, %get3A_857 : vector<16xf32>
        %mul3A_859 = arith.mulf %add3A_858, %gather3A_794 : vector<16xf32>
        %swap3A_860 = arith.index_cast %add3A_796 : i32 to index
        %swap3A_861 = arith.constant 80 : index
        %swap3A_862 = tpu.vector_load %arg23[%swap3A_860, %swap3A_861] {strides = array<i32>} : memref<64x128xf32, #tpu.memory_space<vmem>>, vector<16xf32>,
        tpu.vector_store %arg23[%swap3A_860, %swap3A_861], %mul3A_859 {strides = array<i32>} : memref<64x128xf32, #tpu.memory_space<vmem>>, vector<16xf32>,
        %get3A_863 = arith.index_cast %add3A_796 : i32 to index
        %get3A_864 = arith.constant 96 : index
        %get3A_865 = tpu.vector_load %arg23[%get3A_863, %get3A_864] {strides = array<i32>} : memref<64x128xf32, #tpu.memory_space<vmem>>, vector<16xf32>,
        %get3A_866 = arith.index_cast %add3A_796 : i32 to index
        %get3A_867 = arith.constant 96 : index
        %get3A_868 = tpu.vector_load %arg22[%get3A_866, %get3A_867] {strides = array<i32>} : memref<64x128xf32, #tpu.memory_space<vmem>>, vector<16xf32>,
        %add3A_869 = arith.addf %get3A_865, %get3A_868 : vector<16xf32>
        %mul3A_870 = arith.mulf %add3A_869, %gather3A_794 : vector<16xf32>
        %swap3A_871 = arith.index_cast %add3A_796 : i32 to index
        %swap3A_872 = arith.constant 96 : index
        %swap3A_873 = tpu.vector_load %arg23[%swap3A_871, %swap3A_872] {strides = array<i32>} : memref<64x128xf32, #tpu.memory_space<vmem>>, vector<16xf32>,
        tpu.vector_store %arg23[%swap3A_871, %swap3A_872], %mul3A_870 {strides = array<i32>} : memref<64x128xf32, #tpu.memory_space<vmem>>, vector<16xf32>,
        %get3A_874 = arith.index_cast %add3A_796 : i32 to index
        %get3A_875 = arith.constant 112 : index
        %get3A_876 = tpu.vector_load %arg23[%get3A_874, %get3A_875] {strides = array<i32>} : memref<64x128xf32, #tpu.memory_space<vmem>>, vector<16xf32>,
        %get3A_877 = arith.index_cast %add3A_796 : i32 to index
        %get3A_878 = arith.constant 112 : index
        %get3A_879 = tpu.vector_load %arg22[%get3A_877, %get3A_878] {strides = array<i32>} : memref<64x128xf32, #tpu.memory_space<vmem>>, vector<16xf32>,
        %add3A_880 = arith.addf %get3A_876, %get3A_879 : vector<16xf32>
        %mul3A_881 = arith.mulf %add3A_880, %gather3A_794 : vector<16xf32>
        %swap3A_882 = arith.index_cast %add3A_796 : i32 to index
        %swap3A_883 = arith.constant 112 : index
        %swap3A_884 = tpu.vector_load %arg23[%swap3A_882, %swap3A_883] {strides = array<i32>} : memref<64x128xf32, #tpu.memory_space<vmem>>, vector<16xf32>,
        tpu.vector_store %arg23[%swap3A_882, %swap3A_883], %mul3A_881 {strides = array<i32>} : memref<64x128xf32, #tpu.memory_space<vmem>>, vector<16xf32>,
        %broadcast_in_dim3A_885 = arith.constant 8 : i32
        %broadcast_in_dim3A_886 = vector.broadcast %broadcast_in_dim3A_885 : i32 to vector<16xi32>
        %lt3A_887 = arith.constant 0 : i32
        %lt3A_888 = vector.broadcast %lt3A_887 : i32 to vector<16xi32>
        %lt3A_889 = arith.cmpi slt, %broadcast_in_dim3A_886, %lt3A_888 : vector<16xi32>
        %add3A_890 = arith.constant 16 : i32
        %add3A_891 = vector.broadcast %add3A_890 : i32 to vector<16xi32>
        %add3A_892 = arith.addi %broadcast_in_dim3A_886, %add3A_891 : vector<16xi32>
        %select_n3A_893 = arith.select %lt3A_889, %add3A_892, %broadcast_in_dim3A_886 : vector<16xi1>, vector<16xi32>
        %broadcast_in_dim3A_894 = vector.shape_cast %select_n3A_893 : vector<16xi32> to vector<16x1xi32>
        %gather3A_895 = vector.shape_cast %broadcast_in_dim3A_894 : vector<16x1xi32> to vector<16xi32>
        %gather3A_896 = tpu.dynamic_gather %exp3A[%gather3A_895] in [0] : vector<16xf32>, vector<16xi32> -> vector<16xf32>
        %add3A_897 = arith.constant 8 : i32
        %add3A_898 = arith.addi %mul3A_50, %add3A_897 : i32
        %get3A_899 = arith.index_cast %add3A_898 : i32 to index
        %get3A_900 = arith.constant 0 : index
        %get3A_901 = tpu.vector_load %arg23[%get3A_899, %get3A_900] {strides = array<i32>} : memref<64x128xf32, #tpu.memory_space<vmem>>, vector<16xf32>,
        %get3A_902 = arith.index_cast %add3A_898 : i32 to index
        %get3A_903 = arith.constant 0 : index
        %get3A_904 = tpu.vector_load %arg22[%get3A_902, %get3A_903] {strides = array<i32>} : memref<64x128xf32, #tpu.memory_space<vmem>>, vector<16xf32>,
        %add3A_905 = arith.addf %get3A_901, %get3A_904 : vector<16xf32>
        %mul3A_906 = arith.mulf %add3A_905, %gather3A_896 : vector<16xf32>
        %swap3A_907 = arith.index_cast %add3A_898 : i32 to index
        %swap3A_908 = arith.constant 0 : index
        %swap3A_909 = tpu.vector_load %arg23[%swap3A_907, %swap3A_908] {strides = array<i32>} : memref<64x128xf32, #tpu.memory_space<vmem>>, vector<16xf32>,
        tpu.vector_store %arg23[%swap3A_907, %swap3A_908], %mul3A_906 {strides = array<i32>} : memref<64x128xf32, #tpu.memory_space<vmem>>, vector<16xf32>,
        %get3A_910 = arith.index_cast %add3A_898 : i32 to index
        %get3A_911 = arith.constant 16 : index
        %get3A_912 = tpu.vector_load %arg23[%get3A_910, %get3A_911] {strides = array<i32>} : memref<64x128xf32, #tpu.memory_space<vmem>>, vector<16xf32>,
        %get3A_913 = arith.index_cast %add3A_898 : i32 to index
        %get3A_914 = arith.constant 16 : index
        %get3A_915 = tpu.vector_load %arg22[%get3A_913, %get3A_914] {strides = array<i32>} : memref<64x128xf32, #tpu.memory_space<vmem>>, vector<16xf32>,
        %add3A_916 = arith.addf %get3A_912, %get3A_915 : vector<16xf32>
        %mul3A_917 = arith.mulf %add3A_916, %gather3A_896 : vector<16xf32>
        %swap3A_918 = arith.index_cast %add3A_898 : i32 to index
        %swap3A_919 = arith.constant 16 : index
        %swap3A_920 = tpu.vector_load %arg23[%swap3A_918, %swap3A_919] {strides = array<i32>} : memref<64x128xf32, #tpu.memory_space<vmem>>, vector<16xf32>,
        tpu.vector_store %arg23[%swap3A_918, %swap3A_919], %mul3A_917 {strides = array<i32>} : memref<64x128xf32, #tpu.memory_space<vmem>>, vector<16xf32>,
        %get3A_921 = arith.index_cast %add3A_898 : i32 to index
        %get3A_922 = arith.constant 32 : index
        %get3A_923 = tpu.vector_load %arg23[%get3A_921, %get3A_922] {strides = array<i32>} : memref<64x128xf32, #tpu.memory_space<vmem>>, vector<16xf32>,
        %get3A_924 = arith.index_cast %add3A_898 : i32 to index
        %get3A_925 = arith.constant 32 : index
        %get3A_926 = tpu.vector_load %arg22[%get3A_924, %get3A_925] {strides = array<i32>} : memref<64x128xf32, #tpu.memory_space<vmem>>, vector<16xf32>,
        %add3A_927 = arith.addf %get3A_923, %get3A_926 : vector<16xf32>
        %mul3A_928 = arith.mulf %add3A_927, %gather3A_896 : vector<16xf32>
        %swap3A_929 = arith.index_cast %add3A_898 : i32 to index
        %swap3A_930 = arith.constant 32 : index
        %swap3A_931 = tpu.vector_load %arg23[%swap3A_929, %swap3A_930] {strides = array<i32>} : memref<64x128xf32, #tpu.memory_space<vmem>>, vector<16xf32>,
        tpu.vector_store %arg23[%swap3A_929, %swap3A_930], %mul3A_928 {strides = array<i32>} : memref<64x128xf32, #tpu.memory_space<vmem>>, vector<16xf32>,
        %get3A_932 = arith.index_cast %add3A_898 : i32 to index
        %get3A_933 = arith.constant 48 : index
        %get3A_934 = tpu.vector_load %arg23[%get3A_932, %get3A_933] {strides = array<i32>} : memref<64x128xf32, #tpu.memory_space<vmem>>, vector<16xf32>,
        %get3A_935 = arith.index_cast %add3A_898 : i32 to index
        %get3A_936 = arith.constant 48 : index
        %get3A_937 = tpu.vector_load %arg22[%get3A_935, %get3A_936] {strides = array<i32>} : memref<64x128xf32, #tpu.memory_space<vmem>>, vector<16xf32>,
        %add3A_938 = arith.addf %get3A_934, %get3A_937 : vector<16xf32>
        %mul3A_939 = arith.mulf %add3A_938, %gather3A_896 : vector<16xf32>
        %swap3A_940 = arith.index_cast %add3A_898 : i32 to index
        %swap3A_941 = arith.constant 48 : index
        %swap3A_942 = tpu.vector_load %arg23[%swap3A_940, %swap3A_941] {strides = array<i32>} : memref<64x128xf32, #tpu.memory_space<vmem>>, vector<16xf32>,
        tpu.vector_store %arg23[%swap3A_940, %swap3A_941], %mul3A_939 {strides = array<i32>} : memref<64x128xf32, #tpu.memory_space<vmem>>, vector<16xf32>,
        %get3A_943 = arith.index_cast %add3A_898 : i32 to index
        %get3A_944 = arith.constant 64 : index
        %get3A_945 = tpu.vector_load %arg23[%get3A_943, %get3A_944] {strides = array<i32>} : memref<64x128xf32, #tpu.memory_space<vmem>>, vector<16xf32>,
        %get3A_946 = arith.index_cast %add3A_898 : i32 to index
        %get3A_947 = arith.constant 64 : index
        %get3A_948 = tpu.vector_load %arg22[%get3A_946, %get3A_947] {strides = array<i32>} : memref<64x128xf32, #tpu.memory_space<vmem>>, vector<16xf32>,
        %add3A_949 = arith.addf %get3A_945, %get3A_948 : vector<16xf32>
        %mul3A_950 = arith.mulf %add3A_949, %gather3A_896 : vector<16xf32>
        %swap3A_951 = arith.index_cast %add3A_898 : i32 to index
        %swap3A_952 = arith.constant 64 : index
        %swap3A_953 = tpu.vector_load %arg23[%swap3A_951, %swap3A_952] {strides = array<i32>} : memref<64x128xf32, #tpu.memory_space<vmem>>, vector<16xf32>,
        tpu.vector_store %arg23[%swap3A_951, %swap3A_952], %mul3A_950 {strides = array<i32>} : memref<64x128xf32, #tpu.memory_space<vmem>>, vector<16xf32>,
        %get3A_954 = arith.index_cast %add3A_898 : i32 to index
        %get3A_955 = arith.constant 80 : index
        %get3A_956 = tpu.vector_load %arg23[%get3A_954, %get3A_955] {strides = array<i32>} : memref<64x128xf32, #tpu.memory_space<vmem>>, vector<16xf32>,
        %get3A_957 = arith.index_cast %add3A_898 : i32 to index
        %get3A_958 = arith.constant 80 : index
        %get3A_959 = tpu.vector_load %arg22[%get3A_957, %get3A_958] {strides = array<i32>} : memref<64x128xf32, #tpu.memory_space<vmem>>, vector<16xf32>,
        %add3A_960 = arith.addf %get3A_956, %get3A_959 : vector<16xf32>
        %mul3A_961 = arith.mulf %add3A_960, %gather3A_896 : vector<16xf32>
        %swap3A_962 = arith.index_cast %add3A_898 : i32 to index
        %swap3A_963 = arith.constant 80 : index
        %swap3A_964 = tpu.vector_load %arg23[%swap3A_962, %swap3A_963] {strides = array<i32>} : memref<64x128xf32, #tpu.memory_space<vmem>>, vector<16xf32>,
        tpu.vector_store %arg23[%swap3A_962, %swap3A_963], %mul3A_961 {strides = array<i32>} : memref<64x128xf32, #tpu.memory_space<vmem>>, vector<16xf32>,
        %get3A_965 = arith.index_cast %add3A_898 : i32 to index
        %get3A_966 = arith.constant 96 : index
        %get3A_967 = tpu.vector_load %arg23[%get3A_965, %get3A_966] {strides = array<i32>} : memref<64x128xf32, #tpu.memory_space<vmem>>, vector<16xf32>,
        %get3A_968 = arith.index_cast %add3A_898 : i32 to index
        %get3A_969 = arith.constant 96 : index
        %get3A_970 = tpu.vector_load %arg22[%get3A_968, %get3A_969] {strides = array<i32>} : memref<64x128xf32, #tpu.memory_space<vmem>>, vector<16xf32>,
        %add3A_971 = arith.addf %get3A_967, %get3A_970 : vector<16xf32>
        %mul3A_972 = arith.mulf %add3A_971, %gather3A_896 : vector<16xf32>
        %swap3A_973 = arith.index_cast %add3A_898 : i32 to index
        %swap3A_974 = arith.constant 96 : index
        %swap3A_975 = tpu.vector_load %arg23[%swap3A_973, %swap3A_974] {strides = array<i32>} : memref<64x128xf32, #tpu.memory_space<vmem>>, vector<16xf32>,
        tpu.vector_store %arg23[%swap3A_973, %swap3A_974], %mul3A_972 {strides = array<i32>} : memref<64x128xf32, #tpu.memory_space<vmem>>, vector<16xf32>,
        %get3A_976 = arith.index_cast %add3A_898 : i32 to index
        %get3A_977 = arith.constant 112 : index
        %get3A_978 = tpu.vector_load %arg23[%get3A_976, %get3A_977] {strides = array<i32>} : memref<64x128xf32, #tpu.memory_space<vmem>>, vector<16xf32>,
        %get3A_979 = arith.index_cast %add3A_898 : i32 to index
        %get3A_980 = arith.constant 112 : index
        %get3A_981 = tpu.vector_load %arg22[%get3A_979, %get3A_980] {strides = array<i32>} : memref<64x128xf32, #tpu.memory_space<vmem>>, vector<16xf32>,
        %add3A_982 = arith.addf %get3A_978, %get3A_981 : vector<16xf32>
        %mul3A_983 = arith.mulf %add3A_982, %gather3A_896 : vector<16xf32>
        %swap3A_984 = arith.index_cast %add3A_898 : i32 to index
        %swap3A_985 = arith.constant 112 : index
        %swap3A_986 = tpu.vector_load %arg23[%swap3A_984, %swap3A_985] {strides = array<i32>} : memref<64x128xf32, #tpu.memory_space<vmem>>, vector<16xf32>,
        tpu.vector_store %arg23[%swap3A_984, %swap3A_985], %mul3A_983 {strides = array<i32>} : memref<64x128xf32, #tpu.memory_space<vmem>>, vector<16xf32>,
        %broadcast_in_dim3A_987 = arith.constant 9 : i32
        %broadcast_in_dim3A_988 = vector.broadcast %broadcast_in_dim3A_987 : i32 to vector<16xi32>
        %lt3A_989 = arith.constant 0 : i32
        %lt3A_990 = vector.broadcast %lt3A_989 : i32 to vector<16xi32>
        %lt3A_991 = arith.cmpi slt, %broadcast_in_dim3A_988, %lt3A_990 : vector<16xi32>
        %add3A_992 = arith.constant 16 : i32
        %add3A_993 = vector.broadcast %add3A_992 : i32 to vector<16xi32>
        %add3A_994 = arith.addi %broadcast_in_dim3A_988, %add3A_993 : vector<16xi32>
        %select_n3A_995 = arith.select %lt3A_991, %add3A_994, %broadcast_in_dim3A_988 : vector<16xi1>, vector<16xi32>
        %broadcast_in_dim3A_996 = vector.shape_cast %select_n3A_995 : vector<16xi32> to vector<16x1xi32>
        %gather3A_997 = vector.shape_cast %broadcast_in_dim3A_996 : vector<16x1xi32> to vector<16xi32>
        %gather3A_998 = tpu.dynamic_gather %exp3A[%gather3A_997] in [0] : vector<16xf32>, vector<16xi32> -> vector<16xf32>
        %add3A_999 = arith.constant 9 : i32
        %add3A_1000 = arith.addi %mul3A_50, %add3A_999 : i32
        %get3A_1001 = arith.index_cast %add3A_1000 : i32 to index
        %get3A_1002 = arith.constant 0 : index
        %get3A_1003 = tpu.vector_load %arg23[%get3A_1001, %get3A_1002] {strides = array<i32>} : memref<64x128xf32, #tpu.memory_space<vmem>>, vector<16xf32>,
        %get3A_1004 = arith.index_cast %add3A_1000 : i32 to index
        %get3A_1005 = arith.constant 0 : index
        %get3A_1006 = tpu.vector_load %arg22[%get3A_1004, %get3A_1005] {strides = array<i32>} : memref<64x128xf32, #tpu.memory_space<vmem>>, vector<16xf32>,
        %add3A_1007 = arith.addf %get3A_1003, %get3A_1006 : vector<16xf32>
        %mul3A_1008 = arith.mulf %add3A_1007, %gather3A_998 : vector<16xf32>
        %swap3A_1009 = arith.index_cast %add3A_1000 : i32 to index
        %swap3A_1010 = arith.constant 0 : index
        %swap3A_1011 = tpu.vector_load %arg23[%swap3A_1009, %swap3A_1010] {strides = array<i32>} : memref<64x128xf32, #tpu.memory_space<vmem>>, vector<16xf32>,
        tpu.vector_store %arg23[%swap3A_1009, %swap3A_1010], %mul3A_1008 {strides = array<i32>} : memref<64x128xf32, #tpu.memory_space<vmem>>, vector<16xf32>,
        %get3A_1012 = arith.index_cast %add3A_1000 : i32 to index
        %get3A_1013 = arith.constant 16 : index
        %get3A_1014 = tpu.vector_load %arg23[%get3A_1012, %get3A_1013] {strides = array<i32>} : memref<64x128xf32, #tpu.memory_space<vmem>>, vector<16xf32>,
        %get3A_1015 = arith.index_cast %add3A_1000 : i32 to index
        %get3A_1016 = arith.constant 16 : index
        %get3A_1017 = tpu.vector_load %arg22[%get3A_1015, %get3A_1016] {strides = array<i32>} : memref<64x128xf32, #tpu.memory_space<vmem>>, vector<16xf32>,
        %add3A_1018 = arith.addf %get3A_1014, %get3A_1017 : vector<16xf32>
        %mul3A_1019 = arith.mulf %add3A_1018, %gather3A_998 : vector<16xf32>
        %swap3A_1020 = arith.index_cast %add3A_1000 : i32 to index
        %swap3A_1021 = arith.constant 16 : index
        %swap3A_1022 = tpu.vector_load %arg23[%swap3A_1020, %swap3A_1021] {strides = array<i32>} : memref<64x128xf32, #tpu.memory_space<vmem>>, vector<16xf32>,
        tpu.vector_store %arg23[%swap3A_1020, %swap3A_1021], %mul3A_1019 {strides = array<i32>} : memref<64x128xf32, #tpu.memory_space<vmem>>, vector<16xf32>,
        %get3A_1023 = arith.index_cast %add3A_1000 : i32 to index
        %get3A_1024 = arith.constant 32 : index
        %get3A_1025 = tpu.vector_load %arg23[%get3A_1023, %get3A_1024] {strides = array<i32>} : memref<64x128xf32, #tpu.memory_space<vmem>>, vector<16xf32>,
        %get3A_1026 = arith.index_cast %add3A_1000 : i32 to index
        %get3A_1027 = arith.constant 32 : index
        %get3A_1028 = tpu.vector_load %arg22[%get3A_1026, %get3A_1027] {strides = array<i32>} : memref<64x128xf32, #tpu.memory_space<vmem>>, vector<16xf32>,
        %add3A_1029 = arith.addf %get3A_1025, %get3A_1028 : vector<16xf32>
        %mul3A_1030 = arith.mulf %add3A_1029, %gather3A_998 : vector<16xf32>
        %swap3A_1031 = arith.index_cast %add3A_1000 : i32 to index
        %swap3A_1032 = arith.constant 32 : index
        %swap3A_1033 = tpu.vector_load %arg23[%swap3A_1031, %swap3A_1032] {strides = array<i32>} : memref<64x128xf32, #tpu.memory_space<vmem>>, vector<16xf32>,
        tpu.vector_store %arg23[%swap3A_1031, %swap3A_1032], %mul3A_1030 {strides = array<i32>} : memref<64x128xf32, #tpu.memory_space<vmem>>, vector<16xf32>,
        %get3A_1034 = arith.index_cast %add3A_1000 : i32 to index
        %get3A_1035 = arith.constant 48 : index
        %get3A_1036 = tpu.vector_load %arg23[%get3A_1034, %get3A_1035] {strides = array<i32>} : memref<64x128xf32, #tpu.memory_space<vmem>>, vector<16xf32>,
        %get3A_1037 = arith.index_cast %add3A_1000 : i32 to index
        %get3A_1038 = arith.constant 48 : index
        %get3A_1039 = tpu.vector_load %arg22[%get3A_1037, %get3A_1038] {strides = array<i32>} : memref<64x128xf32, #tpu.memory_space<vmem>>, vector<16xf32>,
        %add3A_1040 = arith.addf %get3A_1036, %get3A_1039 : vector<16xf32>
        %mul3A_1041 = arith.mulf %add3A_1040, %gather3A_998 : vector<16xf32>
        %swap3A_1042 = arith.index_cast %add3A_1000 : i32 to index
        %swap3A_1043 = arith.constant 48 : index
        %swap3A_1044 = tpu.vector_load %arg23[%swap3A_1042, %swap3A_1043] {strides = array<i32>} : memref<64x128xf32, #tpu.memory_space<vmem>>, vector<16xf32>,
        tpu.vector_store %arg23[%swap3A_1042, %swap3A_1043], %mul3A_1041 {strides = array<i32>} : memref<64x128xf32, #tpu.memory_space<vmem>>, vector<16xf32>,
        %get3A_1045 = arith.index_cast %add3A_1000 : i32 to index
        %get3A_1046 = arith.constant 64 : index
        %get3A_1047 = tpu.vector_load %arg23[%get3A_1045, %get3A_1046] {strides = array<i32>} : memref<64x128xf32, #tpu.memory_space<vmem>>, vector<16xf32>,
        %get3A_1048 = arith.index_cast %add3A_1000 : i32 to index
        %get3A_1049 = arith.constant 64 : index
        %get3A_1050 = tpu.vector_load %arg22[%get3A_1048, %get3A_1049] {strides = array<i32>} : memref<64x128xf32, #tpu.memory_space<vmem>>, vector<16xf32>,
        %add3A_1051 = arith.addf %get3A_1047, %get3A_1050 : vector<16xf32>
        %mul3A_1052 = arith.mulf %add3A_1051, %gather3A_998 : vector<16xf32>
        %swap3A_1053 = arith.index_cast %add3A_1000 : i32 to index
        %swap3A_1054 = arith.constant 64 : index
        %swap3A_1055 = tpu.vector_load %arg23[%swap3A_1053, %swap3A_1054] {strides = array<i32>} : memref<64x128xf32, #tpu.memory_space<vmem>>, vector<16xf32>,
        tpu.vector_store %arg23[%swap3A_1053, %swap3A_1054], %mul3A_1052 {strides = array<i32>} : memref<64x128xf32, #tpu.memory_space<vmem>>, vector<16xf32>,
        %get3A_1056 = arith.index_cast %add3A_1000 : i32 to index
        %get3A_1057 = arith.constant 80 : index
        %get3A_1058 = tpu.vector_load %arg23[%get3A_1056, %get3A_1057] {strides = array<i32>} : memref<64x128xf32, #tpu.memory_space<vmem>>, vector<16xf32>,
        %get3A_1059 = arith.index_cast %add3A_1000 : i32 to index
        %get3A_1060 = arith.constant 80 : index
        %get3A_1061 = tpu.vector_load %arg22[%get3A_1059, %get3A_1060] {strides = array<i32>} : memref<64x128xf32, #tpu.memory_space<vmem>>, vector<16xf32>,
        %add3A_1062 = arith.addf %get3A_1058, %get3A_1061 : vector<16xf32>
        %mul3A_1063 = arith.mulf %add3A_1062, %gather3A_998 : vector<16xf32>
        %swap3A_1064 = arith.index_cast %add3A_1000 : i32 to index
        %swap3A_1065 = arith.constant 80 : index
        %swap3A_1066 = tpu.vector_load %arg23[%swap3A_1064, %swap3A_1065] {strides = array<i32>} : memref<64x128xf32, #tpu.memory_space<vmem>>, vector<16xf32>,
        tpu.vector_store %arg23[%swap3A_1064, %swap3A_1065], %mul3A_1063 {strides = array<i32>} : memref<64x128xf32, #tpu.memory_space<vmem>>, vector<16xf32>,
        %get3A_1067 = arith.index_cast %add3A_1000 : i32 to index
        %get3A_1068 = arith.constant 96 : index
        %get3A_1069 = tpu.vector_load %arg23[%get3A_1067, %get3A_1068] {strides = array<i32>} : memref<64x128xf32, #tpu.memory_space<vmem>>, vector<16xf32>,
        %get3A_1070 = arith.index_cast %add3A_1000 : i32 to index
        %get3A_1071 = arith.constant 96 : index
        %get3A_1072 = tpu.vector_load %arg22[%get3A_1070, %get3A_1071] {strides = array<i32>} : memref<64x128xf32, #tpu.memory_space<vmem>>, vector<16xf32>,
        %add3A_1073 = arith.addf %get3A_1069, %get3A_1072 : vector<16xf32>
        %mul3A_1074 = arith.mulf %add3A_1073, %gather3A_998 : vector<16xf32>
        %swap3A_1075 = arith.index_cast %add3A_1000 : i32 to index
        %swap3A_1076 = arith.constant 96 : index
        %swap3A_1077 = tpu.vector_load %arg23[%swap3A_1075, %swap3A_1076] {strides = array<i32>} : memref<64x128xf32, #tpu.memory_space<vmem>>, vector<16xf32>,
        tpu.vector_store %arg23[%swap3A_1075, %swap3A_1076], %mul3A_1074 {strides = array<i32>} : memref<64x128xf32, #tpu.memory_space<vmem>>, vector<16xf32>,
        %get3A_1078 = arith.index_cast %add3A_1000 : i32 to index
        %get3A_1079 = arith.constant 112 : index
        %get3A_1080 = tpu.vector_load %arg23[%get3A_1078, %get3A_1079] {strides = array<i32>} : memref<64x128xf32, #tpu.memory_space<vmem>>, vector<16xf32>,
        %get3A_1081 = arith.index_cast %add3A_1000 : i32 to index
        %get3A_1082 = arith.constant 112 : index
        %get3A_1083 = tpu.vector_load %arg22[%get3A_1081, %get3A_1082] {strides = array<i32>} : memref<64x128xf32, #tpu.memory_space<vmem>>, vector<16xf32>,
        %add3A_1084 = arith.addf %get3A_1080, %get3A_1083 : vector<16xf32>
        %mul3A_1085 = arith.mulf %add3A_1084, %gather3A_998 : vector<16xf32>
        %swap3A_1086 = arith.index_cast %add3A_1000 : i32 to index
        %swap3A_1087 = arith.constant 112 : index
        %swap3A_1088 = tpu.vector_load %arg23[%swap3A_1086, %swap3A_1087] {strides = array<i32>} : memref<64x128xf32, #tpu.memory_space<vmem>>, vector<16xf32>,
        tpu.vector_store %arg23[%swap3A_1086, %swap3A_1087], %mul3A_1085 {strides = array<i32>} : memref<64x128xf32, #tpu.memory_space<vmem>>, vector<16xf32>,
        %broadcast_in_dim3A_1089 = arith.constant 10 : i32
        %broadcast_in_dim3A_1090 = vector.broadcast %broadcast_in_dim3A_1089 : i32 to vector<16xi32>
        %lt3A_1091 = arith.constant 0 : i32
        %lt3A_1092 = vector.broadcast %lt3A_1091 : i32 to vector<16xi32>
        %lt3A_1093 = arith.cmpi slt, %broadcast_in_dim3A_1090, %lt3A_1092 : vector<16xi32>
        %add3A_1094 = arith.constant 16 : i32
        %add3A_1095 = vector.broadcast %add3A_1094 : i32 to vector<16xi32>
        %add3A_1096 = arith.addi %broadcast_in_dim3A_1090, %add3A_1095 : vector<16xi32>
        %select_n3A_1097 = arith.select %lt3A_1093, %add3A_1096, %broadcast_in_dim3A_1090 : vector<16xi1>, vector<16xi32>
        %broadcast_in_dim3A_1098 = vector.shape_cast %select_n3A_1097 : vector<16xi32> to vector<16x1xi32>
        %gather3A_1099 = vector.shape_cast %broadcast_in_dim3A_1098 : vector<16x1xi32> to vector<16xi32>
        %gather3A_1100 = tpu.dynamic_gather %exp3A[%gather3A_1099] in [0] : vector<16xf32>, vector<16xi32> -> vector<16xf32>
        %add3A_1101 = arith.constant 10 : i32
        %add3A_1102 = arith.addi %mul3A_50, %add3A_1101 : i32
        %get3A_1103 = arith.index_cast %add3A_1102 : i32 to index
        %get3A_1104 = arith.constant 0 : index
        %get3A_1105 = tpu.vector_load %arg23[%get3A_1103, %get3A_1104] {strides = array<i32>} : memref<64x128xf32, #tpu.memory_space<vmem>>, vector<16xf32>,
        %get3A_1106 = arith.index_cast %add3A_1102 : i32 to index
        %get3A_1107 = arith.constant 0 : index
        %get3A_1108 = tpu.vector_load %arg22[%get3A_1106, %get3A_1107] {strides = array<i32>} : memref<64x128xf32, #tpu.memory_space<vmem>>, vector<16xf32>,
        %add3A_1109 = arith.addf %get3A_1105, %get3A_1108 : vector<16xf32>
        %mul3A_1110 = arith.mulf %add3A_1109, %gather3A_1100 : vector<16xf32>
        %swap3A_1111 = arith.index_cast %add3A_1102 : i32 to index
        %swap3A_1112 = arith.constant 0 : index
        %swap3A_1113 = tpu.vector_load %arg23[%swap3A_1111, %swap3A_1112] {strides = array<i32>} : memref<64x128xf32, #tpu.memory_space<vmem>>, vector<16xf32>,
        tpu.vector_store %arg23[%swap3A_1111, %swap3A_1112], %mul3A_1110 {strides = array<i32>} : memref<64x128xf32, #tpu.memory_space<vmem>>, vector<16xf32>,
        %get3A_1114 = arith.index_cast %add3A_1102 : i32 to index
        %get3A_1115 = arith.constant 16 : index
        %get3A_1116 = tpu.vector_load %arg23[%get3A_1114, %get3A_1115] {strides = array<i32>} : memref<64x128xf32, #tpu.memory_space<vmem>>, vector<16xf32>,
        %get3A_1117 = arith.index_cast %add3A_1102 : i32 to index
        %get3A_1118 = arith.constant 16 : index
        %get3A_1119 = tpu.vector_load %arg22[%get3A_1117, %get3A_1118] {strides = array<i32>} : memref<64x128xf32, #tpu.memory_space<vmem>>, vector<16xf32>,
        %add3A_1120 = arith.addf %get3A_1116, %get3A_1119 : vector<16xf32>
        %mul3A_1121 = arith.mulf %add3A_1120, %gather3A_1100 : vector<16xf32>
        %swap3A_1122 = arith.index_cast %add3A_1102 : i32 to index
        %swap3A_1123 = arith.constant 16 : index
        %swap3A_1124 = tpu.vector_load %arg23[%swap3A_1122, %swap3A_1123] {strides = array<i32>} : memref<64x128xf32, #tpu.memory_space<vmem>>, vector<16xf32>,
        tpu.vector_store %arg23[%swap3A_1122, %swap3A_1123], %mul3A_1121 {strides = array<i32>} : memref<64x128xf32, #tpu.memory_space<vmem>>, vector<16xf32>,
        %get3A_1125 = arith.index_cast %add3A_1102 : i32 to index
        %get3A_1126 = arith.constant 32 : index
        %get3A_1127 = tpu.vector_load %arg23[%get3A_1125, %get3A_1126] {strides = array<i32>} : memref<64x128xf32, #tpu.memory_space<vmem>>, vector<16xf32>,
        %get3A_1128 = arith.index_cast %add3A_1102 : i32 to index
        %get3A_1129 = arith.constant 32 : index
        %get3A_1130 = tpu.vector_load %arg22[%get3A_1128, %get3A_1129] {strides = array<i32>} : memref<64x128xf32, #tpu.memory_space<vmem>>, vector<16xf32>,
        %add3A_1131 = arith.addf %get3A_1127, %get3A_1130 : vector<16xf32>
        %mul3A_1132 = arith.mulf %add3A_1131, %gather3A_1100 : vector<16xf32>
        %swap3A_1133 = arith.index_cast %add3A_1102 : i32 to index
        %swap3A_1134 = arith.constant 32 : index
        %swap3A_1135 = tpu.vector_load %arg23[%swap3A_1133, %swap3A_1134] {strides = array<i32>} : memref<64x128xf32, #tpu.memory_space<vmem>>, vector<16xf32>,
        tpu.vector_store %arg23[%swap3A_1133, %swap3A_1134], %mul3A_1132 {strides = array<i32>} : memref<64x128xf32, #tpu.memory_space<vmem>>, vector<16xf32>,
        %get3A_1136 = arith.index_cast %add3A_1102 : i32 to index
        %get3A_1137 = arith.constant 48 : index
        %get3A_1138 = tpu.vector_load %arg23[%get3A_1136, %get3A_1137] {strides = array<i32>} : memref<64x128xf32, #tpu.memory_space<vmem>>, vector<16xf32>,
        %get3A_1139 = arith.index_cast %add3A_1102 : i32 to index
        %get3A_1140 = arith.constant 48 : index
        %get3A_1141 = tpu.vector_load %arg22[%get3A_1139, %get3A_1140] {strides = array<i32>} : memref<64x128xf32, #tpu.memory_space<vmem>>, vector<16xf32>,
        %add3A_1142 = arith.addf %get3A_1138, %get3A_1141 : vector<16xf32>
        %mul3A_1143 = arith.mulf %add3A_1142, %gather3A_1100 : vector<16xf32>
        %swap3A_1144 = arith.index_cast %add3A_1102 : i32 to index
        %swap3A_1145 = arith.constant 48 : index
        %swap3A_1146 = tpu.vector_load %arg23[%swap3A_1144, %swap3A_1145] {strides = array<i32>} : memref<64x128xf32, #tpu.memory_space<vmem>>, vector<16xf32>,
        tpu.vector_store %arg23[%swap3A_1144, %swap3A_1145], %mul3A_1143 {strides = array<i32>} : memref<64x128xf32, #tpu.memory_space<vmem>>, vector<16xf32>,
        %get3A_1147 = arith.index_cast %add3A_1102 : i32 to index
        %get3A_1148 = arith.constant 64 : index
        %get3A_1149 = tpu.vector_load %arg23[%get3A_1147, %get3A_1148] {strides = array<i32>} : memref<64x128xf32, #tpu.memory_space<vmem>>, vector<16xf32>,
        %get3A_1150 = arith.index_cast %add3A_1102 : i32 to index
        %get3A_1151 = arith.constant 64 : index
        %get3A_1152 = tpu.vector_load %arg22[%get3A_1150, %get3A_1151] {strides = array<i32>} : memref<64x128xf32, #tpu.memory_space<vmem>>, vector<16xf32>,
        %add3A_1153 = arith.addf %get3A_1149, %get3A_1152 : vector<16xf32>
        %mul3A_1154 = arith.mulf %add3A_1153, %gather3A_1100 : vector<16xf32>
        %swap3A_1155 = arith.index_cast %add3A_1102 : i32 to index
        %swap3A_1156 = arith.constant 64 : index
        %swap3A_1157 = tpu.vector_load %arg23[%swap3A_1155, %swap3A_1156] {strides = array<i32>} : memref<64x128xf32, #tpu.memory_space<vmem>>, vector<16xf32>,
        tpu.vector_store %arg23[%swap3A_1155, %swap3A_1156], %mul3A_1154 {strides = array<i32>} : memref<64x128xf32, #tpu.memory_space<vmem>>, vector<16xf32>,
        %get3A_1158 = arith.index_cast %add3A_1102 : i32 to index
        %get3A_1159 = arith.constant 80 : index
        %get3A_1160 = tpu.vector_load %arg23[%get3A_1158, %get3A_1159] {strides = array<i32>} : memref<64x128xf32, #tpu.memory_space<vmem>>, vector<16xf32>,
        %get3A_1161 = arith.index_cast %add3A_1102 : i32 to index
        %get3A_1162 = arith.constant 80 : index
        %get3A_1163 = tpu.vector_load %arg22[%get3A_1161, %get3A_1162] {strides = array<i32>} : memref<64x128xf32, #tpu.memory_space<vmem>>, vector<16xf32>,
        %add3A_1164 = arith.addf %get3A_1160, %get3A_1163 : vector<16xf32>
        %mul3A_1165 = arith.mulf %add3A_1164, %gather3A_1100 : vector<16xf32>
        %swap3A_1166 = arith.index_cast %add3A_1102 : i32 to index
        %swap3A_1167 = arith.constant 80 : index
        %swap3A_1168 = tpu.vector_load %arg23[%swap3A_1166, %swap3A_1167] {strides = array<i32>} : memref<64x128xf32, #tpu.memory_space<vmem>>, vector<16xf32>,
        tpu.vector_store %arg23[%swap3A_1166, %swap3A_1167], %mul3A_1165 {strides = array<i32>} : memref<64x128xf32, #tpu.memory_space<vmem>>, vector<16xf32>,
        %get3A_1169 = arith.index_cast %add3A_1102 : i32 to index
        %get3A_1170 = arith.constant 96 : index
        %get3A_1171 = tpu.vector_load %arg23[%get3A_1169, %get3A_1170] {strides = array<i32>} : memref<64x128xf32, #tpu.memory_space<vmem>>, vector<16xf32>,
        %get3A_1172 = arith.index_cast %add3A_1102 : i32 to index
        %get3A_1173 = arith.constant 96 : index
        %get3A_1174 = tpu.vector_load %arg22[%get3A_1172, %get3A_1173] {strides = array<i32>} : memref<64x128xf32, #tpu.memory_space<vmem>>, vector<16xf32>,
        %add3A_1175 = arith.addf %get3A_1171, %get3A_1174 : vector<16xf32>
        %mul3A_1176 = arith.mulf %add3A_1175, %gather3A_1100 : vector<16xf32>
        %swap3A_1177 = arith.index_cast %add3A_1102 : i32 to index
        %swap3A_1178 = arith.constant 96 : index
        %swap3A_1179 = tpu.vector_load %arg23[%swap3A_1177, %swap3A_1178] {strides = array<i32>} : memref<64x128xf32, #tpu.memory_space<vmem>>, vector<16xf32>,
        tpu.vector_store %arg23[%swap3A_1177, %swap3A_1178], %mul3A_1176 {strides = array<i32>} : memref<64x128xf32, #tpu.memory_space<vmem>>, vector<16xf32>,
        %get3A_1180 = arith.index_cast %add3A_1102 : i32 to index
        %get3A_1181 = arith.constant 112 : index
        %get3A_1182 = tpu.vector_load %arg23[%get3A_1180, %get3A_1181] {strides = array<i32>} : memref<64x128xf32, #tpu.memory_space<vmem>>, vector<16xf32>,
        %get3A_1183 = arith.index_cast %add3A_1102 : i32 to index
        %get3A_1184 = arith.constant 112 : index
        %get3A_1185 = tpu.vector_load %arg22[%get3A_1183, %get3A_1184] {strides = array<i32>} : memref<64x128xf32, #tpu.memory_space<vmem>>, vector<16xf32>,
        %add3A_1186 = arith.addf %get3A_1182, %get3A_1185 : vector<16xf32>
        %mul3A_1187 = arith.mulf %add3A_1186, %gather3A_1100 : vector<16xf32>
        %swap3A_1188 = arith.index_cast %add3A_1102 : i32 to index
        %swap3A_1189 = arith.constant 112 : index
        %swap3A_1190 = tpu.vector_load %arg23[%swap3A_1188, %swap3A_1189] {strides = array<i32>} : memref<64x128xf32, #tpu.memory_space<vmem>>, vector<16xf32>,
        tpu.vector_store %arg23[%swap3A_1188, %swap3A_1189], %mul3A_1187 {strides = array<i32>} : memref<64x128xf32, #tpu.memory_space<vmem>>, vector<16xf32>,
        %broadcast_in_dim3A_1191 = arith.constant 11 : i32
        %broadcast_in_dim3A_1192 = vector.broadcast %broadcast_in_dim3A_1191 : i32 to vector<16xi32>
        %lt3A_1193 = arith.constant 0 : i32
        %lt3A_1194 = vector.broadcast %lt3A_1193 : i32 to vector<16xi32>
        %lt3A_1195 = arith.cmpi slt, %broadcast_in_dim3A_1192, %lt3A_1194 : vector<16xi32>
        %add3A_1196 = arith.constant 16 : i32
        %add3A_1197 = vector.broadcast %add3A_1196 : i32 to vector<16xi32>
        %add3A_1198 = arith.addi %broadcast_in_dim3A_1192, %add3A_1197 : vector<16xi32>
        %select_n3A_1199 = arith.select %lt3A_1195, %add3A_1198, %broadcast_in_dim3A_1192 : vector<16xi1>, vector<16xi32>
        %broadcast_in_dim3A_1200 = vector.shape_cast %select_n3A_1199 : vector<16xi32> to vector<16x1xi32>
        %gather3A_1201 = vector.shape_cast %broadcast_in_dim3A_1200 : vector<16x1xi32> to vector<16xi32>
        %gather3A_1202 = tpu.dynamic_gather %exp3A[%gather3A_1201] in [0] : vector<16xf32>, vector<16xi32> -> vector<16xf32>
        %add3A_1203 = arith.constant 11 : i32
        %add3A_1204 = arith.addi %mul3A_50, %add3A_1203 : i32
        %get3A_1205 = arith.index_cast %add3A_1204 : i32 to index
        %get3A_1206 = arith.constant 0 : index
        %get3A_1207 = tpu.vector_load %arg23[%get3A_1205, %get3A_1206] {strides = array<i32>} : memref<64x128xf32, #tpu.memory_space<vmem>>, vector<16xf32>,
        %get3A_1208 = arith.index_cast %add3A_1204 : i32 to index
        %get3A_1209 = arith.constant 0 : index
        %get3A_1210 = tpu.vector_load %arg22[%get3A_1208, %get3A_1209] {strides = array<i32>} : memref<64x128xf32, #tpu.memory_space<vmem>>, vector<16xf32>,
        %add3A_1211 = arith.addf %get3A_1207, %get3A_1210 : vector<16xf32>
        %mul3A_1212 = arith.mulf %add3A_1211, %gather3A_1202 : vector<16xf32>
        %swap3A_1213 = arith.index_cast %add3A_1204 : i32 to index
        %swap3A_1214 = arith.constant 0 : index
        %swap3A_1215 = tpu.vector_load %arg23[%swap3A_1213, %swap3A_1214] {strides = array<i32>} : memref<64x128xf32, #tpu.memory_space<vmem>>, vector<16xf32>,
        tpu.vector_store %arg23[%swap3A_1213, %swap3A_1214], %mul3A_1212 {strides = array<i32>} : memref<64x128xf32, #tpu.memory_space<vmem>>, vector<16xf32>,
        %get3A_1216 = arith.index_cast %add3A_1204 : i32 to index
        %get3A_1217 = arith.constant 16 : index
        %get3A_1218 = tpu.vector_load %arg23[%get3A_1216, %get3A_1217] {strides = array<i32>} : memref<64x128xf32, #tpu.memory_space<vmem>>, vector<16xf32>,
        %get3A_1219 = arith.index_cast %add3A_1204 : i32 to index
        %get3A_1220 = arith.constant 16 : index
        %get3A_1221 = tpu.vector_load %arg22[%get3A_1219, %get3A_1220] {strides = array<i32>} : memref<64x128xf32, #tpu.memory_space<vmem>>, vector<16xf32>,
        %add3A_1222 = arith.addf %get3A_1218, %get3A_1221 : vector<16xf32>
        %mul3A_1223 = arith.mulf %add3A_1222, %gather3A_1202 : vector<16xf32>
        %swap3A_1224 = arith.index_cast %add3A_1204 : i32 to index
        %swap3A_1225 = arith.constant 16 : index
        %swap3A_1226 = tpu.vector_load %arg23[%swap3A_1224, %swap3A_1225] {strides = array<i32>} : memref<64x128xf32, #tpu.memory_space<vmem>>, vector<16xf32>,
        tpu.vector_store %arg23[%swap3A_1224, %swap3A_1225], %mul3A_1223 {strides = array<i32>} : memref<64x128xf32, #tpu.memory_space<vmem>>, vector<16xf32>,
        %get3A_1227 = arith.index_cast %add3A_1204 : i32 to index
        %get3A_1228 = arith.constant 32 : index
        %get3A_1229 = tpu.vector_load %arg23[%get3A_1227, %get3A_1228] {strides = array<i32>} : memref<64x128xf32, #tpu.memory_space<vmem>>, vector<16xf32>,
        %get3A_1230 = arith.index_cast %add3A_1204 : i32 to index
        %get3A_1231 = arith.constant 32 : index
        %get3A_1232 = tpu.vector_load %arg22[%get3A_1230, %get3A_1231] {strides = array<i32>} : memref<64x128xf32, #tpu.memory_space<vmem>>, vector<16xf32>,
        %add3A_1233 = arith.addf %get3A_1229, %get3A_1232 : vector<16xf32>
        %mul3A_1234 = arith.mulf %add3A_1233, %gather3A_1202 : vector<16xf32>
        %swap3A_1235 = arith.index_cast %add3A_1204 : i32 to index
        %swap3A_1236 = arith.constant 32 : index
        %swap3A_1237 = tpu.vector_load %arg23[%swap3A_1235, %swap3A_1236] {strides = array<i32>} : memref<64x128xf32, #tpu.memory_space<vmem>>, vector<16xf32>,
        tpu.vector_store %arg23[%swap3A_1235, %swap3A_1236], %mul3A_1234 {strides = array<i32>} : memref<64x128xf32, #tpu.memory_space<vmem>>, vector<16xf32>,
        %get3A_1238 = arith.index_cast %add3A_1204 : i32 to index
        %get3A_1239 = arith.constant 48 : index
        %get3A_1240 = tpu.vector_load %arg23[%get3A_1238, %get3A_1239] {strides = array<i32>} : memref<64x128xf32, #tpu.memory_space<vmem>>, vector<16xf32>,
        %get3A_1241 = arith.index_cast %add3A_1204 : i32 to index
        %get3A_1242 = arith.constant 48 : index
        %get3A_1243 = tpu.vector_load %arg22[%get3A_1241, %get3A_1242] {strides = array<i32>} : memref<64x128xf32, #tpu.memory_space<vmem>>, vector<16xf32>,
        %add3A_1244 = arith.addf %get3A_1240, %get3A_1243 : vector<16xf32>
        %mul3A_1245 = arith.mulf %add3A_1244, %gather3A_1202 : vector<16xf32>
        %swap3A_1246 = arith.index_cast %add3A_1204 : i32 to index
        %swap3A_1247 = arith.constant 48 : index
        %swap3A_1248 = tpu.vector_load %arg23[%swap3A_1246, %swap3A_1247] {strides = array<i32>} : memref<64x128xf32, #tpu.memory_space<vmem>>, vector<16xf32>,
        tpu.vector_store %arg23[%swap3A_1246, %swap3A_1247], %mul3A_1245 {strides = array<i32>} : memref<64x128xf32, #tpu.memory_space<vmem>>, vector<16xf32>,
        %get3A_1249 = arith.index_cast %add3A_1204 : i32 to index
        %get3A_1250 = arith.constant 64 : index
        %get3A_1251 = tpu.vector_load %arg23[%get3A_1249, %get3A_1250] {strides = array<i32>} : memref<64x128xf32, #tpu.memory_space<vmem>>, vector<16xf32>,
        %get3A_1252 = arith.index_cast %add3A_1204 : i32 to index
        %get3A_1253 = arith.constant 64 : index
        %get3A_1254 = tpu.vector_load %arg22[%get3A_1252, %get3A_1253] {strides = array<i32>} : memref<64x128xf32, #tpu.memory_space<vmem>>, vector<16xf32>,
        %add3A_1255 = arith.addf %get3A_1251, %get3A_1254 : vector<16xf32>
        %mul3A_1256 = arith.mulf %add3A_1255, %gather3A_1202 : vector<16xf32>
        %swap3A_1257 = arith.index_cast %add3A_1204 : i32 to index
        %swap3A_1258 = arith.constant 64 : index
        %swap3A_1259 = tpu.vector_load %arg23[%swap3A_1257, %swap3A_1258] {strides = array<i32>} : memref<64x128xf32, #tpu.memory_space<vmem>>, vector<16xf32>,
        tpu.vector_store %arg23[%swap3A_1257, %swap3A_1258], %mul3A_1256 {strides = array<i32>} : memref<64x128xf32, #tpu.memory_space<vmem>>, vector<16xf32>,
        %get3A_1260 = arith.index_cast %add3A_1204 : i32 to index
        %get3A_1261 = arith.constant 80 : index
        %get3A_1262 = tpu.vector_load %arg23[%get3A_1260, %get3A_1261] {strides = array<i32>} : memref<64x128xf32, #tpu.memory_space<vmem>>, vector<16xf32>,
        %get3A_1263 = arith.index_cast %add3A_1204 : i32 to index
        %get3A_1264 = arith.constant 80 : index
        %get3A_1265 = tpu.vector_load %arg22[%get3A_1263, %get3A_1264] {strides = array<i32>} : memref<64x128xf32, #tpu.memory_space<vmem>>, vector<16xf32>,
        %add3A_1266 = arith.addf %get3A_1262, %get3A_1265 : vector<16xf32>
        %mul3A_1267 = arith.mulf %add3A_1266, %gather3A_1202 : vector<16xf32>
        %swap3A_1268 = arith.index_cast %add3A_1204 : i32 to index
        %swap3A_1269 = arith.constant 80 : index
        %swap3A_1270 = tpu.vector_load %arg23[%swap3A_1268, %swap3A_1269] {strides = array<i32>} : memref<64x128xf32, #tpu.memory_space<vmem>>, vector<16xf32>,
        tpu.vector_store %arg23[%swap3A_1268, %swap3A_1269], %mul3A_1267 {strides = array<i32>} : memref<64x128xf32, #tpu.memory_space<vmem>>, vector<16xf32>,
        %get3A_1271 = arith.index_cast %add3A_1204 : i32 to index
        %get3A_1272 = arith.constant 96 : index
        %get3A_1273 = tpu.vector_load %arg23[%get3A_1271, %get3A_1272] {strides = array<i32>} : memref<64x128xf32, #tpu.memory_space<vmem>>, vector<16xf32>,
        %get3A_1274 = arith.index_cast %add3A_1204 : i32 to index
        %get3A_1275 = arith.constant 96 : index
        %get3A_1276 = tpu.vector_load %arg22[%get3A_1274, %get3A_1275] {strides = array<i32>} : memref<64x128xf32, #tpu.memory_space<vmem>>, vector<16xf32>,
        %add3A_1277 = arith.addf %get3A_1273, %get3A_1276 : vector<16xf32>
        %mul3A_1278 = arith.mulf %add3A_1277, %gather3A_1202 : vector<16xf32>
        %swap3A_1279 = arith.index_cast %add3A_1204 : i32 to index
        %swap3A_1280 = arith.constant 96 : index
        %swap3A_1281 = tpu.vector_load %arg23[%swap3A_1279, %swap3A_1280] {strides = array<i32>} : memref<64x128xf32, #tpu.memory_space<vmem>>, vector<16xf32>,
        tpu.vector_store %arg23[%swap3A_1279, %swap3A_1280], %mul3A_1278 {strides = array<i32>} : memref<64x128xf32, #tpu.memory_space<vmem>>, vector<16xf32>,
        %get3A_1282 = arith.index_cast %add3A_1204 : i32 to index
        %get3A_1283 = arith.constant 112 : index
        %get3A_1284 = tpu.vector_load %arg23[%get3A_1282, %get3A_1283] {strides = array<i32>} : memref<64x128xf32, #tpu.memory_space<vmem>>, vector<16xf32>,
        %get3A_1285 = arith.index_cast %add3A_1204 : i32 to index
        %get3A_1286 = arith.constant 112 : index
        %get3A_1287 = tpu.vector_load %arg22[%get3A_1285, %get3A_1286] {strides = array<i32>} : memref<64x128xf32, #tpu.memory_space<vmem>>, vector<16xf32>,
        %add3A_1288 = arith.addf %get3A_1284, %get3A_1287 : vector<16xf32>
        %mul3A_1289 = arith.mulf %add3A_1288, %gather3A_1202 : vector<16xf32>
        %swap3A_1290 = arith.index_cast %add3A_1204 : i32 to index
        %swap3A_1291 = arith.constant 112 : index
        %swap3A_1292 = tpu.vector_load %arg23[%swap3A_1290, %swap3A_1291] {strides = array<i32>} : memref<64x128xf32, #tpu.memory_space<vmem>>, vector<16xf32>,
        tpu.vector_store %arg23[%swap3A_1290, %swap3A_1291], %mul3A_1289 {strides = array<i32>} : memref<64x128xf32, #tpu.memory_space<vmem>>, vector<16xf32>,
        %broadcast_in_dim3A_1293 = arith.constant 12 : i32
        %broadcast_in_dim3A_1294 = vector.broadcast %broadcast_in_dim3A_1293 : i32 to vector<16xi32>
        %lt3A_1295 = arith.constant 0 : i32
        %lt3A_1296 = vector.broadcast %lt3A_1295 : i32 to vector<16xi32>
        %lt3A_1297 = arith.cmpi slt, %broadcast_in_dim3A_1294, %lt3A_1296 : vector<16xi32>
        %add3A_1298 = arith.constant 16 : i32
        %add3A_1299 = vector.broadcast %add3A_1298 : i32 to vector<16xi32>
        %add3A_1300 = arith.addi %broadcast_in_dim3A_1294, %add3A_1299 : vector<16xi32>
        %select_n3A_1301 = arith.select %lt3A_1297, %add3A_1300, %broadcast_in_dim3A_1294 : vector<16xi1>, vector<16xi32>
        %broadcast_in_dim3A_1302 = vector.shape_cast %select_n3A_1301 : vector<16xi32> to vector<16x1xi32>
        %gather3A_1303 = vector.shape_cast %broadcast_in_dim3A_1302 : vector<16x1xi32> to vector<16xi32>
        %gather3A_1304 = tpu.dynamic_gather %exp3A[%gather3A_1303] in [0] : vector<16xf32>, vector<16xi32> -> vector<16xf32>
        %add3A_1305 = arith.constant 12 : i32
        %add3A_1306 = arith.addi %mul3A_50, %add3A_1305 : i32
        %get3A_1307 = arith.index_cast %add3A_1306 : i32 to index
        %get3A_1308 = arith.constant 0 : index
        %get3A_1309 = tpu.vector_load %arg23[%get3A_1307, %get3A_1308] {strides = array<i32>} : memref<64x128xf32, #tpu.memory_space<vmem>>, vector<16xf32>,
        %get3A_1310 = arith.index_cast %add3A_1306 : i32 to index
        %get3A_1311 = arith.constant 0 : index
        %get3A_1312 = tpu.vector_load %arg22[%get3A_1310, %get3A_1311] {strides = array<i32>} : memref<64x128xf32, #tpu.memory_space<vmem>>, vector<16xf32>,
        %add3A_1313 = arith.addf %get3A_1309, %get3A_1312 : vector<16xf32>
        %mul3A_1314 = arith.mulf %add3A_1313, %gather3A_1304 : vector<16xf32>
        %swap3A_1315 = arith.index_cast %add3A_1306 : i32 to index
        %swap3A_1316 = arith.constant 0 : index
        %swap3A_1317 = tpu.vector_load %arg23[%swap3A_1315, %swap3A_1316] {strides = array<i32>} : memref<64x128xf32, #tpu.memory_space<vmem>>, vector<16xf32>,
        tpu.vector_store %arg23[%swap3A_1315, %swap3A_1316], %mul3A_1314 {strides = array<i32>} : memref<64x128xf32, #tpu.memory_space<vmem>>, vector<16xf32>,
        %get3A_1318 = arith.index_cast %add3A_1306 : i32 to index
        %get3A_1319 = arith.constant 16 : index
        %get3A_1320 = tpu.vector_load %arg23[%get3A_1318, %get3A_1319] {strides = array<i32>} : memref<64x128xf32, #tpu.memory_space<vmem>>, vector<16xf32>,
        %get3A_1321 = arith.index_cast %add3A_1306 : i32 to index
        %get3A_1322 = arith.constant 16 : index
        %get3A_1323 = tpu.vector_load %arg22[%get3A_1321, %get3A_1322] {strides = array<i32>} : memref<64x128xf32, #tpu.memory_space<vmem>>, vector<16xf32>,
        %add3A_1324 = arith.addf %get3A_1320, %get3A_1323 : vector<16xf32>
        %mul3A_1325 = arith.mulf %add3A_1324, %gather3A_1304 : vector<16xf32>
        %swap3A_1326 = arith.index_cast %add3A_1306 : i32 to index
        %swap3A_1327 = arith.constant 16 : index
        %swap3A_1328 = tpu.vector_load %arg23[%swap3A_1326, %swap3A_1327] {strides = array<i32>} : memref<64x128xf32, #tpu.memory_space<vmem>>, vector<16xf32>,
        tpu.vector_store %arg23[%swap3A_1326, %swap3A_1327], %mul3A_1325 {strides = array<i32>} : memref<64x128xf32, #tpu.memory_space<vmem>>, vector<16xf32>,
        %get3A_1329 = arith.index_cast %add3A_1306 : i32 to index
        %get3A_1330 = arith.constant 32 : index
        %get3A_1331 = tpu.vector_load %arg23[%get3A_1329, %get3A_1330] {strides = array<i32>} : memref<64x128xf32, #tpu.memory_space<vmem>>, vector<16xf32>,
        %get3A_1332 = arith.index_cast %add3A_1306 : i32 to index
        %get3A_1333 = arith.constant 32 : index
        %get3A_1334 = tpu.vector_load %arg22[%get3A_1332, %get3A_1333] {strides = array<i32>} : memref<64x128xf32, #tpu.memory_space<vmem>>, vector<16xf32>,
        %add3A_1335 = arith.addf %get3A_1331, %get3A_1334 : vector<16xf32>
        %mul3A_1336 = arith.mulf %add3A_1335, %gather3A_1304 : vector<16xf32>
        %swap3A_1337 = arith.index_cast %add3A_1306 : i32 to index
        %swap3A_1338 = arith.constant 32 : index
        %swap3A_1339 = tpu.vector_load %arg23[%swap3A_1337, %swap3A_1338] {strides = array<i32>} : memref<64x128xf32, #tpu.memory_space<vmem>>, vector<16xf32>,
        tpu.vector_store %arg23[%swap3A_1337, %swap3A_1338], %mul3A_1336 {strides = array<i32>} : memref<64x128xf32, #tpu.memory_space<vmem>>, vector<16xf32>,
        %get3A_1340 = arith.index_cast %add3A_1306 : i32 to index
        %get3A_1341 = arith.constant 48 : index
        %get3A_1342 = tpu.vector_load %arg23[%get3A_1340, %get3A_1341] {strides = array<i32>} : memref<64x128xf32, #tpu.memory_space<vmem>>, vector<16xf32>,
        %get3A_1343 = arith.index_cast %add3A_1306 : i32 to index
        %get3A_1344 = arith.constant 48 : index
        %get3A_1345 = tpu.vector_load %arg22[%get3A_1343, %get3A_1344] {strides = array<i32>} : memref<64x128xf32, #tpu.memory_space<vmem>>, vector<16xf32>,
        %add3A_1346 = arith.addf %get3A_1342, %get3A_1345 : vector<16xf32>
        %mul3A_1347 = arith.mulf %add3A_1346, %gather3A_1304 : vector<16xf32>
        %swap3A_1348 = arith.index_cast %add3A_1306 : i32 to index
        %swap3A_1349 = arith.constant 48 : index
        %swap3A_1350 = tpu.vector_load %arg23[%swap3A_1348, %swap3A_1349] {strides = array<i32>} : memref<64x128xf32, #tpu.memory_space<vmem>>, vector<16xf32>,
        tpu.vector_store %arg23[%swap3A_1348, %swap3A_1349], %mul3A_1347 {strides = array<i32>} : memref<64x128xf32, #tpu.memory_space<vmem>>, vector<16xf32>,
        %get3A_1351 = arith.index_cast %add3A_1306 : i32 to index
        %get3A_1352 = arith.constant 64 : index
        %get3A_1353 = tpu.vector_load %arg23[%get3A_1351, %get3A_1352] {strides = array<i32>} : memref<64x128xf32, #tpu.memory_space<vmem>>, vector<16xf32>,
        %get3A_1354 = arith.index_cast %add3A_1306 : i32 to index
        %get3A_1355 = arith.constant 64 : index
        %get3A_1356 = tpu.vector_load %arg22[%get3A_1354, %get3A_1355] {strides = array<i32>} : memref<64x128xf32, #tpu.memory_space<vmem>>, vector<16xf32>,
        %add3A_1357 = arith.addf %get3A_1353, %get3A_1356 : vector<16xf32>
        %mul3A_1358 = arith.mulf %add3A_1357, %gather3A_1304 : vector<16xf32>
        %swap3A_1359 = arith.index_cast %add3A_1306 : i32 to index
        %swap3A_1360 = arith.constant 64 : index
        %swap3A_1361 = tpu.vector_load %arg23[%swap3A_1359, %swap3A_1360] {strides = array<i32>} : memref<64x128xf32, #tpu.memory_space<vmem>>, vector<16xf32>,
        tpu.vector_store %arg23[%swap3A_1359, %swap3A_1360], %mul3A_1358 {strides = array<i32>} : memref<64x128xf32, #tpu.memory_space<vmem>>, vector<16xf32>,
        %get3A_1362 = arith.index_cast %add3A_1306 : i32 to index
        %get3A_1363 = arith.constant 80 : index
        %get3A_1364 = tpu.vector_load %arg23[%get3A_1362, %get3A_1363] {strides = array<i32>} : memref<64x128xf32, #tpu.memory_space<vmem>>, vector<16xf32>,
        %get3A_1365 = arith.index_cast %add3A_1306 : i32 to index
        %get3A_1366 = arith.constant 80 : index
        %get3A_1367 = tpu.vector_load %arg22[%get3A_1365, %get3A_1366] {strides = array<i32>} : memref<64x128xf32, #tpu.memory_space<vmem>>, vector<16xf32>,
        %add3A_1368 = arith.addf %get3A_1364, %get3A_1367 : vector<16xf32>
        %mul3A_1369 = arith.mulf %add3A_1368, %gather3A_1304 : vector<16xf32>
        %swap3A_1370 = arith.index_cast %add3A_1306 : i32 to index
        %swap3A_1371 = arith.constant 80 : index
        %swap3A_1372 = tpu.vector_load %arg23[%swap3A_1370, %swap3A_1371] {strides = array<i32>} : memref<64x128xf32, #tpu.memory_space<vmem>>, vector<16xf32>,
        tpu.vector_store %arg23[%swap3A_1370, %swap3A_1371], %mul3A_1369 {strides = array<i32>} : memref<64x128xf32, #tpu.memory_space<vmem>>, vector<16xf32>,
        %get3A_1373 = arith.index_cast %add3A_1306 : i32 to index
        %get3A_1374 = arith.constant 96 : index
        %get3A_1375 = tpu.vector_load %arg23[%get3A_1373, %get3A_1374] {strides = array<i32>} : memref<64x128xf32, #tpu.memory_space<vmem>>, vector<16xf32>,
        %get3A_1376 = arith.index_cast %add3A_1306 : i32 to index
        %get3A_1377 = arith.constant 96 : index
        %get3A_1378 = tpu.vector_load %arg22[%get3A_1376, %get3A_1377] {strides = array<i32>} : memref<64x128xf32, #tpu.memory_space<vmem>>, vector<16xf32>,
        %add3A_1379 = arith.addf %get3A_1375, %get3A_1378 : vector<16xf32>
        %mul3A_1380 = arith.mulf %add3A_1379, %gather3A_1304 : vector<16xf32>
        %swap3A_1381 = arith.index_cast %add3A_1306 : i32 to index
        %swap3A_1382 = arith.constant 96 : index
        %swap3A_1383 = tpu.vector_load %arg23[%swap3A_1381, %swap3A_1382] {strides = array<i32>} : memref<64x128xf32, #tpu.memory_space<vmem>>, vector<16xf32>,
        tpu.vector_store %arg23[%swap3A_1381, %swap3A_1382], %mul3A_1380 {strides = array<i32>} : memref<64x128xf32, #tpu.memory_space<vmem>>, vector<16xf32>,
        %get3A_1384 = arith.index_cast %add3A_1306 : i32 to index
        %get3A_1385 = arith.constant 112 : index
        %get3A_1386 = tpu.vector_load %arg23[%get3A_1384, %get3A_1385] {strides = array<i32>} : memref<64x128xf32, #tpu.memory_space<vmem>>, vector<16xf32>,
        %get3A_1387 = arith.index_cast %add3A_1306 : i32 to index
        %get3A_1388 = arith.constant 112 : index
        %get3A_1389 = tpu.vector_load %arg22[%get3A_1387, %get3A_1388] {strides = array<i32>} : memref<64x128xf32, #tpu.memory_space<vmem>>, vector<16xf32>,
        %add3A_1390 = arith.addf %get3A_1386, %get3A_1389 : vector<16xf32>
        %mul3A_1391 = arith.mulf %add3A_1390, %gather3A_1304 : vector<16xf32>
        %swap3A_1392 = arith.index_cast %add3A_1306 : i32 to index
        %swap3A_1393 = arith.constant 112 : index
        %swap3A_1394 = tpu.vector_load %arg23[%swap3A_1392, %swap3A_1393] {strides = array<i32>} : memref<64x128xf32, #tpu.memory_space<vmem>>, vector<16xf32>,
        tpu.vector_store %arg23[%swap3A_1392, %swap3A_1393], %mul3A_1391 {strides = array<i32>} : memref<64x128xf32, #tpu.memory_space<vmem>>, vector<16xf32>,
        %broadcast_in_dim3A_1395 = arith.constant 13 : i32
        %broadcast_in_dim3A_1396 = vector.broadcast %broadcast_in_dim3A_1395 : i32 to vector<16xi32>
        %lt3A_1397 = arith.constant 0 : i32
        %lt3A_1398 = vector.broadcast %lt3A_1397 : i32 to vector<16xi32>
        %lt3A_1399 = arith.cmpi slt, %broadcast_in_dim3A_1396, %lt3A_1398 : vector<16xi32>
        %add3A_1400 = arith.constant 16 : i32
        %add3A_1401 = vector.broadcast %add3A_1400 : i32 to vector<16xi32>
        %add3A_1402 = arith.addi %broadcast_in_dim3A_1396, %add3A_1401 : vector<16xi32>
        %select_n3A_1403 = arith.select %lt3A_1399, %add3A_1402, %broadcast_in_dim3A_1396 : vector<16xi1>, vector<16xi32>
        %broadcast_in_dim3A_1404 = vector.shape_cast %select_n3A_1403 : vector<16xi32> to vector<16x1xi32>
        %gather3A_1405 = vector.shape_cast %broadcast_in_dim3A_1404 : vector<16x1xi32> to vector<16xi32>
        %gather3A_1406 = tpu.dynamic_gather %exp3A[%gather3A_1405] in [0] : vector<16xf32>, vector<16xi32> -> vector<16xf32>
        %add3A_1407 = arith.constant 13 : i32
        %add3A_1408 = arith.addi %mul3A_50, %add3A_1407 : i32
        %get3A_1409 = arith.index_cast %add3A_1408 : i32 to index
        %get3A_1410 = arith.constant 0 : index
        %get3A_1411 = tpu.vector_load %arg23[%get3A_1409, %get3A_1410] {strides = array<i32>} : memref<64x128xf32, #tpu.memory_space<vmem>>, vector<16xf32>,
        %get3A_1412 = arith.index_cast %add3A_1408 : i32 to index
        %get3A_1413 = arith.constant 0 : index
        %get3A_1414 = tpu.vector_load %arg22[%get3A_1412, %get3A_1413] {strides = array<i32>} : memref<64x128xf32, #tpu.memory_space<vmem>>, vector<16xf32>,
        %add3A_1415 = arith.addf %get3A_1411, %get3A_1414 : vector<16xf32>
        %mul3A_1416 = arith.mulf %add3A_1415, %gather3A_1406 : vector<16xf32>
        %swap3A_1417 = arith.index_cast %add3A_1408 : i32 to index
        %swap3A_1418 = arith.constant 0 : index
        %swap3A_1419 = tpu.vector_load %arg23[%swap3A_1417, %swap3A_1418] {strides = array<i32>} : memref<64x128xf32, #tpu.memory_space<vmem>>, vector<16xf32>,
        tpu.vector_store %arg23[%swap3A_1417, %swap3A_1418], %mul3A_1416 {strides = array<i32>} : memref<64x128xf32, #tpu.memory_space<vmem>>, vector<16xf32>,
        %get3A_1420 = arith.index_cast %add3A_1408 : i32 to index
        %get3A_1421 = arith.constant 16 : index
        %get3A_1422 = tpu.vector_load %arg23[%get3A_1420, %get3A_1421] {strides = array<i32>} : memref<64x128xf32, #tpu.memory_space<vmem>>, vector<16xf32>,
        %get3A_1423 = arith.index_cast %add3A_1408 : i32 to index
        %get3A_1424 = arith.constant 16 : index
        %get3A_1425 = tpu.vector_load %arg22[%get3A_1423, %get3A_1424] {strides = array<i32>} : memref<64x128xf32, #tpu.memory_space<vmem>>, vector<16xf32>,
        %add3A_1426 = arith.addf %get3A_1422, %get3A_1425 : vector<16xf32>
        %mul3A_1427 = arith.mulf %add3A_1426, %gather3A_1406 : vector<16xf32>
        %swap3A_1428 = arith.index_cast %add3A_1408 : i32 to index
        %swap3A_1429 = arith.constant 16 : index
        %swap3A_1430 = tpu.vector_load %arg23[%swap3A_1428, %swap3A_1429] {strides = array<i32>} : memref<64x128xf32, #tpu.memory_space<vmem>>, vector<16xf32>,
        tpu.vector_store %arg23[%swap3A_1428, %swap3A_1429], %mul3A_1427 {strides = array<i32>} : memref<64x128xf32, #tpu.memory_space<vmem>>, vector<16xf32>,
        %get3A_1431 = arith.index_cast %add3A_1408 : i32 to index
        %get3A_1432 = arith.constant 32 : index
        %get3A_1433 = tpu.vector_load %arg23[%get3A_1431, %get3A_1432] {strides = array<i32>} : memref<64x128xf32, #tpu.memory_space<vmem>>, vector<16xf32>,
        %get3A_1434 = arith.index_cast %add3A_1408 : i32 to index
        %get3A_1435 = arith.constant 32 : index
        %get3A_1436 = tpu.vector_load %arg22[%get3A_1434, %get3A_1435] {strides = array<i32>} : memref<64x128xf32, #tpu.memory_space<vmem>>, vector<16xf32>,
        %add3A_1437 = arith.addf %get3A_1433, %get3A_1436 : vector<16xf32>
        %mul3A_1438 = arith.mulf %add3A_1437, %gather3A_1406 : vector<16xf32>
        %swap3A_1439 = arith.index_cast %add3A_1408 : i32 to index
        %swap3A_1440 = arith.constant 32 : index
        %swap3A_1441 = tpu.vector_load %arg23[%swap3A_1439, %swap3A_1440] {strides = array<i32>} : memref<64x128xf32, #tpu.memory_space<vmem>>, vector<16xf32>,
        tpu.vector_store %arg23[%swap3A_1439, %swap3A_1440], %mul3A_1438 {strides = array<i32>} : memref<64x128xf32, #tpu.memory_space<vmem>>, vector<16xf32>,
        %get3A_1442 = arith.index_cast %add3A_1408 : i32 to index
        %get3A_1443 = arith.constant 48 : index
        %get3A_1444 = tpu.vector_load %arg23[%get3A_1442, %get3A_1443] {strides = array<i32>} : memref<64x128xf32, #tpu.memory_space<vmem>>, vector<16xf32>,
        %get3A_1445 = arith.index_cast %add3A_1408 : i32 to index
        %get3A_1446 = arith.constant 48 : index
        %get3A_1447 = tpu.vector_load %arg22[%get3A_1445, %get3A_1446] {strides = array<i32>} : memref<64x128xf32, #tpu.memory_space<vmem>>, vector<16xf32>,
        %add3A_1448 = arith.addf %get3A_1444, %get3A_1447 : vector<16xf32>
        %mul3A_1449 = arith.mulf %add3A_1448, %gather3A_1406 : vector<16xf32>
        %swap3A_1450 = arith.index_cast %add3A_1408 : i32 to index
        %swap3A_1451 = arith.constant 48 : index
        %swap3A_1452 = tpu.vector_load %arg23[%swap3A_1450, %swap3A_1451] {strides = array<i32>} : memref<64x128xf32, #tpu.memory_space<vmem>>, vector<16xf32>,
        tpu.vector_store %arg23[%swap3A_1450, %swap3A_1451], %mul3A_1449 {strides = array<i32>} : memref<64x128xf32, #tpu.memory_space<vmem>>, vector<16xf32>,
        %get3A_1453 = arith.index_cast %add3A_1408 : i32 to index
        %get3A_1454 = arith.constant 64 : index
        %get3A_1455 = tpu.vector_load %arg23[%get3A_1453, %get3A_1454] {strides = array<i32>} : memref<64x128xf32, #tpu.memory_space<vmem>>, vector<16xf32>,
        %get3A_1456 = arith.index_cast %add3A_1408 : i32 to index
        %get3A_1457 = arith.constant 64 : index
        %get3A_1458 = tpu.vector_load %arg22[%get3A_1456, %get3A_1457] {strides = array<i32>} : memref<64x128xf32, #tpu.memory_space<vmem>>, vector<16xf32>,
        %add3A_1459 = arith.addf %get3A_1455, %get3A_1458 : vector<16xf32>
        %mul3A_1460 = arith.mulf %add3A_1459, %gather3A_1406 : vector<16xf32>
        %swap3A_1461 = arith.index_cast %add3A_1408 : i32 to index
        %swap3A_1462 = arith.constant 64 : index
        %swap3A_1463 = tpu.vector_load %arg23[%swap3A_1461, %swap3A_1462] {strides = array<i32>} : memref<64x128xf32, #tpu.memory_space<vmem>>, vector<16xf32>,
        tpu.vector_store %arg23[%swap3A_1461, %swap3A_1462], %mul3A_1460 {strides = array<i32>} : memref<64x128xf32, #tpu.memory_space<vmem>>, vector<16xf32>,
        %get3A_1464 = arith.index_cast %add3A_1408 : i32 to index
        %get3A_1465 = arith.constant 80 : index
        %get3A_1466 = tpu.vector_load %arg23[%get3A_1464, %get3A_1465] {strides = array<i32>} : memref<64x128xf32, #tpu.memory_space<vmem>>, vector<16xf32>,
        %get3A_1467 = arith.index_cast %add3A_1408 : i32 to index
        %get3A_1468 = arith.constant 80 : index
        %get3A_1469 = tpu.vector_load %arg22[%get3A_1467, %get3A_1468] {strides = array<i32>} : memref<64x128xf32, #tpu.memory_space<vmem>>, vector<16xf32>,
        %add3A_1470 = arith.addf %get3A_1466, %get3A_1469 : vector<16xf32>
        %mul3A_1471 = arith.mulf %add3A_1470, %gather3A_1406 : vector<16xf32>
        %swap3A_1472 = arith.index_cast %add3A_1408 : i32 to index
        %swap3A_1473 = arith.constant 80 : index
        %swap3A_1474 = tpu.vector_load %arg23[%swap3A_1472, %swap3A_1473] {strides = array<i32>} : memref<64x128xf32, #tpu.memory_space<vmem>>, vector<16xf32>,
        tpu.vector_store %arg23[%swap3A_1472, %swap3A_1473], %mul3A_1471 {strides = array<i32>} : memref<64x128xf32, #tpu.memory_space<vmem>>, vector<16xf32>,
        %get3A_1475 = arith.index_cast %add3A_1408 : i32 to index
        %get3A_1476 = arith.constant 96 : index
        %get3A_1477 = tpu.vector_load %arg23[%get3A_1475, %get3A_1476] {strides = array<i32>} : memref<64x128xf32, #tpu.memory_space<vmem>>, vector<16xf32>,
        %get3A_1478 = arith.index_cast %add3A_1408 : i32 to index
        %get3A_1479 = arith.constant 96 : index
        %get3A_1480 = tpu.vector_load %arg22[%get3A_1478, %get3A_1479] {strides = array<i32>} : memref<64x128xf32, #tpu.memory_space<vmem>>, vector<16xf32>,
        %add3A_1481 = arith.addf %get3A_1477, %get3A_1480 : vector<16xf32>
        %mul3A_1482 = arith.mulf %add3A_1481, %gather3A_1406 : vector<16xf32>
        %swap3A_1483 = arith.index_cast %add3A_1408 : i32 to index
        %swap3A_1484 = arith.constant 96 : index
        %swap3A_1485 = tpu.vector_load %arg23[%swap3A_1483, %swap3A_1484] {strides = array<i32>} : memref<64x128xf32, #tpu.memory_space<vmem>>, vector<16xf32>,
        tpu.vector_store %arg23[%swap3A_1483, %swap3A_1484], %mul3A_1482 {strides = array<i32>} : memref<64x128xf32, #tpu.memory_space<vmem>>, vector<16xf32>,
        %get3A_1486 = arith.index_cast %add3A_1408 : i32 to index
        %get3A_1487 = arith.constant 112 : index
        %get3A_1488 = tpu.vector_load %arg23[%get3A_1486, %get3A_1487] {strides = array<i32>} : memref<64x128xf32, #tpu.memory_space<vmem>>, vector<16xf32>,
        %get3A_1489 = arith.index_cast %add3A_1408 : i32 to index
        %get3A_1490 = arith.constant 112 : index
        %get3A_1491 = tpu.vector_load %arg22[%get3A_1489, %get3A_1490] {strides = array<i32>} : memref<64x128xf32, #tpu.memory_space<vmem>>, vector<16xf32>,
        %add3A_1492 = arith.addf %get3A_1488, %get3A_1491 : vector<16xf32>
        %mul3A_1493 = arith.mulf %add3A_1492, %gather3A_1406 : vector<16xf32>
        %swap3A_1494 = arith.index_cast %add3A_1408 : i32 to index
        %swap3A_1495 = arith.constant 112 : index
        %swap3A_1496 = tpu.vector_load %arg23[%swap3A_1494, %swap3A_1495] {strides = array<i32>} : memref<64x128xf32, #tpu.memory_space<vmem>>, vector<16xf32>,
        tpu.vector_store %arg23[%swap3A_1494, %swap3A_1495], %mul3A_1493 {strides = array<i32>} : memref<64x128xf32, #tpu.memory_space<vmem>>, vector<16xf32>,
        %broadcast_in_dim3A_1497 = arith.constant 14 : i32
        %broadcast_in_dim3A_1498 = vector.broadcast %broadcast_in_dim3A_1497 : i32 to vector<16xi32>
        %lt3A_1499 = arith.constant 0 : i32
        %lt3A_1500 = vector.broadcast %lt3A_1499 : i32 to vector<16xi32>
        %lt3A_1501 = arith.cmpi slt, %broadcast_in_dim3A_1498, %lt3A_1500 : vector<16xi32>
        %add3A_1502 = arith.constant 16 : i32
        %add3A_1503 = vector.broadcast %add3A_1502 : i32 to vector<16xi32>
        %add3A_1504 = arith.addi %broadcast_in_dim3A_1498, %add3A_1503 : vector<16xi32>
        %select_n3A_1505 = arith.select %lt3A_1501, %add3A_1504, %broadcast_in_dim3A_1498 : vector<16xi1>, vector<16xi32>
        %broadcast_in_dim3A_1506 = vector.shape_cast %select_n3A_1505 : vector<16xi32> to vector<16x1xi32>
        %gather3A_1507 = vector.shape_cast %broadcast_in_dim3A_1506 : vector<16x1xi32> to vector<16xi32>
        %gather3A_1508 = tpu.dynamic_gather %exp3A[%gather3A_1507] in [0] : vector<16xf32>, vector<16xi32> -> vector<16xf32>
        %add3A_1509 = arith.constant 14 : i32
        %add3A_1510 = arith.addi %mul3A_50, %add3A_1509 : i32
        %get3A_1511 = arith.index_cast %add3A_1510 : i32 to index
        %get3A_1512 = arith.constant 0 : index
        %get3A_1513 = tpu.vector_load %arg23[%get3A_1511, %get3A_1512] {strides = array<i32>} : memref<64x128xf32, #tpu.memory_space<vmem>>, vector<16xf32>,
        %get3A_1514 = arith.index_cast %add3A_1510 : i32 to index
        %get3A_1515 = arith.constant 0 : index
        %get3A_1516 = tpu.vector_load %arg22[%get3A_1514, %get3A_1515] {strides = array<i32>} : memref<64x128xf32, #tpu.memory_space<vmem>>, vector<16xf32>,
        %add3A_1517 = arith.addf %get3A_1513, %get3A_1516 : vector<16xf32>
        %mul3A_1518 = arith.mulf %add3A_1517, %gather3A_1508 : vector<16xf32>
        %swap3A_1519 = arith.index_cast %add3A_1510 : i32 to index
        %swap3A_1520 = arith.constant 0 : index
        %swap3A_1521 = tpu.vector_load %arg23[%swap3A_1519, %swap3A_1520] {strides = array<i32>} : memref<64x128xf32, #tpu.memory_space<vmem>>, vector<16xf32>,
        tpu.vector_store %arg23[%swap3A_1519, %swap3A_1520], %mul3A_1518 {strides = array<i32>} : memref<64x128xf32, #tpu.memory_space<vmem>>, vector<16xf32>,
        %get3A_1522 = arith.index_cast %add3A_1510 : i32 to index
        %get3A_1523 = arith.constant 16 : index
        %get3A_1524 = tpu.vector_load %arg23[%get3A_1522, %get3A_1523] {strides = array<i32>} : memref<64x128xf32, #tpu.memory_space<vmem>>, vector<16xf32>,
        %get3A_1525 = arith.index_cast %add3A_1510 : i32 to index
        %get3A_1526 = arith.constant 16 : index
        %get3A_1527 = tpu.vector_load %arg22[%get3A_1525, %get3A_1526] {strides = array<i32>} : memref<64x128xf32, #tpu.memory_space<vmem>>, vector<16xf32>,
        %add3A_1528 = arith.addf %get3A_1524, %get3A_1527 : vector<16xf32>
        %mul3A_1529 = arith.mulf %add3A_1528, %gather3A_1508 : vector<16xf32>
        %swap3A_1530 = arith.index_cast %add3A_1510 : i32 to index
        %swap3A_1531 = arith.constant 16 : index
        %swap3A_1532 = tpu.vector_load %arg23[%swap3A_1530, %swap3A_1531] {strides = array<i32>} : memref<64x128xf32, #tpu.memory_space<vmem>>, vector<16xf32>,
        tpu.vector_store %arg23[%swap3A_1530, %swap3A_1531], %mul3A_1529 {strides = array<i32>} : memref<64x128xf32, #tpu.memory_space<vmem>>, vector<16xf32>,
        %get3A_1533 = arith.index_cast %add3A_1510 : i32 to index
        %get3A_1534 = arith.constant 32 : index
        %get3A_1535 = tpu.vector_load %arg23[%get3A_1533, %get3A_1534] {strides = array<i32>} : memref<64x128xf32, #tpu.memory_space<vmem>>, vector<16xf32>,
        %get3A_1536 = arith.index_cast %add3A_1510 : i32 to index
        %get3A_1537 = arith.constant 32 : index
        %get3A_1538 = tpu.vector_load %arg22[%get3A_1536, %get3A_1537] {strides = array<i32>} : memref<64x128xf32, #tpu.memory_space<vmem>>, vector<16xf32>,
        %add3A_1539 = arith.addf %get3A_1535, %get3A_1538 : vector<16xf32>
        %mul3A_1540 = arith.mulf %add3A_1539, %gather3A_1508 : vector<16xf32>
        %swap3A_1541 = arith.index_cast %add3A_1510 : i32 to index
        %swap3A_1542 = arith.constant 32 : index
        %swap3A_1543 = tpu.vector_load %arg23[%swap3A_1541, %swap3A_1542] {strides = array<i32>} : memref<64x128xf32, #tpu.memory_space<vmem>>, vector<16xf32>,
        tpu.vector_store %arg23[%swap3A_1541, %swap3A_1542], %mul3A_1540 {strides = array<i32>} : memref<64x128xf32, #tpu.memory_space<vmem>>, vector<16xf32>,
        %get3A_1544 = arith.index_cast %add3A_1510 : i32 to index
        %get3A_1545 = arith.constant 48 : index
        %get3A_1546 = tpu.vector_load %arg23[%get3A_1544, %get3A_1545] {strides = array<i32>} : memref<64x128xf32, #tpu.memory_space<vmem>>, vector<16xf32>,
        %get3A_1547 = arith.index_cast %add3A_1510 : i32 to index
        %get3A_1548 = arith.constant 48 : index
        %get3A_1549 = tpu.vector_load %arg22[%get3A_1547, %get3A_1548] {strides = array<i32>} : memref<64x128xf32, #tpu.memory_space<vmem>>, vector<16xf32>,
        %add3A_1550 = arith.addf %get3A_1546, %get3A_1549 : vector<16xf32>
        %mul3A_1551 = arith.mulf %add3A_1550, %gather3A_1508 : vector<16xf32>
        %swap3A_1552 = arith.index_cast %add3A_1510 : i32 to index
        %swap3A_1553 = arith.constant 48 : index
        %swap3A_1554 = tpu.vector_load %arg23[%swap3A_1552, %swap3A_1553] {strides = array<i32>} : memref<64x128xf32, #tpu.memory_space<vmem>>, vector<16xf32>,
        tpu.vector_store %arg23[%swap3A_1552, %swap3A_1553], %mul3A_1551 {strides = array<i32>} : memref<64x128xf32, #tpu.memory_space<vmem>>, vector<16xf32>,
        %get3A_1555 = arith.index_cast %add3A_1510 : i32 to index
        %get3A_1556 = arith.constant 64 : index
        %get3A_1557 = tpu.vector_load %arg23[%get3A_1555, %get3A_1556] {strides = array<i32>} : memref<64x128xf32, #tpu.memory_space<vmem>>, vector<16xf32>,
        %get3A_1558 = arith.index_cast %add3A_1510 : i32 to index
        %get3A_1559 = arith.constant 64 : index
        %get3A_1560 = tpu.vector_load %arg22[%get3A_1558, %get3A_1559] {strides = array<i32>} : memref<64x128xf32, #tpu.memory_space<vmem>>, vector<16xf32>,
        %add3A_1561 = arith.addf %get3A_1557, %get3A_1560 : vector<16xf32>
        %mul3A_1562 = arith.mulf %add3A_1561, %gather3A_1508 : vector<16xf32>
        %swap3A_1563 = arith.index_cast %add3A_1510 : i32 to index
        %swap3A_1564 = arith.constant 64 : index
        %swap3A_1565 = tpu.vector_load %arg23[%swap3A_1563, %swap3A_1564] {strides = array<i32>} : memref<64x128xf32, #tpu.memory_space<vmem>>, vector<16xf32>,
        tpu.vector_store %arg23[%swap3A_1563, %swap3A_1564], %mul3A_1562 {strides = array<i32>} : memref<64x128xf32, #tpu.memory_space<vmem>>, vector<16xf32>,
        %get3A_1566 = arith.index_cast %add3A_1510 : i32 to index
        %get3A_1567 = arith.constant 80 : index
        %get3A_1568 = tpu.vector_load %arg23[%get3A_1566, %get3A_1567] {strides = array<i32>} : memref<64x128xf32, #tpu.memory_space<vmem>>, vector<16xf32>,
        %get3A_1569 = arith.index_cast %add3A_1510 : i32 to index
        %get3A_1570 = arith.constant 80 : index
        %get3A_1571 = tpu.vector_load %arg22[%get3A_1569, %get3A_1570] {strides = array<i32>} : memref<64x128xf32, #tpu.memory_space<vmem>>, vector<16xf32>,
        %add3A_1572 = arith.addf %get3A_1568, %get3A_1571 : vector<16xf32>
        %mul3A_1573 = arith.mulf %add3A_1572, %gather3A_1508 : vector<16xf32>
        %swap3A_1574 = arith.index_cast %add3A_1510 : i32 to index
        %swap3A_1575 = arith.constant 80 : index
        %swap3A_1576 = tpu.vector_load %arg23[%swap3A_1574, %swap3A_1575] {strides = array<i32>} : memref<64x128xf32, #tpu.memory_space<vmem>>, vector<16xf32>,
        tpu.vector_store %arg23[%swap3A_1574, %swap3A_1575], %mul3A_1573 {strides = array<i32>} : memref<64x128xf32, #tpu.memory_space<vmem>>, vector<16xf32>,
        %get3A_1577 = arith.index_cast %add3A_1510 : i32 to index
        %get3A_1578 = arith.constant 96 : index
        %get3A_1579 = tpu.vector_load %arg23[%get3A_1577, %get3A_1578] {strides = array<i32>} : memref<64x128xf32, #tpu.memory_space<vmem>>, vector<16xf32>,
        %get3A_1580 = arith.index_cast %add3A_1510 : i32 to index
        %get3A_1581 = arith.constant 96 : index
        %get3A_1582 = tpu.vector_load %arg22[%get3A_1580, %get3A_1581] {strides = array<i32>} : memref<64x128xf32, #tpu.memory_space<vmem>>, vector<16xf32>,
        %add3A_1583 = arith.addf %get3A_1579, %get3A_1582 : vector<16xf32>
        %mul3A_1584 = arith.mulf %add3A_1583, %gather3A_1508 : vector<16xf32>
        %swap3A_1585 = arith.index_cast %add3A_1510 : i32 to index
        %swap3A_1586 = arith.constant 96 : index
        %swap3A_1587 = tpu.vector_load %arg23[%swap3A_1585, %swap3A_1586] {strides = array<i32>} : memref<64x128xf32, #tpu.memory_space<vmem>>, vector<16xf32>,
        tpu.vector_store %arg23[%swap3A_1585, %swap3A_1586], %mul3A_1584 {strides = array<i32>} : memref<64x128xf32, #tpu.memory_space<vmem>>, vector<16xf32>,
        %get3A_1588 = arith.index_cast %add3A_1510 : i32 to index
        %get3A_1589 = arith.constant 112 : index
        %get3A_1590 = tpu.vector_load %arg23[%get3A_1588, %get3A_1589] {strides = array<i32>} : memref<64x128xf32, #tpu.memory_space<vmem>>, vector<16xf32>,
        %get3A_1591 = arith.index_cast %add3A_1510 : i32 to index
        %get3A_1592 = arith.constant 112 : index
        %get3A_1593 = tpu.vector_load %arg22[%get3A_1591, %get3A_1592] {strides = array<i32>} : memref<64x128xf32, #tpu.memory_space<vmem>>, vector<16xf32>,
        %add3A_1594 = arith.addf %get3A_1590, %get3A_1593 : vector<16xf32>
        %mul3A_1595 = arith.mulf %add3A_1594, %gather3A_1508 : vector<16xf32>
        %swap3A_1596 = arith.index_cast %add3A_1510 : i32 to index
        %swap3A_1597 = arith.constant 112 : index
        %swap3A_1598 = tpu.vector_load %arg23[%swap3A_1596, %swap3A_1597] {strides = array<i32>} : memref<64x128xf32, #tpu.memory_space<vmem>>, vector<16xf32>,
        tpu.vector_store %arg23[%swap3A_1596, %swap3A_1597], %mul3A_1595 {strides = array<i32>} : memref<64x128xf32, #tpu.memory_space<vmem>>, vector<16xf32>,
        %broadcast_in_dim3A_1599 = arith.constant 15 : i32
        %broadcast_in_dim3A_1600 = vector.broadcast %broadcast_in_dim3A_1599 : i32 to vector<16xi32>
        %lt3A_1601 = arith.constant 0 : i32
        %lt3A_1602 = vector.broadcast %lt3A_1601 : i32 to vector<16xi32>
        %lt3A_1603 = arith.cmpi slt, %broadcast_in_dim3A_1600, %lt3A_1602 : vector<16xi32>
        %add3A_1604 = arith.constant 16 : i32
        %add3A_1605 = vector.broadcast %add3A_1604 : i32 to vector<16xi32>
        %add3A_1606 = arith.addi %broadcast_in_dim3A_1600, %add3A_1605 : vector<16xi32>
        %select_n3A_1607 = arith.select %lt3A_1603, %add3A_1606, %broadcast_in_dim3A_1600 : vector<16xi1>, vector<16xi32>
        %broadcast_in_dim3A_1608 = vector.shape_cast %select_n3A_1607 : vector<16xi32> to vector<16x1xi32>
        %gather3A_1609 = vector.shape_cast %broadcast_in_dim3A_1608 : vector<16x1xi32> to vector<16xi32>
        %gather3A_1610 = tpu.dynamic_gather %exp3A[%gather3A_1609] in [0] : vector<16xf32>, vector<16xi32> -> vector<16xf32>
        %add3A_1611 = arith.constant 15 : i32
        %add3A_1612 = arith.addi %mul3A_50, %add3A_1611 : i32
        %get3A_1613 = arith.index_cast %add3A_1612 : i32 to index
        %get3A_1614 = arith.constant 0 : index
        %get3A_1615 = tpu.vector_load %arg23[%get3A_1613, %get3A_1614] {strides = array<i32>} : memref<64x128xf32, #tpu.memory_space<vmem>>, vector<16xf32>,
        %get3A_1616 = arith.index_cast %add3A_1612 : i32 to index
        %get3A_1617 = arith.constant 0 : index
        %get3A_1618 = tpu.vector_load %arg22[%get3A_1616, %get3A_1617] {strides = array<i32>} : memref<64x128xf32, #tpu.memory_space<vmem>>, vector<16xf32>,
        %add3A_1619 = arith.addf %get3A_1615, %get3A_1618 : vector<16xf32>
        %mul3A_1620 = arith.mulf %add3A_1619, %gather3A_1610 : vector<16xf32>
        %swap3A_1621 = arith.index_cast %add3A_1612 : i32 to index
        %swap3A_1622 = arith.constant 0 : index
        %swap3A_1623 = tpu.vector_load %arg23[%swap3A_1621, %swap3A_1622] {strides = array<i32>} : memref<64x128xf32, #tpu.memory_space<vmem>>, vector<16xf32>,
        tpu.vector_store %arg23[%swap3A_1621, %swap3A_1622], %mul3A_1620 {strides = array<i32>} : memref<64x128xf32, #tpu.memory_space<vmem>>, vector<16xf32>,
        %get3A_1624 = arith.index_cast %add3A_1612 : i32 to index
        %get3A_1625 = arith.constant 16 : index
        %get3A_1626 = tpu.vector_load %arg23[%get3A_1624, %get3A_1625] {strides = array<i32>} : memref<64x128xf32, #tpu.memory_space<vmem>>, vector<16xf32>,
        %get3A_1627 = arith.index_cast %add3A_1612 : i32 to index
        %get3A_1628 = arith.constant 16 : index
        %get3A_1629 = tpu.vector_load %arg22[%get3A_1627, %get3A_1628] {strides = array<i32>} : memref<64x128xf32, #tpu.memory_space<vmem>>, vector<16xf32>,
        %add3A_1630 = arith.addf %get3A_1626, %get3A_1629 : vector<16xf32>
        %mul3A_1631 = arith.mulf %add3A_1630, %gather3A_1610 : vector<16xf32>
        %swap3A_1632 = arith.index_cast %add3A_1612 : i32 to index
        %swap3A_1633 = arith.constant 16 : index
        %swap3A_1634 = tpu.vector_load %arg23[%swap3A_1632, %swap3A_1633] {strides = array<i32>} : memref<64x128xf32, #tpu.memory_space<vmem>>, vector<16xf32>,
        tpu.vector_store %arg23[%swap3A_1632, %swap3A_1633], %mul3A_1631 {strides = array<i32>} : memref<64x128xf32, #tpu.memory_space<vmem>>, vector<16xf32>,
        %get3A_1635 = arith.index_cast %add3A_1612 : i32 to index
        %get3A_1636 = arith.constant 32 : index
        %get3A_1637 = tpu.vector_load %arg23[%get3A_1635, %get3A_1636] {strides = array<i32>} : memref<64x128xf32, #tpu.memory_space<vmem>>, vector<16xf32>,
        %get3A_1638 = arith.index_cast %add3A_1612 : i32 to index
        %get3A_1639 = arith.constant 32 : index
        %get3A_1640 = tpu.vector_load %arg22[%get3A_1638, %get3A_1639] {strides = array<i32>} : memref<64x128xf32, #tpu.memory_space<vmem>>, vector<16xf32>,
        %add3A_1641 = arith.addf %get3A_1637, %get3A_1640 : vector<16xf32>
        %mul3A_1642 = arith.mulf %add3A_1641, %gather3A_1610 : vector<16xf32>
        %swap3A_1643 = arith.index_cast %add3A_1612 : i32 to index
        %swap3A_1644 = arith.constant 32 : index
        %swap3A_1645 = tpu.vector_load %arg23[%swap3A_1643, %swap3A_1644] {strides = array<i32>} : memref<64x128xf32, #tpu.memory_space<vmem>>, vector<16xf32>,
        tpu.vector_store %arg23[%swap3A_1643, %swap3A_1644], %mul3A_1642 {strides = array<i32>} : memref<64x128xf32, #tpu.memory_space<vmem>>, vector<16xf32>,
        %get3A_1646 = arith.index_cast %add3A_1612 : i32 to index
        %get3A_1647 = arith.constant 48 : index
        %get3A_1648 = tpu.vector_load %arg23[%get3A_1646, %get3A_1647] {strides = array<i32>} : memref<64x128xf32, #tpu.memory_space<vmem>>, vector<16xf32>,
        %get3A_1649 = arith.index_cast %add3A_1612 : i32 to index
        %get3A_1650 = arith.constant 48 : index
        %get3A_1651 = tpu.vector_load %arg22[%get3A_1649, %get3A_1650] {strides = array<i32>} : memref<64x128xf32, #tpu.memory_space<vmem>>, vector<16xf32>,
        %add3A_1652 = arith.addf %get3A_1648, %get3A_1651 : vector<16xf32>
        %mul3A_1653 = arith.mulf %add3A_1652, %gather3A_1610 : vector<16xf32>
        %swap3A_1654 = arith.index_cast %add3A_1612 : i32 to index
        %swap3A_1655 = arith.constant 48 : index
        %swap3A_1656 = tpu.vector_load %arg23[%swap3A_1654, %swap3A_1655] {strides = array<i32>} : memref<64x128xf32, #tpu.memory_space<vmem>>, vector<16xf32>,
        tpu.vector_store %arg23[%swap3A_1654, %swap3A_1655], %mul3A_1653 {strides = array<i32>} : memref<64x128xf32, #tpu.memory_space<vmem>>, vector<16xf32>,
        %get3A_1657 = arith.index_cast %add3A_1612 : i32 to index
        %get3A_1658 = arith.constant 64 : index
        %get3A_1659 = tpu.vector_load %arg23[%get3A_1657, %get3A_1658] {strides = array<i32>} : memref<64x128xf32, #tpu.memory_space<vmem>>, vector<16xf32>,
        %get3A_1660 = arith.index_cast %add3A_1612 : i32 to index
        %get3A_1661 = arith.constant 64 : index
        %get3A_1662 = tpu.vector_load %arg22[%get3A_1660, %get3A_1661] {strides = array<i32>} : memref<64x128xf32, #tpu.memory_space<vmem>>, vector<16xf32>,
        %add3A_1663 = arith.addf %get3A_1659, %get3A_1662 : vector<16xf32>
        %mul3A_1664 = arith.mulf %add3A_1663, %gather3A_1610 : vector<16xf32>
        %swap3A_1665 = arith.index_cast %add3A_1612 : i32 to index
        %swap3A_1666 = arith.constant 64 : index
        %swap3A_1667 = tpu.vector_load %arg23[%swap3A_1665, %swap3A_1666] {strides = array<i32>} : memref<64x128xf32, #tpu.memory_space<vmem>>, vector<16xf32>,
        tpu.vector_store %arg23[%swap3A_1665, %swap3A_1666], %mul3A_1664 {strides = array<i32>} : memref<64x128xf32, #tpu.memory_space<vmem>>, vector<16xf32>,
        %get3A_1668 = arith.index_cast %add3A_1612 : i32 to index
        %get3A_1669 = arith.constant 80 : index
        %get3A_1670 = tpu.vector_load %arg23[%get3A_1668, %get3A_1669] {strides = array<i32>} : memref<64x128xf32, #tpu.memory_space<vmem>>, vector<16xf32>,
        %get3A_1671 = arith.index_cast %add3A_1612 : i32 to index
        %get3A_1672 = arith.constant 80 : index
        %get3A_1673 = tpu.vector_load %arg22[%get3A_1671, %get3A_1672] {strides = array<i32>} : memref<64x128xf32, #tpu.memory_space<vmem>>, vector<16xf32>,
        %add3A_1674 = arith.addf %get3A_1670, %get3A_1673 : vector<16xf32>
        %mul3A_1675 = arith.mulf %add3A_1674, %gather3A_1610 : vector<16xf32>
        %swap3A_1676 = arith.index_cast %add3A_1612 : i32 to index
        %swap3A_1677 = arith.constant 80 : index
        %swap3A_1678 = tpu.vector_load %arg23[%swap3A_1676, %swap3A_1677] {strides = array<i32>} : memref<64x128xf32, #tpu.memory_space<vmem>>, vector<16xf32>,
        tpu.vector_store %arg23[%swap3A_1676, %swap3A_1677], %mul3A_1675 {strides = array<i32>} : memref<64x128xf32, #tpu.memory_space<vmem>>, vector<16xf32>,
        %get3A_1679 = arith.index_cast %add3A_1612 : i32 to index
        %get3A_1680 = arith.constant 96 : index
        %get3A_1681 = tpu.vector_load %arg23[%get3A_1679, %get3A_1680] {strides = array<i32>} : memref<64x128xf32, #tpu.memory_space<vmem>>, vector<16xf32>,
        %get3A_1682 = arith.index_cast %add3A_1612 : i32 to index
        %get3A_1683 = arith.constant 96 : index
        %get3A_1684 = tpu.vector_load %arg22[%get3A_1682, %get3A_1683] {strides = array<i32>} : memref<64x128xf32, #tpu.memory_space<vmem>>, vector<16xf32>,
        %add3A_1685 = arith.addf %get3A_1681, %get3A_1684 : vector<16xf32>
        %mul3A_1686 = arith.mulf %add3A_1685, %gather3A_1610 : vector<16xf32>
        %swap3A_1687 = arith.index_cast %add3A_1612 : i32 to index
        %swap3A_1688 = arith.constant 96 : index
        %swap3A_1689 = tpu.vector_load %arg23[%swap3A_1687, %swap3A_1688] {strides = array<i32>} : memref<64x128xf32, #tpu.memory_space<vmem>>, vector<16xf32>,
        tpu.vector_store %arg23[%swap3A_1687, %swap3A_1688], %mul3A_1686 {strides = array<i32>} : memref<64x128xf32, #tpu.memory_space<vmem>>, vector<16xf32>,
        %get3A_1690 = arith.index_cast %add3A_1612 : i32 to index
        %get3A_1691 = arith.constant 112 : index
        %get3A_1692 = tpu.vector_load %arg23[%get3A_1690, %get3A_1691] {strides = array<i32>} : memref<64x128xf32, #tpu.memory_space<vmem>>, vector<16xf32>,
        %get3A_1693 = arith.index_cast %add3A_1612 : i32 to index
        %get3A_1694 = arith.constant 112 : index
        %get3A_1695 = tpu.vector_load %arg22[%get3A_1693, %get3A_1694] {strides = array<i32>} : memref<64x128xf32, #tpu.memory_space<vmem>>, vector<16xf32>,
        %add3A_1696 = arith.addf %get3A_1692, %get3A_1695 : vector<16xf32>
        %mul3A_1697 = arith.mulf %add3A_1696, %gather3A_1610 : vector<16xf32>
        %swap3A_1698 = arith.index_cast %add3A_1612 : i32 to index
        %swap3A_1699 = arith.constant 112 : index
        %swap3A_1700 = tpu.vector_load %arg23[%swap3A_1698, %swap3A_1699] {strides = array<i32>} : memref<64x128xf32, #tpu.memory_space<vmem>>, vector<16xf32>,
        tpu.vector_store %arg23[%swap3A_1698, %swap3A_1699], %mul3A_1697 {strides = array<i32>} : memref<64x128xf32, #tpu.memory_space<vmem>>, vector<16xf32>,
      }
      %scan3A_43 = arith.constant 4 : i32
      "tpu.region"() ({
        %run_scoped3A = tpu.sem_alloc : memref<!tpu.dma_semaphore, #tpu.memory_space<semaphore_mem>>
        %dma_start3A = arith.constant 0 : i32
        %dma_start3A_44 = arith.constant 0 : i32
        %dma_start3A_45 = tpu.memref_slice %arg26[%dma_start3A, %dma_start3A_44] : memref<10016x128xf32, #tpu.memory_space<vmem_shared>> -> memref<10016x128xf32, #tpu.memory_space<vmem_shared>>
        tpu.enqueue_indirect_dma source(%arg23 : memref<64x128xf32, #tpu.memory_space<vmem>>) target(%dma_start3A_45 : memref<10016x128xf32, #tpu.memory_space<vmem_shared>>) offsets(%arg20 : memref<64xi32, #tpu.memory_space<vmem>>) semaphore(%run_scoped3A : memref<!tpu.dma_semaphore, #tpu.memory_space<semaphore_mem>>) {add = true}
        %dma_wait3A = arith.constant 0 : i32
        %dma_wait3A_46 = arith.constant 0 : i32
        %dma_wait3A_47 = tpu.memref_slice %arg26[%dma_wait3A, %dma_wait3A_46] : memref<10016x128xf32, #tpu.memory_space<vmem_shared>> -> memref<10016x128xf32, #tpu.memory_space<vmem_shared>>
        tpu.wait_indirect_dma semaphore(%run_scoped3A : memref<!tpu.dma_semaphore, #tpu.memory_space<semaphore_mem>>) src(%arg23 : memref<64x128xf32, #tpu.memory_space<vmem>>) dst(%dma_wait3A_47 : memref<10016x128xf32, #tpu.memory_space<vmem_shared>>)
        tpu.yield
      }) : () -> ()
    }
    %scan3A_17 = arith.constant 157 : i32
    "tpu.region"() ({
      %run_scoped3A = tpu.sem_alloc : memref<!tpu.dma_semaphore, #tpu.memory_space<semaphore_mem>>
      tpu.enqueue_dma source(%arg6 : memref<10016xf32, #tpu.memory_space<hbm>>) target(%arg17 : memref<10016xf32, #tpu.memory_space<vmem>>) target_semaphore(%run_scoped3A : memref<!tpu.dma_semaphore, #tpu.memory_space<semaphore_mem>>)
      tpu.wait_dma2 semaphore(%run_scoped3A : memref<!tpu.dma_semaphore, #tpu.memory_space<semaphore_mem>>) src(%arg6 : memref<10016xf32, #tpu.memory_space<hbm>>) dst(%arg17 : memref<10016xf32, #tpu.memory_space<vmem>>)
      tpu.yield
    }) : () -> ()
    "tpu.region"() ({
      %run_scoped3A = tpu.sem_alloc : memref<!tpu.dma_semaphore, #tpu.memory_space<semaphore_mem>>
      tpu.enqueue_dma source(%arg7 : memref<10016xf32, #tpu.memory_space<hbm>>) target(%arg18 : memref<10016xf32, #tpu.memory_space<vmem>>) target_semaphore(%run_scoped3A : memref<!tpu.dma_semaphore, #tpu.memory_space<semaphore_mem>>)
      tpu.wait_dma2 semaphore(%run_scoped3A : memref<!tpu.dma_semaphore, #tpu.memory_space<semaphore_mem>>) src(%arg7 : memref<10016xf32, #tpu.memory_space<hbm>>) dst(%arg18 : memref<10016xf32, #tpu.memory_space<vmem>>)
      tpu.yield
    }) : () -> ()
    %scan3A_18 = arith.constant 0 : i32
    %scan3A_19 = arith.constant 157 : i32
    %scan3A_20 = arith.addi %scan3A_18, %scan3A_19 : i32
    %scan3A_21 = arith.constant 1 : i32
    scf.for %scan3A_29 = %scan3A_18 to %scan3A_20 step %scan3A_21  : i32 {
      %mul3A_30 = arith.constant 1 : i32
      %mul3A_31 = arith.muli %scan3A_29, %mul3A_30 : i32
      %add3A_32 = arith.constant 0 : i32
      %add3A_33 = arith.addi %add3A_32, %mul3A_31 : i32
      %mul3A_34 = arith.constant 10048 : i32
      %mul3A_35 = arith.muli %add3A, %mul3A_34 : i32
      %mul3A_36 = arith.constant 64 : i32
      %mul3A_37 = arith.muli %add3A_33, %mul3A_36 : i32
      %add3A_38 = arith.addi %mul3A_35, %mul3A_37 : i32
      "tpu.region"() ({
        %run_scoped3A = tpu.sem_alloc : memref<!tpu.dma_semaphore, #tpu.memory_space<semaphore_mem>>
        %dma_start3A = tpu.memref_slice %arg13[%add3A_38] : memref<321536xi32, #tpu.memory_space<hbm>> -> memref<64xi32, #tpu.memory_space<hbm>>
        %dma_start3A_44 = tpu.memref_slice %arg13[%add3A_38] : memref<321536xi32, #tpu.memory_space<hbm>> -> memref<64xi32, #tpu.memory_space<hbm>>
        tpu.enqueue_dma source(%dma_start3A_44 : memref<64xi32, #tpu.memory_space<hbm>>) target(%arg19 : memref<64xi32, #tpu.memory_space<vmem>>) target_semaphore(%run_scoped3A : memref<!tpu.dma_semaphore, #tpu.memory_space<semaphore_mem>>)
        %dma_wait3A = tpu.memref_slice %arg13[%add3A_38] : memref<321536xi32, #tpu.memory_space<hbm>> -> memref<64xi32, #tpu.memory_space<hbm>>
        %dma_wait3A_45 = tpu.memref_slice %arg13[%add3A_38] : memref<321536xi32, #tpu.memory_space<hbm>> -> memref<64xi32, #tpu.memory_space<hbm>>
        tpu.wait_dma2 semaphore(%run_scoped3A : memref<!tpu.dma_semaphore, #tpu.memory_space<semaphore_mem>>) src(%dma_wait3A_45 : memref<64xi32, #tpu.memory_space<hbm>>) dst(%arg19 : memref<64xi32, #tpu.memory_space<vmem>>)
        tpu.yield
      }) : () -> ()
      "tpu.region"() ({
        %run_scoped3A = tpu.sem_alloc : memref<!tpu.dma_semaphore, #tpu.memory_space<semaphore_mem>>
        %dma_start3A = tpu.memref_slice %arg14[%add3A_38] : memref<321536xi32, #tpu.memory_space<hbm>> -> memref<64xi32, #tpu.memory_space<hbm>>
        %dma_start3A_44 = tpu.memref_slice %arg14[%add3A_38] : memref<321536xi32, #tpu.memory_space<hbm>> -> memref<64xi32, #tpu.memory_space<hbm>>
        tpu.enqueue_dma source(%dma_start3A_44 : memref<64xi32, #tpu.memory_space<hbm>>) target(%arg20 : memref<64xi32, #tpu.memory_space<vmem>>) target_semaphore(%run_scoped3A : memref<!tpu.dma_semaphore, #tpu.memory_space<semaphore_mem>>)
        %dma_wait3A = tpu.memref_slice %arg14[%add3A_38] : memref<321536xi32, #tpu.memory_space<hbm>> -> memref<64xi32, #tpu.memory_space<hbm>>
        %dma_wait3A_45 = tpu.memref_slice %arg14[%add3A_38] : memref<321536xi32, #tpu.memory_space<hbm>> -> memref<64xi32, #tpu.memory_space<hbm>>
        tpu.wait_dma2 semaphore(%run_scoped3A : memref<!tpu.dma_semaphore, #tpu.memory_space<semaphore_mem>>) src(%dma_wait3A_45 : memref<64xi32, #tpu.memory_space<hbm>>) dst(%arg20 : memref<64xi32, #tpu.memory_space<vmem>>)
        tpu.yield
      }) : () -> ()
      "tpu.region"() ({
        %run_scoped3A = tpu.sem_alloc : memref<!tpu.dma_semaphore, #tpu.memory_space<semaphore_mem>>
        %dma_start3A = arith.constant 0 : i32
        %dma_start3A_44 = arith.constant 0 : i32
        %dma_start3A_45 = tpu.memref_slice %arg3[%dma_start3A, %dma_start3A_44] : memref<10016x128xf32, #tpu.memory_space<hbm>> -> memref<10016x128xf32, #tpu.memory_space<hbm>>
        tpu.enqueue_indirect_dma source(%dma_start3A_45 : memref<10016x128xf32, #tpu.memory_space<hbm>>) target(%arg23 : memref<64x128xf32, #tpu.memory_space<vmem>>) offsets(%arg19 : memref<64xi32, #tpu.memory_space<vmem>>) semaphore(%run_scoped3A : memref<!tpu.dma_semaphore, #tpu.memory_space<semaphore_mem>>)
        %dma_wait3A = arith.constant 0 : i32
        %dma_wait3A_46 = arith.constant 0 : i32
        %dma_wait3A_47 = tpu.memref_slice %arg3[%dma_wait3A, %dma_wait3A_46] : memref<10016x128xf32, #tpu.memory_space<hbm>> -> memref<10016x128xf32, #tpu.memory_space<hbm>>
        tpu.wait_indirect_dma semaphore(%run_scoped3A : memref<!tpu.dma_semaphore, #tpu.memory_space<semaphore_mem>>) src(%dma_wait3A_47 : memref<10016x128xf32, #tpu.memory_space<hbm>>) dst(%arg23 : memref<64x128xf32, #tpu.memory_space<vmem>>)
        tpu.yield
      }) : () -> ()
      %scan3A_39 = arith.constant 0 : i32
      %scan3A_40 = arith.constant 4 : i32
      %scan3A_41 = arith.addi %scan3A_39, %scan3A_40 : i32
      %scan3A_42 = arith.constant 1 : i32
      scf.for %scan3A_44 = %scan3A_39 to %scan3A_41 step %scan3A_42  : i32 {
        %mul3A_45 = arith.constant 1 : i32
        %mul3A_46 = arith.muli %scan3A_44, %mul3A_45 : i32
        %add3A_47 = arith.constant 0 : i32
        %add3A_48 = arith.addi %add3A_47, %mul3A_46 : i32
        %mul3A_49 = arith.constant 16 : i32
        %mul3A_50 = arith.muli %add3A_48, %mul3A_49 : i32
        %get3A_51 = arith.index_cast %mul3A_50 : i32 to index
        %get3A_52 = tpu.vector_load %arg19[%get3A_51] {strides = array<i32>} : memref<64xi32, #tpu.memory_space<vmem>>, vector<16xi32>,
        %get3A_53 = arith.index_cast %mul3A_50 : i32 to index
        %get3A_54 = tpu.vector_load %arg20[%get3A_53] {strides = array<i32>} : memref<64xi32, #tpu.memory_space<vmem>>, vector<16xi32>,
        %gather3A = tpu.vector_load_idx %arg17[%get3A_54] : memref<10016xf32, #tpu.memory_space<vmem>>[vector<16xi32>], vector<16xf32>,
        %gather3A_55 = tpu.vector_load_idx %arg18[%get3A_52] : memref<10016xf32, #tpu.memory_space<vmem>>[vector<16xi32>], vector<16xf32>,
        %add3A_56 = arith.addf %gather3A, %gather3A_55 : vector<16xf32>
        %gt3A = arith.constant 0.000000e+00 : f32
        %gt3A_57 = vector.broadcast %gt3A : f32 to vector<16xf32>
        %gt3A_58 = arith.cmpf ogt, %add3A_56, %gt3A_57 : vector<16xf32>
        %mul3A_59 = arith.constant 2.000000e-01 : f32
        %mul3A_60 = vector.broadcast %mul3A_59 : f32 to vector<16xf32>
        %mul3A_61 = arith.mulf %mul3A_60, %add3A_56 : vector<16xf32>
        %select_n3A = arith.select %gt3A_58, %add3A_56, %mul3A_61 : vector<16xi1>, vector<16xf32>
        %sub3A = arith.subf %select_n3A, %get3A_12 : vector<16xf32>
        %exp3A = math.exp %sub3A : vector<16xf32>
        %get3A_62 = arith.constant 0 : index
        %get3A_63 = tpu.vector_load %arg25[%get3A_62] {strides = array<i32>} : memref<16xf32, #tpu.memory_space<vmem>>, vector<16xf32>,
        %add3A_64 = arith.addf %get3A_63, %exp3A : vector<16xf32>
        %swap3A_65 = arith.constant 0 : index
        %swap3A_66 = tpu.vector_load %arg25[%swap3A_65] {strides = array<i32>} : memref<16xf32, #tpu.memory_space<vmem>>, vector<16xf32>,
        tpu.vector_store %arg25[%swap3A_65], %add3A_64 {strides = array<i32>} : memref<16xf32, #tpu.memory_space<vmem>>, vector<16xf32>,
        %broadcast_in_dim3A_67 = arith.constant 0 : i32
        %broadcast_in_dim3A_68 = vector.broadcast %broadcast_in_dim3A_67 : i32 to vector<16xi32>
        %lt3A = arith.constant 0 : i32
        %lt3A_69 = vector.broadcast %lt3A : i32 to vector<16xi32>
        %lt3A_70 = arith.cmpi slt, %broadcast_in_dim3A_68, %lt3A_69 : vector<16xi32>
        %add3A_71 = arith.constant 16 : i32
        %add3A_72 = vector.broadcast %add3A_71 : i32 to vector<16xi32>
        %add3A_73 = arith.addi %broadcast_in_dim3A_68, %add3A_72 : vector<16xi32>
        %select_n3A_74 = arith.select %lt3A_70, %add3A_73, %broadcast_in_dim3A_68 : vector<16xi1>, vector<16xi32>
        %broadcast_in_dim3A_75 = vector.shape_cast %select_n3A_74 : vector<16xi32> to vector<16x1xi32>
        %gather3A_76 = vector.shape_cast %broadcast_in_dim3A_75 : vector<16x1xi32> to vector<16xi32>
        %gather3A_77 = tpu.dynamic_gather %exp3A[%gather3A_76] in [0] : vector<16xf32>, vector<16xi32> -> vector<16xf32>
        %add3A_78 = arith.constant 0 : i32
        %add3A_79 = arith.addi %mul3A_50, %add3A_78 : i32
        %get3A_80 = arith.index_cast %add3A_79 : i32 to index
        %get3A_81 = arith.constant 0 : index
        %get3A_82 = tpu.vector_load %arg23[%get3A_80, %get3A_81] {strides = array<i32>} : memref<64x128xf32, #tpu.memory_space<vmem>>, vector<16xf32>,
        %mul3A_83 = arith.mulf %get3A_82, %gather3A_77 : vector<16xf32>
        %swap3A_84 = arith.index_cast %add3A_79 : i32 to index
        %swap3A_85 = arith.constant 0 : index
        %swap3A_86 = tpu.vector_load %arg23[%swap3A_84, %swap3A_85] {strides = array<i32>} : memref<64x128xf32, #tpu.memory_space<vmem>>, vector<16xf32>,
        tpu.vector_store %arg23[%swap3A_84, %swap3A_85], %mul3A_83 {strides = array<i32>} : memref<64x128xf32, #tpu.memory_space<vmem>>, vector<16xf32>,
        %get3A_87 = arith.index_cast %add3A_79 : i32 to index
        %get3A_88 = arith.constant 16 : index
        %get3A_89 = tpu.vector_load %arg23[%get3A_87, %get3A_88] {strides = array<i32>} : memref<64x128xf32, #tpu.memory_space<vmem>>, vector<16xf32>,
        %mul3A_90 = arith.mulf %get3A_89, %gather3A_77 : vector<16xf32>
        %swap3A_91 = arith.index_cast %add3A_79 : i32 to index
        %swap3A_92 = arith.constant 16 : index
        %swap3A_93 = tpu.vector_load %arg23[%swap3A_91, %swap3A_92] {strides = array<i32>} : memref<64x128xf32, #tpu.memory_space<vmem>>, vector<16xf32>,
        tpu.vector_store %arg23[%swap3A_91, %swap3A_92], %mul3A_90 {strides = array<i32>} : memref<64x128xf32, #tpu.memory_space<vmem>>, vector<16xf32>,
        %get3A_94 = arith.index_cast %add3A_79 : i32 to index
        %get3A_95 = arith.constant 32 : index
        %get3A_96 = tpu.vector_load %arg23[%get3A_94, %get3A_95] {strides = array<i32>} : memref<64x128xf32, #tpu.memory_space<vmem>>, vector<16xf32>,
        %mul3A_97 = arith.mulf %get3A_96, %gather3A_77 : vector<16xf32>
        %swap3A_98 = arith.index_cast %add3A_79 : i32 to index
        %swap3A_99 = arith.constant 32 : index
        %swap3A_100 = tpu.vector_load %arg23[%swap3A_98, %swap3A_99] {strides = array<i32>} : memref<64x128xf32, #tpu.memory_space<vmem>>, vector<16xf32>,
        tpu.vector_store %arg23[%swap3A_98, %swap3A_99], %mul3A_97 {strides = array<i32>} : memref<64x128xf32, #tpu.memory_space<vmem>>, vector<16xf32>,
        %get3A_101 = arith.index_cast %add3A_79 : i32 to index
        %get3A_102 = arith.constant 48 : index
        %get3A_103 = tpu.vector_load %arg23[%get3A_101, %get3A_102] {strides = array<i32>} : memref<64x128xf32, #tpu.memory_space<vmem>>, vector<16xf32>,
        %mul3A_104 = arith.mulf %get3A_103, %gather3A_77 : vector<16xf32>
        %swap3A_105 = arith.index_cast %add3A_79 : i32 to index
        %swap3A_106 = arith.constant 48 : index
        %swap3A_107 = tpu.vector_load %arg23[%swap3A_105, %swap3A_106] {strides = array<i32>} : memref<64x128xf32, #tpu.memory_space<vmem>>, vector<16xf32>,
        tpu.vector_store %arg23[%swap3A_105, %swap3A_106], %mul3A_104 {strides = array<i32>} : memref<64x128xf32, #tpu.memory_space<vmem>>, vector<16xf32>,
        %get3A_108 = arith.index_cast %add3A_79 : i32 to index
        %get3A_109 = arith.constant 64 : index
        %get3A_110 = tpu.vector_load %arg23[%get3A_108, %get3A_109] {strides = array<i32>} : memref<64x128xf32, #tpu.memory_space<vmem>>, vector<16xf32>,
        %mul3A_111 = arith.mulf %get3A_110, %gather3A_77 : vector<16xf32>
        %swap3A_112 = arith.index_cast %add3A_79 : i32 to index
        %swap3A_113 = arith.constant 64 : index
        %swap3A_114 = tpu.vector_load %arg23[%swap3A_112, %swap3A_113] {strides = array<i32>} : memref<64x128xf32, #tpu.memory_space<vmem>>, vector<16xf32>,
        tpu.vector_store %arg23[%swap3A_112, %swap3A_113], %mul3A_111 {strides = array<i32>} : memref<64x128xf32, #tpu.memory_space<vmem>>, vector<16xf32>,
        %get3A_115 = arith.index_cast %add3A_79 : i32 to index
        %get3A_116 = arith.constant 80 : index
        %get3A_117 = tpu.vector_load %arg23[%get3A_115, %get3A_116] {strides = array<i32>} : memref<64x128xf32, #tpu.memory_space<vmem>>, vector<16xf32>,
        %mul3A_118 = arith.mulf %get3A_117, %gather3A_77 : vector<16xf32>
        %swap3A_119 = arith.index_cast %add3A_79 : i32 to index
        %swap3A_120 = arith.constant 80 : index
        %swap3A_121 = tpu.vector_load %arg23[%swap3A_119, %swap3A_120] {strides = array<i32>} : memref<64x128xf32, #tpu.memory_space<vmem>>, vector<16xf32>,
        tpu.vector_store %arg23[%swap3A_119, %swap3A_120], %mul3A_118 {strides = array<i32>} : memref<64x128xf32, #tpu.memory_space<vmem>>, vector<16xf32>,
        %get3A_122 = arith.index_cast %add3A_79 : i32 to index
        %get3A_123 = arith.constant 96 : index
        %get3A_124 = tpu.vector_load %arg23[%get3A_122, %get3A_123] {strides = array<i32>} : memref<64x128xf32, #tpu.memory_space<vmem>>, vector<16xf32>,
        %mul3A_125 = arith.mulf %get3A_124, %gather3A_77 : vector<16xf32>
        %swap3A_126 = arith.index_cast %add3A_79 : i32 to index
        %swap3A_127 = arith.constant 96 : index
        %swap3A_128 = tpu.vector_load %arg23[%swap3A_126, %swap3A_127] {strides = array<i32>} : memref<64x128xf32, #tpu.memory_space<vmem>>, vector<16xf32>,
        tpu.vector_store %arg23[%swap3A_126, %swap3A_127], %mul3A_125 {strides = array<i32>} : memref<64x128xf32, #tpu.memory_space<vmem>>, vector<16xf32>,
        %get3A_129 = arith.index_cast %add3A_79 : i32 to index
        %get3A_130 = arith.constant 112 : index
        %get3A_131 = tpu.vector_load %arg23[%get3A_129, %get3A_130] {strides = array<i32>} : memref<64x128xf32, #tpu.memory_space<vmem>>, vector<16xf32>,
        %mul3A_132 = arith.mulf %get3A_131, %gather3A_77 : vector<16xf32>
        %swap3A_133 = arith.index_cast %add3A_79 : i32 to index
        %swap3A_134 = arith.constant 112 : index
        %swap3A_135 = tpu.vector_load %arg23[%swap3A_133, %swap3A_134] {strides = array<i32>} : memref<64x128xf32, #tpu.memory_space<vmem>>, vector<16xf32>,
        tpu.vector_store %arg23[%swap3A_133, %swap3A_134], %mul3A_132 {strides = array<i32>} : memref<64x128xf32, #tpu.memory_space<vmem>>, vector<16xf32>,
        %broadcast_in_dim3A_136 = arith.constant 1 : i32
        %broadcast_in_dim3A_137 = vector.broadcast %broadcast_in_dim3A_136 : i32 to vector<16xi32>
        %lt3A_138 = arith.constant 0 : i32
        %lt3A_139 = vector.broadcast %lt3A_138 : i32 to vector<16xi32>
        %lt3A_140 = arith.cmpi slt, %broadcast_in_dim3A_137, %lt3A_139 : vector<16xi32>
        %add3A_141 = arith.constant 16 : i32
        %add3A_142 = vector.broadcast %add3A_141 : i32 to vector<16xi32>
        %add3A_143 = arith.addi %broadcast_in_dim3A_137, %add3A_142 : vector<16xi32>
        %select_n3A_144 = arith.select %lt3A_140, %add3A_143, %broadcast_in_dim3A_137 : vector<16xi1>, vector<16xi32>
        %broadcast_in_dim3A_145 = vector.shape_cast %select_n3A_144 : vector<16xi32> to vector<16x1xi32>
        %gather3A_146 = vector.shape_cast %broadcast_in_dim3A_145 : vector<16x1xi32> to vector<16xi32>
        %gather3A_147 = tpu.dynamic_gather %exp3A[%gather3A_146] in [0] : vector<16xf32>, vector<16xi32> -> vector<16xf32>
        %add3A_148 = arith.constant 1 : i32
        %add3A_149 = arith.addi %mul3A_50, %add3A_148 : i32
        %get3A_150 = arith.index_cast %add3A_149 : i32 to index
        %get3A_151 = arith.constant 0 : index
        %get3A_152 = tpu.vector_load %arg23[%get3A_150, %get3A_151] {strides = array<i32>} : memref<64x128xf32, #tpu.memory_space<vmem>>, vector<16xf32>,
        %mul3A_153 = arith.mulf %get3A_152, %gather3A_147 : vector<16xf32>
        %swap3A_154 = arith.index_cast %add3A_149 : i32 to index
        %swap3A_155 = arith.constant 0 : index
        %swap3A_156 = tpu.vector_load %arg23[%swap3A_154, %swap3A_155] {strides = array<i32>} : memref<64x128xf32, #tpu.memory_space<vmem>>, vector<16xf32>,
        tpu.vector_store %arg23[%swap3A_154, %swap3A_155], %mul3A_153 {strides = array<i32>} : memref<64x128xf32, #tpu.memory_space<vmem>>, vector<16xf32>,
        %get3A_157 = arith.index_cast %add3A_149 : i32 to index
        %get3A_158 = arith.constant 16 : index
        %get3A_159 = tpu.vector_load %arg23[%get3A_157, %get3A_158] {strides = array<i32>} : memref<64x128xf32, #tpu.memory_space<vmem>>, vector<16xf32>,
        %mul3A_160 = arith.mulf %get3A_159, %gather3A_147 : vector<16xf32>
        %swap3A_161 = arith.index_cast %add3A_149 : i32 to index
        %swap3A_162 = arith.constant 16 : index
        %swap3A_163 = tpu.vector_load %arg23[%swap3A_161, %swap3A_162] {strides = array<i32>} : memref<64x128xf32, #tpu.memory_space<vmem>>, vector<16xf32>,
        tpu.vector_store %arg23[%swap3A_161, %swap3A_162], %mul3A_160 {strides = array<i32>} : memref<64x128xf32, #tpu.memory_space<vmem>>, vector<16xf32>,
        %get3A_164 = arith.index_cast %add3A_149 : i32 to index
        %get3A_165 = arith.constant 32 : index
        %get3A_166 = tpu.vector_load %arg23[%get3A_164, %get3A_165] {strides = array<i32>} : memref<64x128xf32, #tpu.memory_space<vmem>>, vector<16xf32>,
        %mul3A_167 = arith.mulf %get3A_166, %gather3A_147 : vector<16xf32>
        %swap3A_168 = arith.index_cast %add3A_149 : i32 to index
        %swap3A_169 = arith.constant 32 : index
        %swap3A_170 = tpu.vector_load %arg23[%swap3A_168, %swap3A_169] {strides = array<i32>} : memref<64x128xf32, #tpu.memory_space<vmem>>, vector<16xf32>,
        tpu.vector_store %arg23[%swap3A_168, %swap3A_169], %mul3A_167 {strides = array<i32>} : memref<64x128xf32, #tpu.memory_space<vmem>>, vector<16xf32>,
        %get3A_171 = arith.index_cast %add3A_149 : i32 to index
        %get3A_172 = arith.constant 48 : index
        %get3A_173 = tpu.vector_load %arg23[%get3A_171, %get3A_172] {strides = array<i32>} : memref<64x128xf32, #tpu.memory_space<vmem>>, vector<16xf32>,
        %mul3A_174 = arith.mulf %get3A_173, %gather3A_147 : vector<16xf32>
        %swap3A_175 = arith.index_cast %add3A_149 : i32 to index
        %swap3A_176 = arith.constant 48 : index
        %swap3A_177 = tpu.vector_load %arg23[%swap3A_175, %swap3A_176] {strides = array<i32>} : memref<64x128xf32, #tpu.memory_space<vmem>>, vector<16xf32>,
        tpu.vector_store %arg23[%swap3A_175, %swap3A_176], %mul3A_174 {strides = array<i32>} : memref<64x128xf32, #tpu.memory_space<vmem>>, vector<16xf32>,
        %get3A_178 = arith.index_cast %add3A_149 : i32 to index
        %get3A_179 = arith.constant 64 : index
        %get3A_180 = tpu.vector_load %arg23[%get3A_178, %get3A_179] {strides = array<i32>} : memref<64x128xf32, #tpu.memory_space<vmem>>, vector<16xf32>,
        %mul3A_181 = arith.mulf %get3A_180, %gather3A_147 : vector<16xf32>
        %swap3A_182 = arith.index_cast %add3A_149 : i32 to index
        %swap3A_183 = arith.constant 64 : index
        %swap3A_184 = tpu.vector_load %arg23[%swap3A_182, %swap3A_183] {strides = array<i32>} : memref<64x128xf32, #tpu.memory_space<vmem>>, vector<16xf32>,
        tpu.vector_store %arg23[%swap3A_182, %swap3A_183], %mul3A_181 {strides = array<i32>} : memref<64x128xf32, #tpu.memory_space<vmem>>, vector<16xf32>,
        %get3A_185 = arith.index_cast %add3A_149 : i32 to index
        %get3A_186 = arith.constant 80 : index
        %get3A_187 = tpu.vector_load %arg23[%get3A_185, %get3A_186] {strides = array<i32>} : memref<64x128xf32, #tpu.memory_space<vmem>>, vector<16xf32>,
        %mul3A_188 = arith.mulf %get3A_187, %gather3A_147 : vector<16xf32>
        %swap3A_189 = arith.index_cast %add3A_149 : i32 to index
        %swap3A_190 = arith.constant 80 : index
        %swap3A_191 = tpu.vector_load %arg23[%swap3A_189, %swap3A_190] {strides = array<i32>} : memref<64x128xf32, #tpu.memory_space<vmem>>, vector<16xf32>,
        tpu.vector_store %arg23[%swap3A_189, %swap3A_190], %mul3A_188 {strides = array<i32>} : memref<64x128xf32, #tpu.memory_space<vmem>>, vector<16xf32>,
        %get3A_192 = arith.index_cast %add3A_149 : i32 to index
        %get3A_193 = arith.constant 96 : index
        %get3A_194 = tpu.vector_load %arg23[%get3A_192, %get3A_193] {strides = array<i32>} : memref<64x128xf32, #tpu.memory_space<vmem>>, vector<16xf32>,
        %mul3A_195 = arith.mulf %get3A_194, %gather3A_147 : vector<16xf32>
        %swap3A_196 = arith.index_cast %add3A_149 : i32 to index
        %swap3A_197 = arith.constant 96 : index
        %swap3A_198 = tpu.vector_load %arg23[%swap3A_196, %swap3A_197] {strides = array<i32>} : memref<64x128xf32, #tpu.memory_space<vmem>>, vector<16xf32>,
        tpu.vector_store %arg23[%swap3A_196, %swap3A_197], %mul3A_195 {strides = array<i32>} : memref<64x128xf32, #tpu.memory_space<vmem>>, vector<16xf32>,
        %get3A_199 = arith.index_cast %add3A_149 : i32 to index
        %get3A_200 = arith.constant 112 : index
        %get3A_201 = tpu.vector_load %arg23[%get3A_199, %get3A_200] {strides = array<i32>} : memref<64x128xf32, #tpu.memory_space<vmem>>, vector<16xf32>,
        %mul3A_202 = arith.mulf %get3A_201, %gather3A_147 : vector<16xf32>
        %swap3A_203 = arith.index_cast %add3A_149 : i32 to index
        %swap3A_204 = arith.constant 112 : index
        %swap3A_205 = tpu.vector_load %arg23[%swap3A_203, %swap3A_204] {strides = array<i32>} : memref<64x128xf32, #tpu.memory_space<vmem>>, vector<16xf32>,
        tpu.vector_store %arg23[%swap3A_203, %swap3A_204], %mul3A_202 {strides = array<i32>} : memref<64x128xf32, #tpu.memory_space<vmem>>, vector<16xf32>,
        %broadcast_in_dim3A_206 = arith.constant 2 : i32
        %broadcast_in_dim3A_207 = vector.broadcast %broadcast_in_dim3A_206 : i32 to vector<16xi32>
        %lt3A_208 = arith.constant 0 : i32
        %lt3A_209 = vector.broadcast %lt3A_208 : i32 to vector<16xi32>
        %lt3A_210 = arith.cmpi slt, %broadcast_in_dim3A_207, %lt3A_209 : vector<16xi32>
        %add3A_211 = arith.constant 16 : i32
        %add3A_212 = vector.broadcast %add3A_211 : i32 to vector<16xi32>
        %add3A_213 = arith.addi %broadcast_in_dim3A_207, %add3A_212 : vector<16xi32>
        %select_n3A_214 = arith.select %lt3A_210, %add3A_213, %broadcast_in_dim3A_207 : vector<16xi1>, vector<16xi32>
        %broadcast_in_dim3A_215 = vector.shape_cast %select_n3A_214 : vector<16xi32> to vector<16x1xi32>
        %gather3A_216 = vector.shape_cast %broadcast_in_dim3A_215 : vector<16x1xi32> to vector<16xi32>
        %gather3A_217 = tpu.dynamic_gather %exp3A[%gather3A_216] in [0] : vector<16xf32>, vector<16xi32> -> vector<16xf32>
        %add3A_218 = arith.constant 2 : i32
        %add3A_219 = arith.addi %mul3A_50, %add3A_218 : i32
        %get3A_220 = arith.index_cast %add3A_219 : i32 to index
        %get3A_221 = arith.constant 0 : index
        %get3A_222 = tpu.vector_load %arg23[%get3A_220, %get3A_221] {strides = array<i32>} : memref<64x128xf32, #tpu.memory_space<vmem>>, vector<16xf32>,
        %mul3A_223 = arith.mulf %get3A_222, %gather3A_217 : vector<16xf32>
        %swap3A_224 = arith.index_cast %add3A_219 : i32 to index
        %swap3A_225 = arith.constant 0 : index
        %swap3A_226 = tpu.vector_load %arg23[%swap3A_224, %swap3A_225] {strides = array<i32>} : memref<64x128xf32, #tpu.memory_space<vmem>>, vector<16xf32>,
        tpu.vector_store %arg23[%swap3A_224, %swap3A_225], %mul3A_223 {strides = array<i32>} : memref<64x128xf32, #tpu.memory_space<vmem>>, vector<16xf32>,
        %get3A_227 = arith.index_cast %add3A_219 : i32 to index
        %get3A_228 = arith.constant 16 : index
        %get3A_229 = tpu.vector_load %arg23[%get3A_227, %get3A_228] {strides = array<i32>} : memref<64x128xf32, #tpu.memory_space<vmem>>, vector<16xf32>,
        %mul3A_230 = arith.mulf %get3A_229, %gather3A_217 : vector<16xf32>
        %swap3A_231 = arith.index_cast %add3A_219 : i32 to index
        %swap3A_232 = arith.constant 16 : index
        %swap3A_233 = tpu.vector_load %arg23[%swap3A_231, %swap3A_232] {strides = array<i32>} : memref<64x128xf32, #tpu.memory_space<vmem>>, vector<16xf32>,
        tpu.vector_store %arg23[%swap3A_231, %swap3A_232], %mul3A_230 {strides = array<i32>} : memref<64x128xf32, #tpu.memory_space<vmem>>, vector<16xf32>,
        %get3A_234 = arith.index_cast %add3A_219 : i32 to index
        %get3A_235 = arith.constant 32 : index
        %get3A_236 = tpu.vector_load %arg23[%get3A_234, %get3A_235] {strides = array<i32>} : memref<64x128xf32, #tpu.memory_space<vmem>>, vector<16xf32>,
        %mul3A_237 = arith.mulf %get3A_236, %gather3A_217 : vector<16xf32>
        %swap3A_238 = arith.index_cast %add3A_219 : i32 to index
        %swap3A_239 = arith.constant 32 : index
        %swap3A_240 = tpu.vector_load %arg23[%swap3A_238, %swap3A_239] {strides = array<i32>} : memref<64x128xf32, #tpu.memory_space<vmem>>, vector<16xf32>,
        tpu.vector_store %arg23[%swap3A_238, %swap3A_239], %mul3A_237 {strides = array<i32>} : memref<64x128xf32, #tpu.memory_space<vmem>>, vector<16xf32>,
        %get3A_241 = arith.index_cast %add3A_219 : i32 to index
        %get3A_242 = arith.constant 48 : index
        %get3A_243 = tpu.vector_load %arg23[%get3A_241, %get3A_242] {strides = array<i32>} : memref<64x128xf32, #tpu.memory_space<vmem>>, vector<16xf32>,
        %mul3A_244 = arith.mulf %get3A_243, %gather3A_217 : vector<16xf32>
        %swap3A_245 = arith.index_cast %add3A_219 : i32 to index
        %swap3A_246 = arith.constant 48 : index
        %swap3A_247 = tpu.vector_load %arg23[%swap3A_245, %swap3A_246] {strides = array<i32>} : memref<64x128xf32, #tpu.memory_space<vmem>>, vector<16xf32>,
        tpu.vector_store %arg23[%swap3A_245, %swap3A_246], %mul3A_244 {strides = array<i32>} : memref<64x128xf32, #tpu.memory_space<vmem>>, vector<16xf32>,
        %get3A_248 = arith.index_cast %add3A_219 : i32 to index
        %get3A_249 = arith.constant 64 : index
        %get3A_250 = tpu.vector_load %arg23[%get3A_248, %get3A_249] {strides = array<i32>} : memref<64x128xf32, #tpu.memory_space<vmem>>, vector<16xf32>,
        %mul3A_251 = arith.mulf %get3A_250, %gather3A_217 : vector<16xf32>
        %swap3A_252 = arith.index_cast %add3A_219 : i32 to index
        %swap3A_253 = arith.constant 64 : index
        %swap3A_254 = tpu.vector_load %arg23[%swap3A_252, %swap3A_253] {strides = array<i32>} : memref<64x128xf32, #tpu.memory_space<vmem>>, vector<16xf32>,
        tpu.vector_store %arg23[%swap3A_252, %swap3A_253], %mul3A_251 {strides = array<i32>} : memref<64x128xf32, #tpu.memory_space<vmem>>, vector<16xf32>,
        %get3A_255 = arith.index_cast %add3A_219 : i32 to index
        %get3A_256 = arith.constant 80 : index
        %get3A_257 = tpu.vector_load %arg23[%get3A_255, %get3A_256] {strides = array<i32>} : memref<64x128xf32, #tpu.memory_space<vmem>>, vector<16xf32>,
        %mul3A_258 = arith.mulf %get3A_257, %gather3A_217 : vector<16xf32>
        %swap3A_259 = arith.index_cast %add3A_219 : i32 to index
        %swap3A_260 = arith.constant 80 : index
        %swap3A_261 = tpu.vector_load %arg23[%swap3A_259, %swap3A_260] {strides = array<i32>} : memref<64x128xf32, #tpu.memory_space<vmem>>, vector<16xf32>,
        tpu.vector_store %arg23[%swap3A_259, %swap3A_260], %mul3A_258 {strides = array<i32>} : memref<64x128xf32, #tpu.memory_space<vmem>>, vector<16xf32>,
        %get3A_262 = arith.index_cast %add3A_219 : i32 to index
        %get3A_263 = arith.constant 96 : index
        %get3A_264 = tpu.vector_load %arg23[%get3A_262, %get3A_263] {strides = array<i32>} : memref<64x128xf32, #tpu.memory_space<vmem>>, vector<16xf32>,
        %mul3A_265 = arith.mulf %get3A_264, %gather3A_217 : vector<16xf32>
        %swap3A_266 = arith.index_cast %add3A_219 : i32 to index
        %swap3A_267 = arith.constant 96 : index
        %swap3A_268 = tpu.vector_load %arg23[%swap3A_266, %swap3A_267] {strides = array<i32>} : memref<64x128xf32, #tpu.memory_space<vmem>>, vector<16xf32>,
        tpu.vector_store %arg23[%swap3A_266, %swap3A_267], %mul3A_265 {strides = array<i32>} : memref<64x128xf32, #tpu.memory_space<vmem>>, vector<16xf32>,
        %get3A_269 = arith.index_cast %add3A_219 : i32 to index
        %get3A_270 = arith.constant 112 : index
        %get3A_271 = tpu.vector_load %arg23[%get3A_269, %get3A_270] {strides = array<i32>} : memref<64x128xf32, #tpu.memory_space<vmem>>, vector<16xf32>,
        %mul3A_272 = arith.mulf %get3A_271, %gather3A_217 : vector<16xf32>
        %swap3A_273 = arith.index_cast %add3A_219 : i32 to index
        %swap3A_274 = arith.constant 112 : index
        %swap3A_275 = tpu.vector_load %arg23[%swap3A_273, %swap3A_274] {strides = array<i32>} : memref<64x128xf32, #tpu.memory_space<vmem>>, vector<16xf32>,
        tpu.vector_store %arg23[%swap3A_273, %swap3A_274], %mul3A_272 {strides = array<i32>} : memref<64x128xf32, #tpu.memory_space<vmem>>, vector<16xf32>,
        %broadcast_in_dim3A_276 = arith.constant 3 : i32
        %broadcast_in_dim3A_277 = vector.broadcast %broadcast_in_dim3A_276 : i32 to vector<16xi32>
        %lt3A_278 = arith.constant 0 : i32
        %lt3A_279 = vector.broadcast %lt3A_278 : i32 to vector<16xi32>
        %lt3A_280 = arith.cmpi slt, %broadcast_in_dim3A_277, %lt3A_279 : vector<16xi32>
        %add3A_281 = arith.constant 16 : i32
        %add3A_282 = vector.broadcast %add3A_281 : i32 to vector<16xi32>
        %add3A_283 = arith.addi %broadcast_in_dim3A_277, %add3A_282 : vector<16xi32>
        %select_n3A_284 = arith.select %lt3A_280, %add3A_283, %broadcast_in_dim3A_277 : vector<16xi1>, vector<16xi32>
        %broadcast_in_dim3A_285 = vector.shape_cast %select_n3A_284 : vector<16xi32> to vector<16x1xi32>
        %gather3A_286 = vector.shape_cast %broadcast_in_dim3A_285 : vector<16x1xi32> to vector<16xi32>
        %gather3A_287 = tpu.dynamic_gather %exp3A[%gather3A_286] in [0] : vector<16xf32>, vector<16xi32> -> vector<16xf32>
        %add3A_288 = arith.constant 3 : i32
        %add3A_289 = arith.addi %mul3A_50, %add3A_288 : i32
        %get3A_290 = arith.index_cast %add3A_289 : i32 to index
        %get3A_291 = arith.constant 0 : index
        %get3A_292 = tpu.vector_load %arg23[%get3A_290, %get3A_291] {strides = array<i32>} : memref<64x128xf32, #tpu.memory_space<vmem>>, vector<16xf32>,
        %mul3A_293 = arith.mulf %get3A_292, %gather3A_287 : vector<16xf32>
        %swap3A_294 = arith.index_cast %add3A_289 : i32 to index
        %swap3A_295 = arith.constant 0 : index
        %swap3A_296 = tpu.vector_load %arg23[%swap3A_294, %swap3A_295] {strides = array<i32>} : memref<64x128xf32, #tpu.memory_space<vmem>>, vector<16xf32>,
        tpu.vector_store %arg23[%swap3A_294, %swap3A_295], %mul3A_293 {strides = array<i32>} : memref<64x128xf32, #tpu.memory_space<vmem>>, vector<16xf32>,
        %get3A_297 = arith.index_cast %add3A_289 : i32 to index
        %get3A_298 = arith.constant 16 : index
        %get3A_299 = tpu.vector_load %arg23[%get3A_297, %get3A_298] {strides = array<i32>} : memref<64x128xf32, #tpu.memory_space<vmem>>, vector<16xf32>,
        %mul3A_300 = arith.mulf %get3A_299, %gather3A_287 : vector<16xf32>
        %swap3A_301 = arith.index_cast %add3A_289 : i32 to index
        %swap3A_302 = arith.constant 16 : index
        %swap3A_303 = tpu.vector_load %arg23[%swap3A_301, %swap3A_302] {strides = array<i32>} : memref<64x128xf32, #tpu.memory_space<vmem>>, vector<16xf32>,
        tpu.vector_store %arg23[%swap3A_301, %swap3A_302], %mul3A_300 {strides = array<i32>} : memref<64x128xf32, #tpu.memory_space<vmem>>, vector<16xf32>,
        %get3A_304 = arith.index_cast %add3A_289 : i32 to index
        %get3A_305 = arith.constant 32 : index
        %get3A_306 = tpu.vector_load %arg23[%get3A_304, %get3A_305] {strides = array<i32>} : memref<64x128xf32, #tpu.memory_space<vmem>>, vector<16xf32>,
        %mul3A_307 = arith.mulf %get3A_306, %gather3A_287 : vector<16xf32>
        %swap3A_308 = arith.index_cast %add3A_289 : i32 to index
        %swap3A_309 = arith.constant 32 : index
        %swap3A_310 = tpu.vector_load %arg23[%swap3A_308, %swap3A_309] {strides = array<i32>} : memref<64x128xf32, #tpu.memory_space<vmem>>, vector<16xf32>,
        tpu.vector_store %arg23[%swap3A_308, %swap3A_309], %mul3A_307 {strides = array<i32>} : memref<64x128xf32, #tpu.memory_space<vmem>>, vector<16xf32>,
        %get3A_311 = arith.index_cast %add3A_289 : i32 to index
        %get3A_312 = arith.constant 48 : index
        %get3A_313 = tpu.vector_load %arg23[%get3A_311, %get3A_312] {strides = array<i32>} : memref<64x128xf32, #tpu.memory_space<vmem>>, vector<16xf32>,
        %mul3A_314 = arith.mulf %get3A_313, %gather3A_287 : vector<16xf32>
        %swap3A_315 = arith.index_cast %add3A_289 : i32 to index
        %swap3A_316 = arith.constant 48 : index
        %swap3A_317 = tpu.vector_load %arg23[%swap3A_315, %swap3A_316] {strides = array<i32>} : memref<64x128xf32, #tpu.memory_space<vmem>>, vector<16xf32>,
        tpu.vector_store %arg23[%swap3A_315, %swap3A_316], %mul3A_314 {strides = array<i32>} : memref<64x128xf32, #tpu.memory_space<vmem>>, vector<16xf32>,
        %get3A_318 = arith.index_cast %add3A_289 : i32 to index
        %get3A_319 = arith.constant 64 : index
        %get3A_320 = tpu.vector_load %arg23[%get3A_318, %get3A_319] {strides = array<i32>} : memref<64x128xf32, #tpu.memory_space<vmem>>, vector<16xf32>,
        %mul3A_321 = arith.mulf %get3A_320, %gather3A_287 : vector<16xf32>
        %swap3A_322 = arith.index_cast %add3A_289 : i32 to index
        %swap3A_323 = arith.constant 64 : index
        %swap3A_324 = tpu.vector_load %arg23[%swap3A_322, %swap3A_323] {strides = array<i32>} : memref<64x128xf32, #tpu.memory_space<vmem>>, vector<16xf32>,
        tpu.vector_store %arg23[%swap3A_322, %swap3A_323], %mul3A_321 {strides = array<i32>} : memref<64x128xf32, #tpu.memory_space<vmem>>, vector<16xf32>,
        %get3A_325 = arith.index_cast %add3A_289 : i32 to index
        %get3A_326 = arith.constant 80 : index
        %get3A_327 = tpu.vector_load %arg23[%get3A_325, %get3A_326] {strides = array<i32>} : memref<64x128xf32, #tpu.memory_space<vmem>>, vector<16xf32>,
        %mul3A_328 = arith.mulf %get3A_327, %gather3A_287 : vector<16xf32>
        %swap3A_329 = arith.index_cast %add3A_289 : i32 to index
        %swap3A_330 = arith.constant 80 : index
        %swap3A_331 = tpu.vector_load %arg23[%swap3A_329, %swap3A_330] {strides = array<i32>} : memref<64x128xf32, #tpu.memory_space<vmem>>, vector<16xf32>,
        tpu.vector_store %arg23[%swap3A_329, %swap3A_330], %mul3A_328 {strides = array<i32>} : memref<64x128xf32, #tpu.memory_space<vmem>>, vector<16xf32>,
        %get3A_332 = arith.index_cast %add3A_289 : i32 to index
        %get3A_333 = arith.constant 96 : index
        %get3A_334 = tpu.vector_load %arg23[%get3A_332, %get3A_333] {strides = array<i32>} : memref<64x128xf32, #tpu.memory_space<vmem>>, vector<16xf32>,
        %mul3A_335 = arith.mulf %get3A_334, %gather3A_287 : vector<16xf32>
        %swap3A_336 = arith.index_cast %add3A_289 : i32 to index
        %swap3A_337 = arith.constant 96 : index
        %swap3A_338 = tpu.vector_load %arg23[%swap3A_336, %swap3A_337] {strides = array<i32>} : memref<64x128xf32, #tpu.memory_space<vmem>>, vector<16xf32>,
        tpu.vector_store %arg23[%swap3A_336, %swap3A_337], %mul3A_335 {strides = array<i32>} : memref<64x128xf32, #tpu.memory_space<vmem>>, vector<16xf32>,
        %get3A_339 = arith.index_cast %add3A_289 : i32 to index
        %get3A_340 = arith.constant 112 : index
        %get3A_341 = tpu.vector_load %arg23[%get3A_339, %get3A_340] {strides = array<i32>} : memref<64x128xf32, #tpu.memory_space<vmem>>, vector<16xf32>,
        %mul3A_342 = arith.mulf %get3A_341, %gather3A_287 : vector<16xf32>
        %swap3A_343 = arith.index_cast %add3A_289 : i32 to index
        %swap3A_344 = arith.constant 112 : index
        %swap3A_345 = tpu.vector_load %arg23[%swap3A_343, %swap3A_344] {strides = array<i32>} : memref<64x128xf32, #tpu.memory_space<vmem>>, vector<16xf32>,
        tpu.vector_store %arg23[%swap3A_343, %swap3A_344], %mul3A_342 {strides = array<i32>} : memref<64x128xf32, #tpu.memory_space<vmem>>, vector<16xf32>,
        %broadcast_in_dim3A_346 = arith.constant 4 : i32
        %broadcast_in_dim3A_347 = vector.broadcast %broadcast_in_dim3A_346 : i32 to vector<16xi32>
        %lt3A_348 = arith.constant 0 : i32
        %lt3A_349 = vector.broadcast %lt3A_348 : i32 to vector<16xi32>
        %lt3A_350 = arith.cmpi slt, %broadcast_in_dim3A_347, %lt3A_349 : vector<16xi32>
        %add3A_351 = arith.constant 16 : i32
        %add3A_352 = vector.broadcast %add3A_351 : i32 to vector<16xi32>
        %add3A_353 = arith.addi %broadcast_in_dim3A_347, %add3A_352 : vector<16xi32>
        %select_n3A_354 = arith.select %lt3A_350, %add3A_353, %broadcast_in_dim3A_347 : vector<16xi1>, vector<16xi32>
        %broadcast_in_dim3A_355 = vector.shape_cast %select_n3A_354 : vector<16xi32> to vector<16x1xi32>
        %gather3A_356 = vector.shape_cast %broadcast_in_dim3A_355 : vector<16x1xi32> to vector<16xi32>
        %gather3A_357 = tpu.dynamic_gather %exp3A[%gather3A_356] in [0] : vector<16xf32>, vector<16xi32> -> vector<16xf32>
        %add3A_358 = arith.constant 4 : i32
        %add3A_359 = arith.addi %mul3A_50, %add3A_358 : i32
        %get3A_360 = arith.index_cast %add3A_359 : i32 to index
        %get3A_361 = arith.constant 0 : index
        %get3A_362 = tpu.vector_load %arg23[%get3A_360, %get3A_361] {strides = array<i32>} : memref<64x128xf32, #tpu.memory_space<vmem>>, vector<16xf32>,
        %mul3A_363 = arith.mulf %get3A_362, %gather3A_357 : vector<16xf32>
        %swap3A_364 = arith.index_cast %add3A_359 : i32 to index
        %swap3A_365 = arith.constant 0 : index
        %swap3A_366 = tpu.vector_load %arg23[%swap3A_364, %swap3A_365] {strides = array<i32>} : memref<64x128xf32, #tpu.memory_space<vmem>>, vector<16xf32>,
        tpu.vector_store %arg23[%swap3A_364, %swap3A_365], %mul3A_363 {strides = array<i32>} : memref<64x128xf32, #tpu.memory_space<vmem>>, vector<16xf32>,
        %get3A_367 = arith.index_cast %add3A_359 : i32 to index
        %get3A_368 = arith.constant 16 : index
        %get3A_369 = tpu.vector_load %arg23[%get3A_367, %get3A_368] {strides = array<i32>} : memref<64x128xf32, #tpu.memory_space<vmem>>, vector<16xf32>,
        %mul3A_370 = arith.mulf %get3A_369, %gather3A_357 : vector<16xf32>
        %swap3A_371 = arith.index_cast %add3A_359 : i32 to index
        %swap3A_372 = arith.constant 16 : index
        %swap3A_373 = tpu.vector_load %arg23[%swap3A_371, %swap3A_372] {strides = array<i32>} : memref<64x128xf32, #tpu.memory_space<vmem>>, vector<16xf32>,
        tpu.vector_store %arg23[%swap3A_371, %swap3A_372], %mul3A_370 {strides = array<i32>} : memref<64x128xf32, #tpu.memory_space<vmem>>, vector<16xf32>,
        %get3A_374 = arith.index_cast %add3A_359 : i32 to index
        %get3A_375 = arith.constant 32 : index
        %get3A_376 = tpu.vector_load %arg23[%get3A_374, %get3A_375] {strides = array<i32>} : memref<64x128xf32, #tpu.memory_space<vmem>>, vector<16xf32>,
        %mul3A_377 = arith.mulf %get3A_376, %gather3A_357 : vector<16xf32>
        %swap3A_378 = arith.index_cast %add3A_359 : i32 to index
        %swap3A_379 = arith.constant 32 : index
        %swap3A_380 = tpu.vector_load %arg23[%swap3A_378, %swap3A_379] {strides = array<i32>} : memref<64x128xf32, #tpu.memory_space<vmem>>, vector<16xf32>,
        tpu.vector_store %arg23[%swap3A_378, %swap3A_379], %mul3A_377 {strides = array<i32>} : memref<64x128xf32, #tpu.memory_space<vmem>>, vector<16xf32>,
        %get3A_381 = arith.index_cast %add3A_359 : i32 to index
        %get3A_382 = arith.constant 48 : index
        %get3A_383 = tpu.vector_load %arg23[%get3A_381, %get3A_382] {strides = array<i32>} : memref<64x128xf32, #tpu.memory_space<vmem>>, vector<16xf32>,
        %mul3A_384 = arith.mulf %get3A_383, %gather3A_357 : vector<16xf32>
        %swap3A_385 = arith.index_cast %add3A_359 : i32 to index
        %swap3A_386 = arith.constant 48 : index
        %swap3A_387 = tpu.vector_load %arg23[%swap3A_385, %swap3A_386] {strides = array<i32>} : memref<64x128xf32, #tpu.memory_space<vmem>>, vector<16xf32>,
        tpu.vector_store %arg23[%swap3A_385, %swap3A_386], %mul3A_384 {strides = array<i32>} : memref<64x128xf32, #tpu.memory_space<vmem>>, vector<16xf32>,
        %get3A_388 = arith.index_cast %add3A_359 : i32 to index
        %get3A_389 = arith.constant 64 : index
        %get3A_390 = tpu.vector_load %arg23[%get3A_388, %get3A_389] {strides = array<i32>} : memref<64x128xf32, #tpu.memory_space<vmem>>, vector<16xf32>,
        %mul3A_391 = arith.mulf %get3A_390, %gather3A_357 : vector<16xf32>
        %swap3A_392 = arith.index_cast %add3A_359 : i32 to index
        %swap3A_393 = arith.constant 64 : index
        %swap3A_394 = tpu.vector_load %arg23[%swap3A_392, %swap3A_393] {strides = array<i32>} : memref<64x128xf32, #tpu.memory_space<vmem>>, vector<16xf32>,
        tpu.vector_store %arg23[%swap3A_392, %swap3A_393], %mul3A_391 {strides = array<i32>} : memref<64x128xf32, #tpu.memory_space<vmem>>, vector<16xf32>,
        %get3A_395 = arith.index_cast %add3A_359 : i32 to index
        %get3A_396 = arith.constant 80 : index
        %get3A_397 = tpu.vector_load %arg23[%get3A_395, %get3A_396] {strides = array<i32>} : memref<64x128xf32, #tpu.memory_space<vmem>>, vector<16xf32>,
        %mul3A_398 = arith.mulf %get3A_397, %gather3A_357 : vector<16xf32>
        %swap3A_399 = arith.index_cast %add3A_359 : i32 to index
        %swap3A_400 = arith.constant 80 : index
        %swap3A_401 = tpu.vector_load %arg23[%swap3A_399, %swap3A_400] {strides = array<i32>} : memref<64x128xf32, #tpu.memory_space<vmem>>, vector<16xf32>,
        tpu.vector_store %arg23[%swap3A_399, %swap3A_400], %mul3A_398 {strides = array<i32>} : memref<64x128xf32, #tpu.memory_space<vmem>>, vector<16xf32>,
        %get3A_402 = arith.index_cast %add3A_359 : i32 to index
        %get3A_403 = arith.constant 96 : index
        %get3A_404 = tpu.vector_load %arg23[%get3A_402, %get3A_403] {strides = array<i32>} : memref<64x128xf32, #tpu.memory_space<vmem>>, vector<16xf32>,
        %mul3A_405 = arith.mulf %get3A_404, %gather3A_357 : vector<16xf32>
        %swap3A_406 = arith.index_cast %add3A_359 : i32 to index
        %swap3A_407 = arith.constant 96 : index
        %swap3A_408 = tpu.vector_load %arg23[%swap3A_406, %swap3A_407] {strides = array<i32>} : memref<64x128xf32, #tpu.memory_space<vmem>>, vector<16xf32>,
        tpu.vector_store %arg23[%swap3A_406, %swap3A_407], %mul3A_405 {strides = array<i32>} : memref<64x128xf32, #tpu.memory_space<vmem>>, vector<16xf32>,
        %get3A_409 = arith.index_cast %add3A_359 : i32 to index
        %get3A_410 = arith.constant 112 : index
        %get3A_411 = tpu.vector_load %arg23[%get3A_409, %get3A_410] {strides = array<i32>} : memref<64x128xf32, #tpu.memory_space<vmem>>, vector<16xf32>,
        %mul3A_412 = arith.mulf %get3A_411, %gather3A_357 : vector<16xf32>
        %swap3A_413 = arith.index_cast %add3A_359 : i32 to index
        %swap3A_414 = arith.constant 112 : index
        %swap3A_415 = tpu.vector_load %arg23[%swap3A_413, %swap3A_414] {strides = array<i32>} : memref<64x128xf32, #tpu.memory_space<vmem>>, vector<16xf32>,
        tpu.vector_store %arg23[%swap3A_413, %swap3A_414], %mul3A_412 {strides = array<i32>} : memref<64x128xf32, #tpu.memory_space<vmem>>, vector<16xf32>,
        %broadcast_in_dim3A_416 = arith.constant 5 : i32
        %broadcast_in_dim3A_417 = vector.broadcast %broadcast_in_dim3A_416 : i32 to vector<16xi32>
        %lt3A_418 = arith.constant 0 : i32
        %lt3A_419 = vector.broadcast %lt3A_418 : i32 to vector<16xi32>
        %lt3A_420 = arith.cmpi slt, %broadcast_in_dim3A_417, %lt3A_419 : vector<16xi32>
        %add3A_421 = arith.constant 16 : i32
        %add3A_422 = vector.broadcast %add3A_421 : i32 to vector<16xi32>
        %add3A_423 = arith.addi %broadcast_in_dim3A_417, %add3A_422 : vector<16xi32>
        %select_n3A_424 = arith.select %lt3A_420, %add3A_423, %broadcast_in_dim3A_417 : vector<16xi1>, vector<16xi32>
        %broadcast_in_dim3A_425 = vector.shape_cast %select_n3A_424 : vector<16xi32> to vector<16x1xi32>
        %gather3A_426 = vector.shape_cast %broadcast_in_dim3A_425 : vector<16x1xi32> to vector<16xi32>
        %gather3A_427 = tpu.dynamic_gather %exp3A[%gather3A_426] in [0] : vector<16xf32>, vector<16xi32> -> vector<16xf32>
        %add3A_428 = arith.constant 5 : i32
        %add3A_429 = arith.addi %mul3A_50, %add3A_428 : i32
        %get3A_430 = arith.index_cast %add3A_429 : i32 to index
        %get3A_431 = arith.constant 0 : index
        %get3A_432 = tpu.vector_load %arg23[%get3A_430, %get3A_431] {strides = array<i32>} : memref<64x128xf32, #tpu.memory_space<vmem>>, vector<16xf32>,
        %mul3A_433 = arith.mulf %get3A_432, %gather3A_427 : vector<16xf32>
        %swap3A_434 = arith.index_cast %add3A_429 : i32 to index
        %swap3A_435 = arith.constant 0 : index
        %swap3A_436 = tpu.vector_load %arg23[%swap3A_434, %swap3A_435] {strides = array<i32>} : memref<64x128xf32, #tpu.memory_space<vmem>>, vector<16xf32>,
        tpu.vector_store %arg23[%swap3A_434, %swap3A_435], %mul3A_433 {strides = array<i32>} : memref<64x128xf32, #tpu.memory_space<vmem>>, vector<16xf32>,
        %get3A_437 = arith.index_cast %add3A_429 : i32 to index
        %get3A_438 = arith.constant 16 : index
        %get3A_439 = tpu.vector_load %arg23[%get3A_437, %get3A_438] {strides = array<i32>} : memref<64x128xf32, #tpu.memory_space<vmem>>, vector<16xf32>,
        %mul3A_440 = arith.mulf %get3A_439, %gather3A_427 : vector<16xf32>
        %swap3A_441 = arith.index_cast %add3A_429 : i32 to index
        %swap3A_442 = arith.constant 16 : index
        %swap3A_443 = tpu.vector_load %arg23[%swap3A_441, %swap3A_442] {strides = array<i32>} : memref<64x128xf32, #tpu.memory_space<vmem>>, vector<16xf32>,
        tpu.vector_store %arg23[%swap3A_441, %swap3A_442], %mul3A_440 {strides = array<i32>} : memref<64x128xf32, #tpu.memory_space<vmem>>, vector<16xf32>,
        %get3A_444 = arith.index_cast %add3A_429 : i32 to index
        %get3A_445 = arith.constant 32 : index
        %get3A_446 = tpu.vector_load %arg23[%get3A_444, %get3A_445] {strides = array<i32>} : memref<64x128xf32, #tpu.memory_space<vmem>>, vector<16xf32>,
        %mul3A_447 = arith.mulf %get3A_446, %gather3A_427 : vector<16xf32>
        %swap3A_448 = arith.index_cast %add3A_429 : i32 to index
        %swap3A_449 = arith.constant 32 : index
        %swap3A_450 = tpu.vector_load %arg23[%swap3A_448, %swap3A_449] {strides = array<i32>} : memref<64x128xf32, #tpu.memory_space<vmem>>, vector<16xf32>,
        tpu.vector_store %arg23[%swap3A_448, %swap3A_449], %mul3A_447 {strides = array<i32>} : memref<64x128xf32, #tpu.memory_space<vmem>>, vector<16xf32>,
        %get3A_451 = arith.index_cast %add3A_429 : i32 to index
        %get3A_452 = arith.constant 48 : index
        %get3A_453 = tpu.vector_load %arg23[%get3A_451, %get3A_452] {strides = array<i32>} : memref<64x128xf32, #tpu.memory_space<vmem>>, vector<16xf32>,
        %mul3A_454 = arith.mulf %get3A_453, %gather3A_427 : vector<16xf32>
        %swap3A_455 = arith.index_cast %add3A_429 : i32 to index
        %swap3A_456 = arith.constant 48 : index
        %swap3A_457 = tpu.vector_load %arg23[%swap3A_455, %swap3A_456] {strides = array<i32>} : memref<64x128xf32, #tpu.memory_space<vmem>>, vector<16xf32>,
        tpu.vector_store %arg23[%swap3A_455, %swap3A_456], %mul3A_454 {strides = array<i32>} : memref<64x128xf32, #tpu.memory_space<vmem>>, vector<16xf32>,
        %get3A_458 = arith.index_cast %add3A_429 : i32 to index
        %get3A_459 = arith.constant 64 : index
        %get3A_460 = tpu.vector_load %arg23[%get3A_458, %get3A_459] {strides = array<i32>} : memref<64x128xf32, #tpu.memory_space<vmem>>, vector<16xf32>,
        %mul3A_461 = arith.mulf %get3A_460, %gather3A_427 : vector<16xf32>
        %swap3A_462 = arith.index_cast %add3A_429 : i32 to index
        %swap3A_463 = arith.constant 64 : index
        %swap3A_464 = tpu.vector_load %arg23[%swap3A_462, %swap3A_463] {strides = array<i32>} : memref<64x128xf32, #tpu.memory_space<vmem>>, vector<16xf32>,
        tpu.vector_store %arg23[%swap3A_462, %swap3A_463], %mul3A_461 {strides = array<i32>} : memref<64x128xf32, #tpu.memory_space<vmem>>, vector<16xf32>,
        %get3A_465 = arith.index_cast %add3A_429 : i32 to index
        %get3A_466 = arith.constant 80 : index
        %get3A_467 = tpu.vector_load %arg23[%get3A_465, %get3A_466] {strides = array<i32>} : memref<64x128xf32, #tpu.memory_space<vmem>>, vector<16xf32>,
        %mul3A_468 = arith.mulf %get3A_467, %gather3A_427 : vector<16xf32>
        %swap3A_469 = arith.index_cast %add3A_429 : i32 to index
        %swap3A_470 = arith.constant 80 : index
        %swap3A_471 = tpu.vector_load %arg23[%swap3A_469, %swap3A_470] {strides = array<i32>} : memref<64x128xf32, #tpu.memory_space<vmem>>, vector<16xf32>,
        tpu.vector_store %arg23[%swap3A_469, %swap3A_470], %mul3A_468 {strides = array<i32>} : memref<64x128xf32, #tpu.memory_space<vmem>>, vector<16xf32>,
        %get3A_472 = arith.index_cast %add3A_429 : i32 to index
        %get3A_473 = arith.constant 96 : index
        %get3A_474 = tpu.vector_load %arg23[%get3A_472, %get3A_473] {strides = array<i32>} : memref<64x128xf32, #tpu.memory_space<vmem>>, vector<16xf32>,
        %mul3A_475 = arith.mulf %get3A_474, %gather3A_427 : vector<16xf32>
        %swap3A_476 = arith.index_cast %add3A_429 : i32 to index
        %swap3A_477 = arith.constant 96 : index
        %swap3A_478 = tpu.vector_load %arg23[%swap3A_476, %swap3A_477] {strides = array<i32>} : memref<64x128xf32, #tpu.memory_space<vmem>>, vector<16xf32>,
        tpu.vector_store %arg23[%swap3A_476, %swap3A_477], %mul3A_475 {strides = array<i32>} : memref<64x128xf32, #tpu.memory_space<vmem>>, vector<16xf32>,
        %get3A_479 = arith.index_cast %add3A_429 : i32 to index
        %get3A_480 = arith.constant 112 : index
        %get3A_481 = tpu.vector_load %arg23[%get3A_479, %get3A_480] {strides = array<i32>} : memref<64x128xf32, #tpu.memory_space<vmem>>, vector<16xf32>,
        %mul3A_482 = arith.mulf %get3A_481, %gather3A_427 : vector<16xf32>
        %swap3A_483 = arith.index_cast %add3A_429 : i32 to index
        %swap3A_484 = arith.constant 112 : index
        %swap3A_485 = tpu.vector_load %arg23[%swap3A_483, %swap3A_484] {strides = array<i32>} : memref<64x128xf32, #tpu.memory_space<vmem>>, vector<16xf32>,
        tpu.vector_store %arg23[%swap3A_483, %swap3A_484], %mul3A_482 {strides = array<i32>} : memref<64x128xf32, #tpu.memory_space<vmem>>, vector<16xf32>,
        %broadcast_in_dim3A_486 = arith.constant 6 : i32
        %broadcast_in_dim3A_487 = vector.broadcast %broadcast_in_dim3A_486 : i32 to vector<16xi32>
        %lt3A_488 = arith.constant 0 : i32
        %lt3A_489 = vector.broadcast %lt3A_488 : i32 to vector<16xi32>
        %lt3A_490 = arith.cmpi slt, %broadcast_in_dim3A_487, %lt3A_489 : vector<16xi32>
        %add3A_491 = arith.constant 16 : i32
        %add3A_492 = vector.broadcast %add3A_491 : i32 to vector<16xi32>
        %add3A_493 = arith.addi %broadcast_in_dim3A_487, %add3A_492 : vector<16xi32>
        %select_n3A_494 = arith.select %lt3A_490, %add3A_493, %broadcast_in_dim3A_487 : vector<16xi1>, vector<16xi32>
        %broadcast_in_dim3A_495 = vector.shape_cast %select_n3A_494 : vector<16xi32> to vector<16x1xi32>
        %gather3A_496 = vector.shape_cast %broadcast_in_dim3A_495 : vector<16x1xi32> to vector<16xi32>
        %gather3A_497 = tpu.dynamic_gather %exp3A[%gather3A_496] in [0] : vector<16xf32>, vector<16xi32> -> vector<16xf32>
        %add3A_498 = arith.constant 6 : i32
        %add3A_499 = arith.addi %mul3A_50, %add3A_498 : i32
        %get3A_500 = arith.index_cast %add3A_499 : i32 to index
        %get3A_501 = arith.constant 0 : index
        %get3A_502 = tpu.vector_load %arg23[%get3A_500, %get3A_501] {strides = array<i32>} : memref<64x128xf32, #tpu.memory_space<vmem>>, vector<16xf32>,
        %mul3A_503 = arith.mulf %get3A_502, %gather3A_497 : vector<16xf32>
        %swap3A_504 = arith.index_cast %add3A_499 : i32 to index
        %swap3A_505 = arith.constant 0 : index
        %swap3A_506 = tpu.vector_load %arg23[%swap3A_504, %swap3A_505] {strides = array<i32>} : memref<64x128xf32, #tpu.memory_space<vmem>>, vector<16xf32>,
        tpu.vector_store %arg23[%swap3A_504, %swap3A_505], %mul3A_503 {strides = array<i32>} : memref<64x128xf32, #tpu.memory_space<vmem>>, vector<16xf32>,
        %get3A_507 = arith.index_cast %add3A_499 : i32 to index
        %get3A_508 = arith.constant 16 : index
        %get3A_509 = tpu.vector_load %arg23[%get3A_507, %get3A_508] {strides = array<i32>} : memref<64x128xf32, #tpu.memory_space<vmem>>, vector<16xf32>,
        %mul3A_510 = arith.mulf %get3A_509, %gather3A_497 : vector<16xf32>
        %swap3A_511 = arith.index_cast %add3A_499 : i32 to index
        %swap3A_512 = arith.constant 16 : index
        %swap3A_513 = tpu.vector_load %arg23[%swap3A_511, %swap3A_512] {strides = array<i32>} : memref<64x128xf32, #tpu.memory_space<vmem>>, vector<16xf32>,
        tpu.vector_store %arg23[%swap3A_511, %swap3A_512], %mul3A_510 {strides = array<i32>} : memref<64x128xf32, #tpu.memory_space<vmem>>, vector<16xf32>,
        %get3A_514 = arith.index_cast %add3A_499 : i32 to index
        %get3A_515 = arith.constant 32 : index
        %get3A_516 = tpu.vector_load %arg23[%get3A_514, %get3A_515] {strides = array<i32>} : memref<64x128xf32, #tpu.memory_space<vmem>>, vector<16xf32>,
        %mul3A_517 = arith.mulf %get3A_516, %gather3A_497 : vector<16xf32>
        %swap3A_518 = arith.index_cast %add3A_499 : i32 to index
        %swap3A_519 = arith.constant 32 : index
        %swap3A_520 = tpu.vector_load %arg23[%swap3A_518, %swap3A_519] {strides = array<i32>} : memref<64x128xf32, #tpu.memory_space<vmem>>, vector<16xf32>,
        tpu.vector_store %arg23[%swap3A_518, %swap3A_519], %mul3A_517 {strides = array<i32>} : memref<64x128xf32, #tpu.memory_space<vmem>>, vector<16xf32>,
        %get3A_521 = arith.index_cast %add3A_499 : i32 to index
        %get3A_522 = arith.constant 48 : index
        %get3A_523 = tpu.vector_load %arg23[%get3A_521, %get3A_522] {strides = array<i32>} : memref<64x128xf32, #tpu.memory_space<vmem>>, vector<16xf32>,
        %mul3A_524 = arith.mulf %get3A_523, %gather3A_497 : vector<16xf32>
        %swap3A_525 = arith.index_cast %add3A_499 : i32 to index
        %swap3A_526 = arith.constant 48 : index
        %swap3A_527 = tpu.vector_load %arg23[%swap3A_525, %swap3A_526] {strides = array<i32>} : memref<64x128xf32, #tpu.memory_space<vmem>>, vector<16xf32>,
        tpu.vector_store %arg23[%swap3A_525, %swap3A_526], %mul3A_524 {strides = array<i32>} : memref<64x128xf32, #tpu.memory_space<vmem>>, vector<16xf32>,
        %get3A_528 = arith.index_cast %add3A_499 : i32 to index
        %get3A_529 = arith.constant 64 : index
        %get3A_530 = tpu.vector_load %arg23[%get3A_528, %get3A_529] {strides = array<i32>} : memref<64x128xf32, #tpu.memory_space<vmem>>, vector<16xf32>,
        %mul3A_531 = arith.mulf %get3A_530, %gather3A_497 : vector<16xf32>
        %swap3A_532 = arith.index_cast %add3A_499 : i32 to index
        %swap3A_533 = arith.constant 64 : index
        %swap3A_534 = tpu.vector_load %arg23[%swap3A_532, %swap3A_533] {strides = array<i32>} : memref<64x128xf32, #tpu.memory_space<vmem>>, vector<16xf32>,
        tpu.vector_store %arg23[%swap3A_532, %swap3A_533], %mul3A_531 {strides = array<i32>} : memref<64x128xf32, #tpu.memory_space<vmem>>, vector<16xf32>,
        %get3A_535 = arith.index_cast %add3A_499 : i32 to index
        %get3A_536 = arith.constant 80 : index
        %get3A_537 = tpu.vector_load %arg23[%get3A_535, %get3A_536] {strides = array<i32>} : memref<64x128xf32, #tpu.memory_space<vmem>>, vector<16xf32>,
        %mul3A_538 = arith.mulf %get3A_537, %gather3A_497 : vector<16xf32>
        %swap3A_539 = arith.index_cast %add3A_499 : i32 to index
        %swap3A_540 = arith.constant 80 : index
        %swap3A_541 = tpu.vector_load %arg23[%swap3A_539, %swap3A_540] {strides = array<i32>} : memref<64x128xf32, #tpu.memory_space<vmem>>, vector<16xf32>,
        tpu.vector_store %arg23[%swap3A_539, %swap3A_540], %mul3A_538 {strides = array<i32>} : memref<64x128xf32, #tpu.memory_space<vmem>>, vector<16xf32>,
        %get3A_542 = arith.index_cast %add3A_499 : i32 to index
        %get3A_543 = arith.constant 96 : index
        %get3A_544 = tpu.vector_load %arg23[%get3A_542, %get3A_543] {strides = array<i32>} : memref<64x128xf32, #tpu.memory_space<vmem>>, vector<16xf32>,
        %mul3A_545 = arith.mulf %get3A_544, %gather3A_497 : vector<16xf32>
        %swap3A_546 = arith.index_cast %add3A_499 : i32 to index
        %swap3A_547 = arith.constant 96 : index
        %swap3A_548 = tpu.vector_load %arg23[%swap3A_546, %swap3A_547] {strides = array<i32>} : memref<64x128xf32, #tpu.memory_space<vmem>>, vector<16xf32>,
        tpu.vector_store %arg23[%swap3A_546, %swap3A_547], %mul3A_545 {strides = array<i32>} : memref<64x128xf32, #tpu.memory_space<vmem>>, vector<16xf32>,
        %get3A_549 = arith.index_cast %add3A_499 : i32 to index
        %get3A_550 = arith.constant 112 : index
        %get3A_551 = tpu.vector_load %arg23[%get3A_549, %get3A_550] {strides = array<i32>} : memref<64x128xf32, #tpu.memory_space<vmem>>, vector<16xf32>,
        %mul3A_552 = arith.mulf %get3A_551, %gather3A_497 : vector<16xf32>
        %swap3A_553 = arith.index_cast %add3A_499 : i32 to index
        %swap3A_554 = arith.constant 112 : index
        %swap3A_555 = tpu.vector_load %arg23[%swap3A_553, %swap3A_554] {strides = array<i32>} : memref<64x128xf32, #tpu.memory_space<vmem>>, vector<16xf32>,
        tpu.vector_store %arg23[%swap3A_553, %swap3A_554], %mul3A_552 {strides = array<i32>} : memref<64x128xf32, #tpu.memory_space<vmem>>, vector<16xf32>,
        %broadcast_in_dim3A_556 = arith.constant 7 : i32
        %broadcast_in_dim3A_557 = vector.broadcast %broadcast_in_dim3A_556 : i32 to vector<16xi32>
        %lt3A_558 = arith.constant 0 : i32
        %lt3A_559 = vector.broadcast %lt3A_558 : i32 to vector<16xi32>
        %lt3A_560 = arith.cmpi slt, %broadcast_in_dim3A_557, %lt3A_559 : vector<16xi32>
        %add3A_561 = arith.constant 16 : i32
        %add3A_562 = vector.broadcast %add3A_561 : i32 to vector<16xi32>
        %add3A_563 = arith.addi %broadcast_in_dim3A_557, %add3A_562 : vector<16xi32>
        %select_n3A_564 = arith.select %lt3A_560, %add3A_563, %broadcast_in_dim3A_557 : vector<16xi1>, vector<16xi32>
        %broadcast_in_dim3A_565 = vector.shape_cast %select_n3A_564 : vector<16xi32> to vector<16x1xi32>
        %gather3A_566 = vector.shape_cast %broadcast_in_dim3A_565 : vector<16x1xi32> to vector<16xi32>
        %gather3A_567 = tpu.dynamic_gather %exp3A[%gather3A_566] in [0] : vector<16xf32>, vector<16xi32> -> vector<16xf32>
        %add3A_568 = arith.constant 7 : i32
        %add3A_569 = arith.addi %mul3A_50, %add3A_568 : i32
        %get3A_570 = arith.index_cast %add3A_569 : i32 to index
        %get3A_571 = arith.constant 0 : index
        %get3A_572 = tpu.vector_load %arg23[%get3A_570, %get3A_571] {strides = array<i32>} : memref<64x128xf32, #tpu.memory_space<vmem>>, vector<16xf32>,
        %mul3A_573 = arith.mulf %get3A_572, %gather3A_567 : vector<16xf32>
        %swap3A_574 = arith.index_cast %add3A_569 : i32 to index
        %swap3A_575 = arith.constant 0 : index
        %swap3A_576 = tpu.vector_load %arg23[%swap3A_574, %swap3A_575] {strides = array<i32>} : memref<64x128xf32, #tpu.memory_space<vmem>>, vector<16xf32>,
        tpu.vector_store %arg23[%swap3A_574, %swap3A_575], %mul3A_573 {strides = array<i32>} : memref<64x128xf32, #tpu.memory_space<vmem>>, vector<16xf32>,
        %get3A_577 = arith.index_cast %add3A_569 : i32 to index
        %get3A_578 = arith.constant 16 : index
        %get3A_579 = tpu.vector_load %arg23[%get3A_577, %get3A_578] {strides = array<i32>} : memref<64x128xf32, #tpu.memory_space<vmem>>, vector<16xf32>,
        %mul3A_580 = arith.mulf %get3A_579, %gather3A_567 : vector<16xf32>
        %swap3A_581 = arith.index_cast %add3A_569 : i32 to index
        %swap3A_582 = arith.constant 16 : index
        %swap3A_583 = tpu.vector_load %arg23[%swap3A_581, %swap3A_582] {strides = array<i32>} : memref<64x128xf32, #tpu.memory_space<vmem>>, vector<16xf32>,
        tpu.vector_store %arg23[%swap3A_581, %swap3A_582], %mul3A_580 {strides = array<i32>} : memref<64x128xf32, #tpu.memory_space<vmem>>, vector<16xf32>,
        %get3A_584 = arith.index_cast %add3A_569 : i32 to index
        %get3A_585 = arith.constant 32 : index
        %get3A_586 = tpu.vector_load %arg23[%get3A_584, %get3A_585] {strides = array<i32>} : memref<64x128xf32, #tpu.memory_space<vmem>>, vector<16xf32>,
        %mul3A_587 = arith.mulf %get3A_586, %gather3A_567 : vector<16xf32>
        %swap3A_588 = arith.index_cast %add3A_569 : i32 to index
        %swap3A_589 = arith.constant 32 : index
        %swap3A_590 = tpu.vector_load %arg23[%swap3A_588, %swap3A_589] {strides = array<i32>} : memref<64x128xf32, #tpu.memory_space<vmem>>, vector<16xf32>,
        tpu.vector_store %arg23[%swap3A_588, %swap3A_589], %mul3A_587 {strides = array<i32>} : memref<64x128xf32, #tpu.memory_space<vmem>>, vector<16xf32>,
        %get3A_591 = arith.index_cast %add3A_569 : i32 to index
        %get3A_592 = arith.constant 48 : index
        %get3A_593 = tpu.vector_load %arg23[%get3A_591, %get3A_592] {strides = array<i32>} : memref<64x128xf32, #tpu.memory_space<vmem>>, vector<16xf32>,
        %mul3A_594 = arith.mulf %get3A_593, %gather3A_567 : vector<16xf32>
        %swap3A_595 = arith.index_cast %add3A_569 : i32 to index
        %swap3A_596 = arith.constant 48 : index
        %swap3A_597 = tpu.vector_load %arg23[%swap3A_595, %swap3A_596] {strides = array<i32>} : memref<64x128xf32, #tpu.memory_space<vmem>>, vector<16xf32>,
        tpu.vector_store %arg23[%swap3A_595, %swap3A_596], %mul3A_594 {strides = array<i32>} : memref<64x128xf32, #tpu.memory_space<vmem>>, vector<16xf32>,
        %get3A_598 = arith.index_cast %add3A_569 : i32 to index
        %get3A_599 = arith.constant 64 : index
        %get3A_600 = tpu.vector_load %arg23[%get3A_598, %get3A_599] {strides = array<i32>} : memref<64x128xf32, #tpu.memory_space<vmem>>, vector<16xf32>,
        %mul3A_601 = arith.mulf %get3A_600, %gather3A_567 : vector<16xf32>
        %swap3A_602 = arith.index_cast %add3A_569 : i32 to index
        %swap3A_603 = arith.constant 64 : index
        %swap3A_604 = tpu.vector_load %arg23[%swap3A_602, %swap3A_603] {strides = array<i32>} : memref<64x128xf32, #tpu.memory_space<vmem>>, vector<16xf32>,
        tpu.vector_store %arg23[%swap3A_602, %swap3A_603], %mul3A_601 {strides = array<i32>} : memref<64x128xf32, #tpu.memory_space<vmem>>, vector<16xf32>,
        %get3A_605 = arith.index_cast %add3A_569 : i32 to index
        %get3A_606 = arith.constant 80 : index
        %get3A_607 = tpu.vector_load %arg23[%get3A_605, %get3A_606] {strides = array<i32>} : memref<64x128xf32, #tpu.memory_space<vmem>>, vector<16xf32>,
        %mul3A_608 = arith.mulf %get3A_607, %gather3A_567 : vector<16xf32>
        %swap3A_609 = arith.index_cast %add3A_569 : i32 to index
        %swap3A_610 = arith.constant 80 : index
        %swap3A_611 = tpu.vector_load %arg23[%swap3A_609, %swap3A_610] {strides = array<i32>} : memref<64x128xf32, #tpu.memory_space<vmem>>, vector<16xf32>,
        tpu.vector_store %arg23[%swap3A_609, %swap3A_610], %mul3A_608 {strides = array<i32>} : memref<64x128xf32, #tpu.memory_space<vmem>>, vector<16xf32>,
        %get3A_612 = arith.index_cast %add3A_569 : i32 to index
        %get3A_613 = arith.constant 96 : index
        %get3A_614 = tpu.vector_load %arg23[%get3A_612, %get3A_613] {strides = array<i32>} : memref<64x128xf32, #tpu.memory_space<vmem>>, vector<16xf32>,
        %mul3A_615 = arith.mulf %get3A_614, %gather3A_567 : vector<16xf32>
        %swap3A_616 = arith.index_cast %add3A_569 : i32 to index
        %swap3A_617 = arith.constant 96 : index
        %swap3A_618 = tpu.vector_load %arg23[%swap3A_616, %swap3A_617] {strides = array<i32>} : memref<64x128xf32, #tpu.memory_space<vmem>>, vector<16xf32>,
        tpu.vector_store %arg23[%swap3A_616, %swap3A_617], %mul3A_615 {strides = array<i32>} : memref<64x128xf32, #tpu.memory_space<vmem>>, vector<16xf32>,
        %get3A_619 = arith.index_cast %add3A_569 : i32 to index
        %get3A_620 = arith.constant 112 : index
        %get3A_621 = tpu.vector_load %arg23[%get3A_619, %get3A_620] {strides = array<i32>} : memref<64x128xf32, #tpu.memory_space<vmem>>, vector<16xf32>,
        %mul3A_622 = arith.mulf %get3A_621, %gather3A_567 : vector<16xf32>
        %swap3A_623 = arith.index_cast %add3A_569 : i32 to index
        %swap3A_624 = arith.constant 112 : index
        %swap3A_625 = tpu.vector_load %arg23[%swap3A_623, %swap3A_624] {strides = array<i32>} : memref<64x128xf32, #tpu.memory_space<vmem>>, vector<16xf32>,
        tpu.vector_store %arg23[%swap3A_623, %swap3A_624], %mul3A_622 {strides = array<i32>} : memref<64x128xf32, #tpu.memory_space<vmem>>, vector<16xf32>,
        %broadcast_in_dim3A_626 = arith.constant 8 : i32
        %broadcast_in_dim3A_627 = vector.broadcast %broadcast_in_dim3A_626 : i32 to vector<16xi32>
        %lt3A_628 = arith.constant 0 : i32
        %lt3A_629 = vector.broadcast %lt3A_628 : i32 to vector<16xi32>
        %lt3A_630 = arith.cmpi slt, %broadcast_in_dim3A_627, %lt3A_629 : vector<16xi32>
        %add3A_631 = arith.constant 16 : i32
        %add3A_632 = vector.broadcast %add3A_631 : i32 to vector<16xi32>
        %add3A_633 = arith.addi %broadcast_in_dim3A_627, %add3A_632 : vector<16xi32>
        %select_n3A_634 = arith.select %lt3A_630, %add3A_633, %broadcast_in_dim3A_627 : vector<16xi1>, vector<16xi32>
        %broadcast_in_dim3A_635 = vector.shape_cast %select_n3A_634 : vector<16xi32> to vector<16x1xi32>
        %gather3A_636 = vector.shape_cast %broadcast_in_dim3A_635 : vector<16x1xi32> to vector<16xi32>
        %gather3A_637 = tpu.dynamic_gather %exp3A[%gather3A_636] in [0] : vector<16xf32>, vector<16xi32> -> vector<16xf32>
        %add3A_638 = arith.constant 8 : i32
        %add3A_639 = arith.addi %mul3A_50, %add3A_638 : i32
        %get3A_640 = arith.index_cast %add3A_639 : i32 to index
        %get3A_641 = arith.constant 0 : index
        %get3A_642 = tpu.vector_load %arg23[%get3A_640, %get3A_641] {strides = array<i32>} : memref<64x128xf32, #tpu.memory_space<vmem>>, vector<16xf32>,
        %mul3A_643 = arith.mulf %get3A_642, %gather3A_637 : vector<16xf32>
        %swap3A_644 = arith.index_cast %add3A_639 : i32 to index
        %swap3A_645 = arith.constant 0 : index
        %swap3A_646 = tpu.vector_load %arg23[%swap3A_644, %swap3A_645] {strides = array<i32>} : memref<64x128xf32, #tpu.memory_space<vmem>>, vector<16xf32>,
        tpu.vector_store %arg23[%swap3A_644, %swap3A_645], %mul3A_643 {strides = array<i32>} : memref<64x128xf32, #tpu.memory_space<vmem>>, vector<16xf32>,
        %get3A_647 = arith.index_cast %add3A_639 : i32 to index
        %get3A_648 = arith.constant 16 : index
        %get3A_649 = tpu.vector_load %arg23[%get3A_647, %get3A_648] {strides = array<i32>} : memref<64x128xf32, #tpu.memory_space<vmem>>, vector<16xf32>,
        %mul3A_650 = arith.mulf %get3A_649, %gather3A_637 : vector<16xf32>
        %swap3A_651 = arith.index_cast %add3A_639 : i32 to index
        %swap3A_652 = arith.constant 16 : index
        %swap3A_653 = tpu.vector_load %arg23[%swap3A_651, %swap3A_652] {strides = array<i32>} : memref<64x128xf32, #tpu.memory_space<vmem>>, vector<16xf32>,
        tpu.vector_store %arg23[%swap3A_651, %swap3A_652], %mul3A_650 {strides = array<i32>} : memref<64x128xf32, #tpu.memory_space<vmem>>, vector<16xf32>,
        %get3A_654 = arith.index_cast %add3A_639 : i32 to index
        %get3A_655 = arith.constant 32 : index
        %get3A_656 = tpu.vector_load %arg23[%get3A_654, %get3A_655] {strides = array<i32>} : memref<64x128xf32, #tpu.memory_space<vmem>>, vector<16xf32>,
        %mul3A_657 = arith.mulf %get3A_656, %gather3A_637 : vector<16xf32>
        %swap3A_658 = arith.index_cast %add3A_639 : i32 to index
        %swap3A_659 = arith.constant 32 : index
        %swap3A_660 = tpu.vector_load %arg23[%swap3A_658, %swap3A_659] {strides = array<i32>} : memref<64x128xf32, #tpu.memory_space<vmem>>, vector<16xf32>,
        tpu.vector_store %arg23[%swap3A_658, %swap3A_659], %mul3A_657 {strides = array<i32>} : memref<64x128xf32, #tpu.memory_space<vmem>>, vector<16xf32>,
        %get3A_661 = arith.index_cast %add3A_639 : i32 to index
        %get3A_662 = arith.constant 48 : index
        %get3A_663 = tpu.vector_load %arg23[%get3A_661, %get3A_662] {strides = array<i32>} : memref<64x128xf32, #tpu.memory_space<vmem>>, vector<16xf32>,
        %mul3A_664 = arith.mulf %get3A_663, %gather3A_637 : vector<16xf32>
        %swap3A_665 = arith.index_cast %add3A_639 : i32 to index
        %swap3A_666 = arith.constant 48 : index
        %swap3A_667 = tpu.vector_load %arg23[%swap3A_665, %swap3A_666] {strides = array<i32>} : memref<64x128xf32, #tpu.memory_space<vmem>>, vector<16xf32>,
        tpu.vector_store %arg23[%swap3A_665, %swap3A_666], %mul3A_664 {strides = array<i32>} : memref<64x128xf32, #tpu.memory_space<vmem>>, vector<16xf32>,
        %get3A_668 = arith.index_cast %add3A_639 : i32 to index
        %get3A_669 = arith.constant 64 : index
        %get3A_670 = tpu.vector_load %arg23[%get3A_668, %get3A_669] {strides = array<i32>} : memref<64x128xf32, #tpu.memory_space<vmem>>, vector<16xf32>,
        %mul3A_671 = arith.mulf %get3A_670, %gather3A_637 : vector<16xf32>
        %swap3A_672 = arith.index_cast %add3A_639 : i32 to index
        %swap3A_673 = arith.constant 64 : index
        %swap3A_674 = tpu.vector_load %arg23[%swap3A_672, %swap3A_673] {strides = array<i32>} : memref<64x128xf32, #tpu.memory_space<vmem>>, vector<16xf32>,
        tpu.vector_store %arg23[%swap3A_672, %swap3A_673], %mul3A_671 {strides = array<i32>} : memref<64x128xf32, #tpu.memory_space<vmem>>, vector<16xf32>,
        %get3A_675 = arith.index_cast %add3A_639 : i32 to index
        %get3A_676 = arith.constant 80 : index
        %get3A_677 = tpu.vector_load %arg23[%get3A_675, %get3A_676] {strides = array<i32>} : memref<64x128xf32, #tpu.memory_space<vmem>>, vector<16xf32>,
        %mul3A_678 = arith.mulf %get3A_677, %gather3A_637 : vector<16xf32>
        %swap3A_679 = arith.index_cast %add3A_639 : i32 to index
        %swap3A_680 = arith.constant 80 : index
        %swap3A_681 = tpu.vector_load %arg23[%swap3A_679, %swap3A_680] {strides = array<i32>} : memref<64x128xf32, #tpu.memory_space<vmem>>, vector<16xf32>,
        tpu.vector_store %arg23[%swap3A_679, %swap3A_680], %mul3A_678 {strides = array<i32>} : memref<64x128xf32, #tpu.memory_space<vmem>>, vector<16xf32>,
        %get3A_682 = arith.index_cast %add3A_639 : i32 to index
        %get3A_683 = arith.constant 96 : index
        %get3A_684 = tpu.vector_load %arg23[%get3A_682, %get3A_683] {strides = array<i32>} : memref<64x128xf32, #tpu.memory_space<vmem>>, vector<16xf32>,
        %mul3A_685 = arith.mulf %get3A_684, %gather3A_637 : vector<16xf32>
        %swap3A_686 = arith.index_cast %add3A_639 : i32 to index
        %swap3A_687 = arith.constant 96 : index
        %swap3A_688 = tpu.vector_load %arg23[%swap3A_686, %swap3A_687] {strides = array<i32>} : memref<64x128xf32, #tpu.memory_space<vmem>>, vector<16xf32>,
        tpu.vector_store %arg23[%swap3A_686, %swap3A_687], %mul3A_685 {strides = array<i32>} : memref<64x128xf32, #tpu.memory_space<vmem>>, vector<16xf32>,
        %get3A_689 = arith.index_cast %add3A_639 : i32 to index
        %get3A_690 = arith.constant 112 : index
        %get3A_691 = tpu.vector_load %arg23[%get3A_689, %get3A_690] {strides = array<i32>} : memref<64x128xf32, #tpu.memory_space<vmem>>, vector<16xf32>,
        %mul3A_692 = arith.mulf %get3A_691, %gather3A_637 : vector<16xf32>
        %swap3A_693 = arith.index_cast %add3A_639 : i32 to index
        %swap3A_694 = arith.constant 112 : index
        %swap3A_695 = tpu.vector_load %arg23[%swap3A_693, %swap3A_694] {strides = array<i32>} : memref<64x128xf32, #tpu.memory_space<vmem>>, vector<16xf32>,
        tpu.vector_store %arg23[%swap3A_693, %swap3A_694], %mul3A_692 {strides = array<i32>} : memref<64x128xf32, #tpu.memory_space<vmem>>, vector<16xf32>,
        %broadcast_in_dim3A_696 = arith.constant 9 : i32
        %broadcast_in_dim3A_697 = vector.broadcast %broadcast_in_dim3A_696 : i32 to vector<16xi32>
        %lt3A_698 = arith.constant 0 : i32
        %lt3A_699 = vector.broadcast %lt3A_698 : i32 to vector<16xi32>
        %lt3A_700 = arith.cmpi slt, %broadcast_in_dim3A_697, %lt3A_699 : vector<16xi32>
        %add3A_701 = arith.constant 16 : i32
        %add3A_702 = vector.broadcast %add3A_701 : i32 to vector<16xi32>
        %add3A_703 = arith.addi %broadcast_in_dim3A_697, %add3A_702 : vector<16xi32>
        %select_n3A_704 = arith.select %lt3A_700, %add3A_703, %broadcast_in_dim3A_697 : vector<16xi1>, vector<16xi32>
        %broadcast_in_dim3A_705 = vector.shape_cast %select_n3A_704 : vector<16xi32> to vector<16x1xi32>
        %gather3A_706 = vector.shape_cast %broadcast_in_dim3A_705 : vector<16x1xi32> to vector<16xi32>
        %gather3A_707 = tpu.dynamic_gather %exp3A[%gather3A_706] in [0] : vector<16xf32>, vector<16xi32> -> vector<16xf32>
        %add3A_708 = arith.constant 9 : i32
        %add3A_709 = arith.addi %mul3A_50, %add3A_708 : i32
        %get3A_710 = arith.index_cast %add3A_709 : i32 to index
        %get3A_711 = arith.constant 0 : index
        %get3A_712 = tpu.vector_load %arg23[%get3A_710, %get3A_711] {strides = array<i32>} : memref<64x128xf32, #tpu.memory_space<vmem>>, vector<16xf32>,
        %mul3A_713 = arith.mulf %get3A_712, %gather3A_707 : vector<16xf32>
        %swap3A_714 = arith.index_cast %add3A_709 : i32 to index
        %swap3A_715 = arith.constant 0 : index
        %swap3A_716 = tpu.vector_load %arg23[%swap3A_714, %swap3A_715] {strides = array<i32>} : memref<64x128xf32, #tpu.memory_space<vmem>>, vector<16xf32>,
        tpu.vector_store %arg23[%swap3A_714, %swap3A_715], %mul3A_713 {strides = array<i32>} : memref<64x128xf32, #tpu.memory_space<vmem>>, vector<16xf32>,
        %get3A_717 = arith.index_cast %add3A_709 : i32 to index
        %get3A_718 = arith.constant 16 : index
        %get3A_719 = tpu.vector_load %arg23[%get3A_717, %get3A_718] {strides = array<i32>} : memref<64x128xf32, #tpu.memory_space<vmem>>, vector<16xf32>,
        %mul3A_720 = arith.mulf %get3A_719, %gather3A_707 : vector<16xf32>
        %swap3A_721 = arith.index_cast %add3A_709 : i32 to index
        %swap3A_722 = arith.constant 16 : index
        %swap3A_723 = tpu.vector_load %arg23[%swap3A_721, %swap3A_722] {strides = array<i32>} : memref<64x128xf32, #tpu.memory_space<vmem>>, vector<16xf32>,
        tpu.vector_store %arg23[%swap3A_721, %swap3A_722], %mul3A_720 {strides = array<i32>} : memref<64x128xf32, #tpu.memory_space<vmem>>, vector<16xf32>,
        %get3A_724 = arith.index_cast %add3A_709 : i32 to index
        %get3A_725 = arith.constant 32 : index
        %get3A_726 = tpu.vector_load %arg23[%get3A_724, %get3A_725] {strides = array<i32>} : memref<64x128xf32, #tpu.memory_space<vmem>>, vector<16xf32>,
        %mul3A_727 = arith.mulf %get3A_726, %gather3A_707 : vector<16xf32>
        %swap3A_728 = arith.index_cast %add3A_709 : i32 to index
        %swap3A_729 = arith.constant 32 : index
        %swap3A_730 = tpu.vector_load %arg23[%swap3A_728, %swap3A_729] {strides = array<i32>} : memref<64x128xf32, #tpu.memory_space<vmem>>, vector<16xf32>,
        tpu.vector_store %arg23[%swap3A_728, %swap3A_729], %mul3A_727 {strides = array<i32>} : memref<64x128xf32, #tpu.memory_space<vmem>>, vector<16xf32>,
        %get3A_731 = arith.index_cast %add3A_709 : i32 to index
        %get3A_732 = arith.constant 48 : index
        %get3A_733 = tpu.vector_load %arg23[%get3A_731, %get3A_732] {strides = array<i32>} : memref<64x128xf32, #tpu.memory_space<vmem>>, vector<16xf32>,
        %mul3A_734 = arith.mulf %get3A_733, %gather3A_707 : vector<16xf32>
        %swap3A_735 = arith.index_cast %add3A_709 : i32 to index
        %swap3A_736 = arith.constant 48 : index
        %swap3A_737 = tpu.vector_load %arg23[%swap3A_735, %swap3A_736] {strides = array<i32>} : memref<64x128xf32, #tpu.memory_space<vmem>>, vector<16xf32>,
        tpu.vector_store %arg23[%swap3A_735, %swap3A_736], %mul3A_734 {strides = array<i32>} : memref<64x128xf32, #tpu.memory_space<vmem>>, vector<16xf32>,
        %get3A_738 = arith.index_cast %add3A_709 : i32 to index
        %get3A_739 = arith.constant 64 : index
        %get3A_740 = tpu.vector_load %arg23[%get3A_738, %get3A_739] {strides = array<i32>} : memref<64x128xf32, #tpu.memory_space<vmem>>, vector<16xf32>,
        %mul3A_741 = arith.mulf %get3A_740, %gather3A_707 : vector<16xf32>
        %swap3A_742 = arith.index_cast %add3A_709 : i32 to index
        %swap3A_743 = arith.constant 64 : index
        %swap3A_744 = tpu.vector_load %arg23[%swap3A_742, %swap3A_743] {strides = array<i32>} : memref<64x128xf32, #tpu.memory_space<vmem>>, vector<16xf32>,
        tpu.vector_store %arg23[%swap3A_742, %swap3A_743], %mul3A_741 {strides = array<i32>} : memref<64x128xf32, #tpu.memory_space<vmem>>, vector<16xf32>,
        %get3A_745 = arith.index_cast %add3A_709 : i32 to index
        %get3A_746 = arith.constant 80 : index
        %get3A_747 = tpu.vector_load %arg23[%get3A_745, %get3A_746] {strides = array<i32>} : memref<64x128xf32, #tpu.memory_space<vmem>>, vector<16xf32>,
        %mul3A_748 = arith.mulf %get3A_747, %gather3A_707 : vector<16xf32>
        %swap3A_749 = arith.index_cast %add3A_709 : i32 to index
        %swap3A_750 = arith.constant 80 : index
        %swap3A_751 = tpu.vector_load %arg23[%swap3A_749, %swap3A_750] {strides = array<i32>} : memref<64x128xf32, #tpu.memory_space<vmem>>, vector<16xf32>,
        tpu.vector_store %arg23[%swap3A_749, %swap3A_750], %mul3A_748 {strides = array<i32>} : memref<64x128xf32, #tpu.memory_space<vmem>>, vector<16xf32>,
        %get3A_752 = arith.index_cast %add3A_709 : i32 to index
        %get3A_753 = arith.constant 96 : index
        %get3A_754 = tpu.vector_load %arg23[%get3A_752, %get3A_753] {strides = array<i32>} : memref<64x128xf32, #tpu.memory_space<vmem>>, vector<16xf32>,
        %mul3A_755 = arith.mulf %get3A_754, %gather3A_707 : vector<16xf32>
        %swap3A_756 = arith.index_cast %add3A_709 : i32 to index
        %swap3A_757 = arith.constant 96 : index
        %swap3A_758 = tpu.vector_load %arg23[%swap3A_756, %swap3A_757] {strides = array<i32>} : memref<64x128xf32, #tpu.memory_space<vmem>>, vector<16xf32>,
        tpu.vector_store %arg23[%swap3A_756, %swap3A_757], %mul3A_755 {strides = array<i32>} : memref<64x128xf32, #tpu.memory_space<vmem>>, vector<16xf32>,
        %get3A_759 = arith.index_cast %add3A_709 : i32 to index
        %get3A_760 = arith.constant 112 : index
        %get3A_761 = tpu.vector_load %arg23[%get3A_759, %get3A_760] {strides = array<i32>} : memref<64x128xf32, #tpu.memory_space<vmem>>, vector<16xf32>,
        %mul3A_762 = arith.mulf %get3A_761, %gather3A_707 : vector<16xf32>
        %swap3A_763 = arith.index_cast %add3A_709 : i32 to index
        %swap3A_764 = arith.constant 112 : index
        %swap3A_765 = tpu.vector_load %arg23[%swap3A_763, %swap3A_764] {strides = array<i32>} : memref<64x128xf32, #tpu.memory_space<vmem>>, vector<16xf32>,
        tpu.vector_store %arg23[%swap3A_763, %swap3A_764], %mul3A_762 {strides = array<i32>} : memref<64x128xf32, #tpu.memory_space<vmem>>, vector<16xf32>,
        %broadcast_in_dim3A_766 = arith.constant 10 : i32
        %broadcast_in_dim3A_767 = vector.broadcast %broadcast_in_dim3A_766 : i32 to vector<16xi32>
        %lt3A_768 = arith.constant 0 : i32
        %lt3A_769 = vector.broadcast %lt3A_768 : i32 to vector<16xi32>
        %lt3A_770 = arith.cmpi slt, %broadcast_in_dim3A_767, %lt3A_769 : vector<16xi32>
        %add3A_771 = arith.constant 16 : i32
        %add3A_772 = vector.broadcast %add3A_771 : i32 to vector<16xi32>
        %add3A_773 = arith.addi %broadcast_in_dim3A_767, %add3A_772 : vector<16xi32>
        %select_n3A_774 = arith.select %lt3A_770, %add3A_773, %broadcast_in_dim3A_767 : vector<16xi1>, vector<16xi32>
        %broadcast_in_dim3A_775 = vector.shape_cast %select_n3A_774 : vector<16xi32> to vector<16x1xi32>
        %gather3A_776 = vector.shape_cast %broadcast_in_dim3A_775 : vector<16x1xi32> to vector<16xi32>
        %gather3A_777 = tpu.dynamic_gather %exp3A[%gather3A_776] in [0] : vector<16xf32>, vector<16xi32> -> vector<16xf32>
        %add3A_778 = arith.constant 10 : i32
        %add3A_779 = arith.addi %mul3A_50, %add3A_778 : i32
        %get3A_780 = arith.index_cast %add3A_779 : i32 to index
        %get3A_781 = arith.constant 0 : index
        %get3A_782 = tpu.vector_load %arg23[%get3A_780, %get3A_781] {strides = array<i32>} : memref<64x128xf32, #tpu.memory_space<vmem>>, vector<16xf32>,
        %mul3A_783 = arith.mulf %get3A_782, %gather3A_777 : vector<16xf32>
        %swap3A_784 = arith.index_cast %add3A_779 : i32 to index
        %swap3A_785 = arith.constant 0 : index
        %swap3A_786 = tpu.vector_load %arg23[%swap3A_784, %swap3A_785] {strides = array<i32>} : memref<64x128xf32, #tpu.memory_space<vmem>>, vector<16xf32>,
        tpu.vector_store %arg23[%swap3A_784, %swap3A_785], %mul3A_783 {strides = array<i32>} : memref<64x128xf32, #tpu.memory_space<vmem>>, vector<16xf32>,
        %get3A_787 = arith.index_cast %add3A_779 : i32 to index
        %get3A_788 = arith.constant 16 : index
        %get3A_789 = tpu.vector_load %arg23[%get3A_787, %get3A_788] {strides = array<i32>} : memref<64x128xf32, #tpu.memory_space<vmem>>, vector<16xf32>,
        %mul3A_790 = arith.mulf %get3A_789, %gather3A_777 : vector<16xf32>
        %swap3A_791 = arith.index_cast %add3A_779 : i32 to index
        %swap3A_792 = arith.constant 16 : index
        %swap3A_793 = tpu.vector_load %arg23[%swap3A_791, %swap3A_792] {strides = array<i32>} : memref<64x128xf32, #tpu.memory_space<vmem>>, vector<16xf32>,
        tpu.vector_store %arg23[%swap3A_791, %swap3A_792], %mul3A_790 {strides = array<i32>} : memref<64x128xf32, #tpu.memory_space<vmem>>, vector<16xf32>,
        %get3A_794 = arith.index_cast %add3A_779 : i32 to index
        %get3A_795 = arith.constant 32 : index
        %get3A_796 = tpu.vector_load %arg23[%get3A_794, %get3A_795] {strides = array<i32>} : memref<64x128xf32, #tpu.memory_space<vmem>>, vector<16xf32>,
        %mul3A_797 = arith.mulf %get3A_796, %gather3A_777 : vector<16xf32>
        %swap3A_798 = arith.index_cast %add3A_779 : i32 to index
        %swap3A_799 = arith.constant 32 : index
        %swap3A_800 = tpu.vector_load %arg23[%swap3A_798, %swap3A_799] {strides = array<i32>} : memref<64x128xf32, #tpu.memory_space<vmem>>, vector<16xf32>,
        tpu.vector_store %arg23[%swap3A_798, %swap3A_799], %mul3A_797 {strides = array<i32>} : memref<64x128xf32, #tpu.memory_space<vmem>>, vector<16xf32>,
        %get3A_801 = arith.index_cast %add3A_779 : i32 to index
        %get3A_802 = arith.constant 48 : index
        %get3A_803 = tpu.vector_load %arg23[%get3A_801, %get3A_802] {strides = array<i32>} : memref<64x128xf32, #tpu.memory_space<vmem>>, vector<16xf32>,
        %mul3A_804 = arith.mulf %get3A_803, %gather3A_777 : vector<16xf32>
        %swap3A_805 = arith.index_cast %add3A_779 : i32 to index
        %swap3A_806 = arith.constant 48 : index
        %swap3A_807 = tpu.vector_load %arg23[%swap3A_805, %swap3A_806] {strides = array<i32>} : memref<64x128xf32, #tpu.memory_space<vmem>>, vector<16xf32>,
        tpu.vector_store %arg23[%swap3A_805, %swap3A_806], %mul3A_804 {strides = array<i32>} : memref<64x128xf32, #tpu.memory_space<vmem>>, vector<16xf32>,
        %get3A_808 = arith.index_cast %add3A_779 : i32 to index
        %get3A_809 = arith.constant 64 : index
        %get3A_810 = tpu.vector_load %arg23[%get3A_808, %get3A_809] {strides = array<i32>} : memref<64x128xf32, #tpu.memory_space<vmem>>, vector<16xf32>,
        %mul3A_811 = arith.mulf %get3A_810, %gather3A_777 : vector<16xf32>
        %swap3A_812 = arith.index_cast %add3A_779 : i32 to index
        %swap3A_813 = arith.constant 64 : index
        %swap3A_814 = tpu.vector_load %arg23[%swap3A_812, %swap3A_813] {strides = array<i32>} : memref<64x128xf32, #tpu.memory_space<vmem>>, vector<16xf32>,
        tpu.vector_store %arg23[%swap3A_812, %swap3A_813], %mul3A_811 {strides = array<i32>} : memref<64x128xf32, #tpu.memory_space<vmem>>, vector<16xf32>,
        %get3A_815 = arith.index_cast %add3A_779 : i32 to index
        %get3A_816 = arith.constant 80 : index
        %get3A_817 = tpu.vector_load %arg23[%get3A_815, %get3A_816] {strides = array<i32>} : memref<64x128xf32, #tpu.memory_space<vmem>>, vector<16xf32>,
        %mul3A_818 = arith.mulf %get3A_817, %gather3A_777 : vector<16xf32>
        %swap3A_819 = arith.index_cast %add3A_779 : i32 to index
        %swap3A_820 = arith.constant 80 : index
        %swap3A_821 = tpu.vector_load %arg23[%swap3A_819, %swap3A_820] {strides = array<i32>} : memref<64x128xf32, #tpu.memory_space<vmem>>, vector<16xf32>,
        tpu.vector_store %arg23[%swap3A_819, %swap3A_820], %mul3A_818 {strides = array<i32>} : memref<64x128xf32, #tpu.memory_space<vmem>>, vector<16xf32>,
        %get3A_822 = arith.index_cast %add3A_779 : i32 to index
        %get3A_823 = arith.constant 96 : index
        %get3A_824 = tpu.vector_load %arg23[%get3A_822, %get3A_823] {strides = array<i32>} : memref<64x128xf32, #tpu.memory_space<vmem>>, vector<16xf32>,
        %mul3A_825 = arith.mulf %get3A_824, %gather3A_777 : vector<16xf32>
        %swap3A_826 = arith.index_cast %add3A_779 : i32 to index
        %swap3A_827 = arith.constant 96 : index
        %swap3A_828 = tpu.vector_load %arg23[%swap3A_826, %swap3A_827] {strides = array<i32>} : memref<64x128xf32, #tpu.memory_space<vmem>>, vector<16xf32>,
        tpu.vector_store %arg23[%swap3A_826, %swap3A_827], %mul3A_825 {strides = array<i32>} : memref<64x128xf32, #tpu.memory_space<vmem>>, vector<16xf32>,
        %get3A_829 = arith.index_cast %add3A_779 : i32 to index
        %get3A_830 = arith.constant 112 : index
        %get3A_831 = tpu.vector_load %arg23[%get3A_829, %get3A_830] {strides = array<i32>} : memref<64x128xf32, #tpu.memory_space<vmem>>, vector<16xf32>,
        %mul3A_832 = arith.mulf %get3A_831, %gather3A_777 : vector<16xf32>
        %swap3A_833 = arith.index_cast %add3A_779 : i32 to index
        %swap3A_834 = arith.constant 112 : index
        %swap3A_835 = tpu.vector_load %arg23[%swap3A_833, %swap3A_834] {strides = array<i32>} : memref<64x128xf32, #tpu.memory_space<vmem>>, vector<16xf32>,
        tpu.vector_store %arg23[%swap3A_833, %swap3A_834], %mul3A_832 {strides = array<i32>} : memref<64x128xf32, #tpu.memory_space<vmem>>, vector<16xf32>,
        %broadcast_in_dim3A_836 = arith.constant 11 : i32
        %broadcast_in_dim3A_837 = vector.broadcast %broadcast_in_dim3A_836 : i32 to vector<16xi32>
        %lt3A_838 = arith.constant 0 : i32
        %lt3A_839 = vector.broadcast %lt3A_838 : i32 to vector<16xi32>
        %lt3A_840 = arith.cmpi slt, %broadcast_in_dim3A_837, %lt3A_839 : vector<16xi32>
        %add3A_841 = arith.constant 16 : i32
        %add3A_842 = vector.broadcast %add3A_841 : i32 to vector<16xi32>
        %add3A_843 = arith.addi %broadcast_in_dim3A_837, %add3A_842 : vector<16xi32>
        %select_n3A_844 = arith.select %lt3A_840, %add3A_843, %broadcast_in_dim3A_837 : vector<16xi1>, vector<16xi32>
        %broadcast_in_dim3A_845 = vector.shape_cast %select_n3A_844 : vector<16xi32> to vector<16x1xi32>
        %gather3A_846 = vector.shape_cast %broadcast_in_dim3A_845 : vector<16x1xi32> to vector<16xi32>
        %gather3A_847 = tpu.dynamic_gather %exp3A[%gather3A_846] in [0] : vector<16xf32>, vector<16xi32> -> vector<16xf32>
        %add3A_848 = arith.constant 11 : i32
        %add3A_849 = arith.addi %mul3A_50, %add3A_848 : i32
        %get3A_850 = arith.index_cast %add3A_849 : i32 to index
        %get3A_851 = arith.constant 0 : index
        %get3A_852 = tpu.vector_load %arg23[%get3A_850, %get3A_851] {strides = array<i32>} : memref<64x128xf32, #tpu.memory_space<vmem>>, vector<16xf32>,
        %mul3A_853 = arith.mulf %get3A_852, %gather3A_847 : vector<16xf32>
        %swap3A_854 = arith.index_cast %add3A_849 : i32 to index
        %swap3A_855 = arith.constant 0 : index
        %swap3A_856 = tpu.vector_load %arg23[%swap3A_854, %swap3A_855] {strides = array<i32>} : memref<64x128xf32, #tpu.memory_space<vmem>>, vector<16xf32>,
        tpu.vector_store %arg23[%swap3A_854, %swap3A_855], %mul3A_853 {strides = array<i32>} : memref<64x128xf32, #tpu.memory_space<vmem>>, vector<16xf32>,
        %get3A_857 = arith.index_cast %add3A_849 : i32 to index
        %get3A_858 = arith.constant 16 : index
        %get3A_859 = tpu.vector_load %arg23[%get3A_857, %get3A_858] {strides = array<i32>} : memref<64x128xf32, #tpu.memory_space<vmem>>, vector<16xf32>,
        %mul3A_860 = arith.mulf %get3A_859, %gather3A_847 : vector<16xf32>
        %swap3A_861 = arith.index_cast %add3A_849 : i32 to index
        %swap3A_862 = arith.constant 16 : index
        %swap3A_863 = tpu.vector_load %arg23[%swap3A_861, %swap3A_862] {strides = array<i32>} : memref<64x128xf32, #tpu.memory_space<vmem>>, vector<16xf32>,
        tpu.vector_store %arg23[%swap3A_861, %swap3A_862], %mul3A_860 {strides = array<i32>} : memref<64x128xf32, #tpu.memory_space<vmem>>, vector<16xf32>,
        %get3A_864 = arith.index_cast %add3A_849 : i32 to index
        %get3A_865 = arith.constant 32 : index
        %get3A_866 = tpu.vector_load %arg23[%get3A_864, %get3A_865] {strides = array<i32>} : memref<64x128xf32, #tpu.memory_space<vmem>>, vector<16xf32>,
        %mul3A_867 = arith.mulf %get3A_866, %gather3A_847 : vector<16xf32>
        %swap3A_868 = arith.index_cast %add3A_849 : i32 to index
        %swap3A_869 = arith.constant 32 : index
        %swap3A_870 = tpu.vector_load %arg23[%swap3A_868, %swap3A_869] {strides = array<i32>} : memref<64x128xf32, #tpu.memory_space<vmem>>, vector<16xf32>,
        tpu.vector_store %arg23[%swap3A_868, %swap3A_869], %mul3A_867 {strides = array<i32>} : memref<64x128xf32, #tpu.memory_space<vmem>>, vector<16xf32>,
        %get3A_871 = arith.index_cast %add3A_849 : i32 to index
        %get3A_872 = arith.constant 48 : index
        %get3A_873 = tpu.vector_load %arg23[%get3A_871, %get3A_872] {strides = array<i32>} : memref<64x128xf32, #tpu.memory_space<vmem>>, vector<16xf32>,
        %mul3A_874 = arith.mulf %get3A_873, %gather3A_847 : vector<16xf32>
        %swap3A_875 = arith.index_cast %add3A_849 : i32 to index
        %swap3A_876 = arith.constant 48 : index
        %swap3A_877 = tpu.vector_load %arg23[%swap3A_875, %swap3A_876] {strides = array<i32>} : memref<64x128xf32, #tpu.memory_space<vmem>>, vector<16xf32>,
        tpu.vector_store %arg23[%swap3A_875, %swap3A_876], %mul3A_874 {strides = array<i32>} : memref<64x128xf32, #tpu.memory_space<vmem>>, vector<16xf32>,
        %get3A_878 = arith.index_cast %add3A_849 : i32 to index
        %get3A_879 = arith.constant 64 : index
        %get3A_880 = tpu.vector_load %arg23[%get3A_878, %get3A_879] {strides = array<i32>} : memref<64x128xf32, #tpu.memory_space<vmem>>, vector<16xf32>,
        %mul3A_881 = arith.mulf %get3A_880, %gather3A_847 : vector<16xf32>
        %swap3A_882 = arith.index_cast %add3A_849 : i32 to index
        %swap3A_883 = arith.constant 64 : index
        %swap3A_884 = tpu.vector_load %arg23[%swap3A_882, %swap3A_883] {strides = array<i32>} : memref<64x128xf32, #tpu.memory_space<vmem>>, vector<16xf32>,
        tpu.vector_store %arg23[%swap3A_882, %swap3A_883], %mul3A_881 {strides = array<i32>} : memref<64x128xf32, #tpu.memory_space<vmem>>, vector<16xf32>,
        %get3A_885 = arith.index_cast %add3A_849 : i32 to index
        %get3A_886 = arith.constant 80 : index
        %get3A_887 = tpu.vector_load %arg23[%get3A_885, %get3A_886] {strides = array<i32>} : memref<64x128xf32, #tpu.memory_space<vmem>>, vector<16xf32>,
        %mul3A_888 = arith.mulf %get3A_887, %gather3A_847 : vector<16xf32>
        %swap3A_889 = arith.index_cast %add3A_849 : i32 to index
        %swap3A_890 = arith.constant 80 : index
        %swap3A_891 = tpu.vector_load %arg23[%swap3A_889, %swap3A_890] {strides = array<i32>} : memref<64x128xf32, #tpu.memory_space<vmem>>, vector<16xf32>,
        tpu.vector_store %arg23[%swap3A_889, %swap3A_890], %mul3A_888 {strides = array<i32>} : memref<64x128xf32, #tpu.memory_space<vmem>>, vector<16xf32>,
        %get3A_892 = arith.index_cast %add3A_849 : i32 to index
        %get3A_893 = arith.constant 96 : index
        %get3A_894 = tpu.vector_load %arg23[%get3A_892, %get3A_893] {strides = array<i32>} : memref<64x128xf32, #tpu.memory_space<vmem>>, vector<16xf32>,
        %mul3A_895 = arith.mulf %get3A_894, %gather3A_847 : vector<16xf32>
        %swap3A_896 = arith.index_cast %add3A_849 : i32 to index
        %swap3A_897 = arith.constant 96 : index
        %swap3A_898 = tpu.vector_load %arg23[%swap3A_896, %swap3A_897] {strides = array<i32>} : memref<64x128xf32, #tpu.memory_space<vmem>>, vector<16xf32>,
        tpu.vector_store %arg23[%swap3A_896, %swap3A_897], %mul3A_895 {strides = array<i32>} : memref<64x128xf32, #tpu.memory_space<vmem>>, vector<16xf32>,
        %get3A_899 = arith.index_cast %add3A_849 : i32 to index
        %get3A_900 = arith.constant 112 : index
        %get3A_901 = tpu.vector_load %arg23[%get3A_899, %get3A_900] {strides = array<i32>} : memref<64x128xf32, #tpu.memory_space<vmem>>, vector<16xf32>,
        %mul3A_902 = arith.mulf %get3A_901, %gather3A_847 : vector<16xf32>
        %swap3A_903 = arith.index_cast %add3A_849 : i32 to index
        %swap3A_904 = arith.constant 112 : index
        %swap3A_905 = tpu.vector_load %arg23[%swap3A_903, %swap3A_904] {strides = array<i32>} : memref<64x128xf32, #tpu.memory_space<vmem>>, vector<16xf32>,
        tpu.vector_store %arg23[%swap3A_903, %swap3A_904], %mul3A_902 {strides = array<i32>} : memref<64x128xf32, #tpu.memory_space<vmem>>, vector<16xf32>,
        %broadcast_in_dim3A_906 = arith.constant 12 : i32
        %broadcast_in_dim3A_907 = vector.broadcast %broadcast_in_dim3A_906 : i32 to vector<16xi32>
        %lt3A_908 = arith.constant 0 : i32
        %lt3A_909 = vector.broadcast %lt3A_908 : i32 to vector<16xi32>
        %lt3A_910 = arith.cmpi slt, %broadcast_in_dim3A_907, %lt3A_909 : vector<16xi32>
        %add3A_911 = arith.constant 16 : i32
        %add3A_912 = vector.broadcast %add3A_911 : i32 to vector<16xi32>
        %add3A_913 = arith.addi %broadcast_in_dim3A_907, %add3A_912 : vector<16xi32>
        %select_n3A_914 = arith.select %lt3A_910, %add3A_913, %broadcast_in_dim3A_907 : vector<16xi1>, vector<16xi32>
        %broadcast_in_dim3A_915 = vector.shape_cast %select_n3A_914 : vector<16xi32> to vector<16x1xi32>
        %gather3A_916 = vector.shape_cast %broadcast_in_dim3A_915 : vector<16x1xi32> to vector<16xi32>
        %gather3A_917 = tpu.dynamic_gather %exp3A[%gather3A_916] in [0] : vector<16xf32>, vector<16xi32> -> vector<16xf32>
        %add3A_918 = arith.constant 12 : i32
        %add3A_919 = arith.addi %mul3A_50, %add3A_918 : i32
        %get3A_920 = arith.index_cast %add3A_919 : i32 to index
        %get3A_921 = arith.constant 0 : index
        %get3A_922 = tpu.vector_load %arg23[%get3A_920, %get3A_921] {strides = array<i32>} : memref<64x128xf32, #tpu.memory_space<vmem>>, vector<16xf32>,
        %mul3A_923 = arith.mulf %get3A_922, %gather3A_917 : vector<16xf32>
        %swap3A_924 = arith.index_cast %add3A_919 : i32 to index
        %swap3A_925 = arith.constant 0 : index
        %swap3A_926 = tpu.vector_load %arg23[%swap3A_924, %swap3A_925] {strides = array<i32>} : memref<64x128xf32, #tpu.memory_space<vmem>>, vector<16xf32>,
        tpu.vector_store %arg23[%swap3A_924, %swap3A_925], %mul3A_923 {strides = array<i32>} : memref<64x128xf32, #tpu.memory_space<vmem>>, vector<16xf32>,
        %get3A_927 = arith.index_cast %add3A_919 : i32 to index
        %get3A_928 = arith.constant 16 : index
        %get3A_929 = tpu.vector_load %arg23[%get3A_927, %get3A_928] {strides = array<i32>} : memref<64x128xf32, #tpu.memory_space<vmem>>, vector<16xf32>,
        %mul3A_930 = arith.mulf %get3A_929, %gather3A_917 : vector<16xf32>
        %swap3A_931 = arith.index_cast %add3A_919 : i32 to index
        %swap3A_932 = arith.constant 16 : index
        %swap3A_933 = tpu.vector_load %arg23[%swap3A_931, %swap3A_932] {strides = array<i32>} : memref<64x128xf32, #tpu.memory_space<vmem>>, vector<16xf32>,
        tpu.vector_store %arg23[%swap3A_931, %swap3A_932], %mul3A_930 {strides = array<i32>} : memref<64x128xf32, #tpu.memory_space<vmem>>, vector<16xf32>,
        %get3A_934 = arith.index_cast %add3A_919 : i32 to index
        %get3A_935 = arith.constant 32 : index
        %get3A_936 = tpu.vector_load %arg23[%get3A_934, %get3A_935] {strides = array<i32>} : memref<64x128xf32, #tpu.memory_space<vmem>>, vector<16xf32>,
        %mul3A_937 = arith.mulf %get3A_936, %gather3A_917 : vector<16xf32>
        %swap3A_938 = arith.index_cast %add3A_919 : i32 to index
        %swap3A_939 = arith.constant 32 : index
        %swap3A_940 = tpu.vector_load %arg23[%swap3A_938, %swap3A_939] {strides = array<i32>} : memref<64x128xf32, #tpu.memory_space<vmem>>, vector<16xf32>,
        tpu.vector_store %arg23[%swap3A_938, %swap3A_939], %mul3A_937 {strides = array<i32>} : memref<64x128xf32, #tpu.memory_space<vmem>>, vector<16xf32>,
        %get3A_941 = arith.index_cast %add3A_919 : i32 to index
        %get3A_942 = arith.constant 48 : index
        %get3A_943 = tpu.vector_load %arg23[%get3A_941, %get3A_942] {strides = array<i32>} : memref<64x128xf32, #tpu.memory_space<vmem>>, vector<16xf32>,
        %mul3A_944 = arith.mulf %get3A_943, %gather3A_917 : vector<16xf32>
        %swap3A_945 = arith.index_cast %add3A_919 : i32 to index
        %swap3A_946 = arith.constant 48 : index
        %swap3A_947 = tpu.vector_load %arg23[%swap3A_945, %swap3A_946] {strides = array<i32>} : memref<64x128xf32, #tpu.memory_space<vmem>>, vector<16xf32>,
        tpu.vector_store %arg23[%swap3A_945, %swap3A_946], %mul3A_944 {strides = array<i32>} : memref<64x128xf32, #tpu.memory_space<vmem>>, vector<16xf32>,
        %get3A_948 = arith.index_cast %add3A_919 : i32 to index
        %get3A_949 = arith.constant 64 : index
        %get3A_950 = tpu.vector_load %arg23[%get3A_948, %get3A_949] {strides = array<i32>} : memref<64x128xf32, #tpu.memory_space<vmem>>, vector<16xf32>,
        %mul3A_951 = arith.mulf %get3A_950, %gather3A_917 : vector<16xf32>
        %swap3A_952 = arith.index_cast %add3A_919 : i32 to index
        %swap3A_953 = arith.constant 64 : index
        %swap3A_954 = tpu.vector_load %arg23[%swap3A_952, %swap3A_953] {strides = array<i32>} : memref<64x128xf32, #tpu.memory_space<vmem>>, vector<16xf32>,
        tpu.vector_store %arg23[%swap3A_952, %swap3A_953], %mul3A_951 {strides = array<i32>} : memref<64x128xf32, #tpu.memory_space<vmem>>, vector<16xf32>,
        %get3A_955 = arith.index_cast %add3A_919 : i32 to index
        %get3A_956 = arith.constant 80 : index
        %get3A_957 = tpu.vector_load %arg23[%get3A_955, %get3A_956] {strides = array<i32>} : memref<64x128xf32, #tpu.memory_space<vmem>>, vector<16xf32>,
        %mul3A_958 = arith.mulf %get3A_957, %gather3A_917 : vector<16xf32>
        %swap3A_959 = arith.index_cast %add3A_919 : i32 to index
        %swap3A_960 = arith.constant 80 : index
        %swap3A_961 = tpu.vector_load %arg23[%swap3A_959, %swap3A_960] {strides = array<i32>} : memref<64x128xf32, #tpu.memory_space<vmem>>, vector<16xf32>,
        tpu.vector_store %arg23[%swap3A_959, %swap3A_960], %mul3A_958 {strides = array<i32>} : memref<64x128xf32, #tpu.memory_space<vmem>>, vector<16xf32>,
        %get3A_962 = arith.index_cast %add3A_919 : i32 to index
        %get3A_963 = arith.constant 96 : index
        %get3A_964 = tpu.vector_load %arg23[%get3A_962, %get3A_963] {strides = array<i32>} : memref<64x128xf32, #tpu.memory_space<vmem>>, vector<16xf32>,
        %mul3A_965 = arith.mulf %get3A_964, %gather3A_917 : vector<16xf32>
        %swap3A_966 = arith.index_cast %add3A_919 : i32 to index
        %swap3A_967 = arith.constant 96 : index
        %swap3A_968 = tpu.vector_load %arg23[%swap3A_966, %swap3A_967] {strides = array<i32>} : memref<64x128xf32, #tpu.memory_space<vmem>>, vector<16xf32>,
        tpu.vector_store %arg23[%swap3A_966, %swap3A_967], %mul3A_965 {strides = array<i32>} : memref<64x128xf32, #tpu.memory_space<vmem>>, vector<16xf32>,
        %get3A_969 = arith.index_cast %add3A_919 : i32 to index
        %get3A_970 = arith.constant 112 : index
        %get3A_971 = tpu.vector_load %arg23[%get3A_969, %get3A_970] {strides = array<i32>} : memref<64x128xf32, #tpu.memory_space<vmem>>, vector<16xf32>,
        %mul3A_972 = arith.mulf %get3A_971, %gather3A_917 : vector<16xf32>
        %swap3A_973 = arith.index_cast %add3A_919 : i32 to index
        %swap3A_974 = arith.constant 112 : index
        %swap3A_975 = tpu.vector_load %arg23[%swap3A_973, %swap3A_974] {strides = array<i32>} : memref<64x128xf32, #tpu.memory_space<vmem>>, vector<16xf32>,
        tpu.vector_store %arg23[%swap3A_973, %swap3A_974], %mul3A_972 {strides = array<i32>} : memref<64x128xf32, #tpu.memory_space<vmem>>, vector<16xf32>,
        %broadcast_in_dim3A_976 = arith.constant 13 : i32
        %broadcast_in_dim3A_977 = vector.broadcast %broadcast_in_dim3A_976 : i32 to vector<16xi32>
        %lt3A_978 = arith.constant 0 : i32
        %lt3A_979 = vector.broadcast %lt3A_978 : i32 to vector<16xi32>
        %lt3A_980 = arith.cmpi slt, %broadcast_in_dim3A_977, %lt3A_979 : vector<16xi32>
        %add3A_981 = arith.constant 16 : i32
        %add3A_982 = vector.broadcast %add3A_981 : i32 to vector<16xi32>
        %add3A_983 = arith.addi %broadcast_in_dim3A_977, %add3A_982 : vector<16xi32>
        %select_n3A_984 = arith.select %lt3A_980, %add3A_983, %broadcast_in_dim3A_977 : vector<16xi1>, vector<16xi32>
        %broadcast_in_dim3A_985 = vector.shape_cast %select_n3A_984 : vector<16xi32> to vector<16x1xi32>
        %gather3A_986 = vector.shape_cast %broadcast_in_dim3A_985 : vector<16x1xi32> to vector<16xi32>
        %gather3A_987 = tpu.dynamic_gather %exp3A[%gather3A_986] in [0] : vector<16xf32>, vector<16xi32> -> vector<16xf32>
        %add3A_988 = arith.constant 13 : i32
        %add3A_989 = arith.addi %mul3A_50, %add3A_988 : i32
        %get3A_990 = arith.index_cast %add3A_989 : i32 to index
        %get3A_991 = arith.constant 0 : index
        %get3A_992 = tpu.vector_load %arg23[%get3A_990, %get3A_991] {strides = array<i32>} : memref<64x128xf32, #tpu.memory_space<vmem>>, vector<16xf32>,
        %mul3A_993 = arith.mulf %get3A_992, %gather3A_987 : vector<16xf32>
        %swap3A_994 = arith.index_cast %add3A_989 : i32 to index
        %swap3A_995 = arith.constant 0 : index
        %swap3A_996 = tpu.vector_load %arg23[%swap3A_994, %swap3A_995] {strides = array<i32>} : memref<64x128xf32, #tpu.memory_space<vmem>>, vector<16xf32>,
        tpu.vector_store %arg23[%swap3A_994, %swap3A_995], %mul3A_993 {strides = array<i32>} : memref<64x128xf32, #tpu.memory_space<vmem>>, vector<16xf32>,
        %get3A_997 = arith.index_cast %add3A_989 : i32 to index
        %get3A_998 = arith.constant 16 : index
        %get3A_999 = tpu.vector_load %arg23[%get3A_997, %get3A_998] {strides = array<i32>} : memref<64x128xf32, #tpu.memory_space<vmem>>, vector<16xf32>,
        %mul3A_1000 = arith.mulf %get3A_999, %gather3A_987 : vector<16xf32>
        %swap3A_1001 = arith.index_cast %add3A_989 : i32 to index
        %swap3A_1002 = arith.constant 16 : index
        %swap3A_1003 = tpu.vector_load %arg23[%swap3A_1001, %swap3A_1002] {strides = array<i32>} : memref<64x128xf32, #tpu.memory_space<vmem>>, vector<16xf32>,
        tpu.vector_store %arg23[%swap3A_1001, %swap3A_1002], %mul3A_1000 {strides = array<i32>} : memref<64x128xf32, #tpu.memory_space<vmem>>, vector<16xf32>,
        %get3A_1004 = arith.index_cast %add3A_989 : i32 to index
        %get3A_1005 = arith.constant 32 : index
        %get3A_1006 = tpu.vector_load %arg23[%get3A_1004, %get3A_1005] {strides = array<i32>} : memref<64x128xf32, #tpu.memory_space<vmem>>, vector<16xf32>,
        %mul3A_1007 = arith.mulf %get3A_1006, %gather3A_987 : vector<16xf32>
        %swap3A_1008 = arith.index_cast %add3A_989 : i32 to index
        %swap3A_1009 = arith.constant 32 : index
        %swap3A_1010 = tpu.vector_load %arg23[%swap3A_1008, %swap3A_1009] {strides = array<i32>} : memref<64x128xf32, #tpu.memory_space<vmem>>, vector<16xf32>,
        tpu.vector_store %arg23[%swap3A_1008, %swap3A_1009], %mul3A_1007 {strides = array<i32>} : memref<64x128xf32, #tpu.memory_space<vmem>>, vector<16xf32>,
        %get3A_1011 = arith.index_cast %add3A_989 : i32 to index
        %get3A_1012 = arith.constant 48 : index
        %get3A_1013 = tpu.vector_load %arg23[%get3A_1011, %get3A_1012] {strides = array<i32>} : memref<64x128xf32, #tpu.memory_space<vmem>>, vector<16xf32>,
        %mul3A_1014 = arith.mulf %get3A_1013, %gather3A_987 : vector<16xf32>
        %swap3A_1015 = arith.index_cast %add3A_989 : i32 to index
        %swap3A_1016 = arith.constant 48 : index
        %swap3A_1017 = tpu.vector_load %arg23[%swap3A_1015, %swap3A_1016] {strides = array<i32>} : memref<64x128xf32, #tpu.memory_space<vmem>>, vector<16xf32>,
        tpu.vector_store %arg23[%swap3A_1015, %swap3A_1016], %mul3A_1014 {strides = array<i32>} : memref<64x128xf32, #tpu.memory_space<vmem>>, vector<16xf32>,
        %get3A_1018 = arith.index_cast %add3A_989 : i32 to index
        %get3A_1019 = arith.constant 64 : index
        %get3A_1020 = tpu.vector_load %arg23[%get3A_1018, %get3A_1019] {strides = array<i32>} : memref<64x128xf32, #tpu.memory_space<vmem>>, vector<16xf32>,
        %mul3A_1021 = arith.mulf %get3A_1020, %gather3A_987 : vector<16xf32>
        %swap3A_1022 = arith.index_cast %add3A_989 : i32 to index
        %swap3A_1023 = arith.constant 64 : index
        %swap3A_1024 = tpu.vector_load %arg23[%swap3A_1022, %swap3A_1023] {strides = array<i32>} : memref<64x128xf32, #tpu.memory_space<vmem>>, vector<16xf32>,
        tpu.vector_store %arg23[%swap3A_1022, %swap3A_1023], %mul3A_1021 {strides = array<i32>} : memref<64x128xf32, #tpu.memory_space<vmem>>, vector<16xf32>,
        %get3A_1025 = arith.index_cast %add3A_989 : i32 to index
        %get3A_1026 = arith.constant 80 : index
        %get3A_1027 = tpu.vector_load %arg23[%get3A_1025, %get3A_1026] {strides = array<i32>} : memref<64x128xf32, #tpu.memory_space<vmem>>, vector<16xf32>,
        %mul3A_1028 = arith.mulf %get3A_1027, %gather3A_987 : vector<16xf32>
        %swap3A_1029 = arith.index_cast %add3A_989 : i32 to index
        %swap3A_1030 = arith.constant 80 : index
        %swap3A_1031 = tpu.vector_load %arg23[%swap3A_1029, %swap3A_1030] {strides = array<i32>} : memref<64x128xf32, #tpu.memory_space<vmem>>, vector<16xf32>,
        tpu.vector_store %arg23[%swap3A_1029, %swap3A_1030], %mul3A_1028 {strides = array<i32>} : memref<64x128xf32, #tpu.memory_space<vmem>>, vector<16xf32>,
        %get3A_1032 = arith.index_cast %add3A_989 : i32 to index
        %get3A_1033 = arith.constant 96 : index
        %get3A_1034 = tpu.vector_load %arg23[%get3A_1032, %get3A_1033] {strides = array<i32>} : memref<64x128xf32, #tpu.memory_space<vmem>>, vector<16xf32>,
        %mul3A_1035 = arith.mulf %get3A_1034, %gather3A_987 : vector<16xf32>
        %swap3A_1036 = arith.index_cast %add3A_989 : i32 to index
        %swap3A_1037 = arith.constant 96 : index
        %swap3A_1038 = tpu.vector_load %arg23[%swap3A_1036, %swap3A_1037] {strides = array<i32>} : memref<64x128xf32, #tpu.memory_space<vmem>>, vector<16xf32>,
        tpu.vector_store %arg23[%swap3A_1036, %swap3A_1037], %mul3A_1035 {strides = array<i32>} : memref<64x128xf32, #tpu.memory_space<vmem>>, vector<16xf32>,
        %get3A_1039 = arith.index_cast %add3A_989 : i32 to index
        %get3A_1040 = arith.constant 112 : index
        %get3A_1041 = tpu.vector_load %arg23[%get3A_1039, %get3A_1040] {strides = array<i32>} : memref<64x128xf32, #tpu.memory_space<vmem>>, vector<16xf32>,
        %mul3A_1042 = arith.mulf %get3A_1041, %gather3A_987 : vector<16xf32>
        %swap3A_1043 = arith.index_cast %add3A_989 : i32 to index
        %swap3A_1044 = arith.constant 112 : index
        %swap3A_1045 = tpu.vector_load %arg23[%swap3A_1043, %swap3A_1044] {strides = array<i32>} : memref<64x128xf32, #tpu.memory_space<vmem>>, vector<16xf32>,
        tpu.vector_store %arg23[%swap3A_1043, %swap3A_1044], %mul3A_1042 {strides = array<i32>} : memref<64x128xf32, #tpu.memory_space<vmem>>, vector<16xf32>,
        %broadcast_in_dim3A_1046 = arith.constant 14 : i32
        %broadcast_in_dim3A_1047 = vector.broadcast %broadcast_in_dim3A_1046 : i32 to vector<16xi32>
        %lt3A_1048 = arith.constant 0 : i32
        %lt3A_1049 = vector.broadcast %lt3A_1048 : i32 to vector<16xi32>
        %lt3A_1050 = arith.cmpi slt, %broadcast_in_dim3A_1047, %lt3A_1049 : vector<16xi32>
        %add3A_1051 = arith.constant 16 : i32
        %add3A_1052 = vector.broadcast %add3A_1051 : i32 to vector<16xi32>
        %add3A_1053 = arith.addi %broadcast_in_dim3A_1047, %add3A_1052 : vector<16xi32>
        %select_n3A_1054 = arith.select %lt3A_1050, %add3A_1053, %broadcast_in_dim3A_1047 : vector<16xi1>, vector<16xi32>
        %broadcast_in_dim3A_1055 = vector.shape_cast %select_n3A_1054 : vector<16xi32> to vector<16x1xi32>
        %gather3A_1056 = vector.shape_cast %broadcast_in_dim3A_1055 : vector<16x1xi32> to vector<16xi32>
        %gather3A_1057 = tpu.dynamic_gather %exp3A[%gather3A_1056] in [0] : vector<16xf32>, vector<16xi32> -> vector<16xf32>
        %add3A_1058 = arith.constant 14 : i32
        %add3A_1059 = arith.addi %mul3A_50, %add3A_1058 : i32
        %get3A_1060 = arith.index_cast %add3A_1059 : i32 to index
        %get3A_1061 = arith.constant 0 : index
        %get3A_1062 = tpu.vector_load %arg23[%get3A_1060, %get3A_1061] {strides = array<i32>} : memref<64x128xf32, #tpu.memory_space<vmem>>, vector<16xf32>,
        %mul3A_1063 = arith.mulf %get3A_1062, %gather3A_1057 : vector<16xf32>
        %swap3A_1064 = arith.index_cast %add3A_1059 : i32 to index
        %swap3A_1065 = arith.constant 0 : index
        %swap3A_1066 = tpu.vector_load %arg23[%swap3A_1064, %swap3A_1065] {strides = array<i32>} : memref<64x128xf32, #tpu.memory_space<vmem>>, vector<16xf32>,
        tpu.vector_store %arg23[%swap3A_1064, %swap3A_1065], %mul3A_1063 {strides = array<i32>} : memref<64x128xf32, #tpu.memory_space<vmem>>, vector<16xf32>,
        %get3A_1067 = arith.index_cast %add3A_1059 : i32 to index
        %get3A_1068 = arith.constant 16 : index
        %get3A_1069 = tpu.vector_load %arg23[%get3A_1067, %get3A_1068] {strides = array<i32>} : memref<64x128xf32, #tpu.memory_space<vmem>>, vector<16xf32>,
        %mul3A_1070 = arith.mulf %get3A_1069, %gather3A_1057 : vector<16xf32>
        %swap3A_1071 = arith.index_cast %add3A_1059 : i32 to index
        %swap3A_1072 = arith.constant 16 : index
        %swap3A_1073 = tpu.vector_load %arg23[%swap3A_1071, %swap3A_1072] {strides = array<i32>} : memref<64x128xf32, #tpu.memory_space<vmem>>, vector<16xf32>,
        tpu.vector_store %arg23[%swap3A_1071, %swap3A_1072], %mul3A_1070 {strides = array<i32>} : memref<64x128xf32, #tpu.memory_space<vmem>>, vector<16xf32>,
        %get3A_1074 = arith.index_cast %add3A_1059 : i32 to index
        %get3A_1075 = arith.constant 32 : index
        %get3A_1076 = tpu.vector_load %arg23[%get3A_1074, %get3A_1075] {strides = array<i32>} : memref<64x128xf32, #tpu.memory_space<vmem>>, vector<16xf32>,
        %mul3A_1077 = arith.mulf %get3A_1076, %gather3A_1057 : vector<16xf32>
        %swap3A_1078 = arith.index_cast %add3A_1059 : i32 to index
        %swap3A_1079 = arith.constant 32 : index
        %swap3A_1080 = tpu.vector_load %arg23[%swap3A_1078, %swap3A_1079] {strides = array<i32>} : memref<64x128xf32, #tpu.memory_space<vmem>>, vector<16xf32>,
        tpu.vector_store %arg23[%swap3A_1078, %swap3A_1079], %mul3A_1077 {strides = array<i32>} : memref<64x128xf32, #tpu.memory_space<vmem>>, vector<16xf32>,
        %get3A_1081 = arith.index_cast %add3A_1059 : i32 to index
        %get3A_1082 = arith.constant 48 : index
        %get3A_1083 = tpu.vector_load %arg23[%get3A_1081, %get3A_1082] {strides = array<i32>} : memref<64x128xf32, #tpu.memory_space<vmem>>, vector<16xf32>,
        %mul3A_1084 = arith.mulf %get3A_1083, %gather3A_1057 : vector<16xf32>
        %swap3A_1085 = arith.index_cast %add3A_1059 : i32 to index
        %swap3A_1086 = arith.constant 48 : index
        %swap3A_1087 = tpu.vector_load %arg23[%swap3A_1085, %swap3A_1086] {strides = array<i32>} : memref<64x128xf32, #tpu.memory_space<vmem>>, vector<16xf32>,
        tpu.vector_store %arg23[%swap3A_1085, %swap3A_1086], %mul3A_1084 {strides = array<i32>} : memref<64x128xf32, #tpu.memory_space<vmem>>, vector<16xf32>,
        %get3A_1088 = arith.index_cast %add3A_1059 : i32 to index
        %get3A_1089 = arith.constant 64 : index
        %get3A_1090 = tpu.vector_load %arg23[%get3A_1088, %get3A_1089] {strides = array<i32>} : memref<64x128xf32, #tpu.memory_space<vmem>>, vector<16xf32>,
        %mul3A_1091 = arith.mulf %get3A_1090, %gather3A_1057 : vector<16xf32>
        %swap3A_1092 = arith.index_cast %add3A_1059 : i32 to index
        %swap3A_1093 = arith.constant 64 : index
        %swap3A_1094 = tpu.vector_load %arg23[%swap3A_1092, %swap3A_1093] {strides = array<i32>} : memref<64x128xf32, #tpu.memory_space<vmem>>, vector<16xf32>,
        tpu.vector_store %arg23[%swap3A_1092, %swap3A_1093], %mul3A_1091 {strides = array<i32>} : memref<64x128xf32, #tpu.memory_space<vmem>>, vector<16xf32>,
        %get3A_1095 = arith.index_cast %add3A_1059 : i32 to index
        %get3A_1096 = arith.constant 80 : index
        %get3A_1097 = tpu.vector_load %arg23[%get3A_1095, %get3A_1096] {strides = array<i32>} : memref<64x128xf32, #tpu.memory_space<vmem>>, vector<16xf32>,
        %mul3A_1098 = arith.mulf %get3A_1097, %gather3A_1057 : vector<16xf32>
        %swap3A_1099 = arith.index_cast %add3A_1059 : i32 to index
        %swap3A_1100 = arith.constant 80 : index
        %swap3A_1101 = tpu.vector_load %arg23[%swap3A_1099, %swap3A_1100] {strides = array<i32>} : memref<64x128xf32, #tpu.memory_space<vmem>>, vector<16xf32>,
        tpu.vector_store %arg23[%swap3A_1099, %swap3A_1100], %mul3A_1098 {strides = array<i32>} : memref<64x128xf32, #tpu.memory_space<vmem>>, vector<16xf32>,
        %get3A_1102 = arith.index_cast %add3A_1059 : i32 to index
        %get3A_1103 = arith.constant 96 : index
        %get3A_1104 = tpu.vector_load %arg23[%get3A_1102, %get3A_1103] {strides = array<i32>} : memref<64x128xf32, #tpu.memory_space<vmem>>, vector<16xf32>,
        %mul3A_1105 = arith.mulf %get3A_1104, %gather3A_1057 : vector<16xf32>
        %swap3A_1106 = arith.index_cast %add3A_1059 : i32 to index
        %swap3A_1107 = arith.constant 96 : index
        %swap3A_1108 = tpu.vector_load %arg23[%swap3A_1106, %swap3A_1107] {strides = array<i32>} : memref<64x128xf32, #tpu.memory_space<vmem>>, vector<16xf32>,
        tpu.vector_store %arg23[%swap3A_1106, %swap3A_1107], %mul3A_1105 {strides = array<i32>} : memref<64x128xf32, #tpu.memory_space<vmem>>, vector<16xf32>,
        %get3A_1109 = arith.index_cast %add3A_1059 : i32 to index
        %get3A_1110 = arith.constant 112 : index
        %get3A_1111 = tpu.vector_load %arg23[%get3A_1109, %get3A_1110] {strides = array<i32>} : memref<64x128xf32, #tpu.memory_space<vmem>>, vector<16xf32>,
        %mul3A_1112 = arith.mulf %get3A_1111, %gather3A_1057 : vector<16xf32>
        %swap3A_1113 = arith.index_cast %add3A_1059 : i32 to index
        %swap3A_1114 = arith.constant 112 : index
        %swap3A_1115 = tpu.vector_load %arg23[%swap3A_1113, %swap3A_1114] {strides = array<i32>} : memref<64x128xf32, #tpu.memory_space<vmem>>, vector<16xf32>,
        tpu.vector_store %arg23[%swap3A_1113, %swap3A_1114], %mul3A_1112 {strides = array<i32>} : memref<64x128xf32, #tpu.memory_space<vmem>>, vector<16xf32>,
        %broadcast_in_dim3A_1116 = arith.constant 15 : i32
        %broadcast_in_dim3A_1117 = vector.broadcast %broadcast_in_dim3A_1116 : i32 to vector<16xi32>
        %lt3A_1118 = arith.constant 0 : i32
        %lt3A_1119 = vector.broadcast %lt3A_1118 : i32 to vector<16xi32>
        %lt3A_1120 = arith.cmpi slt, %broadcast_in_dim3A_1117, %lt3A_1119 : vector<16xi32>
        %add3A_1121 = arith.constant 16 : i32
        %add3A_1122 = vector.broadcast %add3A_1121 : i32 to vector<16xi32>
        %add3A_1123 = arith.addi %broadcast_in_dim3A_1117, %add3A_1122 : vector<16xi32>
        %select_n3A_1124 = arith.select %lt3A_1120, %add3A_1123, %broadcast_in_dim3A_1117 : vector<16xi1>, vector<16xi32>
        %broadcast_in_dim3A_1125 = vector.shape_cast %select_n3A_1124 : vector<16xi32> to vector<16x1xi32>
        %gather3A_1126 = vector.shape_cast %broadcast_in_dim3A_1125 : vector<16x1xi32> to vector<16xi32>
        %gather3A_1127 = tpu.dynamic_gather %exp3A[%gather3A_1126] in [0] : vector<16xf32>, vector<16xi32> -> vector<16xf32>
        %add3A_1128 = arith.constant 15 : i32
        %add3A_1129 = arith.addi %mul3A_50, %add3A_1128 : i32
        %get3A_1130 = arith.index_cast %add3A_1129 : i32 to index
        %get3A_1131 = arith.constant 0 : index
        %get3A_1132 = tpu.vector_load %arg23[%get3A_1130, %get3A_1131] {strides = array<i32>} : memref<64x128xf32, #tpu.memory_space<vmem>>, vector<16xf32>,
        %mul3A_1133 = arith.mulf %get3A_1132, %gather3A_1127 : vector<16xf32>
        %swap3A_1134 = arith.index_cast %add3A_1129 : i32 to index
        %swap3A_1135 = arith.constant 0 : index
        %swap3A_1136 = tpu.vector_load %arg23[%swap3A_1134, %swap3A_1135] {strides = array<i32>} : memref<64x128xf32, #tpu.memory_space<vmem>>, vector<16xf32>,
        tpu.vector_store %arg23[%swap3A_1134, %swap3A_1135], %mul3A_1133 {strides = array<i32>} : memref<64x128xf32, #tpu.memory_space<vmem>>, vector<16xf32>,
        %get3A_1137 = arith.index_cast %add3A_1129 : i32 to index
        %get3A_1138 = arith.constant 16 : index
        %get3A_1139 = tpu.vector_load %arg23[%get3A_1137, %get3A_1138] {strides = array<i32>} : memref<64x128xf32, #tpu.memory_space<vmem>>, vector<16xf32>,
        %mul3A_1140 = arith.mulf %get3A_1139, %gather3A_1127 : vector<16xf32>
        %swap3A_1141 = arith.index_cast %add3A_1129 : i32 to index
        %swap3A_1142 = arith.constant 16 : index
        %swap3A_1143 = tpu.vector_load %arg23[%swap3A_1141, %swap3A_1142] {strides = array<i32>} : memref<64x128xf32, #tpu.memory_space<vmem>>, vector<16xf32>,
        tpu.vector_store %arg23[%swap3A_1141, %swap3A_1142], %mul3A_1140 {strides = array<i32>} : memref<64x128xf32, #tpu.memory_space<vmem>>, vector<16xf32>,
        %get3A_1144 = arith.index_cast %add3A_1129 : i32 to index
        %get3A_1145 = arith.constant 32 : index
        %get3A_1146 = tpu.vector_load %arg23[%get3A_1144, %get3A_1145] {strides = array<i32>} : memref<64x128xf32, #tpu.memory_space<vmem>>, vector<16xf32>,
        %mul3A_1147 = arith.mulf %get3A_1146, %gather3A_1127 : vector<16xf32>
        %swap3A_1148 = arith.index_cast %add3A_1129 : i32 to index
        %swap3A_1149 = arith.constant 32 : index
        %swap3A_1150 = tpu.vector_load %arg23[%swap3A_1148, %swap3A_1149] {strides = array<i32>} : memref<64x128xf32, #tpu.memory_space<vmem>>, vector<16xf32>,
        tpu.vector_store %arg23[%swap3A_1148, %swap3A_1149], %mul3A_1147 {strides = array<i32>} : memref<64x128xf32, #tpu.memory_space<vmem>>, vector<16xf32>,
        %get3A_1151 = arith.index_cast %add3A_1129 : i32 to index
        %get3A_1152 = arith.constant 48 : index
        %get3A_1153 = tpu.vector_load %arg23[%get3A_1151, %get3A_1152] {strides = array<i32>} : memref<64x128xf32, #tpu.memory_space<vmem>>, vector<16xf32>,
        %mul3A_1154 = arith.mulf %get3A_1153, %gather3A_1127 : vector<16xf32>
        %swap3A_1155 = arith.index_cast %add3A_1129 : i32 to index
        %swap3A_1156 = arith.constant 48 : index
        %swap3A_1157 = tpu.vector_load %arg23[%swap3A_1155, %swap3A_1156] {strides = array<i32>} : memref<64x128xf32, #tpu.memory_space<vmem>>, vector<16xf32>,
        tpu.vector_store %arg23[%swap3A_1155, %swap3A_1156], %mul3A_1154 {strides = array<i32>} : memref<64x128xf32, #tpu.memory_space<vmem>>, vector<16xf32>,
        %get3A_1158 = arith.index_cast %add3A_1129 : i32 to index
        %get3A_1159 = arith.constant 64 : index
        %get3A_1160 = tpu.vector_load %arg23[%get3A_1158, %get3A_1159] {strides = array<i32>} : memref<64x128xf32, #tpu.memory_space<vmem>>, vector<16xf32>,
        %mul3A_1161 = arith.mulf %get3A_1160, %gather3A_1127 : vector<16xf32>
        %swap3A_1162 = arith.index_cast %add3A_1129 : i32 to index
        %swap3A_1163 = arith.constant 64 : index
        %swap3A_1164 = tpu.vector_load %arg23[%swap3A_1162, %swap3A_1163] {strides = array<i32>} : memref<64x128xf32, #tpu.memory_space<vmem>>, vector<16xf32>,
        tpu.vector_store %arg23[%swap3A_1162, %swap3A_1163], %mul3A_1161 {strides = array<i32>} : memref<64x128xf32, #tpu.memory_space<vmem>>, vector<16xf32>,
        %get3A_1165 = arith.index_cast %add3A_1129 : i32 to index
        %get3A_1166 = arith.constant 80 : index
        %get3A_1167 = tpu.vector_load %arg23[%get3A_1165, %get3A_1166] {strides = array<i32>} : memref<64x128xf32, #tpu.memory_space<vmem>>, vector<16xf32>,
        %mul3A_1168 = arith.mulf %get3A_1167, %gather3A_1127 : vector<16xf32>
        %swap3A_1169 = arith.index_cast %add3A_1129 : i32 to index
        %swap3A_1170 = arith.constant 80 : index
        %swap3A_1171 = tpu.vector_load %arg23[%swap3A_1169, %swap3A_1170] {strides = array<i32>} : memref<64x128xf32, #tpu.memory_space<vmem>>, vector<16xf32>,
        tpu.vector_store %arg23[%swap3A_1169, %swap3A_1170], %mul3A_1168 {strides = array<i32>} : memref<64x128xf32, #tpu.memory_space<vmem>>, vector<16xf32>,
        %get3A_1172 = arith.index_cast %add3A_1129 : i32 to index
        %get3A_1173 = arith.constant 96 : index
        %get3A_1174 = tpu.vector_load %arg23[%get3A_1172, %get3A_1173] {strides = array<i32>} : memref<64x128xf32, #tpu.memory_space<vmem>>, vector<16xf32>,
        %mul3A_1175 = arith.mulf %get3A_1174, %gather3A_1127 : vector<16xf32>
        %swap3A_1176 = arith.index_cast %add3A_1129 : i32 to index
        %swap3A_1177 = arith.constant 96 : index
        %swap3A_1178 = tpu.vector_load %arg23[%swap3A_1176, %swap3A_1177] {strides = array<i32>} : memref<64x128xf32, #tpu.memory_space<vmem>>, vector<16xf32>,
        tpu.vector_store %arg23[%swap3A_1176, %swap3A_1177], %mul3A_1175 {strides = array<i32>} : memref<64x128xf32, #tpu.memory_space<vmem>>, vector<16xf32>,
        %get3A_1179 = arith.index_cast %add3A_1129 : i32 to index
        %get3A_1180 = arith.constant 112 : index
        %get3A_1181 = tpu.vector_load %arg23[%get3A_1179, %get3A_1180] {strides = array<i32>} : memref<64x128xf32, #tpu.memory_space<vmem>>, vector<16xf32>,
        %mul3A_1182 = arith.mulf %get3A_1181, %gather3A_1127 : vector<16xf32>
        %swap3A_1183 = arith.index_cast %add3A_1129 : i32 to index
        %swap3A_1184 = arith.constant 112 : index
        %swap3A_1185 = tpu.vector_load %arg23[%swap3A_1183, %swap3A_1184] {strides = array<i32>} : memref<64x128xf32, #tpu.memory_space<vmem>>, vector<16xf32>,
        tpu.vector_store %arg23[%swap3A_1183, %swap3A_1184], %mul3A_1182 {strides = array<i32>} : memref<64x128xf32, #tpu.memory_space<vmem>>, vector<16xf32>,
      }
      %scan3A_43 = arith.constant 4 : i32
      "tpu.region"() ({
        %run_scoped3A = tpu.sem_alloc : memref<!tpu.dma_semaphore, #tpu.memory_space<semaphore_mem>>
        %dma_start3A = arith.constant 0 : i32
        %dma_start3A_44 = arith.constant 0 : i32
        %dma_start3A_45 = tpu.memref_slice %arg26[%dma_start3A, %dma_start3A_44] : memref<10016x128xf32, #tpu.memory_space<vmem_shared>> -> memref<10016x128xf32, #tpu.memory_space<vmem_shared>>
        tpu.enqueue_indirect_dma source(%arg23 : memref<64x128xf32, #tpu.memory_space<vmem>>) target(%dma_start3A_45 : memref<10016x128xf32, #tpu.memory_space<vmem_shared>>) offsets(%arg20 : memref<64xi32, #tpu.memory_space<vmem>>) semaphore(%run_scoped3A : memref<!tpu.dma_semaphore, #tpu.memory_space<semaphore_mem>>) {add = true}
        %dma_wait3A = arith.constant 0 : i32
        %dma_wait3A_46 = arith.constant 0 : i32
        %dma_wait3A_47 = tpu.memref_slice %arg26[%dma_wait3A, %dma_wait3A_46] : memref<10016x128xf32, #tpu.memory_space<vmem_shared>> -> memref<10016x128xf32, #tpu.memory_space<vmem_shared>>
        tpu.wait_indirect_dma semaphore(%run_scoped3A : memref<!tpu.dma_semaphore, #tpu.memory_space<semaphore_mem>>) src(%arg23 : memref<64x128xf32, #tpu.memory_space<vmem>>) dst(%dma_wait3A_47 : memref<10016x128xf32, #tpu.memory_space<vmem_shared>>)
        tpu.yield
      }) : () -> ()
    }
    %scan3A_22 = arith.constant 157 : i32
    %barrier3A_23 = arith.constant 0 : index
    tpu.barrier barrier_id(%barrier3A_23)
    "tpu.region"() ({
      %run_scoped3A = tpu.sem_alloc : memref<!tpu.dma_semaphore, #tpu.memory_space<semaphore_mem>>
      %dma_start3A = arith.constant 0 : i32
      %dma_start3A_29 = tpu.memref_slice %arg16[%add3A, %dma_start3A] : memref<32x16xf32, #tpu.memory_space<hbm>> -> memref<1x16xf32, #tpu.memory_space<hbm>>
      %dma_start3A_30 = tpu.memref_squeeze %dma_start3A_29 : memref<1x16xf32, #tpu.memory_space<hbm>> -> memref<16xf32, #tpu.memory_space<hbm>>
      %dma_start3A_31 = arith.constant 0 : i32
      %dma_start3A_32 = tpu.memref_slice %arg16[%add3A, %dma_start3A_31] : memref<32x16xf32, #tpu.memory_space<hbm>> -> memref<1x16xf32, #tpu.memory_space<hbm>>
      %dma_start3A_33 = tpu.memref_squeeze %dma_start3A_32 : memref<1x16xf32, #tpu.memory_space<hbm>> -> memref<16xf32, #tpu.memory_space<hbm>>
      tpu.enqueue_dma source(%arg25 : memref<16xf32, #tpu.memory_space<vmem>>) target(%dma_start3A_33 : memref<16xf32, #tpu.memory_space<hbm>>) target_semaphore(%run_scoped3A : memref<!tpu.dma_semaphore, #tpu.memory_space<semaphore_mem>>)
      %dma_wait3A = arith.constant 0 : i32
      %dma_wait3A_34 = tpu.memref_slice %arg16[%add3A, %dma_wait3A] : memref<32x16xf32, #tpu.memory_space<hbm>> -> memref<1x16xf32, #tpu.memory_space<hbm>>
      %dma_wait3A_35 = tpu.memref_squeeze %dma_wait3A_34 : memref<1x16xf32, #tpu.memory_space<hbm>> -> memref<16xf32, #tpu.memory_space<hbm>>
      %dma_wait3A_36 = arith.constant 0 : i32
      %dma_wait3A_37 = tpu.memref_slice %arg16[%add3A, %dma_wait3A_36] : memref<32x16xf32, #tpu.memory_space<hbm>> -> memref<1x16xf32, #tpu.memory_space<hbm>>
      %dma_wait3A_38 = tpu.memref_squeeze %dma_wait3A_37 : memref<1x16xf32, #tpu.memory_space<hbm>> -> memref<16xf32, #tpu.memory_space<hbm>>
      tpu.wait_dma2 semaphore(%run_scoped3A : memref<!tpu.dma_semaphore, #tpu.memory_space<semaphore_mem>>) src(%arg25 : memref<16xf32, #tpu.memory_space<vmem>>) dst(%dma_wait3A_38 : memref<16xf32, #tpu.memory_space<hbm>>)
      tpu.yield
    }) : () -> ()
    %scan3A_24 = arith.constant 0 : i32
    %scan3A_25 = arith.constant 10 : i32
    %scan3A_26 = arith.addi %scan3A_24, %scan3A_25 : i32
    %scan3A_27 = arith.constant 1 : i32
    scf.for %scan3A_29 = %scan3A_24 to %scan3A_26 step %scan3A_27  : i32 {
      %mul3A_30 = arith.constant 1 : i32
      %mul3A_31 = arith.muli %scan3A_29, %mul3A_30 : i32
      %add3A_32 = arith.constant 0 : i32
      %add3A_33 = arith.addi %add3A_32, %mul3A_31 : i32
      %mul3A_34 = arith.constant 640 : i32
      %mul3A_35 = arith.muli %arg1, %mul3A_34 : i32
      %mul3A_36 = arith.constant 64 : i32
      %mul3A_37 = arith.muli %add3A_33, %mul3A_36 : i32
      %add3A_38 = arith.addi %mul3A_35, %mul3A_37 : i32
      %min3A = arith.constant 9936 : i32
      %min3A_39 = arith.minsi %add3A_38, %min3A : i32
      %add3A_40 = arith.constant 0 : i32
      %add3A_41 = arith.addi %min3A_39, %add3A_40 : i32
      %iota3A = tpu.iota {dimensions = array<i32: 0>} : vector<16xi32>
      %add3A_42 = vector.broadcast %add3A_41 : i32 to vector<16xi32>
      %add3A_43 = arith.addi %add3A_42, %iota3A : vector<16xi32>
      %swap3A_44 = arith.constant 0 : index
      %swap3A_45 = tpu.vector_load %arg20[%swap3A_44] {strides = array<i32>} : memref<64xi32, #tpu.memory_space<vmem>>, vector<16xi32>,
      tpu.vector_store %arg20[%swap3A_44], %add3A_43 {strides = array<i32>} : memref<64xi32, #tpu.memory_space<vmem>>, vector<16xi32>,
      %add3A_46 = arith.constant 16 : i32
      %add3A_47 = arith.addi %min3A_39, %add3A_46 : i32
      %iota3A_48 = tpu.iota {dimensions = array<i32: 0>} : vector<16xi32>
      %add3A_49 = vector.broadcast %add3A_47 : i32 to vector<16xi32>
      %add3A_50 = arith.addi %add3A_49, %iota3A_48 : vector<16xi32>
      %swap3A_51 = arith.constant 16 : index
      %swap3A_52 = tpu.vector_load %arg20[%swap3A_51] {strides = array<i32>} : memref<64xi32, #tpu.memory_space<vmem>>, vector<16xi32>,
      tpu.vector_store %arg20[%swap3A_51], %add3A_50 {strides = array<i32>} : memref<64xi32, #tpu.memory_space<vmem>>, vector<16xi32>,
      %add3A_53 = arith.constant 32 : i32
      %add3A_54 = arith.addi %min3A_39, %add3A_53 : i32
      %iota3A_55 = tpu.iota {dimensions = array<i32: 0>} : vector<16xi32>
      %add3A_56 = vector.broadcast %add3A_54 : i32 to vector<16xi32>
      %add3A_57 = arith.addi %add3A_56, %iota3A_55 : vector<16xi32>
      %swap3A_58 = arith.constant 32 : index
      %swap3A_59 = tpu.vector_load %arg20[%swap3A_58] {strides = array<i32>} : memref<64xi32, #tpu.memory_space<vmem>>, vector<16xi32>,
      tpu.vector_store %arg20[%swap3A_58], %add3A_57 {strides = array<i32>} : memref<64xi32, #tpu.memory_space<vmem>>, vector<16xi32>,
      %add3A_60 = arith.constant 48 : i32
      %add3A_61 = arith.addi %min3A_39, %add3A_60 : i32
      %iota3A_62 = tpu.iota {dimensions = array<i32: 0>} : vector<16xi32>
      %add3A_63 = vector.broadcast %add3A_61 : i32 to vector<16xi32>
      %add3A_64 = arith.addi %add3A_63, %iota3A_62 : vector<16xi32>
      %swap3A_65 = arith.constant 48 : index
      %swap3A_66 = tpu.vector_load %arg20[%swap3A_65] {strides = array<i32>} : memref<64xi32, #tpu.memory_space<vmem>>, vector<16xi32>,
      tpu.vector_store %arg20[%swap3A_65], %add3A_64 {strides = array<i32>} : memref<64xi32, #tpu.memory_space<vmem>>, vector<16xi32>,
      "tpu.region"() ({
        %run_scoped3A = tpu.sem_alloc : memref<!tpu.dma_semaphore, #tpu.memory_space<semaphore_mem>>
        %dma_start3A = arith.constant 0 : i32
        %dma_start3A_70 = arith.constant 0 : i32
        %dma_start3A_71 = tpu.memref_slice %arg26[%dma_start3A, %dma_start3A_70] : memref<10016x128xf32, #tpu.memory_space<vmem_shared>> -> memref<10016x128xf32, #tpu.memory_space<vmem_shared>>
        tpu.enqueue_indirect_dma source(%dma_start3A_71 : memref<10016x128xf32, #tpu.memory_space<vmem_shared>>) target(%arg23 : memref<64x128xf32, #tpu.memory_space<vmem>>) offsets(%arg20 : memref<64xi32, #tpu.memory_space<vmem>>) semaphore(%run_scoped3A : memref<!tpu.dma_semaphore, #tpu.memory_space<semaphore_mem>>)
        %dma_wait3A = arith.constant 0 : i32
        %dma_wait3A_72 = arith.constant 0 : i32
        %dma_wait3A_73 = tpu.memref_slice %arg26[%dma_wait3A, %dma_wait3A_72] : memref<10016x128xf32, #tpu.memory_space<vmem_shared>> -> memref<10016x128xf32, #tpu.memory_space<vmem_shared>>
        tpu.wait_indirect_dma semaphore(%run_scoped3A : memref<!tpu.dma_semaphore, #tpu.memory_space<semaphore_mem>>) src(%dma_wait3A_73 : memref<10016x128xf32, #tpu.memory_space<vmem_shared>>) dst(%arg23 : memref<64x128xf32, #tpu.memory_space<vmem>>)
        tpu.yield
      }) : () -> ()
      %mul3A_67 = arith.constant 10000 : i32
      %mul3A_68 = arith.muli %arg0, %mul3A_67 : i32
      %add3A_69 = arith.addi %mul3A_68, %min3A_39 : i32
      "tpu.region"() ({
        %run_scoped3A = tpu.sem_alloc : memref<!tpu.dma_semaphore, #tpu.memory_space<semaphore_mem>>
        %dma_start3A = arith.constant 0 : i32
        %dma_start3A_70 = tpu.memref_slice %arg15[%add3A_69, %dma_start3A] : memref<20000x128xf32, #tpu.memory_space<hbm>> -> memref<64x128xf32, #tpu.memory_space<hbm>>
        %dma_start3A_71 = arith.constant 0 : i32
        %dma_start3A_72 = tpu.memref_slice %arg15[%add3A_69, %dma_start3A_71] : memref<20000x128xf32, #tpu.memory_space<hbm>> -> memref<64x128xf32, #tpu.memory_space<hbm>>
        tpu.enqueue_dma source(%arg23 : memref<64x128xf32, #tpu.memory_space<vmem>>) target(%dma_start3A_72 : memref<64x128xf32, #tpu.memory_space<hbm>>) target_semaphore(%run_scoped3A : memref<!tpu.dma_semaphore, #tpu.memory_space<semaphore_mem>>)
        %dma_wait3A = arith.constant 0 : i32
        %dma_wait3A_73 = tpu.memref_slice %arg15[%add3A_69, %dma_wait3A] : memref<20000x128xf32, #tpu.memory_space<hbm>> -> memref<64x128xf32, #tpu.memory_space<hbm>>
        %dma_wait3A_74 = arith.constant 0 : i32
        %dma_wait3A_75 = tpu.memref_slice %arg15[%add3A_69, %dma_wait3A_74] : memref<20000x128xf32, #tpu.memory_space<hbm>> -> memref<64x128xf32, #tpu.memory_space<hbm>>
        tpu.wait_dma2 semaphore(%run_scoped3A : memref<!tpu.dma_semaphore, #tpu.memory_space<semaphore_mem>>) src(%arg23 : memref<64x128xf32, #tpu.memory_space<vmem>>) dst(%dma_wait3A_75 : memref<64x128xf32, #tpu.memory_space<hbm>>)
        tpu.yield
      }) : () -> ()
    }
    %scan3A_28 = arith.constant 10 : i32
    return
  }
}

module attributes {stable_mosaic.version = 14 : i64} {
  func.func @_k2_body(%arg0: i32, %arg1: memref<8000x16xf32, #tpu.memory_space<vmem>>, %arg2: memref<144x128xf32, #tpu.memory_space<vmem>>, %arg3: memref<256x1xf32, #tpu.memory_space<vmem>>, %arg4: memref<8000x1xf32, #tpu.memory_space<vmem>>, %arg5: memref<8000x128xf32, #tpu.memory_space<vmem>>, %arg6: memref<1x1x1xf32, #tpu.memory_space<vmem>>) attributes {dimension_semantics = [#tpu.dimension_semantics<arbitrary>], iteration_bounds = array<i64: 40>, scalar_prefetch = 0 : i64, scratch_operands = 0 : i64, tpu.core_type = #tpu.core_type<tc>, window_params = [{transform_indices = @transform_0, window_bounds = array<i64: 8000, 16>}, {pipeline_mode = #tpu.pipeline_mode<synchronous>, transform_indices = @transform_1, window_bounds = array<i64: 144, 128>}, {pipeline_mode = #tpu.pipeline_mode<synchronous>, transform_indices = @transform_2, window_bounds = array<i64: 256, 1>}, {transform_indices = @transform_3, window_bounds = array<i64: 8000, 1>}, {transform_indices = @transform_4, window_bounds = array<i64: 8000, 128>}, {transform_indices = @transform_5, window_bounds = array<i64: 1, 1, 1>}]} {
    %get3A = arith.constant 128 : index
    %get3A_0 = arith.constant 0 : index
    %get3A_1 = vector.load %arg2[%get3A, %get3A_0] : memref<144x128xf32, #tpu.memory_space<vmem>>, vector<16x128xf32>
    %get3A_2 = arith.constant 128 : index
    %get3A_3 = arith.constant 0 : index
    %get3A_4 = vector.load %arg3[%get3A_2, %get3A_3] : memref<256x1xf32, #tpu.memory_space<vmem>>, vector<128x1xf32>
    %dot_general3A = arith.constant dense<0.000000e+00> : vector<16x1xf32>
    %dot_general3A_5 = tpu.matmul %get3A_1, %get3A_4, %dot_general3A {dimension_numbers = #tpu.dot_dimension_numbers<[1], [0], [0], [1], [0, 0, 1, 1], [], []>, transpose_lhs_hint = false} : vector<16x128xf32>, vector<128x1xf32>, vector<16x1xf32> -> vector<16x1xf32>
    %get3A_6 = arith.constant 0 : index
    %get3A_7 = arith.constant 0 : index
    %get3A_8 = vector.load %arg1[%get3A_6, %get3A_7] : memref<8000x16xf32, #tpu.memory_space<vmem>>, vector<8000x16xf32>
    %dot_general3A_9 = arith.constant dense<0.000000e+00> : vector<8000x1xf32>
    %dot_general3A_10 = tpu.matmul %get3A_8, %dot_general3A_5, %dot_general3A_9 {dimension_numbers = #tpu.dot_dimension_numbers<[1], [0], [0], [1], [0, 0, 1, 1], [], []>, transpose_lhs_hint = false} : vector<8000x16xf32>, vector<16x1xf32>, vector<8000x1xf32> -> vector<8000x1xf32>
    %swap3A = arith.constant 0 : index
    %swap3A_11 = arith.constant 0 : index
    %swap3A_12 = vector.load %arg4[%swap3A, %swap3A_11] : memref<8000x1xf32, #tpu.memory_space<vmem>>, vector<8000x1xf32>
    tpu.vector_store %arg4[%swap3A, %swap3A_11], %dot_general3A_10 {strides = array<i32>} : memref<8000x1xf32, #tpu.memory_space<vmem>>, vector<8000x1xf32>,
    %get3A_13 = arith.constant 0 : index
    %get3A_14 = arith.constant 0 : index
    %get3A_15 = vector.load %arg1[%get3A_13, %get3A_14] : memref<8000x16xf32, #tpu.memory_space<vmem>>, vector<8000x16xf32>
    %get3A_16 = arith.constant 128 : index
    %get3A_17 = arith.constant 0 : index
    %get3A_18 = vector.load %arg2[%get3A_16, %get3A_17] : memref<144x128xf32, #tpu.memory_space<vmem>>, vector<16x128xf32>
    %dot_general3A_19 = arith.constant dense<0.000000e+00> : vector<8000x128xf32>
    %dot_general3A_20 = tpu.matmul %get3A_15, %get3A_18, %dot_general3A_19 {dimension_numbers = #tpu.dot_dimension_numbers<[1], [0], [0], [1], [0, 0, 1, 1], [], []>, transpose_lhs_hint = false} : vector<8000x16xf32>, vector<16x128xf32>, vector<8000x128xf32> -> vector<8000x128xf32>
    %swap3A_21 = arith.constant 0 : index
    %swap3A_22 = arith.constant 0 : index
    %swap3A_23 = vector.load %arg5[%swap3A_21, %swap3A_22] : memref<8000x128xf32, #tpu.memory_space<vmem>>, vector<8000x128xf32>
    tpu.vector_store %arg5[%swap3A_21, %swap3A_22], %dot_general3A_20 {strides = array<i32>} : memref<8000x128xf32, #tpu.memory_space<vmem>>, vector<8000x128xf32>,
    %reduce_max3A = vector.shape_cast %dot_general3A_10 : vector<8000x1xf32> to vector<1x8000x1xf32>
    %reduce_max3A_24 = arith.constant dense<0xFF800000> : vector<1xf32>
    %reduce_max3A_25 = vector.multi_reduction <maximumf>, %reduce_max3A, %reduce_max3A_24 [1, 2] : vector<1x8000x1xf32> to vector<1xf32>
    %reduce_max3A_26 = vector.shape_cast %reduce_max3A_25 : vector<1xf32> to vector<1x1x1xf32>
    %reduce_max3A_27 = vector.extract %reduce_max3A_26[0, 0, 0] : f32 from vector<1x1x1xf32>
    %reshape3A = vector.broadcast %reduce_max3A_27 : f32 to vector<1x1x1xf32>
    %swap3A_28 = arith.constant 0 : index
    %swap3A_29 = arith.constant 0 : index
    %swap3A_30 = arith.constant 0 : index
    %swap3A_31 = vector.load %arg6[%swap3A_28, %swap3A_29, %swap3A_30] : memref<1x1x1xf32, #tpu.memory_space<vmem>>, vector<1x1x1xf32>
    tpu.vector_store %arg6[%swap3A_28, %swap3A_29, %swap3A_30], %reshape3A {strides = array<i32>} : memref<1x1x1xf32, #tpu.memory_space<vmem>>, vector<1x1x1xf32>,
    return
  }
  func.func @transform_0(%arg0: i32) -> (i32, i32) {
    %c0_i32 = arith.constant 0 : i32
    %c0_i32_0 = arith.constant 0 : i32
    return %arg0, %c0_i32 : i32, i32
  }
  func.func @transform_1(%arg0: i32) -> (i32, i32) {
    %c0_i32 = arith.constant 0 : i32
    %c0_i32_0 = arith.constant 0 : i32
    %c0_i32_1 = arith.constant 0 : i32
    return %c0_i32, %c0_i32_0 : i32, i32
  }
  func.func @transform_2(%arg0: i32) -> (i32, i32) {
    %c0_i32 = arith.constant 0 : i32
    %c0_i32_0 = arith.constant 0 : i32
    %c0_i32_1 = arith.constant 0 : i32
    return %c0_i32, %c0_i32_0 : i32, i32
  }
  func.func @transform_3(%arg0: i32) -> (i32, i32) {
    %c0_i32 = arith.constant 0 : i32
    %c0_i32_0 = arith.constant 0 : i32
    return %arg0, %c0_i32 : i32, i32
  }
  func.func @transform_4(%arg0: i32) -> (i32, i32) {
    %c0_i32 = arith.constant 0 : i32
    %c0_i32_0 = arith.constant 0 : i32
    return %arg0, %c0_i32 : i32, i32
  }
  func.func @transform_5(%arg0: i32) -> (i32, i32, i32) {
    %c0_i32 = arith.constant 0 : i32
    %c0_i32_0 = arith.constant 0 : i32
    %c0_i32_1 = arith.constant 0 : i32
    return %arg0, %c0_i32, %c0_i32_0 : i32, i32, i32
  }
}

module attributes {stable_mosaic.version = 14 : i64} {
  func.func @_k1_body(%arg0: i32, %arg1: memref<2000x128xf32, #tpu.memory_space<vmem>>, %arg2: memref<2000x128xf32, #tpu.memory_space<vmem>>, %arg3: memref<128x128xf32, #tpu.memory_space<vmem>>, %arg4: memref<128x128xf32, #tpu.memory_space<vmem>>, %arg5: memref<144x128xf32, #tpu.memory_space<vmem>>, %arg6: memref<256x1xf32, #tpu.memory_space<vmem>>, %arg7: memref<256x1xf32, #tpu.memory_space<vmem>>, %arg8: memref<256x1xf32, #tpu.memory_space<vmem>>, %arg9: memref<2000x128xf32, #tpu.memory_space<vmem>>, %arg10: memref<2000x128xf32, #tpu.memory_space<vmem>>, %arg11: memref<2000x128xf32, #tpu.memory_space<vmem>>, %arg12: memref<2000x1xf32, #tpu.memory_space<vmem>>, %arg13: memref<2000x1xf32, #tpu.memory_space<vmem>>, %arg14: memref<2000x1xf32, #tpu.memory_space<vmem>>, %arg15: memref<2000x1xf32, #tpu.memory_space<vmem>>, %arg16: memref<2000x1xf32, #tpu.memory_space<vmem>>, %arg17: memref<1x1x8xf32, #tpu.memory_space<vmem>>) attributes {dimension_semantics = [#tpu.dimension_semantics<arbitrary>], iteration_bounds = array<i64: 5>, scalar_prefetch = 0 : i64, scratch_operands = 0 : i64, tpu.core_type = #tpu.core_type<tc>, window_params = [{transform_indices = @transform_0, window_bounds = array<i64: 2000, 128>}, {transform_indices = @transform_1, window_bounds = array<i64: 2000, 128>}, {pipeline_mode = #tpu.pipeline_mode<synchronous>, transform_indices = @transform_2, window_bounds = array<i64: 128, 128>}, {pipeline_mode = #tpu.pipeline_mode<synchronous>, transform_indices = @transform_3, window_bounds = array<i64: 128, 128>}, {pipeline_mode = #tpu.pipeline_mode<synchronous>, transform_indices = @transform_4, window_bounds = array<i64: 144, 128>}, {pipeline_mode = #tpu.pipeline_mode<synchronous>, transform_indices = @transform_5, window_bounds = array<i64: 256, 1>}, {pipeline_mode = #tpu.pipeline_mode<synchronous>, transform_indices = @transform_6, window_bounds = array<i64: 256, 1>}, {pipeline_mode = #tpu.pipeline_mode<synchronous>, transform_indices = @transform_7, window_bounds = array<i64: 256, 1>}, {transform_indices = @transform_8, window_bounds = array<i64: 2000, 128>}, {transform_indices = @transform_9, window_bounds = array<i64: 2000, 128>}, {transform_indices = @transform_10, window_bounds = array<i64: 2000, 128>}, {transform_indices = @transform_11, window_bounds = array<i64: 2000, 1>}, {transform_indices = @transform_12, window_bounds = array<i64: 2000, 1>}, {transform_indices = @transform_13, window_bounds = array<i64: 2000, 1>}, {transform_indices = @transform_14, window_bounds = array<i64: 2000, 1>}, {transform_indices = @transform_15, window_bounds = array<i64: 2000, 1>}, {transform_indices = @transform_16, window_bounds = array<i64: 1, 1, 8>}]} {
    %get3A = arith.constant 0 : index
    %get3A_0 = arith.constant 0 : index
    %get3A_1 = vector.load %arg1[%get3A, %get3A_0] : memref<2000x128xf32, #tpu.memory_space<vmem>>, vector<2000x128xf32>
    %get3A_2 = arith.constant 0 : index
    %get3A_3 = arith.constant 0 : index
    %get3A_4 = vector.load %arg3[%get3A_2, %get3A_3] : memref<128x128xf32, #tpu.memory_space<vmem>>, vector<128x128xf32>
    %dot_general3A = arith.constant dense<0.000000e+00> : vector<2000x128xf32>
    %dot_general3A_5 = tpu.matmul %get3A_1, %get3A_4, %dot_general3A {dimension_numbers = #tpu.dot_dimension_numbers<[1], [0], [0], [1], [0, 0, 1, 1], [], []>, transpose_lhs_hint = false} : vector<2000x128xf32>, vector<128x128xf32>, vector<2000x128xf32> -> vector<2000x128xf32>
    %get3A_6 = arith.constant 0 : index
    %get3A_7 = arith.constant 0 : index
    %get3A_8 = vector.load %arg2[%get3A_6, %get3A_7] : memref<2000x128xf32, #tpu.memory_space<vmem>>, vector<2000x128xf32>
    %get3A_9 = arith.constant 0 : index
    %get3A_10 = arith.constant 0 : index
    %get3A_11 = vector.load %arg5[%get3A_9, %get3A_10] : memref<144x128xf32, #tpu.memory_space<vmem>>, vector<128x128xf32>
    %dot_general3A_12 = arith.constant dense<0.000000e+00> : vector<2000x128xf32>
    %dot_general3A_13 = tpu.matmul %get3A_8, %get3A_11, %dot_general3A_12 {dimension_numbers = #tpu.dot_dimension_numbers<[1], [0], [0], [1], [0, 0, 1, 1], [], []>, transpose_lhs_hint = false} : vector<2000x128xf32>, vector<128x128xf32>, vector<2000x128xf32> -> vector<2000x128xf32>
    %get3A_14 = arith.constant 0 : index
    %get3A_15 = arith.constant 0 : index
    %get3A_16 = vector.load %arg1[%get3A_14, %get3A_15] : memref<2000x128xf32, #tpu.memory_space<vmem>>, vector<2000x128xf32>
    %get3A_17 = arith.constant 0 : index
    %get3A_18 = arith.constant 0 : index
    %get3A_19 = vector.load %arg4[%get3A_17, %get3A_18] : memref<128x128xf32, #tpu.memory_space<vmem>>, vector<128x128xf32>
    %dot_general3A_20 = arith.constant dense<0.000000e+00> : vector<2000x128xf32>
    %dot_general3A_21 = tpu.matmul %get3A_16, %get3A_19, %dot_general3A_20 {dimension_numbers = #tpu.dot_dimension_numbers<[1], [0], [0], [1], [0, 0, 1, 1], [], []>, transpose_lhs_hint = false} : vector<2000x128xf32>, vector<128x128xf32>, vector<2000x128xf32> -> vector<2000x128xf32>
    %get3A_22 = arith.constant 0 : index
    %get3A_23 = arith.constant 0 : index
    %get3A_24 = vector.load %arg7[%get3A_22, %get3A_23] : memref<256x1xf32, #tpu.memory_space<vmem>>, vector<128x1xf32>
    %dot_general3A_25 = arith.constant dense<0.000000e+00> : vector<2000x1xf32>
    %dot_general3A_26 = tpu.matmul %dot_general3A_5, %get3A_24, %dot_general3A_25 {dimension_numbers = #tpu.dot_dimension_numbers<[1], [0], [0], [1], [0, 0, 1, 1], [], []>, transpose_lhs_hint = false} : vector<2000x128xf32>, vector<128x1xf32>, vector<2000x1xf32> -> vector<2000x1xf32>
    %get3A_27 = arith.constant 128 : index
    %get3A_28 = arith.constant 0 : index
    %get3A_29 = vector.load %arg7[%get3A_27, %get3A_28] : memref<256x1xf32, #tpu.memory_space<vmem>>, vector<128x1xf32>
    %dot_general3A_30 = arith.constant dense<0.000000e+00> : vector<2000x1xf32>
    %dot_general3A_31 = tpu.matmul %dot_general3A_13, %get3A_29, %dot_general3A_30 {dimension_numbers = #tpu.dot_dimension_numbers<[1], [0], [0], [1], [0, 0, 1, 1], [], []>, transpose_lhs_hint = false} : vector<2000x128xf32>, vector<128x1xf32>, vector<2000x1xf32> -> vector<2000x1xf32>
    %get3A_32 = arith.constant 0 : index
    %get3A_33 = arith.constant 0 : index
    %get3A_34 = vector.load %arg8[%get3A_32, %get3A_33] : memref<256x1xf32, #tpu.memory_space<vmem>>, vector<128x1xf32>
    %dot_general3A_35 = arith.constant dense<0.000000e+00> : vector<2000x1xf32>
    %dot_general3A_36 = tpu.matmul %dot_general3A_5, %get3A_34, %dot_general3A_35 {dimension_numbers = #tpu.dot_dimension_numbers<[1], [0], [0], [1], [0, 0, 1, 1], [], []>, transpose_lhs_hint = false} : vector<2000x128xf32>, vector<128x1xf32>, vector<2000x1xf32> -> vector<2000x1xf32>
    %get3A_37 = arith.constant 128 : index
    %get3A_38 = arith.constant 0 : index
    %get3A_39 = vector.load %arg8[%get3A_37, %get3A_38] : memref<256x1xf32, #tpu.memory_space<vmem>>, vector<128x1xf32>
    %dot_general3A_40 = arith.constant dense<0.000000e+00> : vector<2000x1xf32>
    %dot_general3A_41 = tpu.matmul %dot_general3A_21, %get3A_39, %dot_general3A_40 {dimension_numbers = #tpu.dot_dimension_numbers<[1], [0], [0], [1], [0, 0, 1, 1], [], []>, transpose_lhs_hint = false} : vector<2000x128xf32>, vector<128x1xf32>, vector<2000x1xf32> -> vector<2000x1xf32>
    %get3A_42 = arith.constant 0 : index
    %get3A_43 = arith.constant 0 : index
    %get3A_44 = vector.load %arg6[%get3A_42, %get3A_43] : memref<256x1xf32, #tpu.memory_space<vmem>>, vector<128x1xf32>
    %get3A_45 = arith.constant 128 : index
    %get3A_46 = arith.constant 0 : index
    %get3A_47 = vector.load %arg6[%get3A_45, %get3A_46] : memref<256x1xf32, #tpu.memory_space<vmem>>, vector<128x1xf32>
    %add3A = arith.addf %get3A_44, %get3A_47 : vector<128x1xf32>
    %dot_general3A_48 = arith.constant dense<0.000000e+00> : vector<2000x1xf32>
    %dot_general3A_49 = tpu.matmul %dot_general3A_5, %add3A, %dot_general3A_48 {dimension_numbers = #tpu.dot_dimension_numbers<[1], [0], [0], [1], [0, 0, 1, 1], [], []>, transpose_lhs_hint = false} : vector<2000x128xf32>, vector<128x1xf32>, vector<2000x1xf32> -> vector<2000x1xf32>
    %gt3A = arith.constant 0.000000e+00 : f32
    %gt3A_50 = vector.broadcast %gt3A : f32 to vector<2000x1xf32>
    %gt3A_51 = arith.cmpf ogt, %dot_general3A_49, %gt3A_50 : vector<2000x1xf32>
    %mul3A = arith.constant 2.000000e-01 : f32
    %mul3A_52 = vector.broadcast %mul3A : f32 to vector<2000x1xf32>
    %mul3A_53 = arith.mulf %mul3A_52, %dot_general3A_49 : vector<2000x1xf32>
    %select_n3A = arith.select %gt3A_51, %dot_general3A_49, %mul3A_53 : vector<2000x1xi1>, vector<2000x1xf32>
    %swap3A = arith.constant 0 : index
    %swap3A_54 = arith.constant 0 : index
    %swap3A_55 = vector.load %arg9[%swap3A, %swap3A_54] : memref<2000x128xf32, #tpu.memory_space<vmem>>, vector<2000x128xf32>
    tpu.vector_store %arg9[%swap3A, %swap3A_54], %dot_general3A_5 {strides = array<i32>} : memref<2000x128xf32, #tpu.memory_space<vmem>>, vector<2000x128xf32>,
    %swap3A_56 = arith.constant 0 : index
    %swap3A_57 = arith.constant 0 : index
    %swap3A_58 = vector.load %arg10[%swap3A_56, %swap3A_57] : memref<2000x128xf32, #tpu.memory_space<vmem>>, vector<2000x128xf32>
    tpu.vector_store %arg10[%swap3A_56, %swap3A_57], %dot_general3A_13 {strides = array<i32>} : memref<2000x128xf32, #tpu.memory_space<vmem>>, vector<2000x128xf32>,
    %swap3A_59 = arith.constant 0 : index
    %swap3A_60 = arith.constant 0 : index
    %swap3A_61 = vector.load %arg11[%swap3A_59, %swap3A_60] : memref<2000x128xf32, #tpu.memory_space<vmem>>, vector<2000x128xf32>
    tpu.vector_store %arg11[%swap3A_59, %swap3A_60], %dot_general3A_21 {strides = array<i32>} : memref<2000x128xf32, #tpu.memory_space<vmem>>, vector<2000x128xf32>,
    %swap3A_62 = arith.constant 0 : index
    %swap3A_63 = arith.constant 0 : index
    %swap3A_64 = vector.load %arg12[%swap3A_62, %swap3A_63] : memref<2000x1xf32, #tpu.memory_space<vmem>>, vector<2000x1xf32>
    tpu.vector_store %arg12[%swap3A_62, %swap3A_63], %dot_general3A_26 {strides = array<i32>} : memref<2000x1xf32, #tpu.memory_space<vmem>>, vector<2000x1xf32>,
    %swap3A_65 = arith.constant 0 : index
    %swap3A_66 = arith.constant 0 : index
    %swap3A_67 = vector.load %arg13[%swap3A_65, %swap3A_66] : memref<2000x1xf32, #tpu.memory_space<vmem>>, vector<2000x1xf32>
    tpu.vector_store %arg13[%swap3A_65, %swap3A_66], %dot_general3A_31 {strides = array<i32>} : memref<2000x1xf32, #tpu.memory_space<vmem>>, vector<2000x1xf32>,
    %swap3A_68 = arith.constant 0 : index
    %swap3A_69 = arith.constant 0 : index
    %swap3A_70 = vector.load %arg14[%swap3A_68, %swap3A_69] : memref<2000x1xf32, #tpu.memory_space<vmem>>, vector<2000x1xf32>
    tpu.vector_store %arg14[%swap3A_68, %swap3A_69], %dot_general3A_36 {strides = array<i32>} : memref<2000x1xf32, #tpu.memory_space<vmem>>, vector<2000x1xf32>,
    %swap3A_71 = arith.constant 0 : index
    %swap3A_72 = arith.constant 0 : index
    %swap3A_73 = vector.load %arg15[%swap3A_71, %swap3A_72] : memref<2000x1xf32, #tpu.memory_space<vmem>>, vector<2000x1xf32>
    tpu.vector_store %arg15[%swap3A_71, %swap3A_72], %dot_general3A_41 {strides = array<i32>} : memref<2000x1xf32, #tpu.memory_space<vmem>>, vector<2000x1xf32>,
    %swap3A_74 = arith.constant 0 : index
    %swap3A_75 = arith.constant 0 : index
    %swap3A_76 = vector.load %arg16[%swap3A_74, %swap3A_75] : memref<2000x1xf32, #tpu.memory_space<vmem>>, vector<2000x1xf32>
    tpu.vector_store %arg16[%swap3A_74, %swap3A_75], %select_n3A {strides = array<i32>} : memref<2000x1xf32, #tpu.memory_space<vmem>>, vector<2000x1xf32>,
    %reduce_max3A = vector.shape_cast %dot_general3A_26 : vector<2000x1xf32> to vector<1x2000x1xf32>
    %reduce_max3A_77 = arith.constant dense<0xFF800000> : vector<1xf32>
    %reduce_max3A_78 = vector.multi_reduction <maximumf>, %reduce_max3A, %reduce_max3A_77 [1, 2] : vector<1x2000x1xf32> to vector<1xf32>
    %reduce_max3A_79 = vector.shape_cast %reduce_max3A_78 : vector<1xf32> to vector<1x1x1xf32>
    %reduce_max3A_80 = vector.extract %reduce_max3A_79[0, 0, 0] : f32 from vector<1x1x1xf32>
    %reshape3A = vector.broadcast %reduce_max3A_80 : f32 to vector<1x1xf32>
    %reduce_max3A_81 = vector.shape_cast %dot_general3A_31 : vector<2000x1xf32> to vector<1x2000x1xf32>
    %reduce_max3A_82 = arith.constant dense<0xFF800000> : vector<1xf32>
    %reduce_max3A_83 = vector.multi_reduction <maximumf>, %reduce_max3A_81, %reduce_max3A_82 [1, 2] : vector<1x2000x1xf32> to vector<1xf32>
    %reduce_max3A_84 = vector.shape_cast %reduce_max3A_83 : vector<1xf32> to vector<1x1x1xf32>
    %reduce_max3A_85 = vector.extract %reduce_max3A_84[0, 0, 0] : f32 from vector<1x1x1xf32>
    %reshape3A_86 = vector.broadcast %reduce_max3A_85 : f32 to vector<1x1xf32>
    %reduce_max3A_87 = vector.shape_cast %dot_general3A_36 : vector<2000x1xf32> to vector<1x2000x1xf32>
    %reduce_max3A_88 = arith.constant dense<0xFF800000> : vector<1xf32>
    %reduce_max3A_89 = vector.multi_reduction <maximumf>, %reduce_max3A_87, %reduce_max3A_88 [1, 2] : vector<1x2000x1xf32> to vector<1xf32>
    %reduce_max3A_90 = vector.shape_cast %reduce_max3A_89 : vector<1xf32> to vector<1x1x1xf32>
    %reduce_max3A_91 = vector.extract %reduce_max3A_90[0, 0, 0] : f32 from vector<1x1x1xf32>
    %reshape3A_92 = vector.broadcast %reduce_max3A_91 : f32 to vector<1x1xf32>
    %reduce_max3A_93 = vector.shape_cast %dot_general3A_41 : vector<2000x1xf32> to vector<1x2000x1xf32>
    %reduce_max3A_94 = arith.constant dense<0xFF800000> : vector<1xf32>
    %reduce_max3A_95 = vector.multi_reduction <maximumf>, %reduce_max3A_93, %reduce_max3A_94 [1, 2] : vector<1x2000x1xf32> to vector<1xf32>
    %reduce_max3A_96 = vector.shape_cast %reduce_max3A_95 : vector<1xf32> to vector<1x1x1xf32>
    %reduce_max3A_97 = vector.extract %reduce_max3A_96[0, 0, 0] : f32 from vector<1x1x1xf32>
    %reshape3A_98 = vector.broadcast %reduce_max3A_97 : f32 to vector<1x1xf32>
    %reduce_max3A_99 = vector.shape_cast %select_n3A : vector<2000x1xf32> to vector<1x2000x1xf32>
    %reduce_max3A_100 = arith.constant dense<0xFF800000> : vector<1xf32>
    %reduce_max3A_101 = vector.multi_reduction <maximumf>, %reduce_max3A_99, %reduce_max3A_100 [1, 2] : vector<1x2000x1xf32> to vector<1xf32>
    %reduce_max3A_102 = vector.shape_cast %reduce_max3A_101 : vector<1xf32> to vector<1x1x1xf32>
    %reduce_max3A_103 = vector.extract %reduce_max3A_102[0, 0, 0] : f32 from vector<1x1x1xf32>
    %reshape3A_104 = vector.broadcast %reduce_max3A_103 : f32 to vector<1x1xf32>
    %broadcast_in_dim3A = arith.constant 0.000000e+00 : f32
    %broadcast_in_dim3A_105 = vector.broadcast %broadcast_in_dim3A : f32 to vector<1x3xf32>
    %concatenate3A = tpu.concatenate %reshape3A, %reshape3A_86, %reshape3A_92, %reshape3A_98, %reshape3A_104, %broadcast_in_dim3A_105 in 1 : vector<1x1xf32>, vector<1x1xf32>, vector<1x1xf32>, vector<1x1xf32>, vector<1x1xf32>, vector<1x3xf32> -> vector<1x8xf32>
    %reshape3A_106 = vector.shape_cast %concatenate3A : vector<1x8xf32> to vector<1x1x8xf32>
    %swap3A_107 = arith.constant 0 : index
    %swap3A_108 = arith.constant 0 : index
    %swap3A_109 = arith.constant 0 : index
    %swap3A_110 = vector.load %arg17[%swap3A_107, %swap3A_108, %swap3A_109] : memref<1x1x8xf32, #tpu.memory_space<vmem>>, vector<1x1x8xf32>
    tpu.vector_store %arg17[%swap3A_107, %swap3A_108, %swap3A_109], %reshape3A_106 {strides = array<i32>} : memref<1x1x8xf32, #tpu.memory_space<vmem>>, vector<1x1x8xf32>,
    return
  }
  func.func @transform_0(%arg0: i32) -> (i32, i32) {
    %c0_i32 = arith.constant 0 : i32
    %c0_i32_0 = arith.constant 0 : i32
    return %arg0, %c0_i32 : i32, i32
  }
  func.func @transform_1(%arg0: i32) -> (i32, i32) {
    %c0_i32 = arith.constant 0 : i32
    %c0_i32_0 = arith.constant 0 : i32
    return %arg0, %c0_i32 : i32, i32
  }
  func.func @transform_2(%arg0: i32) -> (i32, i32) {
    %c0_i32 = arith.constant 0 : i32
    %c0_i32_0 = arith.constant 0 : i32
    %c0_i32_1 = arith.constant 0 : i32
    return %c0_i32, %c0_i32_0 : i32, i32
  }
  func.func @transform_3(%arg0: i32) -> (i32, i32) {
    %c0_i32 = arith.constant 0 : i32
    %c0_i32_0 = arith.constant 0 : i32
    %c0_i32_1 = arith.constant 0 : i32
    return %c0_i32, %c0_i32_0 : i32, i32
  }
  func.func @transform_4(%arg0: i32) -> (i32, i32) {
    %c0_i32 = arith.constant 0 : i32
    %c0_i32_0 = arith.constant 0 : i32
    %c0_i32_1 = arith.constant 0 : i32
    return %c0_i32, %c0_i32_0 : i32, i32
  }
  func.func @transform_5(%arg0: i32) -> (i32, i32) {
    %c0_i32 = arith.constant 0 : i32
    %c0_i32_0 = arith.constant 0 : i32
    %c0_i32_1 = arith.constant 0 : i32
    return %c0_i32, %c0_i32_0 : i32, i32
  }
  func.func @transform_6(%arg0: i32) -> (i32, i32) {
    %c0_i32 = arith.constant 0 : i32
    %c0_i32_0 = arith.constant 0 : i32
    %c0_i32_1 = arith.constant 0 : i32
    return %c0_i32, %c0_i32_0 : i32, i32
  }
  func.func @transform_7(%arg0: i32) -> (i32, i32) {
    %c0_i32 = arith.constant 0 : i32
    %c0_i32_0 = arith.constant 0 : i32
    %c0_i32_1 = arith.constant 0 : i32
    return %c0_i32, %c0_i32_0 : i32, i32
  }
  func.func @transform_8(%arg0: i32) -> (i32, i32) {
    %c0_i32 = arith.constant 0 : i32
    %c0_i32_0 = arith.constant 0 : i32
    return %arg0, %c0_i32 : i32, i32
  }
  func.func @transform_9(%arg0: i32) -> (i32, i32) {
    %c0_i32 = arith.constant 0 : i32
    %c0_i32_0 = arith.constant 0 : i32
    return %arg0, %c0_i32 : i32, i32
  }
  func.func @transform_10(%arg0: i32) -> (i32, i32) {
    %c0_i32 = arith.constant 0 : i32
    %c0_i32_0 = arith.constant 0 : i32
    return %arg0, %c0_i32 : i32, i32
  }
  func.func @transform_11(%arg0: i32) -> (i32, i32) {
    %c0_i32 = arith.constant 0 : i32
    %c0_i32_0 = arith.constant 0 : i32
    return %arg0, %c0_i32 : i32, i32
  }
  func.func @transform_12(%arg0: i32) -> (i32, i32) {
    %c0_i32 = arith.constant 0 : i32
    %c0_i32_0 = arith.constant 0 : i32
    return %arg0, %c0_i32 : i32, i32
  }
  func.func @transform_13(%arg0: i32) -> (i32, i32) {
    %c0_i32 = arith.constant 0 : i32
    %c0_i32_0 = arith.constant 0 : i32
    return %arg0, %c0_i32 : i32, i32
  }
  func.func @transform_14(%arg0: i32) -> (i32, i32) {
    %c0_i32 = arith.constant 0 : i32
    %c0_i32_0 = arith.constant 0 : i32
    return %arg0, %c0_i32 : i32, i32
  }
  func.func @transform_15(%arg0: i32) -> (i32, i32) {
    %c0_i32 = arith.constant 0 : i32
    %c0_i32_0 = arith.constant 0 : i32
    return %arg0, %c0_i32 : i32, i32
  }
  func.func @transform_16(%arg0: i32) -> (i32, i32, i32) {
    %c0_i32 = arith.constant 0 : i32
    %c0_i32_0 = arith.constant 0 : i32
    %c0_i32_1 = arith.constant 0 : i32
    return %arg0, %c0_i32, %c0_i32_0 : i32, i32, i32
  }
}

module attributes {stable_mosaic.version = 14 : i64} {
  func.func @_kz_body(%arg0: memref<10000x1xf32, #tpu.memory_space<vmem>>, %arg1: memref<1x1xf32, #tpu.memory_space<vmem>>, %arg2: memref<1x1xf32, #tpu.memory_space<vmem>>) attributes {dimension_semantics = [], scalar_prefetch = 0 : i64, scratch_operands = 0 : i64, tpu.core_type = #tpu.core_type<tc>} {
    %get3A = arith.constant 0 : index
    %get3A_0 = arith.constant 0 : index
    %get3A_1 = vector.load %arg0[%get3A, %get3A_0] : memref<10000x1xf32, #tpu.memory_space<vmem>>, vector<10000x1xf32>
    %get3A_2 = arith.constant 0 : index
    %get3A_3 = arith.constant 0 : index
    %get3A_4 = vector.load %arg1[%get3A_2, %get3A_3] : memref<1x1xf32, #tpu.memory_space<vmem>>, vector<1x1xf32>
    %get3A_5 = vector.extract %get3A_4[0, 0] : f32 from vector<1x1xf32>
    %sub3A = vector.broadcast %get3A_5 : f32 to vector<10000x1xf32>
    %sub3A_6 = arith.subf %get3A_1, %sub3A : vector<10000x1xf32>
    %exp3A = math.exp %sub3A_6 : vector<10000x1xf32>
    %reduce_sum3A = vector.shape_cast %exp3A : vector<10000x1xf32> to vector<1x10000x1xf32>
    %reduce_sum3A_7 = arith.constant dense<0.000000e+00> : vector<1xf32>
    %reduce_sum3A_8 = vector.multi_reduction <add>, %reduce_sum3A, %reduce_sum3A_7 [1, 2] : vector<1x10000x1xf32> to vector<1xf32>
    %reduce_sum3A_9 = vector.shape_cast %reduce_sum3A_8 : vector<1xf32> to vector<1x1x1xf32>
    %reduce_sum3A_10 = vector.extract %reduce_sum3A_9[0, 0, 0] : f32 from vector<1x1x1xf32>
    %reshape3A = vector.broadcast %reduce_sum3A_10 : f32 to vector<1x1xf32>
    %swap3A = arith.constant 0 : index
    %swap3A_11 = arith.constant 0 : index
    %swap3A_12 = vector.load %arg2[%swap3A, %swap3A_11] : memref<1x1xf32, #tpu.memory_space<vmem>>, vector<1x1xf32>
    tpu.vector_store %arg2[%swap3A, %swap3A_11], %reshape3A {strides = array<i32>} : memref<1x1xf32, #tpu.memory_space<vmem>>, vector<1x1xf32>,
    return
  }
}

module attributes {stable_mosaic.version = 14 : i64} {
  func.func @_k3_body(%arg0: i32, %arg1: memref<2000x1xf32, #tpu.memory_space<vmem>>, %arg2: memref<2000x128xf32, #tpu.memory_space<vmem>>, %arg3: memref<2x2000x128xf32, #tpu.memory_space<vmem>>, %arg4: memref<32x16xf32, #tpu.memory_space<vmem>>, %arg5: memref<1x1xf32, #tpu.memory_space<vmem>>, %arg6: memref<1x1xf32, #tpu.memory_space<vmem>>, %arg7: memref<2000x128xf32, #tpu.memory_space<vmem>>) attributes {dimension_semantics = [#tpu.dimension_semantics<arbitrary>], iteration_bounds = array<i64: 5>, scalar_prefetch = 0 : i64, scratch_operands = 0 : i64, tpu.core_type = #tpu.core_type<tc>, window_params = [{transform_indices = @transform_0, window_bounds = array<i64: 2000, 1>}, {transform_indices = @transform_1, window_bounds = array<i64: 2000, 128>}, {transform_indices = @transform_2, window_bounds = array<i64: 2, 2000, 128>}, {pipeline_mode = #tpu.pipeline_mode<synchronous>, transform_indices = @transform_3, window_bounds = array<i64: 32, 16>}, {pipeline_mode = #tpu.pipeline_mode<synchronous>, transform_indices = @transform_4, window_bounds = array<i64: 1, 1>}, {pipeline_mode = #tpu.pipeline_mode<synchronous>, transform_indices = @transform_5, window_bounds = array<i64: 1, 1>}, {transform_indices = @transform_6, window_bounds = array<i64: 2000, 128>}]} {
    %get3A = arith.constant 0 : index
    %get3A_0 = arith.constant 0 : index
    %get3A_1 = vector.load %arg5[%get3A, %get3A_0] : memref<1x1xf32, #tpu.memory_space<vmem>>, vector<1x1xf32>
    %get3A_2 = vector.extract %get3A_1[0, 0] : f32 from vector<1x1xf32>
    %get3A_3 = arith.constant 0 : index
    %get3A_4 = arith.constant 0 : index
    %get3A_5 = vector.load %arg4[%get3A_3, %get3A_4] : memref<32x16xf32, #tpu.memory_space<vmem>>, vector<32x16xf32>
    %reduce_sum3A = vector.shape_cast %get3A_5 : vector<32x16xf32> to vector<1x32x16xf32>
    %reduce_sum3A_6 = arith.constant dense<0.000000e+00> : vector<1xf32>
    %reduce_sum3A_7 = vector.multi_reduction <add>, %reduce_sum3A, %reduce_sum3A_6 [1, 2] : vector<1x32x16xf32> to vector<1xf32>
    %reduce_sum3A_8 = vector.shape_cast %reduce_sum3A_7 : vector<1xf32> to vector<1x1x1xf32>
    %reduce_sum3A_9 = vector.extract %reduce_sum3A_8[0, 0, 0] : f32 from vector<1x1x1xf32>
    %add3A = arith.addf %get3A_2, %reduce_sum3A_9 : f32
    %get3A_10 = arith.constant 0 : index
    %get3A_11 = arith.constant 0 : index
    %get3A_12 = vector.load %arg1[%get3A_10, %get3A_11] : memref<2000x1xf32, #tpu.memory_space<vmem>>, vector<2000x1xf32>
    %get3A_13 = arith.constant 0 : index
    %get3A_14 = arith.constant 0 : index
    %get3A_15 = vector.load %arg6[%get3A_13, %get3A_14] : memref<1x1xf32, #tpu.memory_space<vmem>>, vector<1x1xf32>
    %get3A_16 = vector.extract %get3A_15[0, 0] : f32 from vector<1x1xf32>
    %sub3A = vector.broadcast %get3A_16 : f32 to vector<2000x1xf32>
    %sub3A_17 = arith.subf %get3A_12, %sub3A : vector<2000x1xf32>
    %exp3A = math.exp %sub3A_17 : vector<2000x1xf32>
    %get3A_18 = arith.constant 0 : index
    %get3A_19 = arith.constant 0 : index
    %get3A_20 = vector.load %arg2[%get3A_18, %get3A_19] : memref<2000x128xf32, #tpu.memory_space<vmem>>, vector<2000x128xf32>
    %mul3A = vector.broadcast %exp3A : vector<2000x1xf32> to vector<2000x128xf32>
    %mul3A_21 = arith.mulf %mul3A, %get3A_20 : vector<2000x128xf32>
    %get3A_22 = arith.constant 0 : index
    %get3A_23 = arith.constant 0 : index
    %get3A_24 = arith.constant 0 : index
    %get3A_25 = vector.load %arg3[%get3A_22, %get3A_23, %get3A_24] : memref<2x2000x128xf32, #tpu.memory_space<vmem>>, vector<1x2000x128xf32>
    %get3A_26 = vector.shape_cast %get3A_25 : vector<1x2000x128xf32> to vector<2000x128xf32>
    %add3A_27 = arith.addf %mul3A_21, %get3A_26 : vector<2000x128xf32>
    %get3A_28 = arith.constant 1 : index
    %get3A_29 = arith.constant 0 : index
    %get3A_30 = arith.constant 0 : index
    %get3A_31 = vector.load %arg3[%get3A_28, %get3A_29, %get3A_30] : memref<2x2000x128xf32, #tpu.memory_space<vmem>>, vector<1x2000x128xf32>
    %get3A_32 = vector.shape_cast %get3A_31 : vector<1x2000x128xf32> to vector<2000x128xf32>
    %add3A_33 = arith.addf %add3A_27, %get3A_32 : vector<2000x128xf32>
    %div3A = arith.constant 1.000000e+00 : f32
    %div3A_34 = arith.divf %div3A, %add3A : f32
    %mul3A_35 = vector.broadcast %div3A_34 : f32 to vector<2000x128xf32>
    %mul3A_36 = arith.mulf %add3A_33, %mul3A_35 : vector<2000x128xf32>
    %gt3A = arith.constant 0.000000e+00 : f32
    %gt3A_37 = vector.broadcast %gt3A : f32 to vector<2000x128xf32>
    %gt3A_38 = arith.cmpf ogt, %mul3A_36, %gt3A_37 : vector<2000x128xf32>
    %exp3A_39 = math.exp %mul3A_36 : vector<2000x128xf32>
    %sub3A_40 = arith.constant 1.000000e+00 : f32
    %sub3A_41 = vector.broadcast %sub3A_40 : f32 to vector<2000x128xf32>
    %sub3A_42 = arith.subf %exp3A_39, %sub3A_41 : vector<2000x128xf32>
    %select_n3A = arith.select %gt3A_38, %mul3A_36, %sub3A_42 : vector<2000x128xi1>, vector<2000x128xf32>
    %swap3A = arith.constant 0 : index
    %swap3A_43 = arith.constant 0 : index
    %swap3A_44 = vector.load %arg7[%swap3A, %swap3A_43] : memref<2000x128xf32, #tpu.memory_space<vmem>>, vector<2000x128xf32>
    tpu.vector_store %arg7[%swap3A, %swap3A_43], %select_n3A {strides = array<i32>} : memref<2000x128xf32, #tpu.memory_space<vmem>>, vector<2000x128xf32>,
    return
  }
  func.func @transform_0(%arg0: i32) -> (i32, i32) {
    %c0_i32 = arith.constant 0 : i32
    %c0_i32_0 = arith.constant 0 : i32
    return %arg0, %c0_i32 : i32, i32
  }
  func.func @transform_1(%arg0: i32) -> (i32, i32) {
    %c0_i32 = arith.constant 0 : i32
    %c0_i32_0 = arith.constant 0 : i32
    return %arg0, %c0_i32 : i32, i32
  }
  func.func @transform_2(%arg0: i32) -> (i32, i32, i32) {
    %c0_i32 = arith.constant 0 : i32
    %c0_i32_0 = arith.constant 0 : i32
    %c0_i32_1 = arith.constant 0 : i32
    return %c0_i32, %arg0, %c0_i32_0 : i32, i32, i32
  }
  func.func @transform_3(%arg0: i32) -> (i32, i32) {
    %c0_i32 = arith.constant 0 : i32
    %c0_i32_0 = arith.constant 0 : i32
    %c0_i32_1 = arith.constant 0 : i32
    return %c0_i32, %c0_i32_0 : i32, i32
  }
  func.func @transform_4(%arg0: i32) -> (i32, i32) {
    %c0_i32 = arith.constant 0 : i32
    %c0_i32_0 = arith.constant 0 : i32
    %c0_i32_1 = arith.constant 0 : i32
    return %c0_i32, %c0_i32_0 : i32, i32
  }
  func.func @transform_5(%arg0: i32) -> (i32, i32) {
    %c0_i32 = arith.constant 0 : i32
    %c0_i32_0 = arith.constant 0 : i32
    %c0_i32_1 = arith.constant 0 : i32
    return %c0_i32, %c0_i32_0 : i32, i32
  }
  func.func @transform_6(%arg0: i32) -> (i32, i32) {
    %c0_i32 = arith.constant 0 : i32
    %c0_i32_0 = arith.constant 0 : i32
    return %arg0, %c0_i32 : i32, i32
  }
}

</mosaic_0001>

<sc_bundles>
// kernel: kernel.7.cloned.1.call-start
scs
__scs_entry_jumppad:
0x0: {  	(pc) =	sbr.rel $0x88, $3  }
0x1: {  	(tag) =	ssettag $0x0;
	lr =	simm.s32 $0x1  }
0x2: {  	[smem:$0x3F96] =	sst lr;
	_ =	strace $0xD0000000  }
0x3: {  	_ = 	snop  }
0x4: {  	_ = 	snop  }
0x5: {  	_ = 	snop  }
0x6: {  	_ = 	snop  }
0x7: {  	_ = 	snop  }
__scs_overlays_trampoline_lowered:
0x8: {  	[smem:$0x3FA5] =	sst s0  }
0x9: {  	[smem:$0x3FA6] =	sst s1  }
0xa: {  	[smem:$0x3FA7] =	sst s2  }
0xb: {  	[smem:$0x3FA8] =	sst s3  }
0xc: {  	[smem:$0x3FA9] =	sst s4  }
0xd: {  	[smem:$0x3FAA] =	sst s5  }
0xe: {  	[smem:$0x3FAB] =	sst s6  }
0xf: {  	[smem:$0x3FAC] =	sst s7  }
0x10: {  	[smem:$0x3FAD] =	sst s8  }
0x11: {  	[smem:$0x3FAE] =	sst s9;
	s0 =	simm.s32 @!p0 $0x0  }
0x12: {  	s1 =	sld [smem:$0x3F94];
	s0 =	simm.s32 @p0 $0x1  }
0x13: {  	[smem:$0x3FAF] =	sst s0;
	s0 =	simm.s32 @!p1 $0x0  }
0x14: {  	s2 =	sld [smem:$0x3F93];
	s0 =	simm.s32 @p1 $0x1  }
0x15: {  	[smem:$0x3FB0] =	sst s0;
	s0 =	simm.s32 @!p2 $0x0  }
0x16: {  	s3 =	sld [smem:$0x3FDB];
	s0 =	simm.s32 @p2 $0x1  }
0x17: {  	s4 =	simm.s32 $0x1BF5;
	[smem:$0x3FB2] =	sst s0  }
0x18: {  	s0 =	sld [smem:$0x3F95];
	_ =	swait.ge [sflag:s4], $0x0  }
0x19: {  	s7 =	sld [smem:$0x3F96]  }
0x1a: {  	s8 =	sadd.s32 $0xFFFFE003, lr  }
0x1b: {  	s9 =	sadd.s32 $0xFFFFFEF7, lr;
	s5 =	simm.s32 $0xFFFFFFFF;
	p2 =	slt.u32 s8, $0xFFFFF086  }
0x1c: {  	p1 =	slt.u32 s9, $0xF7A;
	s5 =	simm.s32 @!p2 $0x0  }
0x1d: {  	s5 =	simm.s32 @p1 $0x1;
	p0 =	seq.s32 s7, s2  }
0x1e: {  	s7 =	smul.u32 @!p0 $0xF7A, s2;
	p2 =	seq.s32 @!p0 s5, $0x0  }
0x1f: {  	s9 =	smul.u32 $0xF7A, s1;
	s8 =	simm.s32 @!p0 $0x1BF5;
	p2 =	por !p2, p0  }
0x20: {  	[sflag:s8] =	ssyncset.s32 @!p0 $0xFFFFF086;
	s6 =	sadd.s32 @!p0 s3, s7;
	s7 =	simm.s32 @!p0 $0x108  }
0x21: {  	s3 =	sadd.s32 s3, s9;
	s6 =	sadd.s32 @!p0 $0x88, s6;
	s7 =	simm.s32 @p2 $0x1082  }
0x22: {  	[simem:s7], [sflag:s8] =	dma.local @!p0 [hbm:s6], $0xF7A  }
0x23: {  	s9 =	sor.u32 $0xD0000000, s2;
	s6 =	simm.s32 $0x108;
	_ =	swait.ge @!p0 [sflag:s8], $0x0  }
0x24: {  	s3 =	sadd.s32 $0x88, s3;
	s6 =	simm.s32 @!p1 $0x1082;
	[sflag:s4] =	ssyncset.s32 $0xFFFFF086  }
0x25: {  	[simem:s6], [sflag:s4] =	dma.local [hbm:s3], $0xF7A  }
0x26: {  	[smem:$0x3F96] =	sst s1;
	(tag) =	ssettag s2;
	_ =	strace s9  }
0x27: {  	s1 =	sld [smem:$0x3FA6]  }
0x28: {  	s2 =	sld [smem:$0x3FA7]  }
0x29: {  	s4 =	sld [smem:$0x3FA9]  }
0x2a: {  	p0 =	seq.s32 s5, $0x0;
	s5 =	sld [smem:$0x3FAA]  }
0x2b: {  	s6 =	sld [smem:$0x3FAB]  }
0x2c: {  	s7 =	sld [smem:$0x3FAC]  }
0x2d: {  	s3 =	simm.s32 $0x108;
	s8 =	sld [smem:$0x3FAD]  }
0x2e: {  	s3 =	simm.s32 @!p0 $0x1082;
	s9 =	sld [smem:$0x3FAE]  }
0x2f: {  	lr =	sadd.s32 s0, s3;
	s0 =	sld [smem:$0x3FA5]  }
0x30: {  	s3 =	sld [smem:$0x3FA8]  }
0x31: {  	[smem:$0x3FB1] =	sst s10  }
0x32: {  	s10 =	sld [smem:$0x3FAF];
	_ =	sdelay $0x3  }
0x33: {  	p0 =	seq.s32 s10, $0x1;
	s10 =	sld [smem:$0x3FB1];
	_ =	sdelay $0x3  }
0x34: {  	[smem:$0x3FB1] =	sst s10  }
0x35: {  	s10 =	sld [smem:$0x3FB0];
	_ =	sdelay $0x3  }
0x36: {  	p1 =	seq.s32 s10, $0x1;
	s10 =	sld [smem:$0x3FB1];
	_ =	sdelay $0x3  }
0x37: {  	[smem:$0x3FB1] =	sst s10  }
0x38: {  	s10 =	sld [smem:$0x3FB2]  }
0x39: {  	_ = 	snop;
	(pc) =	sbr.ind lr, $3  }
0x3a: {  	_ = 	snop  }
0x3b: {  	_ = 	snop  }
0x3c: {  	p2 =	seq.s32 s10, $0x1;
	s10 =	sld [smem:$0x3FB1]  }
0x3d: {  	_ =	shalt  }
0x3e: {  	_ =	shalt  }
0x3f: {  	_ =	shalt  }
0x40: {  	_ =	shalt  }
0x41: {  	_ =	shalt  }
0x42: {  	_ =	shalt  }
0x43: {  	_ =	shalt  }
0x44: {  	_ =	shalt  }
0x45: {  	_ =	shalt  }
0x46: {  	_ =	shalt  }
0x47: {  	_ =	shalt  }
0x48: {  	_ =	shalt  }
0x49: {  	_ =	shalt  }
0x4a: {  	_ =	shalt  }
0x4b: {  	_ =	shalt  }
0x4c: {  	_ =	shalt  }
0x4d: {  	_ =	shalt  }
0x4e: {  	_ =	shalt  }
0x4f: {  	_ =	shalt  }
0x50: {  	_ =	shalt  }
0x51: {  	_ =	shalt  }
0x52: {  	_ =	shalt  }
0x53: {  	_ =	shalt  }
0x54: {  	_ =	shalt  }
0x55: {  	_ =	shalt  }
0x56: {  	_ =	shalt  }
0x57: {  	_ =	shalt  }
0x58: {  	_ =	shalt  }
0x59: {  	_ =	shalt  }
0x5a: {  	_ =	shalt  }
0x5b: {  	_ =	shalt  }
0x5c: {  	_ =	shalt  }
0x5d: {  	_ =	shalt  }
0x5e: {  	_ =	shalt  }
0x5f: {  	_ =	shalt  }
0x60: {  	_ =	shalt  }
0x61: {  	_ =	shalt  }
0x62: {  	_ =	shalt  }
0x63: {  	_ =	shalt  }
0x64: {  	_ =	shalt  }
0x65: {  	_ =	shalt  }
0x66: {  	_ =	shalt  }
0x67: {  	_ =	shalt  }
0x68: {  	_ =	shalt  }
0x69: {  	_ =	shalt  }
0x6a: {  	_ =	shalt  }
0x6b: {  	_ =	shalt  }
0x6c: {  	_ =	shalt  }
0x6d: {  	_ =	shalt  }
0x6e: {  	_ =	shalt  }
0x6f: {  	_ =	shalt  }
0x70: {  	_ =	shalt  }
0x71: {  	_ =	shalt  }
0x72: {  	_ =	shalt  }
0x73: {  	_ =	shalt  }
0x74: {  	_ =	shalt  }
0x75: {  	_ =	shalt  }
0x76: {  	_ =	shalt  }
0x77: {  	_ =	shalt  }
0x78: {  	_ =	shalt  }
0x79: {  	_ =	shalt  }
0x7a: {  	_ =	shalt  }
0x7b: {  	_ =	shalt  }
0x7c: {  	_ =	shalt  }
0x7d: {  	_ =	shalt  }
0x7e: {  	_ =	shalt  }
0x7f: {  	_ =	shalt  }
0x80: {  	_ =	shalt  }
0x81: {  	_ =	shalt  }
0x82: {  	_ =	shalt  }
0x83: {  	_ =	shalt  }
0x84: {  	_ =	shalt  }
0x85: {  	_ =	shalt  }
0x86: {  	_ =	shalt  }
0x87: {  	_ =	shalt  }
.Lfunc_end0:
.L_simem_size_0:
called_computation_lowered:
.L_overlay_start_0:
0x88: {  	s2 =	sld [smem:$0x3FD9]  }
0x89: {  	s3 =	sld [smem:$0x3FFE];
	_ =	sdelay $0x1  }
0x8a: {  	s1 =	srdreg.scid  }
0x8b: {  	s0 =	sand.u32 $0x1, s1  }
0x8c: {  	s17 =	sshll.u32 s0, $0xA;
	s2 =	sadd.s32 s3, s2  }
0x8d: {  	s2 =	sadd.s32 s2, s17  }
0x8e: {  	[smem:$0x3FBD] =	sst s2  }
0x8f: {  	_ = 	snop  }
0x90: {  	s2 =	sld [smem:$0x3FD0];
	(tm) =	ssettm $0x1  }
0x91: {  	s18 =	sld [smem:$0x3FFB];
	_ =	sdelay $0x3  }
0x92: {  	_ =	strace s18  }
0x93: {  	s3 =	sld [smem:$0x3FFC];
	_ =	sdelay $0x3  }
0x94: {  	_ =	strace s3  }
0x95: {  	s3 =	sld [smem:$0x3FFD];
	_ =	sdelay $0x3  }
0x96: {  	_ =	strace s3  }
0x97: {  	_ =	strace $0x8FFFFFFF  }
0x98: {  	s19 =	sld [smem:$0x3FDB];
	_ =	sdelay $0x1  }
0x99: {  	s4 =	simm.s32 $_scs_section_size  }
0x9a: {  	s5 =	simm.s32 $_size__tile_overlayer_lowered;
	s6 =	simm.s32 $_tile_overlayer_lowered  }
0x9b: {  	s22 =	simm.s32 $0x1BFF;
	s21 =	sshll.u32 s6, $0x1;
	s3 =	sadd.s32 s4, s19  }
0x9c: {  	s7 =	simm.s32 $0x0;
	s20 =	sshll.u32 s5, $0x1;
	s5 =	sadd.s32 s21, s3  }
0x9d: {  	[timem:s7], [sflag:s22] =	dma.local [hbm:s5], s20  }
0x9e: {  	_ =	swait.ge [sflag:s22], s20  }
0x9f: {  	s4 =	ssub.s32 $0x0, s20;
	[sflag:s22] =	ssyncset.done $0x0  }
0xa0: {  	[sflag:s22] =	ssyncadd.s32 s4;
	_ =	sdelay $0x1  }
0xa1: {  	s23 =	simm.s32 $0x1B8B  }
0xa2: {  	_ =	swait.ge [sflag:s23], $0x1  }
0xa3: {  	[sflag:s23] =	ssyncset.done $0x0  }
0xa4: {  	s25 =	simm.s32 $0x1B8E;
	s24 =	sld [smem:$0x3FFE];
	[sflag:s23] =	ssyncadd.s32 $0xFFFFFFFF  }
0xa5: {  	s26 =	simm.s32 $execute0_lowered;
	[smem:$0x3FD2] =	sst s25  }
0xa6: {  	s5 =	sshll.u32 s26, $0x1;
	_ =	strace $0x80000046;
	[dreg:$0x1] =	wrdreg $0xFFFFFFFF  }
0xa7: {  	s28 =	simm.s32 $_size_execute0_lowered;
	s3 =	sadd.s32 s3, s5;
	[dreg:$0x0] =	wrdreg $0x0  }
0xa8: {  	s5 =	sshll.u32 s28, $0x1;
	[dreg:$0x2] =	wrdreg s3  }
0xa9: {  	[dreg:$0x3] =	wrdreg s5  }
0xaa: {  	[dreg:$0x4] =	wrdreg $0xC0  }
0xab: {  	_ =	task [dreg:s7], $0x5FFFF  }
0xac: {  	[dreg:$0x1] =	wrdreg $0xFFFFFFFF  }
0xad: {  	[dreg:$0x0] =	wrdreg $0x60  }
0xae: {  	[dreg:$0x2] =	wrdreg s24  }
0xaf: {  	[dreg:$0x3] =	wrdreg s2  }
0xb0: {  	[dreg:$0x4] =	wrdreg $0x91800  }
0xb1: {  	[dreg:$0x5] =	wrdreg $0x9  }
0xb2: {  	_ =	task.clear_ibuf [dreg:s7], $0x6FFFF;
	_ =	strace $0x90000046  }
0xb3: {  	s29 =	simm.s32 $0x9;
	_ =	strace $0x80000048  }
0xb4: {  	_ =	swait.ge [sflag:s29], $0x1  }
0xb5: {  	[sflag:s29] =	ssyncadd.s32 $0xFFFFFFFF  }
0xb6: {  	_ =	strace $0x90000048  }
0xb7: {  	_ =	sfence  }
0xb8: {  	s30 =	sld [smem:$0x0];
	_ =	sdelay $0x2  }
0xb9: {  	s31 =	sshll.u32 s1, $0xD;
	s1 =	sshrl.u32 s1, $0x2  }
0xba: {  	s3 =	sand.u32 $0x4000, s31;
	s1 =	sadd.s32 s1, s30  }
0xbb: {  	s0 =	sor.u32 s3, s0;
	s1 =	sshll.u32 s1, $0x11  }
0xbc: {  	s0 =	sor.u32 s1, s0  }
0xbd: {  	s0 =	sadd.s32 $0x8F2B, s0  }
0xbe: {  	[sflag:s0] =	ssyncadd.remote.s32 $0x1  }
0xbf: {  	_ =	sfence.sel $0xFFFF  }
0xc0: {  	[dreg:$0x0] =	wrdreg $0xFFFFFFFF;
	(pc) =	sbr.abs _section_cstart, $3  }
0xc1: {  	[dreg:$0x1] =	wrdreg $0xFFFFFFFF  }
0xc2: {  	_ =	task.clear_ibuf [dreg:s7], $0x2FFFF;
	_ =	strace $0x9FFFFFFF  }
0xc3: {  	(tm) =	ssettm $0x7FFFFFFF  }
tec
execute0_lowered:
.L_overlay_start_1:
0x0: {  	(tag) =	ssettag $0x1  }
0x1: {  	s9 =	rddreg [dreg:$0x0]  }
0x2: {  	s2 =	rddreg [dreg:$0x1]  }
0x3: {  	s3 =	rddreg [dreg:$0x2]  }
0x4: {  	s4 =	simm.s32 $0x0;
	s24 =	srdreg.scid;
	s11 =	stileid.u32  }
0x5: {  	s29 =	simm.s32 $0x2780;
	s30 =	simm.s32 $0x4F00;
	s31 =	simm.s32 $0x5000  }
0x6: {  	s28 =	simm.s32 $0x0;
	[smem:$0x7FF] =	sst s4;
	s5 =	sadd.s32 $0x9D200, s9  }
0x7: {  	s6 =	sadd.s32 $0xC4400, s9;
	s0 =	sadd.s32 $0x9C800, s9;
	s22 =	sadd.s32 $0xEB600, s9  }
0x8: {  	s23 =	sadd.s32 $0x600, s9;
	s10 =	sadd.s32 $0x9D000, s9;
	s12 =	sadd.s32 $0xC00, s9  }
0x9: {  	s13 =	sadd.s32 $0xAA00, s9;
	s14 =	sadd.s32 $0xEBC00, s9;
	s15 =	sadd.s32 $0x14800, s9  }
0xa: {  	s1 =	sshll.u32 s11, $0x1;
	_ =	strace $0x80000047;
	[dreg:$0x4] =	wrdreg s0  }
0xb: {  	s16 =	sadd.s32 $0x1E600, s9;
	s17 =	sadd.s32 $0x5D3C00, s9;
	[dreg:$0x5] =	wrdreg s22  }
0xc: {  	s18 =	smul.u32 $0x280, s11;
	[dreg:$0x6] =	wrdreg s23;
	s0 =	sand.u32 $0x1, s24  }
0xd: {  	s23 =	simm.s32 $0x40;
	s24 =	simm.s32 $0x4F80;
	s1 =	sor.u32 s0, s1  }
0xe: {  	s8 =	ssub.s32 $0x2, s0;
	s21 =	smul.u32 $0x2710, s0;
	s0 =	simm.s32 $0x5080  }
0xf: {  	s7 =	sshll.u32 s1, $0x4;
	s25 =	sshrl.u32 s8, $0x1;
	s19 =	smul.u32 $0x2740, s1  }
0x10: {  	s7 =	sadd.s32 s7, s9;
	s26 =	ssub.s32 s8, s25;
	s25 =	simm.s32 $0x7080  }
0x11: {  	v2 =	vimm.f32 $0.0e+00;
	v3 =	vlaneseq.u32;
	s20 =	sadd.s32 $0x28400, s7;
	s22 =	smax.u32 s26, $0x1;
	s26 =	simm.s32 $0x1  }
.LBB2_1:
0x12: {  	s1 =	simm.s32 $0x0;
	s7 =	simm.s32 $0x200  }
.LBB2_2:
0x13: {  	p0 =	sne.s32 s7, $0x7E00;
	[tilespmem:s1+$0x70F0] =	vst v2  }
0x14: {  	[tilespmem:s1+$0x7080] =	vst v2  }
0x15: {  	[tilespmem:s1+$0x7090] =	vst v2  }
.Ltmp0:
0x16: {  	[tilespmem:s1+$0x70A0] =	vst v2;
	(pc) =	sbr.rel @p0 .LBB2_2-.Ltmp0, $4  }
0x17: {  	[tilespmem:s1+$0x70B0] =	vst v2  }
0x18: {  	[tilespmem:s1+$0x70C0] =	vst v2  }
0x19: {  	[tilespmem:s1+$0x70D0] =	vst v2  }
0x1a: {  	[tilespmem:s1+$0x70E0] =	vst v2;
	s1 =	sshra.s32 s7, $0x2;
	s7 =	sadd.s32 $0x200, s7  }
0x1b: {  	[tilespmem:s1+$0x70F0] =	vst v2  }
0x1c: {  	[tilespmem:s1+$0x7080] =	vst v2  }
0x1d: {  	[tilespmem:s1+$0x7090] =	vst v2  }
0x1e: {  	[tilespmem:s1+$0x70A0] =	vst v2  }
0x1f: {  	[tilespmem:s1+$0x70B0] =	vst v2  }
0x20: {  	[tilespmem:s1+$0x70C0] =	vst v2;
	s7 =	sadd.s32 $0x0, s18  }
0x21: {  	[tilespmem:s1+$0x70D0] =	vst v2;
	s7 =	smin.u32 s7, $0x26E0  }
0x22: {  	[tilespmem:s1+$0x70E0] =	vst v2;
	v0 =	vor.u32 s7, v3;
	s11 =	sadd.s32 $0x30, s7  }
0x23: {  	s1 =	simm.s32 $0x40;
	s8 =	sadd.s32 $0x20, s7;
	[tilespmem:$0x4F80] =	vst v0;
	v0 =	vor.u32 s11, v3  }
.LBB2_4:
0x24: {  	p0 =	sne.s32 s1, $0x240;
	s7 =	sor.u32 $0x10, s7;
	v1 =	vor.u32 s8, v3;
	[tilespmem:$0x4FB0] =	vst v0  }
0x25: {  	v0 =	vor.u32 s7, v3;
	[tilespmem:$0x4FA0] =	vst v1  }
0x26: {  	[tilespmem:$0x4F90] =	vst v0;
	[spmem:s3] =	stream.indirect.scatter [tilespmem:s25], [sflag:$0x1], $0x80, s24, s23, $0xb8  }
.Ltmp1:
0x27: {  	_ = 	snop;
	(pc) =	sbr.rel @p0 .LBB2_4-.Ltmp1, $4  }
0x28: {  	s7 =	sadd.s32 s1, s18;
	_ =	swait.ge [sflag:s26], $0x2000  }
0x29: {  	s7 =	smin.u32 s7, $0x26E0;
	[sflag:s26] =	ssyncset.done $0x0  }
0x2a: {  	v0 =	vor.u32 s7, v3;
	s11 =	sadd.s32 $0x30, s7;
	[sflag:s26] =	ssyncadd.s32 $0xFFFFE000  }
0x2b: {  	s1 =	sadd.s32 $0x40, s1;
	s8 =	sadd.s32 $0x20, s7;
	[tilespmem:$0x4F80] =	vst v0;
	v0 =	vor.u32 s11, v3  }
0x2c: {  	s1 =	sor.u32 $0x10, s7;
	v1 =	vor.u32 s8, v3;
	[tilespmem:$0x4FB0] =	vst v0  }
0x2d: {  	v63 =	vor.u32 s1, v3;
	[tilespmem:$0x4FA0] =	vst v1  }
0x2e: {  	[tilespmem:$0x4F90] =	vst v63  }
0x2f: {  	[spmem:s3] =	stream.indirect.scatter [tilespmem:s25], [sflag:$0x1], $0x80, s24, s23, $0xb8;
	[tilespmem:$0x1CA80] =	vst v63  }
0x30: {  	_ =	swait.ge [sflag:s26], $0x2000  }
0x31: {  	[sflag:s26] =	ssyncset.done $0x0  }
0x32: {  	[sflag:s26] =	ssyncadd.s32 $0xFFFFE000  }
0x33: {  	s11 =	simm.s32 $0x0;
	s7 =	simm.s32 $0x9080;
	[tilespmem:$0x9100] =	vst v2  }
0x34: {  	[tilespmem:s7], [sflag:$0x1] =	stream.linear.gather [hbm4b:s10+s11], $0x80, $0x38;
	[tilespmem:$0x1CA80] =	vst v63  }
0x35: {  	_ =	swait.ge [sflag:s26], $0x80  }
0x36: {  	[sflag:s26] =	ssyncset.done $0x0  }
0x37: {  	s8 =	rddreg [dreg:$0x4];
	[sflag:s26] =	ssyncadd.s32 $0xFFFFFF80  }
0x38: {  	[tilespmem:s11], [sflag:$0x1] =	stream.linear.gather [hbm4b:s8+s11], $0x2780, $0x38;
	[tilespmem:$0x1CA80] =	vst v63  }
0x39: {  	_ =	swait.ge [sflag:s26], $0x2780  }
0x3a: {  	[sflag:s26] =	ssyncset.done $0x0  }
0x3b: {  	s9 =	rddreg [dreg:$0x5];
	[sflag:s26] =	ssyncadd.s32 $0xFFFFD880  }
0x3c: {  	[tilespmem:s29], [sflag:$0x1] =	stream.linear.gather [hbm4b:s9+s11], $0x2780, $0x38;
	[tilespmem:$0x1CA80] =	vst v63  }
0x3d: {  	_ =	swait.ge [sflag:s26], $0x2780  }
0x3e: {  	[sflag:s26] =	ssyncset.done $0x0  }
0x3f: {  	[sflag:s26] =	ssyncadd.s32 $0xFFFFD880  }
0x40: {  	[bflag:$0x0] =	sbarrier.arrive $0xFFFF  }
0x41: {  	v21 =	vld [tilespmem:$0x9080];
	_ =	sdelay $0x4  }
0x42: {  	s1 =	simm.s32 $0x0;
	[tilespmem:$0x1FFF0] =	vst v21  }
.LBB2_6:
0x43: {  	s7 =	sshll.u32 s1, $0x6  }
0x44: {  	s7 =	sadd.s32 s19, s7  }
0x45: {  	s8 =	sshrl.u32 s7, $0x3  }
0x46: {  	s9 =	sadd.s32 s2, s8  }
0x47: {  	[tilespmem:s30], [sflag:$0x1] =	stream.linear.gather [hbm4b:s9+s11], $0x40, $0x38;
	[tilespmem:$0x1CA80] =	vst v63  }
0x48: {  	_ =	swait.ge [sflag:s26], $0x40  }
0x49: {  	[sflag:s26] =	ssyncset.done $0x0  }
0x4a: {  	s9 =	sadd.s32 s12, s8;
	[sflag:s26] =	ssyncadd.s32 $0xFFFFFFC0  }
0x4b: {  	[tilespmem:s24], [sflag:$0x1] =	stream.linear.gather [hbm4b:s9+s11], $0x40, $0x38;
	[tilespmem:$0x1CA80] =	vst v63  }
0x4c: {  	_ =	swait.ge [sflag:s26], $0x40  }
0x4d: {  	[sflag:s26] =	ssyncset.done $0x0  }
0x4e: {  	s8 =	sadd.s32 s13, s8;
	[sflag:s26] =	ssyncadd.s32 $0xFFFFFFC0  }
0x4f: {  	[tilespmem:s31], [sflag:$0x1] =	stream.linear.gather [hbm4b:s8+s11], $0x40, $0x38;
	[tilespmem:$0x1CA80] =	vst v63  }
0x50: {  	_ =	swait.ge [sflag:s26], $0x40  }
0x51: {  	s7 =	sshll.u32 s7, $0x4;
	[sflag:s26] =	ssyncset.done $0x0  }
0x52: {  	s7 =	sadd.s32 s14, s7;
	[sflag:s26] =	ssyncadd.s32 $0xFFFFFFC0  }
0x53: {  	[tilespmem:s0], [sflag:$0x1] =	stream.linear.gather [hbm4b:s7+s11], $0x2000, $0x38;
	[tilespmem:$0x1CA80] =	vst v63  }
0x54: {  	_ =	swait.ge [sflag:s26], $0x2000  }
0x55: {  	[sflag:s26] =	ssyncset.done $0x0  }
0x56: {  	[sflag:s26] =	ssyncadd.s32 $0xFFFFE000  }
0x57: {  	[tilespmem:s25], [sflag:$0x1] =	stream.indirect.gather [hbm4b:s5+s23], $0x80, s30, s23, $0xb8;
	[tilespmem:$0x1CA80] =	vst v63  }
0x58: {  	_ =	swait.ge [sflag:s26], $0x2000  }
0x59: {  	[sflag:s26] =	ssyncset.done $0x0  }
0x5a: {  	s7 =	simm.s32 $0x0;
	[sflag:s26] =	ssyncadd.s32 $0xFFFFE000  }
.LBB2_7:
0x5b: {  	s8 =	sshll.u32 s7, $0x4  }
0x5c: {  	v0 =	vld [tilespmem:s8+$0x4F80]  }
0x5d: {  	v1 =	vld [tilespmem:s8+$0x4F00];
	_ =	sdelay $0x6  }
0x5e: {  	v0 =	vld.idx.msk [tilespmem:v0+s4+$0x0], $0xffff  }
0x5f: {  	v1 =	vld.idx.msk [tilespmem:v1+s29+$0x0], $0xffff;
	_ =	sdelay $0x1  }
0x60: {  	v2 =	vld [tilespmem:s8+$0x5000];
	_ =	sdelay $0x2  }
0x61: {  	v0 =	vadd.f32 v1, v0;
	_ =	sdelay $0x1  }
0x62: {  	v0 =	vadd.f32 v2, v0;
	_ =	sdelay $0x1  }
0x63: {  	v59 =	vmul.f32 $2.000000030e-01, v0  }
0x64: {  	vm0 =	vgt.f32 v0, $0.0e+00  }
0x65: {  	v0 =	vsel vm0, v0, v59  }
0x66: {  	v0 =	vsub.f32 v0, v21;
	_ =	sdelay $0x1  }
0x67: {  	v0 =	vmul.f32 $1.442695020e+00, v0;
	_ =	sdelay $0x1  }
0x68: {  	(erf) = vpow2.f32 v0;
	_ =	sdelay $0x4  }
0x69: {  	v60 =	vld [tilespmem:$0x9100];
	_ =	sdelay $0x3  }
0x6a: {  	v19 =	vpop (erf)  }
0x6b: {  	v0 =	vadd.f32 v19, v60;
	_ =	sdelay $0x1  }
0x6c: {  	s9 =	sshll.u32 s7, $0xB;
	[tilespmem:$0x9100] =	vst v0  }
0x6d: {  	v3 =	vld [tilespmem:s9+$0x7080]  }
0x6e: {  	v0 =	vld [tilespmem:s9+$0x5080]  }
0x6f: {  	v6 =	vld [tilespmem:s9+$0x7090]  }
0x70: {  	v1 =	vld [tilespmem:s9+$0x5090]  }
0x71: {  	v4 =	vld [tilespmem:s9+$0x70A0]  }
0x72: {  	v2 =	vld [tilespmem:s9+$0x50A0]  }
0x73: {  	v7 =	vld [tilespmem:s9+$0x70B0]  }
0x74: {  	v5 =	vld [tilespmem:s9+$0x50B0]  }
0x75: {  	v9 =	vld [tilespmem:s9+$0x70C0]  }
0x76: {  	v8 =	vld [tilespmem:s9+$0x50C0]  }
0x77: {  	v11 =	vld [tilespmem:s9+$0x70D0]  }
0x78: {  	v10 =	vld [tilespmem:s9+$0x50D0]  }
0x79: {  	v13 =	vld [tilespmem:s9+$0x70E0]  }
0x7a: {  	v12 =	vld [tilespmem:s9+$0x50E0]  }
0x7b: {  	v15 =	vld [tilespmem:s9+$0x70F0]  }
0x7c: {  	v14 =	vld [tilespmem:s9+$0x50F0]  }
0x7d: {  	v17 =	vld [tilespmem:s9+$0x7100]  }
0x7e: {  	v16 =	vld [tilespmem:s9+$0x5100]  }
0x7f: {  	v21 =	vld [tilespmem:s9+$0x7110]  }
0x80: {  	v18 =	vld [tilespmem:s9+$0x5110]  }
0x81: {  	v22 =	vld [tilespmem:s9+$0x7120]  }
0x82: {  	v20 =	vld [tilespmem:s9+$0x5120]  }
0x83: {  	v24 =	vld [tilespmem:s9+$0x7130]  }
0x84: {  	v23 =	vld [tilespmem:s9+$0x5130]  }
0x85: {  	v26 =	vld [tilespmem:s9+$0x7140]  }
0x86: {  	v25 =	vld [tilespmem:s9+$0x5140]  }
0x87: {  	v28 =	vld [tilespmem:s9+$0x7150]  }
0x88: {  	v27 =	vld [tilespmem:s9+$0x5150]  }
0x89: {  	v30 =	vld [tilespmem:s9+$0x7160]  }
0x8a: {  	v29 =	vld [tilespmem:s9+$0x5160]  }
0x8b: {  	v32 =	vld [tilespmem:s9+$0x7170]  }
0x8c: {  	v31 =	vld [tilespmem:s9+$0x5170]  }
0x8d: {  	v34 =	vld [tilespmem:s9+$0x7180]  }
0x8e: {  	v33 =	vld [tilespmem:s9+$0x5180]  }
0x8f: {  	v37 =	vld [tilespmem:s9+$0x7190]  }
0x90: {  	v35 =	vld [tilespmem:s9+$0x5190]  }
0x91: {  	v62 =	vld [tilespmem:s9+$0x71A0]  }
0x92: {  	v36 =	vld [tilespmem:s9+$0x51A0]  }
0x93: {  	v63 =	vld [tilespmem:s9+$0x71B0]  }
0x94: {  	v38 =	vld [tilespmem:s9+$0x51B0]  }
0x95: {  	v57 =	vld [tilespmem:s9+$0x71C0]  }
0x96: {  	v39 =	vld [tilespmem:s9+$0x51C0]  }
0x97: {  	v55 =	vld [tilespmem:s9+$0x71D0]  }
0x98: {  	v40 =	vld [tilespmem:s9+$0x51D0]  }
0x99: {  	v47 =	vld [tilespmem:s9+$0x71E0]  }
0x9a: {  	v41 =	vld [tilespmem:s9+$0x51E0]  }
0x9b: {  	v48 =	vld [tilespmem:s9+$0x71F0]  }
0x9c: {  	v42 =	vld [tilespmem:s9+$0x51F0]  }
0x9d: {  	v44 =	vld [tilespmem:s9+$0x7200]  }
0x9e: {  	v43 =	vld [tilespmem:s9+$0x5200]  }
0x9f: {  	v49 =	vld [tilespmem:s9+$0x7210]  }
0xa0: {  	v45 =	vld [tilespmem:s9+$0x5210]  }
0xa1: {  	v50 =	vld [tilespmem:s9+$0x7220]  }
0xa2: {  	v46 =	vld [tilespmem:s9+$0x5220]  }
0xa3: {  	v52 =	vld [tilespmem:s9+$0x7230]  }
0xa4: {  	v51 =	vld [tilespmem:s9+$0x5230]  }
0xa5: {  	v54 =	vld [tilespmem:s9+$0x7240]  }
0xa6: {  	v53 =	vld [tilespmem:s9+$0x5240]  }
0xa7: {  	v58 =	vld [tilespmem:s9+$0x7250]  }
0xa8: {  	v56 =	vld [tilespmem:s9+$0x5250]  }
0xa9: {  	v60 =	vld [tilespmem:s9+$0x7260]  }
0xaa: {  	v59 =	vld [tilespmem:s9+$0x5260]  }
0xab: {  	v61 =	vld [tilespmem:s9+$0x7270];
	_ =	sdelay $0x4  }
0xac: {  	[tilespmem:$0x1FA70] =	vst v61;
	v61 =	vld [tilespmem:s9+$0x5270];
	_ =	sdelay $0x4  }
0xad: {  	[tilespmem:$0x1FA80] =	vst v61;
	v61 =	vld [tilespmem:s9+$0x7280];
	_ =	sdelay $0x4  }
0xae: {  	[tilespmem:$0x1FA90] =	vst v61;
	v61 =	vld [tilespmem:s9+$0x5280];
	_ =	sdelay $0x4  }
0xaf: {  	[tilespmem:$0x1FAA0] =	vst v61;
	v61 =	vld [tilespmem:s9+$0x7290];
	_ =	sdelay $0x4  }
0xb0: {  	[tilespmem:$0x1FAB0] =	vst v61;
	v61 =	vld [tilespmem:s9+$0x5290];
	_ =	sdelay $0x4  }
0xb1: {  	[tilespmem:$0x1FAC0] =	vst v61;
	v61 =	vld [tilespmem:s9+$0x72A0];
	_ =	sdelay $0x4  }
0xb2: {  	[tilespmem:$0x1FAD0] =	vst v61;
	v61 =	vld [tilespmem:s9+$0x52A0];
	_ =	sdelay $0x4  }
0xb3: {  	[tilespmem:$0x1FAE0] =	vst v61;
	v61 =	vld [tilespmem:s9+$0x72B0];
	_ =	sdelay $0x4  }
0xb4: {  	[tilespmem:$0x1FAF0] =	vst v61;
	v61 =	vld [tilespmem:s9+$0x52B0];
	_ =	sdelay $0x4  }
0xb5: {  	[tilespmem:$0x1FB00] =	vst v61;
	v61 =	vld [tilespmem:s9+$0x72C0];
	_ =	sdelay $0x4  }
0xb6: {  	[tilespmem:$0x1FB10] =	vst v61;
	v61 =	vld [tilespmem:s9+$0x52C0];
	_ =	sdelay $0x4  }
0xb7: {  	[tilespmem:$0x1FB20] =	vst v61;
	v61 =	vld [tilespmem:s9+$0x72D0];
	_ =	sdelay $0x4  }
0xb8: {  	[tilespmem:$0x1FB30] =	vst v61;
	v61 =	vld [tilespmem:s9+$0x52D0];
	_ =	sdelay $0x4  }
0xb9: {  	[tilespmem:$0x1FB40] =	vst v61;
	v61 =	vld [tilespmem:s9+$0x72E0];
	_ =	sdelay $0x4  }
0xba: {  	[tilespmem:$0x1FB50] =	vst v61;
	v61 =	vld [tilespmem:s9+$0x52E0];
	_ =	sdelay $0x4  }
0xbb: {  	[tilespmem:$0x1FB60] =	vst v61;
	v61 =	vld [tilespmem:s9+$0x72F0];
	_ =	sdelay $0x4  }
0xbc: {  	[tilespmem:$0x1FB70] =	vst v61;
	v61 =	vld [tilespmem:s9+$0x52F0];
	_ =	sdelay $0x4  }
0xbd: {  	[tilespmem:$0x1FB80] =	vst v61;
	v61 =	vld [tilespmem:s9+$0x7300];
	_ =	sdelay $0x4  }
0xbe: {  	[tilespmem:$0x1FB90] =	vst v61;
	v61 =	vld [tilespmem:s9+$0x5300];
	_ =	sdelay $0x4  }
0xbf: {  	[tilespmem:$0x1FBA0] =	vst v61;
	v61 =	vld [tilespmem:s9+$0x7310];
	_ =	sdelay $0x4  }
0xc0: {  	[tilespmem:$0x1FBB0] =	vst v61;
	v61 =	vld [tilespmem:s9+$0x5310];
	_ =	sdelay $0x4  }
0xc1: {  	[tilespmem:$0x1FBC0] =	vst v61;
	v61 =	vld [tilespmem:s9+$0x7320];
	_ =	sdelay $0x4  }
0xc2: {  	[tilespmem:$0x1FBD0] =	vst v61;
	v61 =	vld [tilespmem:s9+$0x5320];
	_ =	sdelay $0x4  }
0xc3: {  	[tilespmem:$0x1FBE0] =	vst v61;
	v61 =	vld [tilespmem:s9+$0x7330];
	_ =	sdelay $0x4  }
0xc4: {  	[tilespmem:$0x1FBF0] =	vst v61;
	v61 =	vld [tilespmem:s9+$0x5330];
	_ =	sdelay $0x4  }
0xc5: {  	[tilespmem:$0x1FC00] =	vst v61;
	v61 =	vld [tilespmem:s9+$0x7340];
	_ =	sdelay $0x4  }
0xc6: {  	[tilespmem:$0x1FC10] =	vst v61;
	v61 =	vld [tilespmem:s9+$0x5340];
	_ =	sdelay $0x4  }
0xc7: {  	[tilespmem:$0x1FC20] =	vst v61;
	v61 =	vld [tilespmem:s9+$0x7350];
	_ =	sdelay $0x4  }
0xc8: {  	[tilespmem:$0x1FC30] =	vst v61;
	v61 =	vld [tilespmem:s9+$0x5350];
	_ =	sdelay $0x4  }
0xc9: {  	[tilespmem:$0x1FC40] =	vst v61;
	v61 =	vld [tilespmem:s9+$0x7360];
	_ =	sdelay $0x4  }
0xca: {  	[tilespmem:$0x1FC50] =	vst v61;
	v61 =	vld [tilespmem:s9+$0x5360];
	_ =	sdelay $0x4  }
0xcb: {  	[tilespmem:$0x1FC60] =	vst v61;
	v61 =	vld [tilespmem:s9+$0x7370];
	_ =	sdelay $0x4  }
0xcc: {  	[tilespmem:$0x1FC70] =	vst v61;
	v61 =	vld [tilespmem:s9+$0x5370];
	_ =	sdelay $0x4  }
0xcd: {  	[tilespmem:$0x1FC80] =	vst v61;
	v61 =	vld [tilespmem:s9+$0x7380];
	_ =	sdelay $0x4  }
0xce: {  	[tilespmem:$0x1FC90] =	vst v61;
	v61 =	vld [tilespmem:s9+$0x5380];
	_ =	sdelay $0x4  }
0xcf: {  	[tilespmem:$0x1FCA0] =	vst v61;
	v61 =	vld [tilespmem:s9+$0x7390];
	_ =	sdelay $0x4  }
0xd0: {  	[tilespmem:$0x1FCB0] =	vst v61;
	v61 =	vld [tilespmem:s9+$0x5390];
	_ =	sdelay $0x4  }
0xd1: {  	[tilespmem:$0x1FCC0] =	vst v61;
	v61 =	vld [tilespmem:s9+$0x73A0];
	_ =	sdelay $0x4  }
0xd2: {  	[tilespmem:$0x1FCD0] =	vst v61;
	v61 =	vld [tilespmem:s9+$0x53A0];
	_ =	sdelay $0x4  }
0xd3: {  	[tilespmem:$0x1FCE0] =	vst v61;
	v61 =	vld [tilespmem:s9+$0x73B0];
	_ =	sdelay $0x4  }
0xd4: {  	[tilespmem:$0x1FCF0] =	vst v61;
	v61 =	vld [tilespmem:s9+$0x53B0];
	_ =	sdelay $0x4  }
0xd5: {  	[tilespmem:$0x1FD00] =	vst v61;
	v61 =	vld [tilespmem:s9+$0x73C0];
	_ =	sdelay $0x4  }
0xd6: {  	[tilespmem:$0x1FD10] =	vst v61;
	v61 =	vld [tilespmem:s9+$0x53C0];
	_ =	sdelay $0x4  }
0xd7: {  	[tilespmem:$0x1FD20] =	vst v61;
	v61 =	vld [tilespmem:s9+$0x73D0];
	_ =	sdelay $0x4  }
0xd8: {  	[tilespmem:$0x1FD30] =	vst v61;
	v61 =	vld [tilespmem:s9+$0x53D0];
	_ =	sdelay $0x4  }
0xd9: {  	[tilespmem:$0x1FD40] =	vst v61;
	v61 =	vld [tilespmem:s9+$0x73E0];
	_ =	sdelay $0x4  }
0xda: {  	[tilespmem:$0x1FD50] =	vst v61;
	v61 =	vld [tilespmem:s9+$0x53E0];
	_ =	sdelay $0x4  }
0xdb: {  	[tilespmem:$0x1FD60] =	vst v61;
	v61 =	vld [tilespmem:s9+$0x73F0];
	_ =	sdelay $0x4  }
0xdc: {  	[tilespmem:$0x1FD70] =	vst v61;
	v61 =	vld [tilespmem:s9+$0x53F0];
	_ =	sdelay $0x4  }
0xdd: {  	[tilespmem:$0x1FD80] =	vst v61;
	v61 =	vld [tilespmem:s9+$0x7400];
	_ =	sdelay $0x4  }
0xde: {  	[tilespmem:$0x1FD90] =	vst v61;
	v61 =	vld [tilespmem:s9+$0x5400];
	_ =	sdelay $0x4  }
0xdf: {  	[tilespmem:$0x1FDA0] =	vst v61;
	v61 =	vld [tilespmem:s9+$0x7410];
	_ =	sdelay $0x4  }
0xe0: {  	[tilespmem:$0x1FDB0] =	vst v61;
	v61 =	vld [tilespmem:s9+$0x5410];
	_ =	sdelay $0x4  }
0xe1: {  	[tilespmem:$0x1FDC0] =	vst v61;
	v61 =	vld [tilespmem:s9+$0x7420];
	_ =	sdelay $0x4  }
0xe2: {  	[tilespmem:$0x1FDD0] =	vst v61;
	v61 =	vld [tilespmem:s9+$0x5420];
	_ =	sdelay $0x4  }
0xe3: {  	[tilespmem:$0x1FDE0] =	vst v61;
	v61 =	vld [tilespmem:s9+$0x7430];
	_ =	sdelay $0x4  }
0xe4: {  	[tilespmem:$0x1FDF0] =	vst v61;
	v61 =	vld [tilespmem:s9+$0x5430];
	_ =	sdelay $0x4  }
0xe5: {  	[tilespmem:$0x1FE00] =	vst v61;
	v61 =	vld [tilespmem:s9+$0x7440];
	_ =	sdelay $0x4  }
0xe6: {  	[tilespmem:$0x1FE10] =	vst v61;
	v61 =	vld [tilespmem:s9+$0x5440];
	_ =	sdelay $0x4  }
0xe7: {  	[tilespmem:$0x1FE20] =	vst v61;
	v61 =	vld [tilespmem:s9+$0x7450];
	_ =	sdelay $0x4  }
0xe8: {  	[tilespmem:$0x1FE30] =	vst v61;
	v61 =	vld [tilespmem:s9+$0x5450];
	_ =	sdelay $0x4  }
0xe9: {  	[tilespmem:$0x1FE40] =	vst v61;
	v61 =	vld [tilespmem:s9+$0x7460];
	_ =	sdelay $0x4  }
0xea: {  	[tilespmem:$0x1FE50] =	vst v61;
	v61 =	vld [tilespmem:s9+$0x5460];
	_ =	sdelay $0x4  }
0xeb: {  	[tilespmem:$0x1FE60] =	vst v61;
	v61 =	vld [tilespmem:s9+$0x7470];
	_ =	sdelay $0x4  }
0xec: {  	[tilespmem:$0x1FE70] =	vst v61;
	v61 =	vld [tilespmem:s9+$0x5470];
	_ =	sdelay $0x4  }
0xed: {  	[tilespmem:$0x1FE80] =	vst v61;
	v61 =	vld [tilespmem:s9+$0x7480];
	_ =	sdelay $0x4  }
0xee: {  	[tilespmem:$0x1FE90] =	vst v61;
	v61 =	vld [tilespmem:s9+$0x5480];
	_ =	sdelay $0x4  }
0xef: {  	[tilespmem:$0x1FEA0] =	vst v61;
	v61 =	vld [tilespmem:s9+$0x7490];
	_ =	sdelay $0x4  }
0xf0: {  	[tilespmem:$0x1FEB0] =	vst v61;
	v61 =	vld [tilespmem:s9+$0x5490];
	_ =	sdelay $0x4  }
0xf1: {  	[tilespmem:$0x1FEC0] =	vst v61;
	v61 =	vld [tilespmem:s9+$0x74A0];
	_ =	sdelay $0x1  }
0xf2: {  	v2 =	vadd.f32 v2, v4;
	v4 =	vld [tilespmem:s9+$0x54B0];
	_ =	sdelay $0x2  }
0xf3: {  	[tilespmem:$0x1FED0] =	vst v61;
	v61 =	vimm.s32 $0x0  }
0xf4: {  	v0 =	vadd.f32 v0, v3;
	v3 =	vperm.xlane v19, v61  }
0xf5: {  	[tilespmem:$0x1FEF0] =	vst v4;
	v4 =	vadd.f32 v5, v7;
	v5 =	vld [tilespmem:s9+$0x74C0]  }
0xf6: {  	v7 =	vld [tilespmem:s9+$0x55A0];
	v0 =	vmul.f32 v0, v3  }
0xf7: {  	v61 =	vld [tilespmem:s9+$0x54A0]  }
0xf8: {  	[tilespmem:s9+$0x7080] =	vst v0;
	v0 =	vadd.f32 v8, v9;
	v8 =	vld [tilespmem:s9+$0x54C0]  }
0xf9: {  	v9 =	vadd.f32 v10, v11;
	v10 =	vld [tilespmem:s9+$0x74D0]  }
0xfa: {  	v11 =	vadd.f32 v12, v13;
	v12 =	vld [tilespmem:s9+$0x54D0]  }
0xfb: {  	v13 =	vadd.f32 v14, v15;
	v14 =	vld [tilespmem:s9+$0x74E0]  }
0xfc: {  	v1 =	vadd.f32 v1, v6;
	v15 =	vadd.f32 v16, v17;
	v17 =	vld [tilespmem:s9+$0x54E0]  }
0xfd: {  	v2 =	vmul.f32 v2, v3;
	v16 =	vimm.s32 $0x1;
	[tilespmem:$0x1FEE0] =	vst v61;
	v61 =	vld [tilespmem:s9+$0x74B0]  }
0xfe: {  	[tilespmem:$0x1FF00] =	vst v5;
	v1 =	vmul.f32 v1, v3;
	v5 =	vperm.xlane v19, v16;
	v16 =	vadd.f32 v25, v26;
	v25 =	vld [tilespmem:s9+$0x5580]  }
0xff: {  	[tilespmem:s9+$0x70A0] =	vst v2;
	v0 =	vmul.f32 v0, v3;
	v2 =	vmul.f32 v11, v3;
	v11 =	vld [tilespmem:s9+$0x74F0]  }
0x100: {  	[tilespmem:s9+$0x7090] =	vst v1;
	v1 =	vmul.f32 v9, v3;
	v9 =	vmul.f32 v13, v3;
	v13 =	vld [tilespmem:s9+$0x54F0]  }
0x101: {  	[tilespmem:s9+$0x70C0] =	vst v0;
	v0 =	vmul.f32 v15, v5;
	v15 =	vld [tilespmem:s9+$0x7500]  }
0x102: {  	[tilespmem:s9+$0x70F0] =	vst v9;
	v9 =	vld [tilespmem:s9+$0x7510]  }
0x103: {  	[tilespmem:$0x1FF50] =	vst v17;
	v17 =	vld [tilespmem:s9+$0x5500]  }
0x104: {  	[tilespmem:$0x1FF10] =	vst v8;
	v8 =	vadd.f32 v27, v28;
	v28 =	vld [tilespmem:s9+$0x7530]  }
0x105: {  	[tilespmem:$0x1FF40] =	vst v14;
	v14 =	vadd.f32 v23, v24;
	v24 =	vld [tilespmem:s9+$0x7590]  }
0x106: {  	[tilespmem:$0x1FF30] =	vst v12;
	v12 =	vadd.f32 v20, v22;
	v22 =	vld [tilespmem:$0x1FC60]  }
0x107: {  	v23 =	vld [tilespmem:$0x1FC80]  }
0x108: {  	[tilespmem:$0x1FF20] =	vst v10;
	v27 =	vld [tilespmem:$0x1FCE0]  }
0x109: {  	[tilespmem:s9+$0x7100] =	vst v0;
	v0 =	vmul.f32 v16, v5;
	v16 =	vld [tilespmem:s9+$0x5520]  }
0x10a: {  	v10 =	vadd.f32 v18, v21;
	[tilespmem:$0x1FF60] =	vst v11;
	v11 =	vld [tilespmem:s9+$0x5510]  }
0x10b: {  	v4 =	vmul.f32 v4, v3;
	[tilespmem:$0x1FF70] =	vst v13;
	v13 =	vld [tilespmem:s9+$0x7520]  }
0x10c: {  	v3 =	vmul.f32 v10, v5;
	v10 =	vadd.f32 v29, v30;
	v29 =	vadd.f32 v36, v62;
	v62 =	vld [tilespmem:s9+$0x5530]  }
0x10d: {  	v30 =	vadd.f32 v38, v63;
	v63 =	vld [tilespmem:s9+$0x7540]  }
0x10e: {  	[tilespmem:s9+$0x70E0] =	vst v2;
	v2 =	vmul.f32 v12, v5;
	v12 =	vadd.f32 v31, v32;
	v31 =	vadd.f32 v39, v57;
	v57 =	vld [tilespmem:s9+$0x5540]  }
0x10f: {  	v32 =	vadd.f32 v40, v55;
	v55 =	vld [tilespmem:s9+$0x7550]  }
0x110: {  	[tilespmem:s9+$0x70D0] =	vst v1;
	v1 =	vmul.f32 v14, v5;
	v14 =	vadd.f32 v33, v34;
	v33 =	vadd.f32 v41, v47;
	v47 =	vld [tilespmem:s9+$0x5550]  }
0x111: {  	v34 =	vadd.f32 v42, v48;
	v48 =	vld [tilespmem:s9+$0x7560]  }
0x112: {  	v40 =	vld [tilespmem:s9+$0x5560]  }
0x113: {  	v36 =	vld [tilespmem:s9+$0x7570]  }
0x114: {  	v38 =	vld [tilespmem:$0x1FB80]  }
0x115: {  	v39 =	vld [tilespmem:$0x1FB90]  }
0x116: {  	v41 =	vld [tilespmem:$0x1FBA0];
	[tilespmem:s9+$0x7110] =	vst v3  }
0x117: {  	[tilespmem:$0x1FFA0] =	vst v9;
	v3 =	vmul.f32 v8, v5;
	v8 =	vld [tilespmem:$0x1FAD0]  }
0x118: {  	[tilespmem:s9+$0x7120] =	vst v2;
	v2 =	vmul.f32 v10, v5;
	v10 =	vld [tilespmem:$0x1FAE0]  }
0x119: {  	[tilespmem:s9+$0x7130] =	vst v1;
	v1 =	vmul.f32 v12, v5;
	v12 =	vld [tilespmem:$0x1FAF0]  }
0x11a: {  	v9 =	vld [tilespmem:s9+$0x75F0];
	[tilespmem:$0x1FF90] =	vst v17;
	v17 =	vadd.f32 v35, v37;
	v35 =	vadd.f32 v43, v44  }
0x11b: {  	v43 =	vadd.f32 v45, v49;
	v45 =	vadd.f32 v51, v52;
	v51 =	vld [tilespmem:$0x1FA70]  }
0x11c: {  	v52 =	vld [tilespmem:$0x1FA80]  }
0x11d: {  	v44 =	vadd.f32 v46, v50;
	v46 =	vadd.f32 v53, v54;
	v53 =	vld [tilespmem:$0x1FA90]  }
0x11e: {  	v54 =	vld [tilespmem:$0x1FAA0]  }
0x11f: {  	v50 =	vadd.f32 v59, v60;
	v59 =	vld [tilespmem:$0x1FAB0]  }
0x120: {  	[tilespmem:$0x1FF80] =	vst v15;
	v15 =	vimm.s32 $0x2;
	v60 =	vld [tilespmem:$0x1FAC0]  }
0x121: {  	[tilespmem:s9+$0x70B0] =	vst v4;
	v4 =	vperm.xlane v19, v15;
	v15 =	vld [tilespmem:$0x1FB10]  }
0x122: {  	v37 =	vld [tilespmem:$0x1FB70]  }
0x123: {  	v49 =	vadd.f32 v56, v58;
	v56 =	vimm.s32 $0x4;
	[tilespmem:$0x1FFD0] =	vst v16;
	v16 =	vld [tilespmem:s9+$0x5590]  }
0x124: {  	[tilespmem:s9+$0x7140] =	vst v0;
	v58 =	vperm.xlane v19, v56;
	v56 =	vld [tilespmem:$0x1FC20]  }
0x125: {  	[tilespmem:s9+$0x7170] =	vst v1;
	v1 =	vmul.f32 v30, v4;
	v30 =	vld [tilespmem:s9+$0x5570]  }
0x126: {  	[tilespmem:s9+$0x7150] =	vst v3;
	v0 =	vmul.f32 v14, v4;
	v14 =	vld [tilespmem:s9+$0x75A0]  }
0x127: {  	[tilespmem:$0x1FFC0] =	vst v13;
	v13 =	vld [tilespmem:$0x1FB00]  }
0x128: {  	[tilespmem:s9+$0x7160] =	vst v2;
	v3 =	vmul.f32 v17, v4;
	v17 =	vld [tilespmem:$0x1FB20]  }
0x129: {  	v2 =	vmul.f32 v29, v4;
	v29 =	vld [tilespmem:$0x1FB30];
	[tilespmem:s9+$0x7180] =	vst v0  }
0x12a: {  	v42 =	vimm.s32 $0x3;
	[tilespmem:s9+$0x7190] =	vst v3;
	v3 =	vmul.f32 v32, v4;
	v32 =	vld [tilespmem:s9+$0x7580]  }
0x12b: {  	v5 =	vperm.xlane v19, v42;
	[tilespmem:s9+$0x71A0] =	vst v2;
	v0 =	vmul.f32 v31, v4;
	v31 =	vld [tilespmem:$0x1FB40]  }
0x12c: {  	[tilespmem:s9+$0x71B0] =	vst v1;
	v2 =	vmul.f32 v33, v4;
	v1 =	vmul.f32 v34, v4;
	v33 =	vld [tilespmem:$0x1FB50]  }
0x12d: {  	v34 =	vld [tilespmem:$0x1FB60]  }
0x12e: {  	[tilespmem:s9+$0x71F0] =	vst v1;
	v1 =	vmul.f32 v45, v5;
	v45 =	vld [tilespmem:$0x1FBB0]  }
0x12f: {  	[tilespmem:s9+$0x71D0] =	vst v3;
	v3 =	vmul.f32 v43, v5;
	v16 =	vadd.f32 v16, v24;
	v24 =	vld [tilespmem:s9+$0x7730]  }
0x130: {  	v43 =	vimm.s32 $0x5;
	v6 =	vadd.f32 v13, v12;
	v12 =	vadd.f32 v38, v37;
	v38 =	vld [tilespmem:$0x1FD20]  }
0x131: {  	[tilespmem:s9+$0x71C0] =	vst v0;
	v0 =	vmul.f32 v35, v5;
	v20 =	vperm.xlane v19, v43;
	v43 =	vld [tilespmem:$0x1FD70]  }
0x132: {  	[tilespmem:s9+$0x71E0] =	vst v2;
	v30 =	vadd.f32 v30, v36;
	v36 =	vld [tilespmem:s9+$0x7720]  }
0x133: {  	v2 =	vmul.f32 v44, v5;
	[tilespmem:s9+$0x7200] =	vst v0;
	v0 =	vmul.f32 v46, v5;
	v46 =	vld [tilespmem:$0x1FBC0]  }
0x134: {  	[tilespmem:s9+$0x7210] =	vst v3;
	v3 =	vmul.f32 v49, v5;
	v49 =	vld [tilespmem:$0x1FBD0]  }
0x135: {  	v4 =	vadd.f32 v17, v15;
	[tilespmem:s9+$0x7220] =	vst v2;
	v2 =	vmul.f32 v50, v5;
	v50 =	vld [tilespmem:$0x1FBE0]  }
0x136: {  	[tilespmem:s9+$0x7230] =	vst v1;
	v1 =	vadd.f32 v52, v51;
	v52 =	vld [tilespmem:$0x1FBF0]  }
0x137: {  	v35 =	vmul.f32 v4, v58;
	v4 =	vld [tilespmem:s9+$0x55D0]  }
0x138: {  	v1 =	vmul.f32 v1, v5;
	v5 =	vld [tilespmem:s9+$0x75B0]  }
0x139: {  	[tilespmem:s9+$0x7240] =	vst v0;
	v0 =	vadd.f32 v54, v53;
	v53 =	vld [tilespmem:$0x1FC00]  }
0x13a: {  	v54 =	vld [tilespmem:$0x1FC10]  }
0x13b: {  	v6 =	vmul.f32 v6, v58;
	[tilespmem:s9+$0x7250] =	vst v3;
	v3 =	vadd.f32 v60, v59;
	v59 =	vld [tilespmem:$0x1FC70]  }
0x13c: {  	v44 =	vmul.f32 v12, v58;
	[tilespmem:s9+$0x7260] =	vst v2;
	v2 =	vadd.f32 v10, v8;
	v10 =	vadd.f32 v31, v29;
	v31 =	vld [tilespmem:s9+$0x7670]  }
0x13d: {  	[tilespmem:s9+$0x72B0] =	vst v6;
	v6 =	vld [tilespmem:s9+$0x75E0]  }
0x13e: {  	[tilespmem:s9+$0x72F0] =	vst v44;
	v44 =	vld [tilespmem:$0x1FD80]  }
0x13f: {  	[tilespmem:$0x1FFB0] =	vst v11;
	v11 =	vmul.f32 v0, v58;
	v0 =	vld [tilespmem:s9+$0x55B0]  }
0x140: {  	v8 =	vadd.f32 v34, v33;
	[tilespmem:s9+$0x7270] =	vst v1;
	v1 =	vld [tilespmem:s9+$0x75C0]  }
0x141: {  	[tilespmem:$0x1FFE0] =	vst v28;
	v28 =	vmul.f32 v2, v58;
	v2 =	vld [tilespmem:s9+$0x55C0]  }
0x142: {  	v42 =	vmul.f32 v8, v58;
	v8 =	vld [tilespmem:s9+$0x55E0]  }
0x143: {  	v3 =	vmul.f32 v3, v58;
	v10 =	vmul.f32 v10, v58;
	v58 =	vld [tilespmem:$0x1FC30]  }
0x144: {  	v12 =	vadd.f32 v46, v45;
	v46 =	vld [tilespmem:$0x1FD90]  }
0x145: {  	v13 =	vadd.f32 v50, v49;
	v49 =	vld [tilespmem:$0x1FDA0]  }
0x146: {  	[tilespmem:s9+$0x7290] =	vst v3;
	v3 =	vld [tilespmem:s9+$0x75D0]  }
0x147: {  	[tilespmem:s9+$0x72D0] =	vst v10;
	v10 =	vld [tilespmem:s9+$0x7600]  }
0x148: {  	[tilespmem:s9+$0x7280] =	vst v11;
	v11 =	vadd.f32 v41, v39;
	v39 =	vld [tilespmem:$0x1FD40]  }
0x149: {  	v41 =	vld [tilespmem:$0x1FD60]  }
0x14a: {  	v18 =	vmul.f32 v12, v20;
	v12 =	vld [tilespmem:s9+$0x5600]  }
0x14b: {  	v21 =	vmul.f32 v13, v20;
	v13 =	vld [tilespmem:s9+$0x7610]  }
0x14c: {  	v17 =	vadd.f32 v53, v52;
	v52 =	vld [tilespmem:$0x1FDB0]  }
0x14d: {  	v53 =	vld [tilespmem:$0x1FDC0]  }
0x14e: {  	v15 =	vadd.f32 v56, v54;
	v54 =	vld [tilespmem:$0x1FDD0]  }
0x14f: {  	v56 =	vld [tilespmem:$0x1FDE0]  }
0x150: {  	v23 =	vadd.f32 v23, v59;
	v59 =	vld [tilespmem:$0x1FE00]  }
0x151: {  	v40 =	vadd.f32 v40, v48;
	[tilespmem:s9+$0x72A0] =	vst v28;
	v48 =	vld [tilespmem:s9+$0x5710]  }
0x152: {  	v25 =	vadd.f32 v25, v32;
	v32 =	vld [tilespmem:s9+$0x5720]  }
0x153: {  	v7 =	vadd.f32 v7, v14;
	v14 =	vld [tilespmem:s9+$0x5730]  }
0x154: {  	v51 =	vmul.f32 v11, v20;
	v11 =	vld [tilespmem:s9+$0x55F0]  }
0x155: {  	[tilespmem:s9+$0x7310] =	vst v18;
	v18 =	vld [tilespmem:$0x1FC40]  }
0x156: {  	[tilespmem:s9+$0x7320] =	vst v21;
	v21 =	vld [tilespmem:$0x1FC50]  }
0x157: {  	v45 =	vadd.f32 v44, v43;
	v44 =	vld [tilespmem:$0x1FE20]  }
0x158: {  	[tilespmem:s9+$0x72C0] =	vst v35;
	v0 =	vadd.f32 v0, v5;
	v5 =	vld [tilespmem:s9+$0x7740]  }
0x159: {  	v17 =	vmul.f32 v17, v20;
	v1 =	vadd.f32 v2, v1;
	v2 =	vld [tilespmem:s9+$0x5740]  }
0x15a: {  	v6 =	vadd.f32 v8, v6;
	v8 =	vld [tilespmem:s9+$0x7760];
	v18 =	vadd.f32 v18, v58  }
0x15b: {  	[tilespmem:s9+$0x7330] =	vst v17;
	v17 =	vld [tilespmem:s9+$0x7620];
	v21 =	vadd.f32 v22, v21;
	v22 =	vmul.f32 v15, v20  }
0x15c: {  	v23 =	vmul.f32 v23, v20;
	v26 =	vmul.f32 v18, v20;
	v18 =	vld [tilespmem:$0x1FC90]  }
0x15d: {  	[tilespmem:s9+$0x7340] =	vst v22;
	v22 =	vld [tilespmem:$0x1FCA0]  }
0x15e: {  	[tilespmem:s9+$0x7370] =	vst v23;
	v23 =	vld [tilespmem:$0x1FD00]  }
0x15f: {  	v21 =	vmul.f32 v21, v20;
	v20 =	vld [tilespmem:$0x1FCB0]  }
0x160: {  	[tilespmem:s9+$0x7350] =	vst v26;
	v26 =	vld [tilespmem:$0x1FCC0]  }
0x161: {  	v3 =	vadd.f32 v4, v3;
	v4 =	vld [tilespmem:s9+$0x7750]  }
0x162: {  	[tilespmem:s9+$0x7360] =	vst v21;
	v21 =	vld [tilespmem:$0x1FCD0];
	v22 =	vadd.f32 v22, v18;
	v18 =	vimm.s32 $0x6  }
0x163: {  	v15 =	vld [tilespmem:s9+$0x5610];
	v60 =	vperm.xlane v19, v18  }
0x164: {  	v58 =	vld [tilespmem:$0x1FDF0]  }
0x165: {  	v26 =	vadd.f32 v26, v20;
	v35 =	vmul.f32 v22, v60;
	v22 =	vld [tilespmem:$0x1FCF0]  }
0x166: {  	v18 =	vld [tilespmem:s9+$0x5620]  }
0x167: {  	v20 =	vld [tilespmem:s9+$0x7630];
	v27 =	vadd.f32 v27, v21;
	v26 =	vmul.f32 v26, v60  }
0x168: {  	v21 =	vld [tilespmem:s9+$0x5630]  }
0x169: {  	v27 =	vmul.f32 v27, v60;
	[tilespmem:s9+$0x7390] =	vst v26;
	v26 =	vld [tilespmem:$0x1FD30]  }
0x16a: {  	v37 =	vadd.f32 v23, v22;
	v23 =	vld [tilespmem:$0x1FD10]  }
0x16b: {  	[tilespmem:s9+$0x73A0] =	vst v27;
	v27 =	vld [tilespmem:$0x1FD50]  }
0x16c: {  	[tilespmem:s9+$0x7300] =	vst v51;
	v51 =	vmul.f32 v45, v60;
	v45 =	vld [tilespmem:$0x1FE30]  }
0x16d: {  	[tilespmem:s9+$0x7380] =	vst v35;
	v35 =	vadd.f32 v49, v46;
	v46 =	vld [tilespmem:$0x1FE40]  }
0x16e: {  	v49 =	vld [tilespmem:$0x1FE50]  }
0x16f: {  	[tilespmem:s9+$0x73F0] =	vst v51;
	v51 =	vld [tilespmem:$0x1FE70];
	v33 =	vadd.f32 v39, v26;
	v28 =	vadd.f32 v38, v23  }
0x170: {  	v34 =	vadd.f32 v41, v27;
	v39 =	vadd.f32 v59, v58;
	v58 =	vld [tilespmem:$0x1FEB0]  }
0x171: {  	[tilespmem:s9+$0x72E0] =	vst v42;
	v29 =	vmul.f32 v37, v60;
	v59 =	vld [tilespmem:$0x1FEC0];
	v42 =	vmul.f32 v28, v60  }
0x172: {  	v50 =	vimm.s32 $0x7;
	v33 =	vmul.f32 v33, v60;
	v34 =	vmul.f32 v34, v60;
	v60 =	vld [tilespmem:$0x1FE10]  }
0x173: {  	[tilespmem:s9+$0x73C0] =	vst v42;
	v42 =	vperm.xlane v19, v50;
	v50 =	vld [tilespmem:$0x1FE60]  }
0x174: {  	v22 =	vld [tilespmem:s9+$0x7640]  }
0x175: {  	v37 =	vadd.f32 v53, v52;
	v53 =	vld [tilespmem:$0x1FE90]  }
0x176: {  	v38 =	vadd.f32 v56, v54;
	v54 =	vld [tilespmem:$0x1FEA0]  }
0x177: {  	v52 =	vld [tilespmem:$0x1FE80];
	v56 =	vimm.s32 $0x8;
	v41 =	vadd.f32 v44, v60  }
0x178: {  	v60 =	vadd.f32 v59, v58;
	v59 =	vld [tilespmem:$0x1FF00];
	v44 =	vadd.f32 v50, v49;
	v49 =	vperm.xlane v19, v56  }
0x179: {  	v56 =	vld [tilespmem:$0x1FEF0]  }
0x17a: {  	v50 =	vmul.f32 v60, v49;
	v60 =	vld [tilespmem:$0x1FF10]  }
0x17b: {  	v43 =	vadd.f32 v46, v45;
	v46 =	vadd.f32 v54, v53;
	v53 =	vld [tilespmem:$0x1FED0]  }
0x17c: {  	v54 =	vld [tilespmem:$0x1FEE0]  }
0x17d: {  	v26 =	vld [tilespmem:s9+$0x7650]  }
0x17e: {  	v27 =	vld [tilespmem:s9+$0x5650]  }
0x17f: {  	[tilespmem:s9+$0x73B0] =	vst v29;
	v29 =	vld [tilespmem:s9+$0x5660];
	v58 =	vadd.f32 v56, v61;
	v61 =	vadd.f32 v60, v59  }
0x180: {  	v60 =	vld [tilespmem:$0x1FF60]  }
0x181: {  	v45 =	vadd.f32 v52, v51;
	v51 =	vadd.f32 v54, v53;
	v53 =	vmul.f32 v61, v49;
	v61 =	vld [tilespmem:$0x1FF70]  }
0x182: {  	v23 =	vld [tilespmem:s9+$0x5640]  }
0x183: {  	v28 =	vld [tilespmem:s9+$0x7660]  }
0x184: {  	v54 =	vld [tilespmem:$0x1FF20];
	v52 =	vmul.f32 v58, v49  }
0x185: {  	v58 =	vld [tilespmem:$0x1FF40]  }
0x186: {  	[tilespmem:s9+$0x74B0] =	vst v52;
	v52 =	vadd.f32 v61, v60;
	v60 =	vld [tilespmem:$0x1FF80]  }
0x187: {  	[tilespmem:s9+$0x73D0] =	vst v33;
	v35 =	vmul.f32 v35, v42;
	v61 =	vld [tilespmem:$0x1FF90]  }
0x188: {  	[tilespmem:s9+$0x73E0] =	vst v34;
	v37 =	vmul.f32 v37, v42;
	v59 =	vld [tilespmem:$0x1FF50]  }
0x189: {  	v38 =	vmul.f32 v38, v42;
	[tilespmem:s9+$0x7400] =	vst v35;
	v56 =	vld [tilespmem:$0x1FF30]  }
0x18a: {  	v34 =	vld [tilespmem:s9+$0x5670];
	[tilespmem:s9+$0x7410] =	vst v37  }
0x18b: {  	v33 =	vld [tilespmem:s9+$0x7680];
	[tilespmem:s9+$0x7420] =	vst v38;
	v51 =	vmul.f32 v51, v49  }
0x18c: {  	[tilespmem:s9+$0x74C0] =	vst v53;
	v53 =	vadd.f32 v61, v60;
	v60 =	vimm.s32 $0x9;
	v61 =	vld [tilespmem:$0x1FFA0]  }
0x18d: {  	v39 =	vmul.f32 v39, v42;
	[tilespmem:s9+$0x74A0] =	vst v51;
	v51 =	vadd.f32 v59, v58;
	v58 =	vperm.xlane v19, v60;
	v60 =	vld [tilespmem:$0x1FFB0]  }
0x18e: {  	v2 =	vadd.f32 v2, v5;
	v5 =	vld [tilespmem:s9+$0x5800];
	v43 =	vmul.f32 v43, v42;
	[tilespmem:s9+$0x7490] =	vst v50;
	v50 =	vadd.f32 v56, v54  }
0x18f: {  	v35 =	vld [tilespmem:s9+$0x5680];
	[tilespmem:s9+$0x7430] =	vst v39;
	v51 =	vmul.f32 v51, v49  }
0x190: {  	v37 =	vld [tilespmem:s9+$0x7690];
	[tilespmem:s9+$0x7450] =	vst v43;
	v50 =	vmul.f32 v50, v49  }
0x191: {  	v45 =	vmul.f32 v45, v42;
	[tilespmem:s9+$0x74E0] =	vst v51;
	v51 =	vmul.f32 v53, v58;
	v53 =	vld [tilespmem:$0x1FFC0]  }
0x192: {  	v41 =	vmul.f32 v41, v42;
	[tilespmem:s9+$0x74D0] =	vst v50;
	v50 =	vadd.f32 v60, v61;
	v60 =	vld [tilespmem:$0x1FFD0]  }
0x193: {  	[tilespmem:s9+$0x7470] =	vst v45;
	v44 =	vmul.f32 v44, v42;
	v61 =	vld [tilespmem:$0x1FFE0]  }
0x194: {  	v38 =	vld [tilespmem:s9+$0x5690];
	[tilespmem:s9+$0x7440] =	vst v41;
	v46 =	vmul.f32 v46, v49  }
0x195: {  	v47 =	vadd.f32 v47, v55;
	v39 =	vld [tilespmem:s9+$0x76A0];
	[tilespmem:s9+$0x7460] =	vst v44;
	v49 =	vmul.f32 v52, v49  }
0x196: {  	v43 =	vld [tilespmem:s9+$0x56B0];
	[tilespmem:s9+$0x7480] =	vst v46  }
0x197: {  	v45 =	vld [tilespmem:s9+$0x56C0];
	[tilespmem:s9+$0x74F0] =	vst v49;
	v47 =	vmul.f32 v47, v58;
	v53 =	vadd.f32 v60, v53  }
0x198: {  	v41 =	vld [tilespmem:s9+$0x56A0];
	v40 =	vmul.f32 v40, v58;
	[tilespmem:s9+$0x7500] =	vst v51;
	v49 =	vmul.f32 v50, v58;
	v50 =	vadd.f32 v62, v61  }
0x199: {  	v42 =	vld [tilespmem:s9+$0x76B0];
	[tilespmem:s9+$0x7550] =	vst v47;
	v51 =	vmul.f32 v53, v58  }
0x19a: {  	v44 =	vld [tilespmem:s9+$0x76C0];
	[tilespmem:s9+$0x7560] =	vst v40;
	v62 =	vadd.f32 v57, v63;
	v63 =	vmul.f32 v50, v58  }
0x19b: {  	v46 =	vld [tilespmem:s9+$0x76D0];
	v30 =	vmul.f32 v30, v58;
	[tilespmem:s9+$0x7520] =	vst v51;
	v51 =	vimm.s32 $0xA  }
0x19c: {  	v54 =	vld [tilespmem:s9+$0x56D0];
	[tilespmem:s9+$0x7530] =	vst v63;
	v63 =	vperm.xlane v19, v51  }
0x19d: {  	v56 =	vld [tilespmem:s9+$0x76E0];
	[tilespmem:s9+$0x7570] =	vst v30;
	v62 =	vmul.f32 v62, v58  }
0x19e: {  	v59 =	vld [tilespmem:s9+$0x56E0];
	[tilespmem:s9+$0x7510] =	vst v49;
	v25 =	vmul.f32 v25, v63  }
0x19f: {  	v52 =	vld [tilespmem:s9+$0x76F0];
	[tilespmem:s9+$0x7540] =	vst v62;
	v16 =	vmul.f32 v16, v63  }
0x1a0: {  	v30 =	vadd.f32 v18, v17;
	v17 =	vld [tilespmem:s9+$0x5790];
	v7 =	vmul.f32 v7, v63;
	[tilespmem:s9+$0x7580] =	vst v25  }
0x1a1: {  	v18 =	vld [tilespmem:s9+$0x77A0];
	v0 =	vmul.f32 v0, v63;
	[tilespmem:s9+$0x7590] =	vst v16  }
0x1a2: {  	v49 =	vadd.f32 v21, v20;
	v21 =	vld [tilespmem:s9+$0x57A0];
	v1 =	vmul.f32 v1, v63;
	[tilespmem:s9+$0x75A0] =	vst v7  }
0x1a3: {  	v40 =	vimm.s32 $0xB;
	v60 =	vld [tilespmem:s9+$0x56F0];
	v53 =	vadd.f32 v11, v9;
	v47 =	vmul.f32 v3, v63;
	[tilespmem:s9+$0x75B0] =	vst v0  }
0x1a4: {  	v61 =	vld [tilespmem:s9+$0x7700];
	v58 =	vadd.f32 v12, v10;
	v55 =	vmul.f32 v6, v63;
	v6 =	vperm.xlane v19, v40;
	[tilespmem:s9+$0x75C0] =	vst v1  }
0x1a5: {  	v57 =	vld [tilespmem:s9+$0x5700];
	v62 =	vmul.f32 v53, v63;
	v63 =	vadd.f32 v15, v13;
	[tilespmem:s9+$0x75D0] =	vst v47  }
0x1a6: {  	v50 =	vld [tilespmem:s9+$0x7710];
	[tilespmem:s9+$0x75E0] =	vst v55;
	v16 =	vmul.f32 v58, v6  }
0x1a7: {  	v10 =	vld [tilespmem:s9+$0x5760];
	[tilespmem:s9+$0x75F0] =	vst v62;
	v47 =	vmul.f32 v63, v6  }
0x1a8: {  	v28 =	vadd.f32 v29, v28;
	v11 =	vld [tilespmem:s9+$0x7770];
	v53 =	vmul.f32 v30, v6;
	[tilespmem:s9+$0x7600] =	vst v16  }
0x1a9: {  	v12 =	vld [tilespmem:s9+$0x5770];
	v55 =	vadd.f32 v23, v22;
	v58 =	vmul.f32 v49, v6;
	[tilespmem:s9+$0x7610] =	vst v47  }
0x1aa: {  	v13 =	vld [tilespmem:s9+$0x7780];
	v62 =	vadd.f32 v27, v26;
	v30 =	vadd.f32 v34, v31;
	v31 =	vmul.f32 v28, v6;
	[tilespmem:s9+$0x7620] =	vst v53  }
0x1ab: {  	v15 =	vld [tilespmem:s9+$0x5780];
	v34 =	vimm.s32 $0xC;
	v63 =	vmul.f32 v55, v6;
	[tilespmem:s9+$0x7630] =	vst v58  }
0x1ac: {  	v20 =	vadd.f32 v35, v33;
	v7 =	vld [tilespmem:s9+$0x5750];
	v9 =	vperm.xlane v19, v34;
	v29 =	vmul.f32 v62, v6;
	[tilespmem:s9+$0x7660] =	vst v31  }
0x1ad: {  	v37 =	vadd.f32 v38, v37;
	v22 =	vld [tilespmem:s9+$0x57B0];
	v35 =	vmul.f32 v30, v6;
	[tilespmem:s9+$0x7640] =	vst v63  }
0x1ae: {  	v23 =	vld [tilespmem:s9+$0x77C0];
	v47 =	vadd.f32 v43, v42;
	v38 =	vmul.f32 v20, v9;
	[tilespmem:s9+$0x7650] =	vst v29  }
0x1af: {  	v25 =	vld [tilespmem:s9+$0x57C0];
	v55 =	vadd.f32 v54, v46;
	v20 =	vadd.f32 v41, v39;
	v41 =	vmul.f32 v37, v9;
	[tilespmem:s9+$0x7670] =	vst v35  }
0x1b0: {  	v6 =	vld [tilespmem:s9+$0x77B0];
	v53 =	vmul.f32 v47, v9;
	[tilespmem:s9+$0x7680] =	vst v38  }
0x1b1: {  	v26 =	vld [tilespmem:s9+$0x77D0];
	v62 =	vmul.f32 v55, v9;
	v63 =	vadd.f32 v60, v52;
	v49 =	vmul.f32 v20, v9;
	[tilespmem:s9+$0x7690] =	vst v41  }
0x1b2: {  	v27 =	vld [tilespmem:s9+$0x57D0];
	v20 =	vadd.f32 v45, v44;
	v44 =	vadd.f32 v14, v24;
	v24 =	vimm.s32 $0xE;
	[tilespmem:s9+$0x76B0] =	vst v53  }
0x1b3: {  	v28 =	vld [tilespmem:s9+$0x77E0];
	v55 =	vadd.f32 v15, v13;
	[tilespmem:s9+$0x76D0] =	vst v62;
	v38 =	vmul.f32 v63, v9;
	v54 =	vperm.xlane v19, v24  }
0x1b4: {  	v16 =	vld [tilespmem:s9+$0x7790];
	[tilespmem:s9+$0x76A0] =	vst v49;
	v58 =	vmul.f32 v20, v9;
	v20 =	vadd.f32 v59, v56  }
0x1b5: {  	v33 =	vimm.s32 $0xD;
	v30 =	vld [tilespmem:s9+$0x57E0];
	v29 =	vadd.f32 v22, v6;
	[tilespmem:s9+$0x76F0] =	vst v38;
	v60 =	vmul.f32 v55, v54  }
0x1b6: {  	v31 =	vld [tilespmem:s9+$0x57F0];
	v37 =	vadd.f32 v57, v61;
	[tilespmem:s9+$0x76C0] =	vst v58;
	v35 =	vmul.f32 v20, v9;
	v20 =	vperm.xlane v19, v33  }
0x1b7: {  	v42 =	vadd.f32 v32, v36;
	v32 =	vld [tilespmem:s9+$0x7840];
	v39 =	vadd.f32 v48, v50;
	v38 =	vmul.f32 v29, v54;
	[tilespmem:s9+$0x7780] =	vst v60  }
0x1b8: {  	v14 =	vld [tilespmem:s9+$0x7800];
	[tilespmem:s9+$0x76E0] =	vst v35;
	v41 =	vmul.f32 v37, v20  }
0x1b9: {  	v47 =	vadd.f32 v7, v4;
	v4 =	vld [tilespmem:s9+$0x7810];
	v43 =	vmul.f32 v39, v20;
	[tilespmem:s9+$0x77B0] =	vst v38  }
0x1ba: {  	v7 =	vld [tilespmem:s9+$0x5810];
	v45 =	vmul.f32 v42, v20;
	[tilespmem:s9+$0x7700] =	vst v41  }
0x1bb: {  	v62 =	vld [tilespmem:s9+$0x5830];
	v46 =	vmul.f32 v44, v20;
	[tilespmem:s9+$0x7710] =	vst v43  }
0x1bc: {  	v49 =	vadd.f32 v10, v8;
	v8 =	vld [tilespmem:s9+$0x7820];
	v48 =	vmul.f32 v2, v20;
	[tilespmem:s9+$0x7720] =	vst v45  }
0x1bd: {  	v52 =	vadd.f32 v12, v11;
	v56 =	vld [tilespmem:s9+$0x5820];
	v50 =	vmul.f32 v47, v20;
	[tilespmem:s9+$0x7730] =	vst v46  }
0x1be: {  	v59 =	vld [tilespmem:s9+$0x7830];
	v58 =	vadd.f32 v17, v16;
	v53 =	vmul.f32 v49, v20;
	[tilespmem:s9+$0x7740] =	vst v48  }
0x1bf: {  	v61 =	vadd.f32 v21, v18;
	v9 =	vld [tilespmem:s9+$0x77F0];
	v57 =	vmul.f32 v52, v20;
	[tilespmem:s9+$0x7750] =	vst v50  }
0x1c0: {  	v36 =	vadd.f32 v25, v23;
	v63 =	vmul.f32 v58, v54;
	v37 =	vld [tilespmem:s9+$0x5840];
	[tilespmem:s9+$0x7760] =	vst v53  }
0x1c1: {  	v20 =	vimm.s32 $0xF;
	v35 =	vmul.f32 v61, v54;
	v39 =	vadd.f32 v27, v26;
	v44 =	vld [tilespmem:s9+$0x5850];
	[tilespmem:s9+$0x7770] =	vst v57  }
0x1c2: {  	v5 =	vadd.f32 v5, v14;
	v42 =	vmul.f32 v36, v54;
	v47 =	vld [tilespmem:s9+$0x7860];
	v49 =	vperm.xlane v19, v20;
	[tilespmem:s9+$0x7790] =	vst v63  }
0x1c3: {  	v56 =	vadd.f32 v56, v8;
	v58 =	vadd.f32 v62, v59;
	v41 =	vld [tilespmem:s9+$0x7850];
	[tilespmem:s9+$0x77A0] =	vst v35;
	v45 =	vmul.f32 v39, v54  }
0x1c4: {  	v43 =	vadd.f32 v30, v28;
	[tilespmem:s9+$0x77C0] =	vst v42;
	v50 =	vld [tilespmem:s9+$0x5860];
	v46 =	vadd.f32 v31, v9;
	v55 =	vmul.f32 v5, v49  }
0x1c5: {  	v53 =	vadd.f32 v7, v4;
	v57 =	vld [tilespmem:s9+$0x5870];
	v4 =	vmul.f32 v56, v49;
	v0 =	vmul.f32 v58, v49;
	[tilespmem:s9+$0x77D0] =	vst v45  }
0x1c6: {  	v48 =	vmul.f32 v43, v54;
	v52 =	vmul.f32 v46, v54;
	v54 =	vld [tilespmem:s9+$0x7870];
	[tilespmem:s9+$0x7800] =	vst v55  }
0x1c7: {  	[tilespmem:s9+$0x7820] =	vst v4  }
0x1c8: {  	v2 =	vmul.f32 v53, v49;
	v59 =	vadd.f32 v37, v32;
	[tilespmem:s9+$0x7830] =	vst v0  }
0x1c9: {  	[tilespmem:s9+$0x77E0] =	vst v48;
	v60 =	vadd.f32 v44, v41  }
0x1ca: {  	p0 =	sne.s32 s7, $0x3;
	[tilespmem:s9+$0x7810] =	vst v2;
	v61 =	vadd.f32 v50, v47;
	v1 =	vmul.f32 v59, v49  }
.Ltmp2:
0x1cb: {  	[tilespmem:s9+$0x77F0] =	vst v52;
	v2 =	vmul.f32 v60, v49;
	v62 =	vadd.f32 v57, v54;
	(pc) =	sbr.rel @p0 .LBB2_7-.Ltmp2, $4  }
0x1cc: {  	[tilespmem:s9+$0x7840] =	vst v1;
	v63 =	vmul.f32 v61, v49  }
0x1cd: {  	[tilespmem:s9+$0x7850] =	vst v2;
	v0 =	vmul.f32 v62, v49  }
0x1ce: {  	[tilespmem:s9+$0x7860] =	vst v63  }
0x1cf: {  	s7 =	sadd.s32 $0x1, s7;
	v21 =	vld [tilespmem:$0x1FFF0];
	[tilespmem:s9+$0x7870] =	vst v0  }
0x1d0: {  	s1 =	sadd.s32 $0x1, s1  }
0x1d1: {  	p0 =	sne.s32 s1, $0x9D  }
.Ltmp3:
0x1d2: {  	_ = 	snop;
	(pc) =	sbr.rel @p0 .LBB2_6-.Ltmp3, $4  }
0x1d3: {  	[spmem:s3] =	stream.indirect.scatter.add.f32 [tilespmem:s25], [sflag:$0x1], $0x80, s24, s23, $0xb8;
	[tilespmem:$0x1CA80] =	vst v63  }
0x1d4: {  	_ =	swait.ge [sflag:s26], $0x2000  }
0x1d5: {  	[sflag:s26] =	ssyncset.done $0x0  }
0x1d6: {  	[sflag:s26] =	ssyncadd.s32 $0xFFFFE000  }
0x1d7: {  	s1 =	simm.s32 $0x0;
	s7 =	rddreg [dreg:$0x0]  }
0x1d8: {  	[tilespmem:s1], [sflag:$0x1] =	stream.linear.gather [hbm4b:s7+s1], $0x2780, $0x38;
	[tilespmem:$0x1CA80] =	vst v63  }
0x1d9: {  	_ =	swait.ge [sflag:s26], $0x2780  }
0x1da: {  	[sflag:s26] =	ssyncset.done $0x0  }
0x1db: {  	s11 =	rddreg [dreg:$0x6];
	[sflag:s26] =	ssyncadd.s32 $0xFFFFD880  }
0x1dc: {  	v9 =	vimm.s32 $0x0;
	[tilespmem:s29], [sflag:$0x1] =	stream.linear.gather [hbm4b:s11+s1], $0x2780, $0x38;
	[tilespmem:$0x1CA80] =	vst v63  }
0x1dd: {  	v10 =	vimm.s32 $0x1;
	v11 =	vimm.s32 $0x2;
	v12 =	vimm.s32 $0x3;
	_ =	swait.ge [sflag:s26], $0x2780  }
0x1de: {  	v13 =	vimm.s32 $0x4;
	v14 =	vimm.s32 $0x5;
	v15 =	vimm.s32 $0x6;
	[sflag:s26] =	ssyncset.done $0x0  }
0x1df: {  	v16 =	vimm.s32 $0x7;
	v17 =	vimm.s32 $0x8;
	v18 =	vimm.s32 $0x9;
	s7 =	simm.s32 $0x0;
	[sflag:s26] =	ssyncadd.s32 $0xFFFFD880  }
.LBB2_10:
0x1e0: {  	s8 =	sshll.u32 s7, $0x6  }
0x1e1: {  	s8 =	sadd.s32 s19, s8  }
0x1e2: {  	s8 =	sshrl.u32 s8, $0x3  }
0x1e3: {  	s9 =	sadd.s32 s15, s8  }
0x1e4: {  	[tilespmem:s30], [sflag:$0x1] =	stream.linear.gather [hbm4b:s9+s1], $0x40, $0x38;
	[tilespmem:$0x1CA80] =	vst v63  }
0x1e5: {  	_ =	swait.ge [sflag:s26], $0x40  }
0x1e6: {  	[sflag:s26] =	ssyncset.done $0x0  }
0x1e7: {  	s8 =	sadd.s32 s16, s8;
	[sflag:s26] =	ssyncadd.s32 $0xFFFFFFC0  }
0x1e8: {  	[tilespmem:s24], [sflag:$0x1] =	stream.linear.gather [hbm4b:s8+s1], $0x40, $0x38;
	[tilespmem:$0x1CA80] =	vst v63  }
0x1e9: {  	_ =	swait.ge [sflag:s26], $0x40  }
0x1ea: {  	[sflag:s26] =	ssyncset.done $0x0  }
0x1eb: {  	[sflag:s26] =	ssyncadd.s32 $0xFFFFFFC0  }
0x1ec: {  	[tilespmem:s25], [sflag:$0x1] =	stream.indirect.gather [hbm4b:s6+s23], $0x80, s30, s23, $0xb8;
	[tilespmem:$0x1CA80] =	vst v63  }
0x1ed: {  	_ =	swait.ge [sflag:s26], $0x2000  }
0x1ee: {  	[sflag:s26] =	ssyncset.done $0x0  }
0x1ef: {  	s8 =	simm.s32 $0x0;
	[sflag:s26] =	ssyncadd.s32 $0xFFFFE000  }
.LBB2_11:
0x1f0: {  	s9 =	sshll.u32 s8, $0x4  }
0x1f1: {  	v0 =	vld [tilespmem:s9+$0x4F80]  }
0x1f2: {  	v1 =	vld [tilespmem:s9+$0x4F00];
	_ =	sdelay $0x6  }
0x1f3: {  	v0 =	vld.idx.msk [tilespmem:v0+s4+$0x0], $0xffff  }
0x1f4: {  	v1 =	vld.idx.msk [tilespmem:v1+s29+$0x0], $0xffff;
	_ =	sdelay $0x4  }
0x1f5: {  	v0 =	vadd.f32 v1, v0;
	_ =	sdelay $0x1  }
0x1f6: {  	v1 =	vmul.f32 $2.000000030e-01, v0  }
0x1f7: {  	vm0 =	vgt.f32 v0, $0.0e+00  }
0x1f8: {  	v0 =	vsel vm0, v0, v1  }
0x1f9: {  	v0 =	vsub.f32 v0, v21;
	_ =	sdelay $0x1  }
0x1fa: {  	v0 =	vmul.f32 $1.442695020e+00, v0;
	_ =	sdelay $0x1  }
0x1fb: {  	(erf) = vpow2.f32 v0;
	_ =	sdelay $0x4  }
0x1fc: {  	v37 =	vld [tilespmem:$0x9100];
	_ =	sdelay $0x3  }
0x1fd: {  	v19 =	vpop (erf)  }
0x1fe: {  	v0 =	vadd.f32 v19, v37  }
0x1ff: {  	s11 =	sshll.u32 s8, $0xB  }
0x200: {  	s11 =	sand.u32 $0x3FFFF800, s11;
	[tilespmem:$0x9100] =	vst v0  }
0x201: {  	v0 =	vld [tilespmem:s11+$0x7080]  }
0x202: {  	v38 =	vld [tilespmem:s11+$0x7090]  }
0x203: {  	v2 =	vld [tilespmem:s11+$0x70A0]  }
0x204: {  	v4 =	vld [tilespmem:s11+$0x70B0]  }
0x205: {  	v3 =	vperm.xlane v19, v9;
	v5 =	vld [tilespmem:s11+$0x70C0]  }
0x206: {  	v6 =	vld [tilespmem:s11+$0x70D0]  }
0x207: {  	v7 =	vld [tilespmem:s11+$0x70E0];
	v0 =	vmul.f32 v0, v3  }
0x208: {  	v41 =	vld [tilespmem:s11+$0x70F0];
	v1 =	vmul.f32 v38, v3  }
0x209: {  	v43 =	vld [tilespmem:s11+$0x7100];
	v39 =	vmul.f32 v2, v3;
	[tilespmem:s11+$0x7080] =	vst v0  }
0x20a: {  	v45 =	vld [tilespmem:s11+$0x7110];
	v42 =	vmul.f32 v4, v3;
	[tilespmem:s11+$0x7090] =	vst v1  }
0x20b: {  	v47 =	vld [tilespmem:s11+$0x7120];
	v44 =	vmul.f32 v5, v3;
	[tilespmem:s11+$0x70A0] =	vst v39  }
0x20c: {  	v8 =	vld [tilespmem:s11+$0x7130];
	v46 =	vmul.f32 v6, v3;
	[tilespmem:s11+$0x70B0] =	vst v42  }
0x20d: {  	v49 =	vperm.xlane v19, v10;
	v52 =	vld [tilespmem:s11+$0x7140];
	v48 =	vmul.f32 v7, v3;
	[tilespmem:s11+$0x70C0] =	vst v44  }
0x20e: {  	v54 =	vld [tilespmem:s11+$0x7150];
	v50 =	vmul.f32 v41, v3;
	[tilespmem:s11+$0x70D0] =	vst v46  }
0x20f: {  	v56 =	vld [tilespmem:s11+$0x7160];
	v53 =	vmul.f32 v43, v49;
	[tilespmem:s11+$0x70E0] =	vst v48  }
0x210: {  	v58 =	vld [tilespmem:s11+$0x7170];
	v55 =	vmul.f32 v45, v49;
	[tilespmem:s11+$0x70F0] =	vst v50  }
0x211: {  	v60 =	vld [tilespmem:s11+$0x7180];
	v57 =	vmul.f32 v47, v49;
	[tilespmem:s11+$0x7100] =	vst v53  }
0x212: {  	v62 =	vld [tilespmem:s11+$0x7190];
	v59 =	vmul.f32 v8, v49;
	[tilespmem:s11+$0x7110] =	vst v55  }
0x213: {  	v28 =	vld [tilespmem:s11+$0x71A0];
	v61 =	vmul.f32 v52, v49;
	[tilespmem:s11+$0x7120] =	vst v57  }
0x214: {  	v32 =	vld [tilespmem:s11+$0x71C0];
	v63 =	vmul.f32 v54, v49;
	[tilespmem:s11+$0x7130] =	vst v59  }
0x215: {  	v30 =	vperm.xlane v19, v11;
	v36 =	vld [tilespmem:s11+$0x71D0];
	v29 =	vmul.f32 v56, v49;
	[tilespmem:s11+$0x7140] =	vst v61  }
0x216: {  	v8 =	vld [tilespmem:s11+$0x71B0];
	v31 =	vmul.f32 v58, v49;
	[tilespmem:s11+$0x7150] =	vst v63  }
0x217: {  	v35 =	vmul.f32 v60, v30;
	v38 =	vld [tilespmem:s11+$0x71E0];
	[tilespmem:s11+$0x7160] =	vst v29  }
0x218: {  	v37 =	vmul.f32 v62, v30;
	v41 =	vld [tilespmem:s11+$0x71F0];
	[tilespmem:s11+$0x7170] =	vst v31  }
0x219: {  	v43 =	vld [tilespmem:s11+$0x7200];
	[tilespmem:s11+$0x7180] =	vst v35;
	v39 =	vmul.f32 v28, v30  }
0x21a: {  	v45 =	vld [tilespmem:s11+$0x7210];
	[tilespmem:s11+$0x7190] =	vst v37;
	v44 =	vmul.f32 v32, v30  }
0x21b: {  	v47 =	vld [tilespmem:s11+$0x7220];
	v46 =	vmul.f32 v36, v30;
	[tilespmem:s11+$0x71A0] =	vst v39  }
0x21c: {  	v52 =	vld [tilespmem:s11+$0x7240];
	[tilespmem:s11+$0x71C0] =	vst v44;
	v42 =	vmul.f32 v8, v30  }
0x21d: {  	v49 =	vperm.xlane v19, v12;
	v54 =	vld [tilespmem:s11+$0x7250];
	[tilespmem:s11+$0x71D0] =	vst v46;
	v48 =	vmul.f32 v38, v30  }
0x21e: {  	v56 =	vld [tilespmem:s11+$0x7260];
	v50 =	vmul.f32 v41, v30;
	[tilespmem:s11+$0x71B0] =	vst v42  }
0x21f: {  	v58 =	vld [tilespmem:s11+$0x7270];
	v53 =	vmul.f32 v43, v49;
	[tilespmem:s11+$0x71E0] =	vst v48  }
0x220: {  	v60 =	vld [tilespmem:s11+$0x7280];
	v55 =	vmul.f32 v45, v49;
	[tilespmem:s11+$0x71F0] =	vst v50  }
0x221: {  	v62 =	vld [tilespmem:s11+$0x7290];
	v57 =	vmul.f32 v47, v49;
	[tilespmem:s11+$0x7200] =	vst v53  }
0x222: {  	v28 =	vld [tilespmem:s11+$0x72A0];
	v61 =	vmul.f32 v52, v49;
	[tilespmem:s11+$0x7210] =	vst v55  }
0x223: {  	v32 =	vld [tilespmem:s11+$0x72C0];
	v63 =	vmul.f32 v54, v49;
	[tilespmem:s11+$0x7220] =	vst v57  }
0x224: {  	v36 =	vld [tilespmem:s11+$0x72D0];
	v29 =	vmul.f32 v56, v49;
	v30 =	vperm.xlane v19, v13;
	[tilespmem:s11+$0x7240] =	vst v61  }
0x225: {  	v8 =	vld [tilespmem:s11+$0x7230];
	v31 =	vmul.f32 v58, v49;
	[tilespmem:s11+$0x7250] =	vst v63  }
0x226: {  	v38 =	vld [tilespmem:s11+$0x72E0];
	[tilespmem:s11+$0x7260] =	vst v29;
	v35 =	vmul.f32 v60, v30  }
0x227: {  	v41 =	vld [tilespmem:s11+$0x72F0];
	[tilespmem:s11+$0x7270] =	vst v31;
	v37 =	vmul.f32 v62, v30  }
0x228: {  	v43 =	vld [tilespmem:s11+$0x7300];
	v39 =	vmul.f32 v28, v30;
	[tilespmem:s11+$0x7280] =	vst v35  }
0x229: {  	v45 =	vld [tilespmem:s11+$0x7310];
	v44 =	vmul.f32 v32, v30;
	[tilespmem:s11+$0x7290] =	vst v37  }
0x22a: {  	v47 =	vld [tilespmem:s11+$0x7320];
	v46 =	vmul.f32 v36, v30;
	[tilespmem:s11+$0x72A0] =	vst v39  }
0x22b: {  	v52 =	vld [tilespmem:s11+$0x7340];
	[tilespmem:s11+$0x72C0] =	vst v44;
	v59 =	vmul.f32 v8, v49  }
0x22c: {  	v54 =	vld [tilespmem:s11+$0x7350];
	[tilespmem:s11+$0x72D0] =	vst v46;
	v48 =	vmul.f32 v38, v30;
	v49 =	vperm.xlane v19, v14  }
0x22d: {  	v56 =	vld [tilespmem:s11+$0x7360];
	v50 =	vmul.f32 v41, v30;
	[tilespmem:s11+$0x7230] =	vst v59  }
0x22e: {  	v58 =	vld [tilespmem:s11+$0x7370];
	[tilespmem:s11+$0x72E0] =	vst v48;
	v53 =	vmul.f32 v43, v49  }
0x22f: {  	v8 =	vld [tilespmem:s11+$0x72B0];
	[tilespmem:s11+$0x72F0] =	vst v50;
	v55 =	vmul.f32 v45, v49  }
0x230: {  	v60 =	vld [tilespmem:s11+$0x7380];
	v57 =	vmul.f32 v47, v49;
	[tilespmem:s11+$0x7300] =	vst v53  }
0x231: {  	v62 =	vld [tilespmem:s11+$0x7390];
	v61 =	vmul.f32 v52, v49;
	[tilespmem:s11+$0x7310] =	vst v55  }
0x232: {  	v28 =	vld [tilespmem:s11+$0x73A0];
	v63 =	vmul.f32 v54, v49;
	[tilespmem:s11+$0x7320] =	vst v57  }
0x233: {  	v32 =	vld [tilespmem:s11+$0x73C0];
	v29 =	vmul.f32 v56, v49;
	v31 =	vmul.f32 v58, v49;
	[tilespmem:s11+$0x7340] =	vst v61  }
0x234: {  	v36 =	vld [tilespmem:s11+$0x73D0];
	[tilespmem:s11+$0x7350] =	vst v63;
	v42 =	vmul.f32 v8, v30;
	v30 =	vperm.xlane v19, v15  }
0x235: {  	v38 =	vld [tilespmem:s11+$0x73E0];
	[tilespmem:s11+$0x7360] =	vst v29  }
0x236: {  	v41 =	vld [tilespmem:s11+$0x73F0];
	[tilespmem:s11+$0x7370] =	vst v31;
	v35 =	vmul.f32 v60, v30  }
0x237: {  	v8 =	vld [tilespmem:s11+$0x7330];
	[tilespmem:s11+$0x72B0] =	vst v42;
	v37 =	vmul.f32 v62, v30  }
0x238: {  	v43 =	vld [tilespmem:s11+$0x7400];
	v39 =	vmul.f32 v28, v30;
	[tilespmem:s11+$0x7380] =	vst v35  }
0x239: {  	v45 =	vld [tilespmem:s11+$0x7410];
	v44 =	vmul.f32 v32, v30;
	[tilespmem:s11+$0x7390] =	vst v37  }
0x23a: {  	v47 =	vld [tilespmem:s11+$0x7420];
	v46 =	vmul.f32 v36, v30;
	[tilespmem:s11+$0x73A0] =	vst v39  }
0x23b: {  	v52 =	vld [tilespmem:s11+$0x7440];
	v48 =	vmul.f32 v38, v30;
	v50 =	vmul.f32 v41, v30;
	[tilespmem:s11+$0x73C0] =	vst v44  }
0x23c: {  	v54 =	vld [tilespmem:s11+$0x7450];
	[tilespmem:s11+$0x73D0] =	vst v46;
	v59 =	vmul.f32 v8, v49;
	v49 =	vperm.xlane v19, v16  }
0x23d: {  	v56 =	vld [tilespmem:s11+$0x7460];
	[tilespmem:s11+$0x73E0] =	vst v48  }
0x23e: {  	v58 =	vld [tilespmem:s11+$0x7470];
	[tilespmem:s11+$0x73F0] =	vst v50;
	v53 =	vmul.f32 v43, v49  }
0x23f: {  	v8 =	vld [tilespmem:s11+$0x73B0];
	[tilespmem:s11+$0x7330] =	vst v59;
	v55 =	vmul.f32 v45, v49  }
0x240: {  	v60 =	vld [tilespmem:s11+$0x7480];
	v57 =	vmul.f32 v47, v49;
	[tilespmem:s11+$0x7400] =	vst v53  }
0x241: {  	v62 =	vld [tilespmem:s11+$0x7490];
	v61 =	vmul.f32 v52, v49;
	[tilespmem:s11+$0x7410] =	vst v55  }
0x242: {  	v28 =	vld [tilespmem:s11+$0x74A0];
	v63 =	vmul.f32 v54, v49;
	[tilespmem:s11+$0x7420] =	vst v57  }
0x243: {  	v32 =	vld [tilespmem:s11+$0x74C0];
	v29 =	vmul.f32 v56, v49;
	v31 =	vmul.f32 v58, v49;
	[tilespmem:s11+$0x7440] =	vst v61  }
0x244: {  	v36 =	vld [tilespmem:s11+$0x74D0];
	[tilespmem:s11+$0x7450] =	vst v63;
	v42 =	vmul.f32 v8, v30;
	v30 =	vperm.xlane v19, v17  }
0x245: {  	v38 =	vld [tilespmem:s11+$0x74E0];
	[tilespmem:s11+$0x7460] =	vst v29  }
0x246: {  	v41 =	vld [tilespmem:s11+$0x74F0];
	[tilespmem:s11+$0x7470] =	vst v31;
	v35 =	vmul.f32 v60, v30  }
0x247: {  	v8 =	vld [tilespmem:s11+$0x7430];
	[tilespmem:s11+$0x73B0] =	vst v42;
	v37 =	vmul.f32 v62, v30  }
0x248: {  	v43 =	vld [tilespmem:s11+$0x7500];
	v39 =	vmul.f32 v28, v30;
	[tilespmem:s11+$0x7480] =	vst v35  }
0x249: {  	v45 =	vld [tilespmem:s11+$0x7510];
	v44 =	vmul.f32 v32, v30;
	[tilespmem:s11+$0x7490] =	vst v37  }
0x24a: {  	v47 =	vld [tilespmem:s11+$0x7520];
	v46 =	vmul.f32 v36, v30;
	[tilespmem:s11+$0x74A0] =	vst v39  }
0x24b: {  	v52 =	vld [tilespmem:s11+$0x7540];
	v48 =	vmul.f32 v38, v30;
	v50 =	vmul.f32 v41, v30;
	[tilespmem:s11+$0x74C0] =	vst v44  }
0x24c: {  	v54 =	vld [tilespmem:s11+$0x7550];
	[tilespmem:s11+$0x74D0] =	vst v46;
	v59 =	vmul.f32 v8, v49;
	v49 =	vperm.xlane v19, v18  }
0x24d: {  	v56 =	vld [tilespmem:s11+$0x7560];
	[tilespmem:s11+$0x74E0] =	vst v48  }
0x24e: {  	v58 =	vld [tilespmem:s11+$0x7570];
	[tilespmem:s11+$0x74F0] =	vst v50;
	v53 =	vmul.f32 v43, v49  }
0x24f: {  	v8 =	vld [tilespmem:s11+$0x74B0];
	[tilespmem:s11+$0x7430] =	vst v59;
	v55 =	vmul.f32 v45, v49  }
0x250: {  	v60 =	vld [tilespmem:s11+$0x7580];
	v57 =	vmul.f32 v47, v49;
	[tilespmem:s11+$0x7500] =	vst v53  }
0x251: {  	v62 =	vld [tilespmem:s11+$0x7590];
	v61 =	vmul.f32 v52, v49;
	[tilespmem:s11+$0x7510] =	vst v55  }
0x252: {  	v28 =	vld [tilespmem:s11+$0x75A0];
	v63 =	vmul.f32 v54, v49;
	[tilespmem:s11+$0x7520] =	vst v57  }
0x253: {  	v32 =	vld [tilespmem:s11+$0x75C0];
	v29 =	vmul.f32 v56, v49;
	v31 =	vmul.f32 v58, v49;
	[tilespmem:s11+$0x7540] =	vst v61  }
0x254: {  	v36 =	vld [tilespmem:s11+$0x75D0];
	[tilespmem:s11+$0x7550] =	vst v63;
	v42 =	vmul.f32 v8, v30;
	v30 =	vperm.xlane v19, v51  }
0x255: {  	v38 =	vld [tilespmem:s11+$0x75E0];
	[tilespmem:s11+$0x7560] =	vst v29  }
0x256: {  	v41 =	vld [tilespmem:s11+$0x75F0];
	[tilespmem:s11+$0x7570] =	vst v31;
	v35 =	vmul.f32 v60, v30  }
0x257: {  	v8 =	vld [tilespmem:s11+$0x7530];
	[tilespmem:s11+$0x74B0] =	vst v42;
	v37 =	vmul.f32 v62, v30  }
0x258: {  	v43 =	vld [tilespmem:s11+$0x7600];
	v39 =	vmul.f32 v28, v30;
	[tilespmem:s11+$0x7580] =	vst v35  }
0x259: {  	v45 =	vld [tilespmem:s11+$0x7610];
	v44 =	vmul.f32 v32, v30;
	[tilespmem:s11+$0x7590] =	vst v37  }
0x25a: {  	v47 =	vld [tilespmem:s11+$0x7620];
	v46 =	vmul.f32 v36, v30;
	[tilespmem:s11+$0x75A0] =	vst v39  }
0x25b: {  	v52 =	vld [tilespmem:s11+$0x7640];
	v48 =	vmul.f32 v38, v30;
	v50 =	vmul.f32 v41, v30;
	[tilespmem:s11+$0x75C0] =	vst v44  }
0x25c: {  	v54 =	vld [tilespmem:s11+$0x7650];
	[tilespmem:s11+$0x75D0] =	vst v46;
	v59 =	vmul.f32 v8, v49;
	v49 =	vperm.xlane v19, v40  }
0x25d: {  	v56 =	vld [tilespmem:s11+$0x7660];
	[tilespmem:s11+$0x75E0] =	vst v48  }
0x25e: {  	v58 =	vld [tilespmem:s11+$0x7670];
	[tilespmem:s11+$0x75F0] =	vst v50;
	v53 =	vmul.f32 v43, v49  }
0x25f: {  	v8 =	vld [tilespmem:s11+$0x75B0];
	[tilespmem:s11+$0x7530] =	vst v59;
	v55 =	vmul.f32 v45, v49  }
0x260: {  	v60 =	vld [tilespmem:s11+$0x7680];
	v57 =	vmul.f32 v47, v49;
	[tilespmem:s11+$0x7600] =	vst v53  }
0x261: {  	v62 =	vld [tilespmem:s11+$0x7690];
	v61 =	vmul.f32 v52, v49;
	[tilespmem:s11+$0x7610] =	vst v55  }
0x262: {  	v28 =	vld [tilespmem:s11+$0x76A0];
	v63 =	vmul.f32 v54, v49;
	[tilespmem:s11+$0x7620] =	vst v57  }
0x263: {  	v32 =	vld [tilespmem:s11+$0x76C0];
	v29 =	vmul.f32 v56, v49;
	v31 =	vmul.f32 v58, v49;
	[tilespmem:s11+$0x7640] =	vst v61  }
0x264: {  	v36 =	vld [tilespmem:s11+$0x76D0];
	[tilespmem:s11+$0x7650] =	vst v63;
	v42 =	vmul.f32 v8, v30;
	v30 =	vperm.xlane v19, v34  }
0x265: {  	v38 =	vld [tilespmem:s11+$0x76E0];
	[tilespmem:s11+$0x7660] =	vst v29  }
0x266: {  	v41 =	vld [tilespmem:s11+$0x76F0];
	[tilespmem:s11+$0x7670] =	vst v31;
	v35 =	vmul.f32 v60, v30  }
0x267: {  	v8 =	vld [tilespmem:s11+$0x7630];
	[tilespmem:s11+$0x75B0] =	vst v42;
	v37 =	vmul.f32 v62, v30  }
0x268: {  	v43 =	vld [tilespmem:s11+$0x7700];
	v39 =	vmul.f32 v28, v30;
	[tilespmem:s11+$0x7680] =	vst v35  }
0x269: {  	v45 =	vld [tilespmem:s11+$0x7710];
	v44 =	vmul.f32 v32, v30;
	[tilespmem:s11+$0x7690] =	vst v37  }
0x26a: {  	v47 =	vld [tilespmem:s11+$0x7720];
	v46 =	vmul.f32 v36, v30;
	[tilespmem:s11+$0x76A0] =	vst v39  }
0x26b: {  	v52 =	vld [tilespmem:s11+$0x7740];
	v48 =	vmul.f32 v38, v30;
	v50 =	vmul.f32 v41, v30;
	[tilespmem:s11+$0x76C0] =	vst v44  }
0x26c: {  	v54 =	vld [tilespmem:s11+$0x7750];
	[tilespmem:s11+$0x76D0] =	vst v46;
	v59 =	vmul.f32 v8, v49;
	v49 =	vperm.xlane v19, v33  }
0x26d: {  	v56 =	vld [tilespmem:s11+$0x7760];
	[tilespmem:s11+$0x76E0] =	vst v48  }
0x26e: {  	v58 =	vld [tilespmem:s11+$0x7770];
	[tilespmem:s11+$0x76F0] =	vst v50;
	v53 =	vmul.f32 v43, v49  }
0x26f: {  	v8 =	vld [tilespmem:s11+$0x76B0];
	[tilespmem:s11+$0x7630] =	vst v59;
	v55 =	vmul.f32 v45, v49  }
0x270: {  	v60 =	vld [tilespmem:s11+$0x7780];
	v57 =	vmul.f32 v47, v49;
	[tilespmem:s11+$0x7700] =	vst v53  }
0x271: {  	v62 =	vld [tilespmem:s11+$0x7790];
	v61 =	vmul.f32 v52, v49;
	[tilespmem:s11+$0x7710] =	vst v55  }
0x272: {  	v28 =	vld [tilespmem:s11+$0x77A0];
	v63 =	vmul.f32 v54, v49;
	[tilespmem:s11+$0x7720] =	vst v57  }
0x273: {  	v32 =	vld [tilespmem:s11+$0x77C0];
	v29 =	vmul.f32 v56, v49;
	v31 =	vmul.f32 v58, v49;
	[tilespmem:s11+$0x7740] =	vst v61  }
0x274: {  	v36 =	vld [tilespmem:s11+$0x77D0];
	[tilespmem:s11+$0x7750] =	vst v63;
	v42 =	vmul.f32 v8, v30;
	v30 =	vperm.xlane v19, v24  }
0x275: {  	v38 =	vld [tilespmem:s11+$0x77E0];
	[tilespmem:s11+$0x7760] =	vst v29  }
0x276: {  	v41 =	vld [tilespmem:s11+$0x77F0];
	[tilespmem:s11+$0x7770] =	vst v31;
	v35 =	vmul.f32 v60, v30  }
0x277: {  	v8 =	vld [tilespmem:s11+$0x7730];
	[tilespmem:s11+$0x76B0] =	vst v42;
	v37 =	vmul.f32 v62, v30  }
0x278: {  	v43 =	vld [tilespmem:s11+$0x7800];
	v39 =	vmul.f32 v28, v30;
	[tilespmem:s11+$0x7780] =	vst v35  }
0x279: {  	v45 =	vld [tilespmem:s11+$0x7810];
	v44 =	vmul.f32 v32, v30;
	[tilespmem:s11+$0x7790] =	vst v37  }
0x27a: {  	v47 =	vld [tilespmem:s11+$0x7820];
	v46 =	vmul.f32 v36, v30;
	[tilespmem:s11+$0x77A0] =	vst v39  }
0x27b: {  	v52 =	vld [tilespmem:s11+$0x7840];
	v48 =	vmul.f32 v38, v30;
	v50 =	vmul.f32 v41, v30;
	[tilespmem:s11+$0x77C0] =	vst v44  }
0x27c: {  	[tilespmem:s11+$0x77D0] =	vst v46;
	v59 =	vmul.f32 v8, v49;
	v8 =	vld [tilespmem:s11+$0x77B0];
	v49 =	vperm.xlane v19, v20  }
0x27d: {  	v54 =	vld [tilespmem:s11+$0x7850];
	[tilespmem:s11+$0x77E0] =	vst v48  }
0x27e: {  	v56 =	vld [tilespmem:s11+$0x7860];
	[tilespmem:s11+$0x77F0] =	vst v50;
	v53 =	vmul.f32 v43, v49  }
0x27f: {  	v58 =	vld [tilespmem:s11+$0x7870];
	[tilespmem:s11+$0x7730] =	vst v59;
	v55 =	vmul.f32 v45, v49  }
0x280: {  	v57 =	vmul.f32 v47, v49;
	[tilespmem:s11+$0x7800] =	vst v53  }
0x281: {  	v60 =	vmul.f32 v52, v49;
	[tilespmem:s11+$0x7810] =	vst v55;
	v42 =	vmul.f32 v8, v30;
	v8 =	vld [tilespmem:s11+$0x7830]  }
0x282: {  	v61 =	vmul.f32 v54, v49;
	[tilespmem:s11+$0x7820] =	vst v57  }
0x283: {  	p0 =	sne.s32 s8, $0x3;
	v62 =	vmul.f32 v56, v49;
	[tilespmem:s11+$0x7840] =	vst v60  }
.Ltmp4:
0x284: {  	v63 =	vmul.f32 v58, v49;
	[tilespmem:s11+$0x7850] =	vst v61;
	(pc) =	sbr.rel @p0 .LBB2_11-.Ltmp4, $4  }
0x285: {  	[tilespmem:s11+$0x7860] =	vst v62  }
0x286: {  	[tilespmem:s11+$0x7870] =	vst v63;
	v59 =	vmul.f32 v8, v49  }
0x287: {  	[tilespmem:s11+$0x77B0] =	vst v42  }
0x288: {  	s8 =	sadd.s32 $0x1, s8;
	[tilespmem:s11+$0x7830] =	vst v59  }
0x289: {  	s7 =	sadd.s32 $0x1, s7  }
0x28a: {  	p0 =	sne.s32 s7, $0x9D  }
.Ltmp5:
0x28b: {  	_ = 	snop;
	(pc) =	sbr.rel @p0 .LBB2_10-.Ltmp5, $4  }
0x28c: {  	[spmem:s3] =	stream.indirect.scatter.add.f32 [tilespmem:s25], [sflag:$0x1], $0x80, s24, s23, $0xb8;
	[tilespmem:$0x1CA80] =	vst v63  }
0x28d: {  	_ =	swait.ge [sflag:s26], $0x2000  }
0x28e: {  	[sflag:s26] =	ssyncset.done $0x0  }
0x28f: {  	[sflag:s26] =	ssyncadd.s32 $0xFFFFE000  }
0x290: {  	[bflag:$0x0] =	sbarrier.arrive $0xFFFF;
	s1 =	simm.s32 $0x0;
	s7 =	simm.s32 $0x9100  }
0x291: {  	[hbm4b:s20+s1] =	stream.linear.scatter [tilespmem:s7], [sflag:$0x1], $0x80, $0x38;
	[tilespmem:$0x1CA80] =	vst v63  }
0x292: {  	s8 =	sadd.s32 $0x0, s18;
	_ =	swait.ge [sflag:s26], $0x80  }
0x293: {  	v3 =	vlaneseq.u32;
	s1 =	smin.u32 s8, $0x26D0;
	[sflag:s26] =	ssyncset.done $0x0  }
0x294: {  	v0 =	vor.u32 s1, v3;
	s8 =	sadd.s32 $0x10, s1;
	[sflag:s26] =	ssyncadd.s32 $0xFFFFFF80  }
0x295: {  	s9 =	sadd.s32 $0x30, s1;
	v1 =	vor.u32 s8, v3;
	[tilespmem:$0x4F80] =	vst v0  }
0x296: {  	s11 =	sor.u32 $0x20, s1;
	v0 =	vor.u32 s9, v3;
	[tilespmem:$0x4F90] =	vst v1  }
0x297: {  	[tilespmem:$0x4FB0] =	vst v0;
	v0 =	vor.u32 s11, v3  }
0x298: {  	[tilespmem:$0x4FA0] =	vst v0  }
0x299: {  	[tilespmem:s25], [sflag:$0x1] =	stream.indirect.gather [spmem:s3], $0x80, s24, s23, $0xb8;
	[tilespmem:$0x1CA80] =	vst v63  }
0x29a: {  	s9 =	sadd.s32 s21, s1;
	_ =	swait.ge [sflag:s26], $0x2000  }
0x29b: {  	s7 =	simm.s32 $0x80;
	s11 =	sshll.u32 s9, $0x4;
	[sflag:s26] =	ssyncset.done $0x0  }
0x29c: {  	s1 =	sadd.s32 $0x40, s18;
	s8 =	sadd.s32 s17, s11;
	[sflag:s26] =	ssyncadd.s32 $0xFFFFE000  }
.LBB2_14:
0x29d: {  	[hbm4b:s8+s4] =	stream.linear.scatter [tilespmem:s25], [sflag:$0x1], $0x2000, $0x38;
	[tilespmem:$0x1CA80] =	vst v63  }
0x29e: {  	s8 =	smin.u32 s1, $0x26D0;
	s1 =	sadd.s32 s7, s18;
	_ =	swait.ge [sflag:s26], $0x2000  }
0x29f: {  	v0 =	vor.u32 s8, v3;
	s9 =	sadd.s32 $0x10, s8;
	s11 =	sor.u32 $0x20, s8;
	[sflag:s26] =	ssyncset.done $0x0  }
0x2a0: {  	v1 =	vor.u32 s9, v3;
	v2 =	vor.u32 s11, v3;
	s9 =	sadd.s32 $0x30, s8;
	s8 =	sadd.s32 s21, s8;
	[sflag:s26] =	ssyncadd.s32 $0xFFFFE000  }
0x2a1: {  	p0 =	sne.s32 s7, $0x240;
	s7 =	sadd.s32 $0x40, s7;
	s8 =	sshll.u32 s8, $0x4;
	[tilespmem:$0x4F80] =	vst v0;
	v0 =	vor.u32 s9, v3  }
0x2a2: {  	[tilespmem:$0x4FB0] =	vst v0  }
0x2a3: {  	[tilespmem:$0x4F90] =	vst v1  }
.Ltmp6:
0x2a4: {  	[tilespmem:$0x4FA0] =	vst v2;
	(pc) =	sbr.rel @p0 .LBB2_14-.Ltmp6, $4  }
0x2a5: {  	[tilespmem:s25], [sflag:$0x1] =	stream.indirect.gather [spmem:s3], $0x80, s24, s23, $0xb8;
	[tilespmem:$0x1CA80] =	vst v63  }
0x2a6: {  	_ =	swait.ge [sflag:s26], $0x2000  }
0x2a7: {  	[sflag:s26] =	ssyncset.done $0x0  }
0x2a8: {  	s8 =	sadd.s32 s17, s8;
	[sflag:s26] =	ssyncadd.s32 $0xFFFFE000  }
0x2a9: {  	[hbm4b:s8+s4] =	stream.linear.scatter [tilespmem:s25], [sflag:$0x1], $0x2000, $0x38;
	[tilespmem:$0x1CA80] =	vst v63  }
0x2aa: {  	_ =	swait.ge [sflag:s26], $0x2000  }
0x2ab: {  	s1 =	smin.u32 s1, $0x26D0;
	[sflag:s26] =	ssyncset.done $0x0  }
0x2ac: {  	v0 =	vor.u32 s1, v3;
	s9 =	sadd.s32 $0x10, s1;
	[sflag:s26] =	ssyncadd.s32 $0xFFFFE000  }
0x2ad: {  	s7 =	sadd.s32 $0x30, s1;
	v1 =	vor.u32 s9, v3;
	[tilespmem:$0x4F80] =	vst v0  }
0x2ae: {  	s11 =	sor.u32 $0x20, s1;
	v0 =	vor.u32 s7, v3;
	[tilespmem:$0x4F90] =	vst v1  }
0x2af: {  	[tilespmem:$0x4FB0] =	vst v0;
	v0 =	vor.u32 s11, v3  }
0x2b0: {  	[tilespmem:$0x4FA0] =	vst v0  }
0x2b1: {  	[tilespmem:s25], [sflag:$0x1] =	stream.indirect.gather [spmem:s3], $0x80, s24, s23, $0xb8;
	[tilespmem:$0x1CA80] =	vst v63  }
0x2b2: {  	s28 =	sadd.s32 $0x1, s28;
	s1 =	sadd.s32 s21, s1;
	_ =	swait.ge [sflag:s26], $0x2000  }
0x2b3: {  	p0 =	sne.s32 s28, s22;
	s1 =	sshll.u32 s1, $0x4;
	[sflag:s26] =	ssyncset.done $0x0  }
.Ltmp7:
0x2b4: {  	s1 =	sadd.s32 s17, s1;
	[sflag:s26] =	ssyncadd.s32 $0xFFFFE000;
	(pc) =	sbr.rel @p0 .LBB2_1-.Ltmp7, $4  }
0x2b5: {  	[hbm4b:s1+s4] =	stream.linear.scatter [tilespmem:s25], [sflag:$0x1], $0x2000, $0x38;
	[tilespmem:$0x1CA80] =	vst v63  }
0x2b6: {  	_ =	swait.ge [sflag:s26], $0x2000  }
0x2b7: {  	[sflag:s26] =	ssyncset.done $0x0  }
0x2b8: {  	v2 =	vimm.f32 $0.0e+00;
	[sflag:s26] =	ssyncadd.s32 $0xFFFFE000  }
0x2b9: {  	_ =	sfence.sel $0x180000  }
0x2ba: {  	[bflag:$0x0] =	sbarrier.arrive $0xFFFF  }
0x2bb: {  	_ =	strace $0x90000047  }
0x2bc: {  	s0 =	stileid.u32;
	[bflag:$0x2] =	sbarrier.arrive $0xFFFF  }
0x2bd: {  	p0 =	sne.s32 s0, $0x0;
	s0 =	rddreg [dreg:$0x3]  }
0x2be: {  	s0 =	sadd.s32 @!p0 $0x100000, s0  }
0x2bf: {  	[sflag:s0] =	ssyncadd.tile.s32 @!p0 $0x1;
	_ =	shalt  }
.Lfunc_end2:
_tile_overlayer_lowered:
.L_overlay_start_2:
0x2c0: {  	(tag) =	ssettag $0x2  }
0x2c1: {  	s0 =	rddreg [dreg:$0x0];
	s2 =	stileid.u32  }
0x2c2: {  	s1 =	rddreg [dreg:$0x1];
	p0 =	sne.s32 s2, $0x0  }
0x2c3: {  	s3 =	rddreg [dreg:$0x2];
	[bflag:$0x3] =	sbarrier.arrive $0xFFFF;
	s2 =	simm.s32 @!p0 $0x1C01  }
0x2c4: {  	[timem:s3], [sflag:s2] =	dma.local @!p0 [hbm:s0], s1  }
0x2c5: {  	s0 =	simm.s32 @!p0 $0x1  }
0x2c6: {  	_ =	swait.ge @!p0 [sflag:s0], s1  }
0x2c7: {  	s1 =	ssub.s32 @!p0 $0x0, s1;
	[sflag:s0] =	ssyncset.done @!p0 $0x0  }
0x2c8: {  	[sflag:s0] =	ssyncadd.s32 @!p0 s1  }
0x2c9: {  	[bflag:$0x3] =	sbarrier.arrive $0xFFFF  }
0x2ca: {  	_ =	shalt  }

</sc_bundles>
